<compile_context>
chip_gen: v7x
topology: tpu7x:2x2x1
jax: 0.10.2.dev20260603
libtpu: 0.0.44.dev20260713+nightly
codegen_flags: <defaults>
</compile_context>

<pallas_src>
import functools

import jax
import jax.numpy as jnp
from jax import lax
from jax.experimental import pallas as pl
from jax.experimental.pallas import tpu as pltpu
from jax.experimental.pallas import tpu_sc as plsc

N = 10000
D = 128
NC = 2
NS = 16
K = 128
CHUNKS = 80
PER_TILE = CHUNKS * K
E_PAD = NC * NS * PER_TILE
ACC_ROWS = 10240
RPT = ACC_ROWS // NS
ZB = 64
IB = 40
NBUF = 2
DW = 128
BR = 1000
GRID = N // BR

def _sc_deg_body(dst_hbm, ones_hbm, zero_hbm, out_hbm, dst_v, ones_v, zero_v,
                 acc_sh, sem):
    c = lax.axis_index("c")
    s = lax.axis_index("s")
    pltpu.sync_copy(dst_hbm.at[c].at[s], dst_v)
    pltpu.sync_copy(ones_hbm, ones_v)
    pltpu.sync_copy(zero_hbm, zero_v)
    base = s * RPT

    @pl.loop(0, RPT // ZB)
    def _(i):
        pltpu.sync_copy(zero_v, acc_sh.at[pl.ds(base + i * ZB, ZB)])

    plsc.subcore_barrier()

    @pl.loop(0, CHUNKS)
    def _(j):
        pltpu.async_copy(ones_v, acc_sh.at[dst_v.at[j]], sem, add=True)

    @pl.loop(0, CHUNKS)
    def _(j):
        pltpu.make_async_copy(ones_v, acc_sh.at[dst_v.at[j]], sem).wait()

    plsc.subcore_barrier()
    pltpu.sync_copy(acc_sh.at[pl.ds(base, RPT)], out_hbm.at[c].at[pl.ds(base, RPT)])


def _sc_agg_body(g_hbm, src_hbm, dst_hbm, zero_hbm, out_hbm,
                 src_v, dst_v, *rest):
    rows = rest[:NBUF]
    acc_sh = rest[NBUF]
    sems = rest[NBUF + 1:]
    c = lax.axis_index("c")
    s = lax.axis_index("s")
    base = s * RPT

    pltpu.sync_copy(zero_hbm, rows[0].at[pl.ds(0, ZB)])

    @pl.loop(0, RPT // ZB)
    def _(i):
        pltpu.sync_copy(rows[0].at[pl.ds(0, ZB)],
                        acc_sh.at[pl.ds(base + i * ZB, ZB)])

    plsc.subcore_barrier()

    def start_g(j, buf, sem):
        pltpu.async_copy(g_hbm.at[src_v.at[j]], buf, sem)

    def wait_g(j, buf, sem):
        pltpu.make_async_copy(g_hbm.at[src_v.at[j]], buf, sem).wait()

    def sc_add(j, buf):
        pltpu.sync_copy(buf, acc_sh.at[dst_v.at[j]], add=True)

    @pl.loop(0, CHUNKS // IB)
    def _(b):
        pltpu.sync_copy(src_hbm.at[c].at[s].at[pl.ds(b * IB, IB)], src_v)
        pltpu.sync_copy(dst_hbm.at[c].at[s].at[pl.ds(b * IB, IB)], dst_v)
        for i in range(NBUF):
            start_g(i, rows[i], sems[i])

        @pl.loop(0, IB - NBUF, step=NBUF)
        def _(j):
            for i in range(NBUF):
                wait_g(j + i, rows[i], sems[i])
                sc_add(j + i, rows[i])
                start_g(j + i + NBUF, rows[i], sems[i])

        for i in range(NBUF):
            wait_g(IB - NBUF + i, rows[i], sems[i])
            sc_add(IB - NBUF + i, rows[i])

    plsc.subcore_barrier()
    pltpu.sync_copy(acc_sh.at[pl.ds(base, RPT)], out_hbm.at[c].at[pl.ds(base, RPT)])


@functools.cache
def _sc_kernels():
    mesh = plsc.VectorSubcoreMesh(core_axis_name="c", subcore_axis_name="s")
    deg = pl.kernel(
        _sc_deg_body,
        out_type=jax.ShapeDtypeStruct((NC, ACC_ROWS, DW), jnp.float32),
        mesh=mesh,
        scratch_types=[
            pltpu.VMEM((CHUNKS, K), jnp.int32),
            pltpu.VMEM((K, DW), jnp.float32),
            pltpu.VMEM((ZB, DW), jnp.float32),
            pltpu.VMEM_SHARED((ACC_ROWS, DW), jnp.float32),
            pltpu.SemaphoreType.DMA,
        ],
    )
    agg = pl.kernel(
        _sc_agg_body,
        out_type=jax.ShapeDtypeStruct((NC, ACC_ROWS, D), jnp.float32),
        mesh=mesh,
        scratch_types=(
            [pltpu.VMEM((IB, K), jnp.int32),
             pltpu.VMEM((IB, K), jnp.int32)]
            + [pltpu.VMEM((K, D), jnp.float32)] * NBUF
            + [pltpu.VMEM_SHARED((ACC_ROWS, D), jnp.float32)]
            + [pltpu.SemaphoreType.DMA] * NBUF
        ),
    )
    return deg, agg


def _sc_deg(dst_t, ones_w, zeros_w):
    return _sc_kernels()[0](dst_t, ones_w, zeros_w)


def _sc_agg(g, src_t, dst_t, zeros_d):
    return _sc_kernels()[1](g, src_t, dst_t, zeros_d)


def _dot(a, b):
    return lax.dot_general(a, b, (((1,), (0,)), ((), ())),
                           precision=lax.Precision.HIGHEST,
                           preferred_element_type=jnp.float32)


def _head_body(x_ref, wa_ref, wb_ref, p_ref, u_ref):
    xb = x_ref[...]
    p_ref[...] = _dot(xb, wa_ref[...])
    u_ref[...] = _dot(jnp.maximum(xb, 0.0), wb_ref[...])


def _tc_head(x, Wp, Wo1b):
    return pl.pallas_call(
        _head_body,
        grid=(GRID,),
        in_specs=[
            pl.BlockSpec((BR, D), lambda i: (i, 0)),
            pl.BlockSpec((D, D), lambda i: (0, 0)),
            pl.BlockSpec((D, D), lambda i: (0, 0)),
        ],
        out_specs=[pl.BlockSpec((BR, D), lambda i: (i, 0)),
                   pl.BlockSpec((BR, D), lambda i: (i, 0))],
        out_shape=[jax.ShapeDtypeStruct((N, D), jnp.float32),
                   jax.ShapeDtypeStruct((N, D), jnp.float32)],
    )(x, Wp, Wo1b)


def _dinv_body(degp_ref, p_ref, dinv_ref, g_ref):
    deg = degp_ref[0, :, 0:1] + degp_ref[1, :, 0:1] + 1.0
    db = jnp.broadcast_to(lax.rsqrt(deg), (BR, D))
    dinv_ref[...] = db
    g_ref[...] = db * p_ref[...]


def _tc_dinv(degp, p):
    return pl.pallas_call(
        _dinv_body,
        grid=(GRID,),
        in_specs=[
            pl.BlockSpec((NC, BR, DW), lambda i: (0, i, 0)),
            pl.BlockSpec((BR, D), lambda i: (i, 0)),
        ],
        out_specs=[pl.BlockSpec((BR, D), lambda i: (i, 0)),
                   pl.BlockSpec((BR, D), lambda i: (i, 0))],
        out_shape=[jax.ShapeDtypeStruct((N, D), jnp.float32),
                   jax.ShapeDtypeStruct((N, D), jnp.float32)],
    )(degp, p)


def _mid_body(a_ref, g_ref, dinv_ref, b_ref, w_ref, out_ref):
    t = g_ref[...] + a_ref[0] + a_ref[1]
    h = jnp.maximum(dinv_ref[...] * t + b_ref[...], 0.0)
    out_ref[...] = dinv_ref[...] * _dot(h, w_ref[...])


def _tc_mid(a, g, dinv2, b, W):
    return pl.pallas_call(
        _mid_body,
        grid=(GRID,),
        in_specs=[
            pl.BlockSpec((NC, BR, D), lambda i: (0, i, 0)),
            pl.BlockSpec((BR, D), lambda i: (i, 0)),
            pl.BlockSpec((BR, D), lambda i: (i, 0)),
            pl.BlockSpec((1, D), lambda i: (0, 0)),
            pl.BlockSpec((D, D), lambda i: (0, 0)),
        ],
        out_specs=pl.BlockSpec((BR, D), lambda i: (i, 0)),
        out_shape=jax.ShapeDtypeStruct((N, D), jnp.float32),
    )(a, g, dinv2, b, W)


def _cat_body(a_ref, g_ref, dinv_ref, b_ref, w_ref, u_ref, out_ref):
    t = g_ref[...] + a_ref[0] + a_ref[1]
    h = jnp.maximum(dinv_ref[...] * t + b_ref[...], 0.0)
    out_ref[...] = dinv_ref[...] * (_dot(h, w_ref[...]) + u_ref[...])


def _tc_cat(a, g, dinv2, b, W, u):
    return pl.pallas_call(
        _cat_body,
        grid=(GRID,),
        in_specs=[
            pl.BlockSpec((NC, BR, D), lambda i: (0, i, 0)),
            pl.BlockSpec((BR, D), lambda i: (i, 0)),
            pl.BlockSpec((BR, D), lambda i: (i, 0)),
            pl.BlockSpec((1, D), lambda i: (0, 0)),
            pl.BlockSpec((D, D), lambda i: (0, 0)),
            pl.BlockSpec((BR, D), lambda i: (i, 0)),
        ],
        out_specs=pl.BlockSpec((BR, D), lambda i: (i, 0)),
        out_shape=jax.ShapeDtypeStruct((N, D), jnp.float32),
    )(a, g, dinv2, b, W, u)


def _fin_body(a_ref, g_ref, dinv_ref, b_ref, out_ref):
    t = g_ref[...] + a_ref[0] + a_ref[1]
    h = jnp.maximum(dinv_ref[...] * t + b_ref[...], 0.0)
    i = pl.program_id(0)

    @pl.when(i == 0)
    def _():
        out_ref[...] = jnp.zeros_like(out_ref)

    out_ref[...] += jnp.sum(h, axis=0, keepdims=True)

    @pl.when(i == GRID - 1)
    def _():
        out_ref[...] = out_ref[...] / jnp.float32(N)


def _tc_fin(a, g, dinv2, b):
    return pl.pallas_call(
        _fin_body,
        grid=(GRID,),
        in_specs=[
            pl.BlockSpec((NC, BR, D), lambda i: (0, i, 0)),
            pl.BlockSpec((BR, D), lambda i: (i, 0)),
            pl.BlockSpec((BR, D), lambda i: (i, 0)),
            pl.BlockSpec((1, D), lambda i: (0, 0)),
        ],
        out_specs=pl.BlockSpec((1, D), lambda i: (0, 0)),
        out_shape=jax.ShapeDtypeStruct((1, D), jnp.float32),
    )(a, g, dinv2, b)


def kernel(x, edge_index, batch, Wp, bp, Wr1, br1, Wr2, br2, Wr3, br3,
           Wr4, br4, Wo1, bo1, Wo2, bo2):
    f32 = jnp.float32
    src = edge_index[0]
    dst = edge_index[1]
    pad = E_PAD - src.shape[0]
    src_t = jnp.concatenate([src, jnp.zeros((pad,), src.dtype)]).reshape(
        NC, NS, CHUNKS, K)
    dst_t = jnp.concatenate([dst, jnp.full((pad,), N, dst.dtype)]).reshape(
        NC, NS, CHUNKS, K)
    zeros_d = jnp.zeros((ZB, D), f32)
    zeros_w = zeros_d
    ones_w = jnp.ones((K, DW), f32)

    degp = _sc_deg(dst_t, ones_w, zeros_w)
    p, u = _tc_head(x, Wp, Wo1[D:])
    dinv2, g = _tc_dinv(degp, p)

    for b_, W_ in ((bp, Wr1), (br1, Wr2), (br2, Wr3), (br3, Wr4)):
        a = _sc_agg(g, src_t, dst_t, zeros_d)
        g = _tc_mid(a, g, dinv2, b_.reshape(1, D), W_)

    a = _sc_agg(g, src_t, dst_t, zeros_d)
    g = _tc_cat(a, g, dinv2, br4.reshape(1, D), Wo1[:D], u)

    a = _sc_agg(g, src_t, dst_t, zeros_d)
    g = _tc_mid(a, g, dinv2, bo1.reshape(1, D), Wo2)

    a = _sc_agg(g, src_t, dst_t, zeros_d)
    return _tc_fin(a, g, dinv2, bo2.reshape(1, D))

# --- scband reference (transcript-rebuilt; emitter-appended) ---
"""Pipeline reference for scband-graph-thinking-gnn-38276748542534 (READ-ONLY COPY).

The authoritative reference and input builder live on the scoring server;
editing this copy changes nothing except your own understanding.
"""

import jax, jax.numpy as jnp
import numpy as np

N = 10000
E = 320000
D_IN = 128
H = 128
D_OUT = 128


def setup_inputs(seed: int = 0):
    key = jax.random.key(seed)
    ks = jax.random.split(key, 16)
    inp = {}
    inp["x"] = jax.random.normal(ks[0], (N, D_IN), dtype=jnp.float32)
    inp["edge_index"] = jax.random.randint(ks[1], (2, E), 0, N, dtype=jnp.int32)
    inp["batch"] = jnp.zeros((N,), dtype=jnp.int32)
    def w(k, shape):
        return jax.random.normal(k, shape, dtype=jnp.float32) * (1.0 / np.sqrt(shape[0]))
    inp["Wp"] = w(ks[2], (D_IN, H)); inp["bp"] = jnp.zeros((H,), jnp.float32)
    for i in range(4):
        inp[f"Wr{i+1}"] = w(ks[3 + i], (H, H))
        inp[f"br{i+1}"] = jnp.zeros((H,), jnp.float32)
    inp["Wo1"] = w(ks[7], (H + D_IN, D_OUT)); inp["bo1"] = jnp.zeros((D_OUT,), jnp.float32)
    inp["Wo2"] = w(ks[8], (D_OUT, D_OUT)); inp["bo2"] = jnp.zeros((D_OUT,), jnp.float32)
    return inp


def reference(x, edge_index, batch, Wp, bp, Wr1, br1, Wr2, br2, Wr3, br3, Wr4, br4, Wo1, bo1, Wo2, bo2):
    n = x.shape[0]
    loop = jnp.arange(n, dtype=edge_index.dtype)
    src = jnp.concatenate([edge_index[0], loop])
    dst = jnp.concatenate([edge_index[1], loop])
    deg = jax.ops.segment_sum(jnp.ones_like(src, dtype=x.dtype), dst, num_segments=n)
    dinv = jnp.where(deg > 0, deg ** -0.5, 0.0)
    norm = (dinv[src] * dinv[dst])[:, None]

    def conv(h, W, b):
        hw = h @ W
        msg = hw[src] * norm
        return jax.ops.segment_sum(msg, dst, num_segments=n) + b

    orig = x
    # projection (1 layer) + relu (dropout treated as identity / eval)
    h = jax.nn.relu(conv(x, Wp, bp))
    # recurrent block, 1 training iteration of 4 GCN layers
    for W, b in ((Wr1, br1), (Wr2, br2), (Wr3, br3), (Wr4, br4)):
        h = jax.nn.relu(conv(h, W, b))
    h = jnp.concatenate([h, orig], axis=1)
    h = jax.nn.relu(h)
    # output head (2 layers)
    h = jax.nn.relu(conv(h, Wo1, bo1))
    h = jax.nn.relu(conv(h, Wo2, bo2))
    # global mean pool over batch ids (single graph)
    nb = 1
    s = jax.ops.segment_sum(h, batch, num_segments=nb)
    c = jax.ops.segment_sum(jnp.ones((n, 1), x.dtype), batch, num_segments=nb)
    return s / jnp.maximum(c, 1.0)

if __name__ == "__main__":
    import jax
    _d = setup_inputs()
    print(jax.jit(kernel)(*tuple(_d.values())))

</pallas_src>

<mosaic_0001>
#map = affine_map<(d0, d1) -> (0, 0)>
#map1 = affine_map<(d0, d1) -> (0, 0, 0, 0)>
#map2 = affine_map<(d0, d1) -> (0, 0, 0)>
module attributes {stable_mosaic.version = 14 : i64} {
  func.func @_sc_agg_body(%arg0: i32, %arg1: i32, %arg2: memref<10000x128xf32, #tpu.memory_space<hbm>>, %arg3: memref<2x16x80x128xi32, #tpu.memory_space<hbm>>, %arg4: memref<2x16x80x128xi32, #tpu.memory_space<hbm>>, %arg5: memref<64x128xf32, #tpu.memory_space<hbm>>, %arg6: memref<2x10240x128xf32, #tpu.memory_space<hbm>>, %arg7: memref<40x128xi32, #tpu.memory_space<vmem>>, %arg8: memref<40x128xi32, #tpu.memory_space<vmem>>, %arg9: memref<128x128xf32, #tpu.memory_space<vmem>>, %arg10: memref<128x128xf32, #tpu.memory_space<vmem>>, %arg11: memref<10240x128xf32, #tpu.memory_space<vmem_shared>>, %arg12: memref<!tpu.dma_semaphore, #tpu.memory_space<semaphore_mem>>, %arg13: memref<!tpu.dma_semaphore, #tpu.memory_space<semaphore_mem>>) attributes {dimension_semantics = [#tpu.dimension_semantics<core_parallel>, #tpu.dimension_semantics<subcore_parallel>], iteration_bounds = array<i64: 2, 16>, scalar_prefetch = 0 : i64, scratch_operands = 7 : i64, tpu.core_type = #tpu.core_type<sc_vector_subcore>, window_params = [{transform_indices = #map}, {transform_indices = #map1}, {transform_indices = #map1}, {transform_indices = #map}, {transform_indices = #map2}]} {
    %mul3A = arith.constant 640 : i32
    %mul3A_0 = arith.muli %arg1, %mul3A : i32
    "tpu.region"() ({
      %run_scoped3A = tpu.sem_alloc : memref<!tpu.dma_semaphore, #tpu.memory_space<semaphore_mem>>
      %dma_start3A = arith.constant 0 : i32
      %dma_start3A_11 = arith.constant 0 : i32
      %dma_start3A_12 = tpu.memref_slice %arg9[%dma_start3A, %dma_start3A_11] : memref<128x128xf32, #tpu.memory_space<vmem>> -> memref<64x128xf32, #tpu.memory_space<vmem>>
      %dma_start3A_13 = arith.constant 0 : i32
      %dma_start3A_14 = arith.constant 0 : i32
      %dma_start3A_15 = tpu.memref_slice %arg9[%dma_start3A_13, %dma_start3A_14] : memref<128x128xf32, #tpu.memory_space<vmem>> -> memref<64x128xf32, #tpu.memory_space<vmem>>
      tpu.enqueue_dma source(%arg5 : memref<64x128xf32, #tpu.memory_space<hbm>>) target(%dma_start3A_15 : memref<64x128xf32, #tpu.memory_space<vmem>>) target_semaphore(%run_scoped3A : memref<!tpu.dma_semaphore, #tpu.memory_space<semaphore_mem>>)
      %dma_wait3A = arith.constant 0 : i32
      %dma_wait3A_16 = arith.constant 0 : i32
      %dma_wait3A_17 = tpu.memref_slice %arg9[%dma_wait3A, %dma_wait3A_16] : memref<128x128xf32, #tpu.memory_space<vmem>> -> memref<64x128xf32, #tpu.memory_space<vmem>>
      %dma_wait3A_18 = arith.constant 0 : i32
      %dma_wait3A_19 = arith.constant 0 : i32
      %dma_wait3A_20 = tpu.memref_slice %arg9[%dma_wait3A_18, %dma_wait3A_19] : memref<128x128xf32, #tpu.memory_space<vmem>> -> memref<64x128xf32, #tpu.memory_space<vmem>>
      tpu.wait_dma2 semaphore(%run_scoped3A : memref<!tpu.dma_semaphore, #tpu.memory_space<semaphore_mem>>) src(%arg5 : memref<64x128xf32, #tpu.memory_space<hbm>>) dst(%dma_wait3A_20 : memref<64x128xf32, #tpu.memory_space<vmem>>)
      tpu.yield
    }) : () -> ()
    %scan3A = arith.constant 0 : i32
    %scan3A_1 = arith.constant 10 : i32
    %scan3A_2 = arith.addi %scan3A, %scan3A_1 : i32
    %scan3A_3 = arith.constant 1 : i32
    scf.for %scan3A_11 = %scan3A to %scan3A_2 step %scan3A_3  : i32 {
      %mul3A_12 = arith.constant 1 : i32
      %mul3A_13 = arith.muli %scan3A_11, %mul3A_12 : i32
      %add3A = arith.constant 0 : i32
      %add3A_14 = arith.addi %add3A, %mul3A_13 : i32
      %mul3A_15 = arith.constant 64 : i32
      %mul3A_16 = arith.muli %add3A_14, %mul3A_15 : i32
      %add3A_17 = arith.addi %mul3A_0, %mul3A_16 : i32
      "tpu.region"() ({
        %run_scoped3A = tpu.sem_alloc : memref<!tpu.dma_semaphore, #tpu.memory_space<semaphore_mem>>
        %dma_start3A = arith.constant 0 : i32
        %dma_start3A_18 = arith.constant 0 : i32
        %dma_start3A_19 = tpu.memref_slice %arg9[%dma_start3A, %dma_start3A_18] : memref<128x128xf32, #tpu.memory_space<vmem>> -> memref<64x128xf32, #tpu.memory_space<vmem>>
        %dma_start3A_20 = arith.constant 0 : i32
        %dma_start3A_21 = tpu.memref_slice %arg11[%add3A_17, %dma_start3A_20] : memref<10240x128xf32, #tpu.memory_space<vmem_shared>> -> memref<64x128xf32, #tpu.memory_space<vmem_shared>>
        %dma_start3A_22 = arith.constant 0 : i32
        %dma_start3A_23 = tpu.memref_slice %arg11[%add3A_17, %dma_start3A_22] : memref<10240x128xf32, #tpu.memory_space<vmem_shared>> -> memref<64x128xf32, #tpu.memory_space<vmem_shared>>
        %dma_start3A_24 = arith.constant 0 : i32
        %dma_start3A_25 = arith.constant 0 : i32
        %dma_start3A_26 = tpu.memref_slice %arg9[%dma_start3A_24, %dma_start3A_25] : memref<128x128xf32, #tpu.memory_space<vmem>> -> memref<64x128xf32, #tpu.memory_space<vmem>>
        tpu.enqueue_dma source(%dma_start3A_26 : memref<64x128xf32, #tpu.memory_space<vmem>>) target(%dma_start3A_23 : memref<64x128xf32, #tpu.memory_space<vmem_shared>>) target_semaphore(%run_scoped3A : memref<!tpu.dma_semaphore, #tpu.memory_space<semaphore_mem>>)
        %dma_wait3A = arith.constant 0 : i32
        %dma_wait3A_27 = arith.constant 0 : i32
        %dma_wait3A_28 = tpu.memref_slice %arg9[%dma_wait3A, %dma_wait3A_27] : memref<128x128xf32, #tpu.memory_space<vmem>> -> memref<64x128xf32, #tpu.memory_space<vmem>>
        %dma_wait3A_29 = arith.constant 0 : i32
        %dma_wait3A_30 = tpu.memref_slice %arg11[%add3A_17, %dma_wait3A_29] : memref<10240x128xf32, #tpu.memory_space<vmem_shared>> -> memref<64x128xf32, #tpu.memory_space<vmem_shared>>
        %dma_wait3A_31 = arith.constant 0 : i32
        %dma_wait3A_32 = tpu.memref_slice %arg11[%add3A_17, %dma_wait3A_31] : memref<10240x128xf32, #tpu.memory_space<vmem_shared>> -> memref<64x128xf32, #tpu.memory_space<vmem_shared>>
        %dma_wait3A_33 = arith.constant 0 : i32
        %dma_wait3A_34 = arith.constant 0 : i32
        %dma_wait3A_35 = tpu.memref_slice %arg9[%dma_wait3A_33, %dma_wait3A_34] : memref<128x128xf32, #tpu.memory_space<vmem>> -> memref<64x128xf32, #tpu.memory_space<vmem>>
        tpu.wait_dma2 semaphore(%run_scoped3A : memref<!tpu.dma_semaphore, #tpu.memory_space<semaphore_mem>>) src(%dma_wait3A_35 : memref<64x128xf32, #tpu.memory_space<vmem>>) dst(%dma_wait3A_32 : memref<64x128xf32, #tpu.memory_space<vmem_shared>>)
        tpu.yield
      }) : () -> ()
    }
    %scan3A_4 = arith.constant 10 : i32
    %barrier3A = arith.constant 0 : index
    tpu.barrier barrier_id(%barrier3A)
    %scan3A_5 = arith.constant 0 : i32
    %scan3A_6 = arith.constant 2 : i32
    %scan3A_7 = arith.addi %scan3A_5, %scan3A_6 : i32
    %scan3A_8 = arith.constant 1 : i32
    scf.for %scan3A_11 = %scan3A_5 to %scan3A_7 step %scan3A_8  : i32 {
      %mul3A_12 = arith.constant 1 : i32
      %mul3A_13 = arith.muli %scan3A_11, %mul3A_12 : i32
      %add3A = arith.constant 0 : i32
      %add3A_14 = arith.addi %add3A, %mul3A_13 : i32
      %mul3A_15 = arith.constant 40 : i32
      %mul3A_16 = arith.muli %add3A_14, %mul3A_15 : i32
      "tpu.region"() ({
        %run_scoped3A_51 = tpu.sem_alloc : memref<!tpu.dma_semaphore, #tpu.memory_space<semaphore_mem>>
        %dma_start3A_52 = arith.constant 0 : i32
        %dma_start3A_53 = arith.constant 0 : i32
        %dma_start3A_54 = arith.constant 0 : i32
        %dma_start3A_55 = tpu.memref_slice %arg3[%arg0, %dma_start3A_52, %dma_start3A_53, %dma_start3A_54] : memref<2x16x80x128xi32, #tpu.memory_space<hbm>> -> memref<1x16x80x128xi32, #tpu.memory_space<hbm>>
        %dma_start3A_56 = tpu.memref_squeeze %dma_start3A_55 : memref<1x16x80x128xi32, #tpu.memory_space<hbm>> -> memref<16x80x128xi32, #tpu.memory_space<hbm>>
        %dma_start3A_57 = arith.constant 0 : i32
        %dma_start3A_58 = arith.constant 0 : i32
        %dma_start3A_59 = tpu.memref_slice %dma_start3A_56[%arg1, %dma_start3A_57, %dma_start3A_58] : memref<16x80x128xi32, #tpu.memory_space<hbm>> -> memref<1x80x128xi32, #tpu.memory_space<hbm>>
        %dma_start3A_60 = tpu.memref_squeeze %dma_start3A_59 : memref<1x80x128xi32, #tpu.memory_space<hbm>> -> memref<80x128xi32, #tpu.memory_space<hbm>>
        %dma_start3A_61 = arith.constant 0 : i32
        %dma_start3A_62 = tpu.memref_slice %dma_start3A_60[%mul3A_16, %dma_start3A_61] : memref<80x128xi32, #tpu.memory_space<hbm>> -> memref<40x128xi32, #tpu.memory_space<hbm>>
        %dma_start3A_63 = arith.constant 0 : i32
        %dma_start3A_64 = arith.constant 0 : i32
        %dma_start3A_65 = arith.constant 0 : i32
        %dma_start3A_66 = tpu.memref_slice %arg3[%arg0, %dma_start3A_63, %dma_start3A_64, %dma_start3A_65] : memref<2x16x80x128xi32, #tpu.memory_space<hbm>> -> memref<1x16x80x128xi32, #tpu.memory_space<hbm>>
        %dma_start3A_67 = tpu.memref_squeeze %dma_start3A_66 : memref<1x16x80x128xi32, #tpu.memory_space<hbm>> -> memref<16x80x128xi32, #tpu.memory_space<hbm>>
        %dma_start3A_68 = arith.constant 0 : i32
        %dma_start3A_69 = arith.constant 0 : i32
        %dma_start3A_70 = tpu.memref_slice %dma_start3A_67[%arg1, %dma_start3A_68, %dma_start3A_69] : memref<16x80x128xi32, #tpu.memory_space<hbm>> -> memref<1x80x128xi32, #tpu.memory_space<hbm>>
        %dma_start3A_71 = tpu.memref_squeeze %dma_start3A_70 : memref<1x80x128xi32, #tpu.memory_space<hbm>> -> memref<80x128xi32, #tpu.memory_space<hbm>>
        %dma_start3A_72 = arith.constant 0 : i32
        %dma_start3A_73 = tpu.memref_slice %dma_start3A_71[%mul3A_16, %dma_start3A_72] : memref<80x128xi32, #tpu.memory_space<hbm>> -> memref<40x128xi32, #tpu.memory_space<hbm>>
        tpu.enqueue_dma source(%dma_start3A_73 : memref<40x128xi32, #tpu.memory_space<hbm>>) target(%arg7 : memref<40x128xi32, #tpu.memory_space<vmem>>) target_semaphore(%run_scoped3A_51 : memref<!tpu.dma_semaphore, #tpu.memory_space<semaphore_mem>>)
        %dma_wait3A_74 = arith.constant 0 : i32
        %dma_wait3A_75 = arith.constant 0 : i32
        %dma_wait3A_76 = arith.constant 0 : i32
        %dma_wait3A_77 = tpu.memref_slice %arg3[%arg0, %dma_wait3A_74, %dma_wait3A_75, %dma_wait3A_76] : memref<2x16x80x128xi32, #tpu.memory_space<hbm>> -> memref<1x16x80x128xi32, #tpu.memory_space<hbm>>
        %dma_wait3A_78 = tpu.memref_squeeze %dma_wait3A_77 : memref<1x16x80x128xi32, #tpu.memory_space<hbm>> -> memref<16x80x128xi32, #tpu.memory_space<hbm>>
        %dma_wait3A_79 = arith.constant 0 : i32
        %dma_wait3A_80 = arith.constant 0 : i32
        %dma_wait3A_81 = tpu.memref_slice %dma_wait3A_78[%arg1, %dma_wait3A_79, %dma_wait3A_80] : memref<16x80x128xi32, #tpu.memory_space<hbm>> -> memref<1x80x128xi32, #tpu.memory_space<hbm>>
        %dma_wait3A_82 = tpu.memref_squeeze %dma_wait3A_81 : memref<1x80x128xi32, #tpu.memory_space<hbm>> -> memref<80x128xi32, #tpu.memory_space<hbm>>
        %dma_wait3A_83 = arith.constant 0 : i32
        %dma_wait3A_84 = tpu.memref_slice %dma_wait3A_82[%mul3A_16, %dma_wait3A_83] : memref<80x128xi32, #tpu.memory_space<hbm>> -> memref<40x128xi32, #tpu.memory_space<hbm>>
        %dma_wait3A_85 = arith.constant 0 : i32
        %dma_wait3A_86 = arith.constant 0 : i32
        %dma_wait3A_87 = arith.constant 0 : i32
        %dma_wait3A_88 = tpu.memref_slice %arg3[%arg0, %dma_wait3A_85, %dma_wait3A_86, %dma_wait3A_87] : memref<2x16x80x128xi32, #tpu.memory_space<hbm>> -> memref<1x16x80x128xi32, #tpu.memory_space<hbm>>
        %dma_wait3A_89 = tpu.memref_squeeze %dma_wait3A_88 : memref<1x16x80x128xi32, #tpu.memory_space<hbm>> -> memref<16x80x128xi32, #tpu.memory_space<hbm>>
        %dma_wait3A_90 = arith.constant 0 : i32
        %dma_wait3A_91 = arith.constant 0 : i32
        %dma_wait3A_92 = tpu.memref_slice %dma_wait3A_89[%arg1, %dma_wait3A_90, %dma_wait3A_91] : memref<16x80x128xi32, #tpu.memory_space<hbm>> -> memref<1x80x128xi32, #tpu.memory_space<hbm>>
        %dma_wait3A_93 = tpu.memref_squeeze %dma_wait3A_92 : memref<1x80x128xi32, #tpu.memory_space<hbm>> -> memref<80x128xi32, #tpu.memory_space<hbm>>
        %dma_wait3A_94 = arith.constant 0 : i32
        %dma_wait3A_95 = tpu.memref_slice %dma_wait3A_93[%mul3A_16, %dma_wait3A_94] : memref<80x128xi32, #tpu.memory_space<hbm>> -> memref<40x128xi32, #tpu.memory_space<hbm>>
        tpu.wait_dma2 semaphore(%run_scoped3A_51 : memref<!tpu.dma_semaphore, #tpu.memory_space<semaphore_mem>>) src(%dma_wait3A_95 : memref<40x128xi32, #tpu.memory_space<hbm>>) dst(%arg7 : memref<40x128xi32, #tpu.memory_space<vmem>>)
        tpu.yield
      }) : () -> ()
      %mul3A_17 = arith.constant 40 : i32
      %mul3A_18 = arith.muli %add3A_14, %mul3A_17 : i32
      "tpu.region"() ({
        %run_scoped3A_51 = tpu.sem_alloc : memref<!tpu.dma_semaphore, #tpu.memory_space<semaphore_mem>>
        %dma_start3A_52 = arith.constant 0 : i32
        %dma_start3A_53 = arith.constant 0 : i32
        %dma_start3A_54 = arith.constant 0 : i32
        %dma_start3A_55 = tpu.memref_slice %arg4[%arg0, %dma_start3A_52, %dma_start3A_53, %dma_start3A_54] : memref<2x16x80x128xi32, #tpu.memory_space<hbm>> -> memref<1x16x80x128xi32, #tpu.memory_space<hbm>>
        %dma_start3A_56 = tpu.memref_squeeze %dma_start3A_55 : memref<1x16x80x128xi32, #tpu.memory_space<hbm>> -> memref<16x80x128xi32, #tpu.memory_space<hbm>>
        %dma_start3A_57 = arith.constant 0 : i32
        %dma_start3A_58 = arith.constant 0 : i32
        %dma_start3A_59 = tpu.memref_slice %dma_start3A_56[%arg1, %dma_start3A_57, %dma_start3A_58] : memref<16x80x128xi32, #tpu.memory_space<hbm>> -> memref<1x80x128xi32, #tpu.memory_space<hbm>>
        %dma_start3A_60 = tpu.memref_squeeze %dma_start3A_59 : memref<1x80x128xi32, #tpu.memory_space<hbm>> -> memref<80x128xi32, #tpu.memory_space<hbm>>
        %dma_start3A_61 = arith.constant 0 : i32
        %dma_start3A_62 = tpu.memref_slice %dma_start3A_60[%mul3A_18, %dma_start3A_61] : memref<80x128xi32, #tpu.memory_space<hbm>> -> memref<40x128xi32, #tpu.memory_space<hbm>>
        %dma_start3A_63 = arith.constant 0 : i32
        %dma_start3A_64 = arith.constant 0 : i32
        %dma_start3A_65 = arith.constant 0 : i32
        %dma_start3A_66 = tpu.memref_slice %arg4[%arg0, %dma_start3A_63, %dma_start3A_64, %dma_start3A_65] : memref<2x16x80x128xi32, #tpu.memory_space<hbm>> -> memref<1x16x80x128xi32, #tpu.memory_space<hbm>>
        %dma_start3A_67 = tpu.memref_squeeze %dma_start3A_66 : memref<1x16x80x128xi32, #tpu.memory_space<hbm>> -> memref<16x80x128xi32, #tpu.memory_space<hbm>>
        %dma_start3A_68 = arith.constant 0 : i32
        %dma_start3A_69 = arith.constant 0 : i32
        %dma_start3A_70 = tpu.memref_slice %dma_start3A_67[%arg1, %dma_start3A_68, %dma_start3A_69] : memref<16x80x128xi32, #tpu.memory_space<hbm>> -> memref<1x80x128xi32, #tpu.memory_space<hbm>>
        %dma_start3A_71 = tpu.memref_squeeze %dma_start3A_70 : memref<1x80x128xi32, #tpu.memory_space<hbm>> -> memref<80x128xi32, #tpu.memory_space<hbm>>
        %dma_start3A_72 = arith.constant 0 : i32
        %dma_start3A_73 = tpu.memref_slice %dma_start3A_71[%mul3A_18, %dma_start3A_72] : memref<80x128xi32, #tpu.memory_space<hbm>> -> memref<40x128xi32, #tpu.memory_space<hbm>>
        tpu.enqueue_dma source(%dma_start3A_73 : memref<40x128xi32, #tpu.memory_space<hbm>>) target(%arg8 : memref<40x128xi32, #tpu.memory_space<vmem>>) target_semaphore(%run_scoped3A_51 : memref<!tpu.dma_semaphore, #tpu.memory_space<semaphore_mem>>)
        %dma_wait3A_74 = arith.constant 0 : i32
        %dma_wait3A_75 = arith.constant 0 : i32
        %dma_wait3A_76 = arith.constant 0 : i32
        %dma_wait3A_77 = tpu.memref_slice %arg4[%arg0, %dma_wait3A_74, %dma_wait3A_75, %dma_wait3A_76] : memref<2x16x80x128xi32, #tpu.memory_space<hbm>> -> memref<1x16x80x128xi32, #tpu.memory_space<hbm>>
        %dma_wait3A_78 = tpu.memref_squeeze %dma_wait3A_77 : memref<1x16x80x128xi32, #tpu.memory_space<hbm>> -> memref<16x80x128xi32, #tpu.memory_space<hbm>>
        %dma_wait3A_79 = arith.constant 0 : i32
        %dma_wait3A_80 = arith.constant 0 : i32
        %dma_wait3A_81 = tpu.memref_slice %dma_wait3A_78[%arg1, %dma_wait3A_79, %dma_wait3A_80] : memref<16x80x128xi32, #tpu.memory_space<hbm>> -> memref<1x80x128xi32, #tpu.memory_space<hbm>>
        %dma_wait3A_82 = tpu.memref_squeeze %dma_wait3A_81 : memref<1x80x128xi32, #tpu.memory_space<hbm>> -> memref<80x128xi32, #tpu.memory_space<hbm>>
        %dma_wait3A_83 = arith.constant 0 : i32
        %dma_wait3A_84 = tpu.memref_slice %dma_wait3A_82[%mul3A_18, %dma_wait3A_83] : memref<80x128xi32, #tpu.memory_space<hbm>> -> memref<40x128xi32, #tpu.memory_space<hbm>>
        %dma_wait3A_85 = arith.constant 0 : i32
        %dma_wait3A_86 = arith.constant 0 : i32
        %dma_wait3A_87 = arith.constant 0 : i32
        %dma_wait3A_88 = tpu.memref_slice %arg4[%arg0, %dma_wait3A_85, %dma_wait3A_86, %dma_wait3A_87] : memref<2x16x80x128xi32, #tpu.memory_space<hbm>> -> memref<1x16x80x128xi32, #tpu.memory_space<hbm>>
        %dma_wait3A_89 = tpu.memref_squeeze %dma_wait3A_88 : memref<1x16x80x128xi32, #tpu.memory_space<hbm>> -> memref<16x80x128xi32, #tpu.memory_space<hbm>>
        %dma_wait3A_90 = arith.constant 0 : i32
        %dma_wait3A_91 = arith.constant 0 : i32
        %dma_wait3A_92 = tpu.memref_slice %dma_wait3A_89[%arg1, %dma_wait3A_90, %dma_wait3A_91] : memref<16x80x128xi32, #tpu.memory_space<hbm>> -> memref<1x80x128xi32, #tpu.memory_space<hbm>>
        %dma_wait3A_93 = tpu.memref_squeeze %dma_wait3A_92 : memref<1x80x128xi32, #tpu.memory_space<hbm>> -> memref<80x128xi32, #tpu.memory_space<hbm>>
        %dma_wait3A_94 = arith.constant 0 : i32
        %dma_wait3A_95 = tpu.memref_slice %dma_wait3A_93[%mul3A_18, %dma_wait3A_94] : memref<80x128xi32, #tpu.memory_space<hbm>> -> memref<40x128xi32, #tpu.memory_space<hbm>>
        tpu.wait_dma2 semaphore(%run_scoped3A_51 : memref<!tpu.dma_semaphore, #tpu.memory_space<semaphore_mem>>) src(%dma_wait3A_95 : memref<40x128xi32, #tpu.memory_space<hbm>>) dst(%arg8 : memref<40x128xi32, #tpu.memory_space<vmem>>)
        tpu.yield
      }) : () -> ()
      %dma_start3A = arith.constant 0 : i32
      %dma_start3A_19 = arith.constant 0 : i32
      %dma_start3A_20 = tpu.memref_slice %arg7[%dma_start3A, %dma_start3A_19] : memref<40x128xi32, #tpu.memory_space<vmem>> -> memref<1x128xi32, #tpu.memory_space<vmem>>
      %dma_start3A_21 = tpu.memref_squeeze %dma_start3A_20 : memref<1x128xi32, #tpu.memory_space<vmem>> -> memref<128xi32, #tpu.memory_space<vmem>>
      %dma_start3A_22 = arith.constant 0 : i32
      %dma_start3A_23 = arith.constant 0 : i32
      %dma_start3A_24 = tpu.memref_slice %arg2[%dma_start3A_22, %dma_start3A_23] : memref<10000x128xf32, #tpu.memory_space<hbm>> -> memref<10000x128xf32, #tpu.memory_space<hbm>>
      tpu.enqueue_indirect_dma source(%dma_start3A_24 : memref<10000x128xf32, #tpu.memory_space<hbm>>) target(%arg9 : memref<128x128xf32, #tpu.memory_space<vmem>>) offsets(%dma_start3A_21 : memref<128xi32, #tpu.memory_space<vmem>>) semaphore(%arg12 : memref<!tpu.dma_semaphore, #tpu.memory_space<semaphore_mem>>)
      %dma_start3A_25 = arith.constant 1 : i32
      %dma_start3A_26 = arith.constant 0 : i32
      %dma_start3A_27 = tpu.memref_slice %arg7[%dma_start3A_25, %dma_start3A_26] : memref<40x128xi32, #tpu.memory_space<vmem>> -> memref<1x128xi32, #tpu.memory_space<vmem>>
      %dma_start3A_28 = tpu.memref_squeeze %dma_start3A_27 : memref<1x128xi32, #tpu.memory_space<vmem>> -> memref<128xi32, #tpu.memory_space<vmem>>
      %dma_start3A_29 = arith.constant 0 : i32
      %dma_start3A_30 = arith.constant 0 : i32
      %dma_start3A_31 = tpu.memref_slice %arg2[%dma_start3A_29, %dma_start3A_30] : memref<10000x128xf32, #tpu.memory_space<hbm>> -> memref<10000x128xf32, #tpu.memory_space<hbm>>
      tpu.enqueue_indirect_dma source(%dma_start3A_31 : memref<10000x128xf32, #tpu.memory_space<hbm>>) target(%arg10 : memref<128x128xf32, #tpu.memory_space<vmem>>) offsets(%dma_start3A_28 : memref<128xi32, #tpu.memory_space<vmem>>) semaphore(%arg13 : memref<!tpu.dma_semaphore, #tpu.memory_space<semaphore_mem>>)
      %scan3A_32 = arith.constant 0 : i32
      %scan3A_33 = arith.constant 19 : i32
      %scan3A_34 = arith.addi %scan3A_32, %scan3A_33 : i32
      %scan3A_35 = arith.constant 1 : i32
      scf.for %scan3A_51 = %scan3A_32 to %scan3A_34 step %scan3A_35  : i32 {
        %mul3A_52 = arith.constant 2 : i32
        %mul3A_53 = arith.muli %scan3A_51, %mul3A_52 : i32
        %add3A_54 = arith.constant 0 : i32
        %add3A_55 = arith.addi %add3A_54, %mul3A_53 : i32
        %add3A_56 = arith.constant 0 : i32
        %add3A_57 = arith.addi %add3A_55, %add3A_56 : i32
        %dma_wait3A_58 = arith.constant 0 : i32
        %dma_wait3A_59 = tpu.memref_slice %arg7[%add3A_57, %dma_wait3A_58] : memref<40x128xi32, #tpu.memory_space<vmem>> -> memref<1x128xi32, #tpu.memory_space<vmem>>
        %dma_wait3A_60 = tpu.memref_squeeze %dma_wait3A_59 : memref<1x128xi32, #tpu.memory_space<vmem>> -> memref<128xi32, #tpu.memory_space<vmem>>
        %dma_wait3A_61 = arith.constant 0 : i32
        %dma_wait3A_62 = arith.constant 0 : i32
        %dma_wait3A_63 = tpu.memref_slice %arg2[%dma_wait3A_61, %dma_wait3A_62] : memref<10000x128xf32, #tpu.memory_space<hbm>> -> memref<10000x128xf32, #tpu.memory_space<hbm>>
        tpu.wait_indirect_dma semaphore(%arg12 : memref<!tpu.dma_semaphore, #tpu.memory_space<semaphore_mem>>) src(%dma_wait3A_63 : memref<10000x128xf32, #tpu.memory_space<hbm>>) dst(%arg9 : memref<128x128xf32, #tpu.memory_space<vmem>>)
        %add3A_64 = arith.constant 0 : i32
        %add3A_65 = arith.addi %add3A_55, %add3A_64 : i32
        "tpu.region"() ({
          %run_scoped3A_96 = tpu.sem_alloc : memref<!tpu.dma_semaphore, #tpu.memory_space<semaphore_mem>>
          %dma_start3A_97 = arith.constant 0 : i32
          %dma_start3A_98 = tpu.memref_slice %arg8[%add3A_65, %dma_start3A_97] : memref<40x128xi32, #tpu.memory_space<vmem>> -> memref<1x128xi32, #tpu.memory_space<vmem>>
          %dma_start3A_99 = tpu.memref_squeeze %dma_start3A_98 : memref<1x128xi32, #tpu.memory_space<vmem>> -> memref<128xi32, #tpu.memory_space<vmem>>
          %dma_start3A_100 = arith.constant 0 : i32
          %dma_start3A_101 = arith.constant 0 : i32
          %dma_start3A_102 = tpu.memref_slice %arg11[%dma_start3A_100, %dma_start3A_101] : memref<10240x128xf32, #tpu.memory_space<vmem_shared>> -> memref<10240x128xf32, #tpu.memory_space<vmem_shared>>
          tpu.enqueue_indirect_dma source(%arg9 : memref<128x128xf32, #tpu.memory_space<vmem>>) target(%dma_start3A_102 : memref<10240x128xf32, #tpu.memory_space<vmem_shared>>) offsets(%dma_start3A_99 : memref<128xi32, #tpu.memory_space<vmem>>) semaphore(%run_scoped3A_96 : memref<!tpu.dma_semaphore, #tpu.memory_space<semaphore_mem>>) {add = true}
          %dma_wait3A_103 = arith.constant 0 : i32
          %dma_wait3A_104 = tpu.memref_slice %arg8[%add3A_65, %dma_wait3A_103] : memref<40x128xi32, #tpu.memory_space<vmem>> -> memref<1x128xi32, #tpu.memory_space<vmem>>
          %dma_wait3A_105 = tpu.memref_squeeze %dma_wait3A_104 : memref<1x128xi32, #tpu.memory_space<vmem>> -> memref<128xi32, #tpu.memory_space<vmem>>
          %dma_wait3A_106 = arith.constant 0 : i32
          %dma_wait3A_107 = arith.constant 0 : i32
          %dma_wait3A_108 = tpu.memref_slice %arg11[%dma_wait3A_106, %dma_wait3A_107] : memref<10240x128xf32, #tpu.memory_space<vmem_shared>> -> memref<10240x128xf32, #tpu.memory_space<vmem_shared>>
          tpu.wait_indirect_dma semaphore(%run_scoped3A_96 : memref<!tpu.dma_semaphore, #tpu.memory_space<semaphore_mem>>) src(%arg9 : memref<128x128xf32, #tpu.memory_space<vmem>>) dst(%dma_wait3A_108 : memref<10240x128xf32, #tpu.memory_space<vmem_shared>>)
          tpu.yield
        }) : () -> ()
        %add3A_66 = arith.constant 0 : i32
        %add3A_67 = arith.addi %add3A_55, %add3A_66 : i32
        %add3A_68 = arith.constant 2 : i32
        %add3A_69 = arith.addi %add3A_67, %add3A_68 : i32
        %dma_start3A_70 = arith.constant 0 : i32
        %dma_start3A_71 = tpu.memref_slice %arg7[%add3A_69, %dma_start3A_70] : memref<40x128xi32, #tpu.memory_space<vmem>> -> memref<1x128xi32, #tpu.memory_space<vmem>>
        %dma_start3A_72 = tpu.memref_squeeze %dma_start3A_71 : memref<1x128xi32, #tpu.memory_space<vmem>> -> memref<128xi32, #tpu.memory_space<vmem>>
        %dma_start3A_73 = arith.constant 0 : i32
        %dma_start3A_74 = arith.constant 0 : i32
        %dma_start3A_75 = tpu.memref_slice %arg2[%dma_start3A_73, %dma_start3A_74] : memref<10000x128xf32, #tpu.memory_space<hbm>> -> memref<10000x128xf32, #tpu.memory_space<hbm>>
        tpu.enqueue_indirect_dma source(%dma_start3A_75 : memref<10000x128xf32, #tpu.memory_space<hbm>>) target(%arg9 : memref<128x128xf32, #tpu.memory_space<vmem>>) offsets(%dma_start3A_72 : memref<128xi32, #tpu.memory_space<vmem>>) semaphore(%arg12 : memref<!tpu.dma_semaphore, #tpu.memory_space<semaphore_mem>>)
        %add3A_76 = arith.constant 1 : i32
        %add3A_77 = arith.addi %add3A_55, %add3A_76 : i32
        %dma_wait3A_78 = arith.constant 0 : i32
        %dma_wait3A_79 = tpu.memref_slice %arg7[%add3A_77, %dma_wait3A_78] : memref<40x128xi32, #tpu.memory_space<vmem>> -> memref<1x128xi32, #tpu.memory_space<vmem>>
        %dma_wait3A_80 = tpu.memref_squeeze %dma_wait3A_79 : memref<1x128xi32, #tpu.memory_space<vmem>> -> memref<128xi32, #tpu.memory_space<vmem>>
        %dma_wait3A_81 = arith.constant 0 : i32
        %dma_wait3A_82 = arith.constant 0 : i32
        %dma_wait3A_83 = tpu.memref_slice %arg2[%dma_wait3A_81, %dma_wait3A_82] : memref<10000x128xf32, #tpu.memory_space<hbm>> -> memref<10000x128xf32, #tpu.memory_space<hbm>>
        tpu.wait_indirect_dma semaphore(%arg13 : memref<!tpu.dma_semaphore, #tpu.memory_space<semaphore_mem>>) src(%dma_wait3A_83 : memref<10000x128xf32, #tpu.memory_space<hbm>>) dst(%arg10 : memref<128x128xf32, #tpu.memory_space<vmem>>)
        %add3A_84 = arith.constant 1 : i32
        %add3A_85 = arith.addi %add3A_55, %add3A_84 : i32
        "tpu.region"() ({
          %run_scoped3A_96 = tpu.sem_alloc : memref<!tpu.dma_semaphore, #tpu.memory_space<semaphore_mem>>
          %dma_start3A_97 = arith.constant 0 : i32
          %dma_start3A_98 = tpu.memref_slice %arg8[%add3A_85, %dma_start3A_97] : memref<40x128xi32, #tpu.memory_space<vmem>> -> memref<1x128xi32, #tpu.memory_space<vmem>>
          %dma_start3A_99 = tpu.memref_squeeze %dma_start3A_98 : memref<1x128xi32, #tpu.memory_space<vmem>> -> memref<128xi32, #tpu.memory_space<vmem>>
          %dma_start3A_100 = arith.constant 0 : i32
          %dma_start3A_101 = arith.constant 0 : i32
          %dma_start3A_102 = tpu.memref_slice %arg11[%dma_start3A_100, %dma_start3A_101] : memref<10240x128xf32, #tpu.memory_space<vmem_shared>> -> memref<10240x128xf32, #tpu.memory_space<vmem_shared>>
          tpu.enqueue_indirect_dma source(%arg10 : memref<128x128xf32, #tpu.memory_space<vmem>>) target(%dma_start3A_102 : memref<10240x128xf32, #tpu.memory_space<vmem_shared>>) offsets(%dma_start3A_99 : memref<128xi32, #tpu.memory_space<vmem>>) semaphore(%run_scoped3A_96 : memref<!tpu.dma_semaphore, #tpu.memory_space<semaphore_mem>>) {add = true}
          %dma_wait3A_103 = arith.constant 0 : i32
          %dma_wait3A_104 = tpu.memref_slice %arg8[%add3A_85, %dma_wait3A_103] : memref<40x128xi32, #tpu.memory_space<vmem>> -> memref<1x128xi32, #tpu.memory_space<vmem>>
          %dma_wait3A_105 = tpu.memref_squeeze %dma_wait3A_104 : memref<1x128xi32, #tpu.memory_space<vmem>> -> memref<128xi32, #tpu.memory_space<vmem>>
          %dma_wait3A_106 = arith.constant 0 : i32
          %dma_wait3A_107 = arith.constant 0 : i32
          %dma_wait3A_108 = tpu.memref_slice %arg11[%dma_wait3A_106, %dma_wait3A_107] : memref<10240x128xf32, #tpu.memory_space<vmem_shared>> -> memref<10240x128xf32, #tpu.memory_space<vmem_shared>>
          tpu.wait_indirect_dma semaphore(%run_scoped3A_96 : memref<!tpu.dma_semaphore, #tpu.memory_space<semaphore_mem>>) src(%arg10 : memref<128x128xf32, #tpu.memory_space<vmem>>) dst(%dma_wait3A_108 : memref<10240x128xf32, #tpu.memory_space<vmem_shared>>)
          tpu.yield
        }) : () -> ()
        %add3A_86 = arith.constant 1 : i32
        %add3A_87 = arith.addi %add3A_55, %add3A_86 : i32
        %add3A_88 = arith.constant 2 : i32
        %add3A_89 = arith.addi %add3A_87, %add3A_88 : i32
        %dma_start3A_90 = arith.constant 0 : i32
        %dma_start3A_91 = tpu.memref_slice %arg7[%add3A_89, %dma_start3A_90] : memref<40x128xi32, #tpu.memory_space<vmem>> -> memref<1x128xi32, #tpu.memory_space<vmem>>
        %dma_start3A_92 = tpu.memref_squeeze %dma_start3A_91 : memref<1x128xi32, #tpu.memory_space<vmem>> -> memref<128xi32, #tpu.memory_space<vmem>>
        %dma_start3A_93 = arith.constant 0 : i32
        %dma_start3A_94 = arith.constant 0 : i32
        %dma_start3A_95 = tpu.memref_slice %arg2[%dma_start3A_93, %dma_start3A_94] : memref<10000x128xf32, #tpu.memory_space<hbm>> -> memref<10000x128xf32, #tpu.memory_space<hbm>>
        tpu.enqueue_indirect_dma source(%dma_start3A_95 : memref<10000x128xf32, #tpu.memory_space<hbm>>) target(%arg10 : memref<128x128xf32, #tpu.memory_space<vmem>>) offsets(%dma_start3A_92 : memref<128xi32, #tpu.memory_space<vmem>>) semaphore(%arg13 : memref<!tpu.dma_semaphore, #tpu.memory_space<semaphore_mem>>)
      }
      %scan3A_36 = arith.constant 19 : i32
      %dma_wait3A = arith.constant 38 : i32
      %dma_wait3A_37 = arith.constant 0 : i32
      %dma_wait3A_38 = tpu.memref_slice %arg7[%dma_wait3A, %dma_wait3A_37] : memref<40x128xi32, #tpu.memory_space<vmem>> -> memref<1x128xi32, #tpu.memory_space<vmem>>
      %dma_wait3A_39 = tpu.memref_squeeze %dma_wait3A_38 : memref<1x128xi32, #tpu.memory_space<vmem>> -> memref<128xi32, #tpu.memory_space<vmem>>
      %dma_wait3A_40 = arith.constant 0 : i32
      %dma_wait3A_41 = arith.constant 0 : i32
      %dma_wait3A_42 = tpu.memref_slice %arg2[%dma_wait3A_40, %dma_wait3A_41] : memref<10000x128xf32, #tpu.memory_space<hbm>> -> memref<10000x128xf32, #tpu.memory_space<hbm>>
      tpu.wait_indirect_dma semaphore(%arg12 : memref<!tpu.dma_semaphore, #tpu.memory_space<semaphore_mem>>) src(%dma_wait3A_42 : memref<10000x128xf32, #tpu.memory_space<hbm>>) dst(%arg9 : memref<128x128xf32, #tpu.memory_space<vmem>>)
      %run_scoped3A = arith.constant 38 : i32
      "tpu.region"() ({
        %run_scoped3A_51 = tpu.sem_alloc : memref<!tpu.dma_semaphore, #tpu.memory_space<semaphore_mem>>
        %dma_start3A_52 = arith.constant 0 : i32
        %dma_start3A_53 = tpu.memref_slice %arg8[%run_scoped3A, %dma_start3A_52] : memref<40x128xi32, #tpu.memory_space<vmem>> -> memref<1x128xi32, #tpu.memory_space<vmem>>
        %dma_start3A_54 = tpu.memref_squeeze %dma_start3A_53 : memref<1x128xi32, #tpu.memory_space<vmem>> -> memref<128xi32, #tpu.memory_space<vmem>>
        %dma_start3A_55 = arith.constant 0 : i32
        %dma_start3A_56 = arith.constant 0 : i32
        %dma_start3A_57 = tpu.memref_slice %arg11[%dma_start3A_55, %dma_start3A_56] : memref<10240x128xf32, #tpu.memory_space<vmem_shared>> -> memref<10240x128xf32, #tpu.memory_space<vmem_shared>>
        tpu.enqueue_indirect_dma source(%arg9 : memref<128x128xf32, #tpu.memory_space<vmem>>) target(%dma_start3A_57 : memref<10240x128xf32, #tpu.memory_space<vmem_shared>>) offsets(%dma_start3A_54 : memref<128xi32, #tpu.memory_space<vmem>>) semaphore(%run_scoped3A_51 : memref<!tpu.dma_semaphore, #tpu.memory_space<semaphore_mem>>) {add = true}
        %dma_wait3A_58 = arith.constant 0 : i32
        %dma_wait3A_59 = tpu.memref_slice %arg8[%run_scoped3A, %dma_wait3A_58] : memref<40x128xi32, #tpu.memory_space<vmem>> -> memref<1x128xi32, #tpu.memory_space<vmem>>
        %dma_wait3A_60 = tpu.memref_squeeze %dma_wait3A_59 : memref<1x128xi32, #tpu.memory_space<vmem>> -> memref<128xi32, #tpu.memory_space<vmem>>
        %dma_wait3A_61 = arith.constant 0 : i32
        %dma_wait3A_62 = arith.constant 0 : i32
        %dma_wait3A_63 = tpu.memref_slice %arg11[%dma_wait3A_61, %dma_wait3A_62] : memref<10240x128xf32, #tpu.memory_space<vmem_shared>> -> memref<10240x128xf32, #tpu.memory_space<vmem_shared>>
        tpu.wait_indirect_dma semaphore(%run_scoped3A_51 : memref<!tpu.dma_semaphore, #tpu.memory_space<semaphore_mem>>) src(%arg9 : memref<128x128xf32, #tpu.memory_space<vmem>>) dst(%dma_wait3A_63 : memref<10240x128xf32, #tpu.memory_space<vmem_shared>>)
        tpu.yield
      }) : () -> ()
      %dma_wait3A_43 = arith.constant 39 : i32
      %dma_wait3A_44 = arith.constant 0 : i32
      %dma_wait3A_45 = tpu.memref_slice %arg7[%dma_wait3A_43, %dma_wait3A_44] : memref<40x128xi32, #tpu.memory_space<vmem>> -> memref<1x128xi32, #tpu.memory_space<vmem>>
      %dma_wait3A_46 = tpu.memref_squeeze %dma_wait3A_45 : memref<1x128xi32, #tpu.memory_space<vmem>> -> memref<128xi32, #tpu.memory_space<vmem>>
      %dma_wait3A_47 = arith.constant 0 : i32
      %dma_wait3A_48 = arith.constant 0 : i32
      %dma_wait3A_49 = tpu.memref_slice %arg2[%dma_wait3A_47, %dma_wait3A_48] : memref<10000x128xf32, #tpu.memory_space<hbm>> -> memref<10000x128xf32, #tpu.memory_space<hbm>>
      tpu.wait_indirect_dma semaphore(%arg13 : memref<!tpu.dma_semaphore, #tpu.memory_space<semaphore_mem>>) src(%dma_wait3A_49 : memref<10000x128xf32, #tpu.memory_space<hbm>>) dst(%arg10 : memref<128x128xf32, #tpu.memory_space<vmem>>)
      %run_scoped3A_50 = arith.constant 39 : i32
      "tpu.region"() ({
        %run_scoped3A_51 = tpu.sem_alloc : memref<!tpu.dma_semaphore, #tpu.memory_space<semaphore_mem>>
        %dma_start3A_52 = arith.constant 0 : i32
        %dma_start3A_53 = tpu.memref_slice %arg8[%run_scoped3A_50, %dma_start3A_52] : memref<40x128xi32, #tpu.memory_space<vmem>> -> memref<1x128xi32, #tpu.memory_space<vmem>>
        %dma_start3A_54 = tpu.memref_squeeze %dma_start3A_53 : memref<1x128xi32, #tpu.memory_space<vmem>> -> memref<128xi32, #tpu.memory_space<vmem>>
        %dma_start3A_55 = arith.constant 0 : i32
        %dma_start3A_56 = arith.constant 0 : i32
        %dma_start3A_57 = tpu.memref_slice %arg11[%dma_start3A_55, %dma_start3A_56] : memref<10240x128xf32, #tpu.memory_space<vmem_shared>> -> memref<10240x128xf32, #tpu.memory_space<vmem_shared>>
        tpu.enqueue_indirect_dma source(%arg10 : memref<128x128xf32, #tpu.memory_space<vmem>>) target(%dma_start3A_57 : memref<10240x128xf32, #tpu.memory_space<vmem_shared>>) offsets(%dma_start3A_54 : memref<128xi32, #tpu.memory_space<vmem>>) semaphore(%run_scoped3A_51 : memref<!tpu.dma_semaphore, #tpu.memory_space<semaphore_mem>>) {add = true}
        %dma_wait3A_58 = arith.constant 0 : i32
        %dma_wait3A_59 = tpu.memref_slice %arg8[%run_scoped3A_50, %dma_wait3A_58] : memref<40x128xi32, #tpu.memory_space<vmem>> -> memref<1x128xi32, #tpu.memory_space<vmem>>
        %dma_wait3A_60 = tpu.memref_squeeze %dma_wait3A_59 : memref<1x128xi32, #tpu.memory_space<vmem>> -> memref<128xi32, #tpu.memory_space<vmem>>
        %dma_wait3A_61 = arith.constant 0 : i32
        %dma_wait3A_62 = arith.constant 0 : i32
        %dma_wait3A_63 = tpu.memref_slice %arg11[%dma_wait3A_61, %dma_wait3A_62] : memref<10240x128xf32, #tpu.memory_space<vmem_shared>> -> memref<10240x128xf32, #tpu.memory_space<vmem_shared>>
        tpu.wait_indirect_dma semaphore(%run_scoped3A_51 : memref<!tpu.dma_semaphore, #tpu.memory_space<semaphore_mem>>) src(%arg10 : memref<128x128xf32, #tpu.memory_space<vmem>>) dst(%dma_wait3A_63 : memref<10240x128xf32, #tpu.memory_space<vmem_shared>>)
        tpu.yield
      }) : () -> ()
    }
    %scan3A_9 = arith.constant 2 : i32
    %barrier3A_10 = arith.constant 0 : index
    tpu.barrier barrier_id(%barrier3A_10)
    "tpu.region"() ({
      %run_scoped3A = tpu.sem_alloc : memref<!tpu.dma_semaphore, #tpu.memory_space<semaphore_mem>>
      %dma_start3A = arith.constant 0 : i32
      %dma_start3A_11 = arith.constant 0 : i32
      %dma_start3A_12 = tpu.memref_slice %arg6[%arg0, %dma_start3A, %dma_start3A_11] : memref<2x10240x128xf32, #tpu.memory_space<hbm>> -> memref<1x10240x128xf32, #tpu.memory_space<hbm>>
      %dma_start3A_13 = tpu.memref_squeeze %dma_start3A_12 : memref<1x10240x128xf32, #tpu.memory_space<hbm>> -> memref<10240x128xf32, #tpu.memory_space<hbm>>
      %dma_start3A_14 = arith.constant 0 : i32
      %dma_start3A_15 = tpu.memref_slice %dma_start3A_13[%mul3A_0, %dma_start3A_14] : memref<10240x128xf32, #tpu.memory_space<hbm>> -> memref<640x128xf32, #tpu.memory_space<hbm>>
      %dma_start3A_16 = arith.constant 0 : i32
      %dma_start3A_17 = tpu.memref_slice %arg11[%mul3A_0, %dma_start3A_16] : memref<10240x128xf32, #tpu.memory_space<vmem_shared>> -> memref<640x128xf32, #tpu.memory_space<vmem_shared>>
      tpu.enqueue_dma source(%dma_start3A_17 : memref<640x128xf32, #tpu.memory_space<vmem_shared>>) target(%dma_start3A_15 : memref<640x128xf32, #tpu.memory_space<hbm>>) target_semaphore(%run_scoped3A : memref<!tpu.dma_semaphore, #tpu.memory_space<semaphore_mem>>)
      %dma_wait3A = arith.constant 0 : i32
      %dma_wait3A_18 = arith.constant 0 : i32
      %dma_wait3A_19 = tpu.memref_slice %arg6[%arg0, %dma_wait3A, %dma_wait3A_18] : memref<2x10240x128xf32, #tpu.memory_space<hbm>> -> memref<1x10240x128xf32, #tpu.memory_space<hbm>>
      %dma_wait3A_20 = tpu.memref_squeeze %dma_wait3A_19 : memref<1x10240x128xf32, #tpu.memory_space<hbm>> -> memref<10240x128xf32, #tpu.memory_space<hbm>>
      %dma_wait3A_21 = arith.constant 0 : i32
      %dma_wait3A_22 = tpu.memref_slice %dma_wait3A_20[%mul3A_0, %dma_wait3A_21] : memref<10240x128xf32, #tpu.memory_space<hbm>> -> memref<640x128xf32, #tpu.memory_space<hbm>>
      %dma_wait3A_23 = arith.constant 0 : i32
      %dma_wait3A_24 = tpu.memref_slice %arg11[%mul3A_0, %dma_wait3A_23] : memref<10240x128xf32, #tpu.memory_space<vmem_shared>> -> memref<640x128xf32, #tpu.memory_space<vmem_shared>>
      tpu.wait_dma2 semaphore(%run_scoped3A : memref<!tpu.dma_semaphore, #tpu.memory_space<semaphore_mem>>) src(%dma_wait3A_24 : memref<640x128xf32, #tpu.memory_space<vmem_shared>>) dst(%dma_wait3A_22 : memref<640x128xf32, #tpu.memory_space<hbm>>)
      tpu.yield
    }) : () -> ()
    return
  }
}

#map = affine_map<(d0, d1) -> (0, 0, 0, 0)>
#map1 = affine_map<(d0, d1) -> (0, 0)>
#map2 = affine_map<(d0, d1) -> (0, 0, 0)>
module attributes {stable_mosaic.version = 14 : i64} {
  func.func @_sc_deg_body(%arg0: i32, %arg1: i32, %arg2: memref<2x16x80x128xi32, #tpu.memory_space<hbm>>, %arg3: memref<128x128xf32, #tpu.memory_space<hbm>>, %arg4: memref<64x128xf32, #tpu.memory_space<hbm>>, %arg5: memref<2x10240x128xf32, #tpu.memory_space<hbm>>, %arg6: memref<80x128xi32, #tpu.memory_space<vmem>>, %arg7: memref<128x128xf32, #tpu.memory_space<vmem>>, %arg8: memref<64x128xf32, #tpu.memory_space<vmem>>, %arg9: memref<10240x128xf32, #tpu.memory_space<vmem_shared>>, %arg10: memref<!tpu.dma_semaphore, #tpu.memory_space<semaphore_mem>>) attributes {dimension_semantics = [#tpu.dimension_semantics<core_parallel>, #tpu.dimension_semantics<subcore_parallel>], iteration_bounds = array<i64: 2, 16>, scalar_prefetch = 0 : i64, scratch_operands = 5 : i64, tpu.core_type = #tpu.core_type<sc_vector_subcore>, window_params = [{transform_indices = #map}, {transform_indices = #map1}, {transform_indices = #map1}, {transform_indices = #map2}]} {
    "tpu.region"() ({
      %run_scoped3A = tpu.sem_alloc : memref<!tpu.dma_semaphore, #tpu.memory_space<semaphore_mem>>
      %dma_start3A = arith.constant 0 : i32
      %dma_start3A_16 = arith.constant 0 : i32
      %dma_start3A_17 = arith.constant 0 : i32
      %dma_start3A_18 = tpu.memref_slice %arg2[%arg0, %dma_start3A, %dma_start3A_16, %dma_start3A_17] : memref<2x16x80x128xi32, #tpu.memory_space<hbm>> -> memref<1x16x80x128xi32, #tpu.memory_space<hbm>>
      %dma_start3A_19 = tpu.memref_squeeze %dma_start3A_18 : memref<1x16x80x128xi32, #tpu.memory_space<hbm>> -> memref<16x80x128xi32, #tpu.memory_space<hbm>>
      %dma_start3A_20 = arith.constant 0 : i32
      %dma_start3A_21 = arith.constant 0 : i32
      %dma_start3A_22 = tpu.memref_slice %dma_start3A_19[%arg1, %dma_start3A_20, %dma_start3A_21] : memref<16x80x128xi32, #tpu.memory_space<hbm>> -> memref<1x80x128xi32, #tpu.memory_space<hbm>>
      %dma_start3A_23 = tpu.memref_squeeze %dma_start3A_22 : memref<1x80x128xi32, #tpu.memory_space<hbm>> -> memref<80x128xi32, #tpu.memory_space<hbm>>
      %dma_start3A_24 = arith.constant 0 : i32
      %dma_start3A_25 = arith.constant 0 : i32
      %dma_start3A_26 = arith.constant 0 : i32
      %dma_start3A_27 = tpu.memref_slice %arg2[%arg0, %dma_start3A_24, %dma_start3A_25, %dma_start3A_26] : memref<2x16x80x128xi32, #tpu.memory_space<hbm>> -> memref<1x16x80x128xi32, #tpu.memory_space<hbm>>
      %dma_start3A_28 = tpu.memref_squeeze %dma_start3A_27 : memref<1x16x80x128xi32, #tpu.memory_space<hbm>> -> memref<16x80x128xi32, #tpu.memory_space<hbm>>
      %dma_start3A_29 = arith.constant 0 : i32
      %dma_start3A_30 = arith.constant 0 : i32
      %dma_start3A_31 = tpu.memref_slice %dma_start3A_28[%arg1, %dma_start3A_29, %dma_start3A_30] : memref<16x80x128xi32, #tpu.memory_space<hbm>> -> memref<1x80x128xi32, #tpu.memory_space<hbm>>
      %dma_start3A_32 = tpu.memref_squeeze %dma_start3A_31 : memref<1x80x128xi32, #tpu.memory_space<hbm>> -> memref<80x128xi32, #tpu.memory_space<hbm>>
      tpu.enqueue_dma source(%dma_start3A_32 : memref<80x128xi32, #tpu.memory_space<hbm>>) target(%arg6 : memref<80x128xi32, #tpu.memory_space<vmem>>) target_semaphore(%run_scoped3A : memref<!tpu.dma_semaphore, #tpu.memory_space<semaphore_mem>>)
      %dma_wait3A = arith.constant 0 : i32
      %dma_wait3A_33 = arith.constant 0 : i32
      %dma_wait3A_34 = arith.constant 0 : i32
      %dma_wait3A_35 = tpu.memref_slice %arg2[%arg0, %dma_wait3A, %dma_wait3A_33, %dma_wait3A_34] : memref<2x16x80x128xi32, #tpu.memory_space<hbm>> -> memref<1x16x80x128xi32, #tpu.memory_space<hbm>>
      %dma_wait3A_36 = tpu.memref_squeeze %dma_wait3A_35 : memref<1x16x80x128xi32, #tpu.memory_space<hbm>> -> memref<16x80x128xi32, #tpu.memory_space<hbm>>
      %dma_wait3A_37 = arith.constant 0 : i32
      %dma_wait3A_38 = arith.constant 0 : i32
      %dma_wait3A_39 = tpu.memref_slice %dma_wait3A_36[%arg1, %dma_wait3A_37, %dma_wait3A_38] : memref<16x80x128xi32, #tpu.memory_space<hbm>> -> memref<1x80x128xi32, #tpu.memory_space<hbm>>
      %dma_wait3A_40 = tpu.memref_squeeze %dma_wait3A_39 : memref<1x80x128xi32, #tpu.memory_space<hbm>> -> memref<80x128xi32, #tpu.memory_space<hbm>>
      %dma_wait3A_41 = arith.constant 0 : i32
      %dma_wait3A_42 = arith.constant 0 : i32
      %dma_wait3A_43 = arith.constant 0 : i32
      %dma_wait3A_44 = tpu.memref_slice %arg2[%arg0, %dma_wait3A_41, %dma_wait3A_42, %dma_wait3A_43] : memref<2x16x80x128xi32, #tpu.memory_space<hbm>> -> memref<1x16x80x128xi32, #tpu.memory_space<hbm>>
      %dma_wait3A_45 = tpu.memref_squeeze %dma_wait3A_44 : memref<1x16x80x128xi32, #tpu.memory_space<hbm>> -> memref<16x80x128xi32, #tpu.memory_space<hbm>>
      %dma_wait3A_46 = arith.constant 0 : i32
      %dma_wait3A_47 = arith.constant 0 : i32
      %dma_wait3A_48 = tpu.memref_slice %dma_wait3A_45[%arg1, %dma_wait3A_46, %dma_wait3A_47] : memref<16x80x128xi32, #tpu.memory_space<hbm>> -> memref<1x80x128xi32, #tpu.memory_space<hbm>>
      %dma_wait3A_49 = tpu.memref_squeeze %dma_wait3A_48 : memref<1x80x128xi32, #tpu.memory_space<hbm>> -> memref<80x128xi32, #tpu.memory_space<hbm>>
      tpu.wait_dma2 semaphore(%run_scoped3A : memref<!tpu.dma_semaphore, #tpu.memory_space<semaphore_mem>>) src(%dma_wait3A_49 : memref<80x128xi32, #tpu.memory_space<hbm>>) dst(%arg6 : memref<80x128xi32, #tpu.memory_space<vmem>>)
      tpu.yield
    }) : () -> ()
    "tpu.region"() ({
      %run_scoped3A = tpu.sem_alloc : memref<!tpu.dma_semaphore, #tpu.memory_space<semaphore_mem>>
      tpu.enqueue_dma source(%arg3 : memref<128x128xf32, #tpu.memory_space<hbm>>) target(%arg7 : memref<128x128xf32, #tpu.memory_space<vmem>>) target_semaphore(%run_scoped3A : memref<!tpu.dma_semaphore, #tpu.memory_space<semaphore_mem>>)
      tpu.wait_dma2 semaphore(%run_scoped3A : memref<!tpu.dma_semaphore, #tpu.memory_space<semaphore_mem>>) src(%arg3 : memref<128x128xf32, #tpu.memory_space<hbm>>) dst(%arg7 : memref<128x128xf32, #tpu.memory_space<vmem>>)
      tpu.yield
    }) : () -> ()
    "tpu.region"() ({
      %run_scoped3A = tpu.sem_alloc : memref<!tpu.dma_semaphore, #tpu.memory_space<semaphore_mem>>
      tpu.enqueue_dma source(%arg4 : memref<64x128xf32, #tpu.memory_space<hbm>>) target(%arg8 : memref<64x128xf32, #tpu.memory_space<vmem>>) target_semaphore(%run_scoped3A : memref<!tpu.dma_semaphore, #tpu.memory_space<semaphore_mem>>)
      tpu.wait_dma2 semaphore(%run_scoped3A : memref<!tpu.dma_semaphore, #tpu.memory_space<semaphore_mem>>) src(%arg4 : memref<64x128xf32, #tpu.memory_space<hbm>>) dst(%arg8 : memref<64x128xf32, #tpu.memory_space<vmem>>)
      tpu.yield
    }) : () -> ()
    %mul3A = arith.constant 640 : i32
    %mul3A_0 = arith.muli %arg1, %mul3A : i32
    %scan3A = arith.constant 0 : i32
    %scan3A_1 = arith.constant 10 : i32
    %scan3A_2 = arith.addi %scan3A, %scan3A_1 : i32
    %scan3A_3 = arith.constant 1 : i32
    scf.for %scan3A_16 = %scan3A to %scan3A_2 step %scan3A_3  : i32 {
      %mul3A_17 = arith.constant 1 : i32
      %mul3A_18 = arith.muli %scan3A_16, %mul3A_17 : i32
      %add3A = arith.constant 0 : i32
      %add3A_19 = arith.addi %add3A, %mul3A_18 : i32
      %mul3A_20 = arith.constant 64 : i32
      %mul3A_21 = arith.muli %add3A_19, %mul3A_20 : i32
      %add3A_22 = arith.addi %mul3A_0, %mul3A_21 : i32
      "tpu.region"() ({
        %run_scoped3A = tpu.sem_alloc : memref<!tpu.dma_semaphore, #tpu.memory_space<semaphore_mem>>
        %dma_start3A = arith.constant 0 : i32
        %dma_start3A_23 = tpu.memref_slice %arg9[%add3A_22, %dma_start3A] : memref<10240x128xf32, #tpu.memory_space<vmem_shared>> -> memref<64x128xf32, #tpu.memory_space<vmem_shared>>
        %dma_start3A_24 = arith.constant 0 : i32
        %dma_start3A_25 = tpu.memref_slice %arg9[%add3A_22, %dma_start3A_24] : memref<10240x128xf32, #tpu.memory_space<vmem_shared>> -> memref<64x128xf32, #tpu.memory_space<vmem_shared>>
        tpu.enqueue_dma source(%arg8 : memref<64x128xf32, #tpu.memory_space<vmem>>) target(%dma_start3A_25 : memref<64x128xf32, #tpu.memory_space<vmem_shared>>) target_semaphore(%run_scoped3A : memref<!tpu.dma_semaphore, #tpu.memory_space<semaphore_mem>>)
        %dma_wait3A = arith.constant 0 : i32
        %dma_wait3A_26 = tpu.memref_slice %arg9[%add3A_22, %dma_wait3A] : memref<10240x128xf32, #tpu.memory_space<vmem_shared>> -> memref<64x128xf32, #tpu.memory_space<vmem_shared>>
        %dma_wait3A_27 = arith.constant 0 : i32
        %dma_wait3A_28 = tpu.memref_slice %arg9[%add3A_22, %dma_wait3A_27] : memref<10240x128xf32, #tpu.memory_space<vmem_shared>> -> memref<64x128xf32, #tpu.memory_space<vmem_shared>>
        tpu.wait_dma2 semaphore(%run_scoped3A : memref<!tpu.dma_semaphore, #tpu.memory_space<semaphore_mem>>) src(%arg8 : memref<64x128xf32, #tpu.memory_space<vmem>>) dst(%dma_wait3A_28 : memref<64x128xf32, #tpu.memory_space<vmem_shared>>)
        tpu.yield
      }) : () -> ()
    }
    %scan3A_4 = arith.constant 10 : i32
    %barrier3A = arith.constant 0 : index
    tpu.barrier barrier_id(%barrier3A)
    %scan3A_5 = arith.constant 0 : i32
    %scan3A_6 = arith.constant 80 : i32
    %scan3A_7 = arith.addi %scan3A_5, %scan3A_6 : i32
    %scan3A_8 = arith.constant 1 : i32
    scf.for %scan3A_16 = %scan3A_5 to %scan3A_7 step %scan3A_8  : i32 {
      %mul3A_17 = arith.constant 1 : i32
      %mul3A_18 = arith.muli %scan3A_16, %mul3A_17 : i32
      %add3A = arith.constant 0 : i32
      %add3A_19 = arith.addi %add3A, %mul3A_18 : i32
      %dma_start3A = arith.constant 0 : i32
      %dma_start3A_20 = tpu.memref_slice %arg6[%add3A_19, %dma_start3A] : memref<80x128xi32, #tpu.memory_space<vmem>> -> memref<1x128xi32, #tpu.memory_space<vmem>>
      %dma_start3A_21 = tpu.memref_squeeze %dma_start3A_20 : memref<1x128xi32, #tpu.memory_space<vmem>> -> memref<128xi32, #tpu.memory_space<vmem>>
      %dma_start3A_22 = arith.constant 0 : i32
      %dma_start3A_23 = arith.constant 0 : i32
      %dma_start3A_24 = tpu.memref_slice %arg9[%dma_start3A_22, %dma_start3A_23] : memref<10240x128xf32, #tpu.memory_space<vmem_shared>> -> memref<10240x128xf32, #tpu.memory_space<vmem_shared>>
      tpu.enqueue_indirect_dma source(%arg7 : memref<128x128xf32, #tpu.memory_space<vmem>>) target(%dma_start3A_24 : memref<10240x128xf32, #tpu.memory_space<vmem_shared>>) offsets(%dma_start3A_21 : memref<128xi32, #tpu.memory_space<vmem>>) semaphore(%arg10 : memref<!tpu.dma_semaphore, #tpu.memory_space<semaphore_mem>>) {add = true}
    }
    %scan3A_9 = arith.constant 80 : i32
    %scan3A_10 = arith.constant 0 : i32
    %scan3A_11 = arith.constant 80 : i32
    %scan3A_12 = arith.addi %scan3A_10, %scan3A_11 : i32
    %scan3A_13 = arith.constant 1 : i32
    scf.for %scan3A_16 = %scan3A_10 to %scan3A_12 step %scan3A_13  : i32 {
      %mul3A_17 = arith.constant 1 : i32
      %mul3A_18 = arith.muli %scan3A_16, %mul3A_17 : i32
      %add3A = arith.constant 0 : i32
      %add3A_19 = arith.addi %add3A, %mul3A_18 : i32
      %dma_wait3A = arith.constant 0 : i32
      %dma_wait3A_20 = tpu.memref_slice %arg6[%add3A_19, %dma_wait3A] : memref<80x128xi32, #tpu.memory_space<vmem>> -> memref<1x128xi32, #tpu.memory_space<vmem>>
      %dma_wait3A_21 = tpu.memref_squeeze %dma_wait3A_20 : memref<1x128xi32, #tpu.memory_space<vmem>> -> memref<128xi32, #tpu.memory_space<vmem>>
      %dma_wait3A_22 = arith.constant 0 : i32
      %dma_wait3A_23 = arith.constant 0 : i32
      %dma_wait3A_24 = tpu.memref_slice %arg9[%dma_wait3A_22, %dma_wait3A_23] : memref<10240x128xf32, #tpu.memory_space<vmem_shared>> -> memref<10240x128xf32, #tpu.memory_space<vmem_shared>>
      tpu.wait_indirect_dma semaphore(%arg10 : memref<!tpu.dma_semaphore, #tpu.memory_space<semaphore_mem>>) src(%arg7 : memref<128x128xf32, #tpu.memory_space<vmem>>) dst(%dma_wait3A_24 : memref<10240x128xf32, #tpu.memory_space<vmem_shared>>)
    }
    %scan3A_14 = arith.constant 80 : i32
    %barrier3A_15 = arith.constant 0 : index
    tpu.barrier barrier_id(%barrier3A_15)
    "tpu.region"() ({
      %run_scoped3A = tpu.sem_alloc : memref<!tpu.dma_semaphore, #tpu.memory_space<semaphore_mem>>
      %dma_start3A = arith.constant 0 : i32
      %dma_start3A_16 = arith.constant 0 : i32
      %dma_start3A_17 = tpu.memref_slice %arg5[%arg0, %dma_start3A, %dma_start3A_16] : memref<2x10240x128xf32, #tpu.memory_space<hbm>> -> memref<1x10240x128xf32, #tpu.memory_space<hbm>>
      %dma_start3A_18 = tpu.memref_squeeze %dma_start3A_17 : memref<1x10240x128xf32, #tpu.memory_space<hbm>> -> memref<10240x128xf32, #tpu.memory_space<hbm>>
      %dma_start3A_19 = arith.constant 0 : i32
      %dma_start3A_20 = tpu.memref_slice %dma_start3A_18[%mul3A_0, %dma_start3A_19] : memref<10240x128xf32, #tpu.memory_space<hbm>> -> memref<640x128xf32, #tpu.memory_space<hbm>>
      %dma_start3A_21 = arith.constant 0 : i32
      %dma_start3A_22 = tpu.memref_slice %arg9[%mul3A_0, %dma_start3A_21] : memref<10240x128xf32, #tpu.memory_space<vmem_shared>> -> memref<640x128xf32, #tpu.memory_space<vmem_shared>>
      tpu.enqueue_dma source(%dma_start3A_22 : memref<640x128xf32, #tpu.memory_space<vmem_shared>>) target(%dma_start3A_20 : memref<640x128xf32, #tpu.memory_space<hbm>>) target_semaphore(%run_scoped3A : memref<!tpu.dma_semaphore, #tpu.memory_space<semaphore_mem>>)
      %dma_wait3A = arith.constant 0 : i32
      %dma_wait3A_23 = arith.constant 0 : i32
      %dma_wait3A_24 = tpu.memref_slice %arg5[%arg0, %dma_wait3A, %dma_wait3A_23] : memref<2x10240x128xf32, #tpu.memory_space<hbm>> -> memref<1x10240x128xf32, #tpu.memory_space<hbm>>
      %dma_wait3A_25 = tpu.memref_squeeze %dma_wait3A_24 : memref<1x10240x128xf32, #tpu.memory_space<hbm>> -> memref<10240x128xf32, #tpu.memory_space<hbm>>
      %dma_wait3A_26 = arith.constant 0 : i32
      %dma_wait3A_27 = tpu.memref_slice %dma_wait3A_25[%mul3A_0, %dma_wait3A_26] : memref<10240x128xf32, #tpu.memory_space<hbm>> -> memref<640x128xf32, #tpu.memory_space<hbm>>
      %dma_wait3A_28 = arith.constant 0 : i32
      %dma_wait3A_29 = tpu.memref_slice %arg9[%mul3A_0, %dma_wait3A_28] : memref<10240x128xf32, #tpu.memory_space<vmem_shared>> -> memref<640x128xf32, #tpu.memory_space<vmem_shared>>
      tpu.wait_dma2 semaphore(%run_scoped3A : memref<!tpu.dma_semaphore, #tpu.memory_space<semaphore_mem>>) src(%dma_wait3A_29 : memref<640x128xf32, #tpu.memory_space<vmem_shared>>) dst(%dma_wait3A_27 : memref<640x128xf32, #tpu.memory_space<hbm>>)
      tpu.yield
    }) : () -> ()
    return
  }
}

#map = affine_map<(d0, d1) -> (0, 0)>
#map1 = affine_map<(d0, d1) -> (0, 0, 0, 0)>
#map2 = affine_map<(d0, d1) -> (0, 0, 0)>
module attributes {stable_mosaic.version = 14 : i64} {
  func.func @_sc_agg_body(%arg0: i32, %arg1: i32, %arg2: memref<10000x128xf32, #tpu.memory_space<hbm>>, %arg3: memref<2x16x80x128xi32, #tpu.memory_space<hbm>>, %arg4: memref<2x16x80x128xi32, #tpu.memory_space<hbm>>, %arg5: memref<64x128xf32, #tpu.memory_space<hbm>>, %arg6: memref<2x10240x128xf32, #tpu.memory_space<hbm>>, %arg7: memref<40x128xi32, #tpu.memory_space<vmem>>, %arg8: memref<40x128xi32, #tpu.memory_space<vmem>>, %arg9: memref<128x128xf32, #tpu.memory_space<vmem>>, %arg10: memref<128x128xf32, #tpu.memory_space<vmem>>, %arg11: memref<10240x128xf32, #tpu.memory_space<vmem_shared>>, %arg12: memref<!tpu.dma_semaphore, #tpu.memory_space<semaphore_mem>>, %arg13: memref<!tpu.dma_semaphore, #tpu.memory_space<semaphore_mem>>) attributes {dimension_semantics = [#tpu.dimension_semantics<core_parallel>, #tpu.dimension_semantics<subcore_parallel>], iteration_bounds = array<i64: 2, 16>, scalar_prefetch = 0 : i64, scratch_operands = 7 : i64, tpu.core_type = #tpu.core_type<sc_vector_subcore>, window_params = [{transform_indices = #map}, {transform_indices = #map1}, {transform_indices = #map1}, {transform_indices = #map}, {transform_indices = #map2}]} {
    %mul3A = arith.constant 640 : i32
    %mul3A_0 = arith.muli %arg1, %mul3A : i32
    "tpu.region"() ({
      %run_scoped3A = tpu.sem_alloc : memref<!tpu.dma_semaphore, #tpu.memory_space<semaphore_mem>>
      %dma_start3A = arith.constant 0 : i32
      %dma_start3A_11 = arith.constant 0 : i32
      %dma_start3A_12 = tpu.memref_slice %arg9[%dma_start3A, %dma_start3A_11] : memref<128x128xf32, #tpu.memory_space<vmem>> -> memref<64x128xf32, #tpu.memory_space<vmem>>
      %dma_start3A_13 = arith.constant 0 : i32
      %dma_start3A_14 = arith.constant 0 : i32
      %dma_start3A_15 = tpu.memref_slice %arg9[%dma_start3A_13, %dma_start3A_14] : memref<128x128xf32, #tpu.memory_space<vmem>> -> memref<64x128xf32, #tpu.memory_space<vmem>>
      tpu.enqueue_dma source(%arg5 : memref<64x128xf32, #tpu.memory_space<hbm>>) target(%dma_start3A_15 : memref<64x128xf32, #tpu.memory_space<vmem>>) target_semaphore(%run_scoped3A : memref<!tpu.dma_semaphore, #tpu.memory_space<semaphore_mem>>)
      %dma_wait3A = arith.constant 0 : i32
      %dma_wait3A_16 = arith.constant 0 : i32
      %dma_wait3A_17 = tpu.memref_slice %arg9[%dma_wait3A, %dma_wait3A_16] : memref<128x128xf32, #tpu.memory_space<vmem>> -> memref<64x128xf32, #tpu.memory_space<vmem>>
      %dma_wait3A_18 = arith.constant 0 : i32
      %dma_wait3A_19 = arith.constant 0 : i32
      %dma_wait3A_20 = tpu.memref_slice %arg9[%dma_wait3A_18, %dma_wait3A_19] : memref<128x128xf32, #tpu.memory_space<vmem>> -> memref<64x128xf32, #tpu.memory_space<vmem>>
      tpu.wait_dma2 semaphore(%run_scoped3A : memref<!tpu.dma_semaphore, #tpu.memory_space<semaphore_mem>>) src(%arg5 : memref<64x128xf32, #tpu.memory_space<hbm>>) dst(%dma_wait3A_20 : memref<64x128xf32, #tpu.memory_space<vmem>>)
      tpu.yield
    }) : () -> ()
    %scan3A = arith.constant 0 : i32
    %scan3A_1 = arith.constant 10 : i32
    %scan3A_2 = arith.addi %scan3A, %scan3A_1 : i32
    %scan3A_3 = arith.constant 1 : i32
    scf.for %scan3A_11 = %scan3A to %scan3A_2 step %scan3A_3  : i32 {
      %mul3A_12 = arith.constant 1 : i32
      %mul3A_13 = arith.muli %scan3A_11, %mul3A_12 : i32
      %add3A = arith.constant 0 : i32
      %add3A_14 = arith.addi %add3A, %mul3A_13 : i32
      %mul3A_15 = arith.constant 64 : i32
      %mul3A_16 = arith.muli %add3A_14, %mul3A_15 : i32
      %add3A_17 = arith.addi %mul3A_0, %mul3A_16 : i32
      "tpu.region"() ({
        %run_scoped3A = tpu.sem_alloc : memref<!tpu.dma_semaphore, #tpu.memory_space<semaphore_mem>>
        %dma_start3A = arith.constant 0 : i32
        %dma_start3A_18 = arith.constant 0 : i32
        %dma_start3A_19 = tpu.memref_slice %arg9[%dma_start3A, %dma_start3A_18] : memref<128x128xf32, #tpu.memory_space<vmem>> -> memref<64x128xf32, #tpu.memory_space<vmem>>
        %dma_start3A_20 = arith.constant 0 : i32
        %dma_start3A_21 = tpu.memref_slice %arg11[%add3A_17, %dma_start3A_20] : memref<10240x128xf32, #tpu.memory_space<vmem_shared>> -> memref<64x128xf32, #tpu.memory_space<vmem_shared>>
        %dma_start3A_22 = arith.constant 0 : i32
        %dma_start3A_23 = tpu.memref_slice %arg11[%add3A_17, %dma_start3A_22] : memref<10240x128xf32, #tpu.memory_space<vmem_shared>> -> memref<64x128xf32, #tpu.memory_space<vmem_shared>>
        %dma_start3A_24 = arith.constant 0 : i32
        %dma_start3A_25 = arith.constant 0 : i32
        %dma_start3A_26 = tpu.memref_slice %arg9[%dma_start3A_24, %dma_start3A_25] : memref<128x128xf32, #tpu.memory_space<vmem>> -> memref<64x128xf32, #tpu.memory_space<vmem>>
        tpu.enqueue_dma source(%dma_start3A_26 : memref<64x128xf32, #tpu.memory_space<vmem>>) target(%dma_start3A_23 : memref<64x128xf32, #tpu.memory_space<vmem_shared>>) target_semaphore(%run_scoped3A : memref<!tpu.dma_semaphore, #tpu.memory_space<semaphore_mem>>)
        %dma_wait3A = arith.constant 0 : i32
        %dma_wait3A_27 = arith.constant 0 : i32
        %dma_wait3A_28 = tpu.memref_slice %arg9[%dma_wait3A, %dma_wait3A_27] : memref<128x128xf32, #tpu.memory_space<vmem>> -> memref<64x128xf32, #tpu.memory_space<vmem>>
        %dma_wait3A_29 = arith.constant 0 : i32
        %dma_wait3A_30 = tpu.memref_slice %arg11[%add3A_17, %dma_wait3A_29] : memref<10240x128xf32, #tpu.memory_space<vmem_shared>> -> memref<64x128xf32, #tpu.memory_space<vmem_shared>>
        %dma_wait3A_31 = arith.constant 0 : i32
        %dma_wait3A_32 = tpu.memref_slice %arg11[%add3A_17, %dma_wait3A_31] : memref<10240x128xf32, #tpu.memory_space<vmem_shared>> -> memref<64x128xf32, #tpu.memory_space<vmem_shared>>
        %dma_wait3A_33 = arith.constant 0 : i32
        %dma_wait3A_34 = arith.constant 0 : i32
        %dma_wait3A_35 = tpu.memref_slice %arg9[%dma_wait3A_33, %dma_wait3A_34] : memref<128x128xf32, #tpu.memory_space<vmem>> -> memref<64x128xf32, #tpu.memory_space<vmem>>
        tpu.wait_dma2 semaphore(%run_scoped3A : memref<!tpu.dma_semaphore, #tpu.memory_space<semaphore_mem>>) src(%dma_wait3A_35 : memref<64x128xf32, #tpu.memory_space<vmem>>) dst(%dma_wait3A_32 : memref<64x128xf32, #tpu.memory_space<vmem_shared>>)
        tpu.yield
      }) : () -> ()
    }
    %scan3A_4 = arith.constant 10 : i32
    %barrier3A = arith.constant 0 : index
    tpu.barrier barrier_id(%barrier3A)
    %scan3A_5 = arith.constant 0 : i32
    %scan3A_6 = arith.constant 2 : i32
    %scan3A_7 = arith.addi %scan3A_5, %scan3A_6 : i32
    %scan3A_8 = arith.constant 1 : i32
    scf.for %scan3A_11 = %scan3A_5 to %scan3A_7 step %scan3A_8  : i32 {
      %mul3A_12 = arith.constant 1 : i32
      %mul3A_13 = arith.muli %scan3A_11, %mul3A_12 : i32
      %add3A = arith.constant 0 : i32
      %add3A_14 = arith.addi %add3A, %mul3A_13 : i32
      %mul3A_15 = arith.constant 40 : i32
      %mul3A_16 = arith.muli %add3A_14, %mul3A_15 : i32
      "tpu.region"() ({
        %run_scoped3A_51 = tpu.sem_alloc : memref<!tpu.dma_semaphore, #tpu.memory_space<semaphore_mem>>
        %dma_start3A_52 = arith.constant 0 : i32
        %dma_start3A_53 = arith.constant 0 : i32
        %dma_start3A_54 = arith.constant 0 : i32
        %dma_start3A_55 = tpu.memref_slice %arg3[%arg0, %dma_start3A_52, %dma_start3A_53, %dma_start3A_54] : memref<2x16x80x128xi32, #tpu.memory_space<hbm>> -> memref<1x16x80x128xi32, #tpu.memory_space<hbm>>
        %dma_start3A_56 = tpu.memref_squeeze %dma_start3A_55 : memref<1x16x80x128xi32, #tpu.memory_space<hbm>> -> memref<16x80x128xi32, #tpu.memory_space<hbm>>
        %dma_start3A_57 = arith.constant 0 : i32
        %dma_start3A_58 = arith.constant 0 : i32
        %dma_start3A_59 = tpu.memref_slice %dma_start3A_56[%arg1, %dma_start3A_57, %dma_start3A_58] : memref<16x80x128xi32, #tpu.memory_space<hbm>> -> memref<1x80x128xi32, #tpu.memory_space<hbm>>
        %dma_start3A_60 = tpu.memref_squeeze %dma_start3A_59 : memref<1x80x128xi32, #tpu.memory_space<hbm>> -> memref<80x128xi32, #tpu.memory_space<hbm>>
        %dma_start3A_61 = arith.constant 0 : i32
        %dma_start3A_62 = tpu.memref_slice %dma_start3A_60[%mul3A_16, %dma_start3A_61] : memref<80x128xi32, #tpu.memory_space<hbm>> -> memref<40x128xi32, #tpu.memory_space<hbm>>
        %dma_start3A_63 = arith.constant 0 : i32
        %dma_start3A_64 = arith.constant 0 : i32
        %dma_start3A_65 = arith.constant 0 : i32
        %dma_start3A_66 = tpu.memref_slice %arg3[%arg0, %dma_start3A_63, %dma_start3A_64, %dma_start3A_65] : memref<2x16x80x128xi32, #tpu.memory_space<hbm>> -> memref<1x16x80x128xi32, #tpu.memory_space<hbm>>
        %dma_start3A_67 = tpu.memref_squeeze %dma_start3A_66 : memref<1x16x80x128xi32, #tpu.memory_space<hbm>> -> memref<16x80x128xi32, #tpu.memory_space<hbm>>
        %dma_start3A_68 = arith.constant 0 : i32
        %dma_start3A_69 = arith.constant 0 : i32
        %dma_start3A_70 = tpu.memref_slice %dma_start3A_67[%arg1, %dma_start3A_68, %dma_start3A_69] : memref<16x80x128xi32, #tpu.memory_space<hbm>> -> memref<1x80x128xi32, #tpu.memory_space<hbm>>
        %dma_start3A_71 = tpu.memref_squeeze %dma_start3A_70 : memref<1x80x128xi32, #tpu.memory_space<hbm>> -> memref<80x128xi32, #tpu.memory_space<hbm>>
        %dma_start3A_72 = arith.constant 0 : i32
        %dma_start3A_73 = tpu.memref_slice %dma_start3A_71[%mul3A_16, %dma_start3A_72] : memref<80x128xi32, #tpu.memory_space<hbm>> -> memref<40x128xi32, #tpu.memory_space<hbm>>
        tpu.enqueue_dma source(%dma_start3A_73 : memref<40x128xi32, #tpu.memory_space<hbm>>) target(%arg7 : memref<40x128xi32, #tpu.memory_space<vmem>>) target_semaphore(%run_scoped3A_51 : memref<!tpu.dma_semaphore, #tpu.memory_space<semaphore_mem>>)
        %dma_wait3A_74 = arith.constant 0 : i32
        %dma_wait3A_75 = arith.constant 0 : i32
        %dma_wait3A_76 = arith.constant 0 : i32
        %dma_wait3A_77 = tpu.memref_slice %arg3[%arg0, %dma_wait3A_74, %dma_wait3A_75, %dma_wait3A_76] : memref<2x16x80x128xi32, #tpu.memory_space<hbm>> -> memref<1x16x80x128xi32, #tpu.memory_space<hbm>>
        %dma_wait3A_78 = tpu.memref_squeeze %dma_wait3A_77 : memref<1x16x80x128xi32, #tpu.memory_space<hbm>> -> memref<16x80x128xi32, #tpu.memory_space<hbm>>
        %dma_wait3A_79 = arith.constant 0 : i32
        %dma_wait3A_80 = arith.constant 0 : i32
        %dma_wait3A_81 = tpu.memref_slice %dma_wait3A_78[%arg1, %dma_wait3A_79, %dma_wait3A_80] : memref<16x80x128xi32, #tpu.memory_space<hbm>> -> memref<1x80x128xi32, #tpu.memory_space<hbm>>
        %dma_wait3A_82 = tpu.memref_squeeze %dma_wait3A_81 : memref<1x80x128xi32, #tpu.memory_space<hbm>> -> memref<80x128xi32, #tpu.memory_space<hbm>>
        %dma_wait3A_83 = arith.constant 0 : i32
        %dma_wait3A_84 = tpu.memref_slice %dma_wait3A_82[%mul3A_16, %dma_wait3A_83] : memref<80x128xi32, #tpu.memory_space<hbm>> -> memref<40x128xi32, #tpu.memory_space<hbm>>
        %dma_wait3A_85 = arith.constant 0 : i32
        %dma_wait3A_86 = arith.constant 0 : i32
        %dma_wait3A_87 = arith.constant 0 : i32
        %dma_wait3A_88 = tpu.memref_slice %arg3[%arg0, %dma_wait3A_85, %dma_wait3A_86, %dma_wait3A_87] : memref<2x16x80x128xi32, #tpu.memory_space<hbm>> -> memref<1x16x80x128xi32, #tpu.memory_space<hbm>>
        %dma_wait3A_89 = tpu.memref_squeeze %dma_wait3A_88 : memref<1x16x80x128xi32, #tpu.memory_space<hbm>> -> memref<16x80x128xi32, #tpu.memory_space<hbm>>
        %dma_wait3A_90 = arith.constant 0 : i32
        %dma_wait3A_91 = arith.constant 0 : i32
        %dma_wait3A_92 = tpu.memref_slice %dma_wait3A_89[%arg1, %dma_wait3A_90, %dma_wait3A_91] : memref<16x80x128xi32, #tpu.memory_space<hbm>> -> memref<1x80x128xi32, #tpu.memory_space<hbm>>
        %dma_wait3A_93 = tpu.memref_squeeze %dma_wait3A_92 : memref<1x80x128xi32, #tpu.memory_space<hbm>> -> memref<80x128xi32, #tpu.memory_space<hbm>>
        %dma_wait3A_94 = arith.constant 0 : i32
        %dma_wait3A_95 = tpu.memref_slice %dma_wait3A_93[%mul3A_16, %dma_wait3A_94] : memref<80x128xi32, #tpu.memory_space<hbm>> -> memref<40x128xi32, #tpu.memory_space<hbm>>
        tpu.wait_dma2 semaphore(%run_scoped3A_51 : memref<!tpu.dma_semaphore, #tpu.memory_space<semaphore_mem>>) src(%dma_wait3A_95 : memref<40x128xi32, #tpu.memory_space<hbm>>) dst(%arg7 : memref<40x128xi32, #tpu.memory_space<vmem>>)
        tpu.yield
      }) : () -> ()
      %mul3A_17 = arith.constant 40 : i32
      %mul3A_18 = arith.muli %add3A_14, %mul3A_17 : i32
      "tpu.region"() ({
        %run_scoped3A_51 = tpu.sem_alloc : memref<!tpu.dma_semaphore, #tpu.memory_space<semaphore_mem>>
        %dma_start3A_52 = arith.constant 0 : i32
        %dma_start3A_53 = arith.constant 0 : i32
        %dma_start3A_54 = arith.constant 0 : i32
        %dma_start3A_55 = tpu.memref_slice %arg4[%arg0, %dma_start3A_52, %dma_start3A_53, %dma_start3A_54] : memref<2x16x80x128xi32, #tpu.memory_space<hbm>> -> memref<1x16x80x128xi32, #tpu.memory_space<hbm>>
        %dma_start3A_56 = tpu.memref_squeeze %dma_start3A_55 : memref<1x16x80x128xi32, #tpu.memory_space<hbm>> -> memref<16x80x128xi32, #tpu.memory_space<hbm>>
        %dma_start3A_57 = arith.constant 0 : i32
        %dma_start3A_58 = arith.constant 0 : i32
        %dma_start3A_59 = tpu.memref_slice %dma_start3A_56[%arg1, %dma_start3A_57, %dma_start3A_58] : memref<16x80x128xi32, #tpu.memory_space<hbm>> -> memref<1x80x128xi32, #tpu.memory_space<hbm>>
        %dma_start3A_60 = tpu.memref_squeeze %dma_start3A_59 : memref<1x80x128xi32, #tpu.memory_space<hbm>> -> memref<80x128xi32, #tpu.memory_space<hbm>>
        %dma_start3A_61 = arith.constant 0 : i32
        %dma_start3A_62 = tpu.memref_slice %dma_start3A_60[%mul3A_18, %dma_start3A_61] : memref<80x128xi32, #tpu.memory_space<hbm>> -> memref<40x128xi32, #tpu.memory_space<hbm>>
        %dma_start3A_63 = arith.constant 0 : i32
        %dma_start3A_64 = arith.constant 0 : i32
        %dma_start3A_65 = arith.constant 0 : i32
        %dma_start3A_66 = tpu.memref_slice %arg4[%arg0, %dma_start3A_63, %dma_start3A_64, %dma_start3A_65] : memref<2x16x80x128xi32, #tpu.memory_space<hbm>> -> memref<1x16x80x128xi32, #tpu.memory_space<hbm>>
        %dma_start3A_67 = tpu.memref_squeeze %dma_start3A_66 : memref<1x16x80x128xi32, #tpu.memory_space<hbm>> -> memref<16x80x128xi32, #tpu.memory_space<hbm>>
        %dma_start3A_68 = arith.constant 0 : i32
        %dma_start3A_69 = arith.constant 0 : i32
        %dma_start3A_70 = tpu.memref_slice %dma_start3A_67[%arg1, %dma_start3A_68, %dma_start3A_69] : memref<16x80x128xi32, #tpu.memory_space<hbm>> -> memref<1x80x128xi32, #tpu.memory_space<hbm>>
        %dma_start3A_71 = tpu.memref_squeeze %dma_start3A_70 : memref<1x80x128xi32, #tpu.memory_space<hbm>> -> memref<80x128xi32, #tpu.memory_space<hbm>>
        %dma_start3A_72 = arith.constant 0 : i32
        %dma_start3A_73 = tpu.memref_slice %dma_start3A_71[%mul3A_18, %dma_start3A_72] : memref<80x128xi32, #tpu.memory_space<hbm>> -> memref<40x128xi32, #tpu.memory_space<hbm>>
        tpu.enqueue_dma source(%dma_start3A_73 : memref<40x128xi32, #tpu.memory_space<hbm>>) target(%arg8 : memref<40x128xi32, #tpu.memory_space<vmem>>) target_semaphore(%run_scoped3A_51 : memref<!tpu.dma_semaphore, #tpu.memory_space<semaphore_mem>>)
        %dma_wait3A_74 = arith.constant 0 : i32
        %dma_wait3A_75 = arith.constant 0 : i32
        %dma_wait3A_76 = arith.constant 0 : i32
        %dma_wait3A_77 = tpu.memref_slice %arg4[%arg0, %dma_wait3A_74, %dma_wait3A_75, %dma_wait3A_76] : memref<2x16x80x128xi32, #tpu.memory_space<hbm>> -> memref<1x16x80x128xi32, #tpu.memory_space<hbm>>
        %dma_wait3A_78 = tpu.memref_squeeze %dma_wait3A_77 : memref<1x16x80x128xi32, #tpu.memory_space<hbm>> -> memref<16x80x128xi32, #tpu.memory_space<hbm>>
        %dma_wait3A_79 = arith.constant 0 : i32
        %dma_wait3A_80 = arith.constant 0 : i32
        %dma_wait3A_81 = tpu.memref_slice %dma_wait3A_78[%arg1, %dma_wait3A_79, %dma_wait3A_80] : memref<16x80x128xi32, #tpu.memory_space<hbm>> -> memref<1x80x128xi32, #tpu.memory_space<hbm>>
        %dma_wait3A_82 = tpu.memref_squeeze %dma_wait3A_81 : memref<1x80x128xi32, #tpu.memory_space<hbm>> -> memref<80x128xi32, #tpu.memory_space<hbm>>
        %dma_wait3A_83 = arith.constant 0 : i32
        %dma_wait3A_84 = tpu.memref_slice %dma_wait3A_82[%mul3A_18, %dma_wait3A_83] : memref<80x128xi32, #tpu.memory_space<hbm>> -> memref<40x128xi32, #tpu.memory_space<hbm>>
        %dma_wait3A_85 = arith.constant 0 : i32
        %dma_wait3A_86 = arith.constant 0 : i32
        %dma_wait3A_87 = arith.constant 0 : i32
        %dma_wait3A_88 = tpu.memref_slice %arg4[%arg0, %dma_wait3A_85, %dma_wait3A_86, %dma_wait3A_87] : memref<2x16x80x128xi32, #tpu.memory_space<hbm>> -> memref<1x16x80x128xi32, #tpu.memory_space<hbm>>
        %dma_wait3A_89 = tpu.memref_squeeze %dma_wait3A_88 : memref<1x16x80x128xi32, #tpu.memory_space<hbm>> -> memref<16x80x128xi32, #tpu.memory_space<hbm>>
        %dma_wait3A_90 = arith.constant 0 : i32
        %dma_wait3A_91 = arith.constant 0 : i32
        %dma_wait3A_92 = tpu.memref_slice %dma_wait3A_89[%arg1, %dma_wait3A_90, %dma_wait3A_91] : memref<16x80x128xi32, #tpu.memory_space<hbm>> -> memref<1x80x128xi32, #tpu.memory_space<hbm>>
        %dma_wait3A_93 = tpu.memref_squeeze %dma_wait3A_92 : memref<1x80x128xi32, #tpu.memory_space<hbm>> -> memref<80x128xi32, #tpu.memory_space<hbm>>
        %dma_wait3A_94 = arith.constant 0 : i32
        %dma_wait3A_95 = tpu.memref_slice %dma_wait3A_93[%mul3A_18, %dma_wait3A_94] : memref<80x128xi32, #tpu.memory_space<hbm>> -> memref<40x128xi32, #tpu.memory_space<hbm>>
        tpu.wait_dma2 semaphore(%run_scoped3A_51 : memref<!tpu.dma_semaphore, #tpu.memory_space<semaphore_mem>>) src(%dma_wait3A_95 : memref<40x128xi32, #tpu.memory_space<hbm>>) dst(%arg8 : memref<40x128xi32, #tpu.memory_space<vmem>>)
        tpu.yield
      }) : () -> ()
      %dma_start3A = arith.constant 0 : i32
      %dma_start3A_19 = arith.constant 0 : i32
      %dma_start3A_20 = tpu.memref_slice %arg7[%dma_start3A, %dma_start3A_19] : memref<40x128xi32, #tpu.memory_space<vmem>> -> memref<1x128xi32, #tpu.memory_space<vmem>>
      %dma_start3A_21 = tpu.memref_squeeze %dma_start3A_20 : memref<1x128xi32, #tpu.memory_space<vmem>> -> memref<128xi32, #tpu.memory_space<vmem>>
      %dma_start3A_22 = arith.constant 0 : i32
      %dma_start3A_23 = arith.constant 0 : i32
      %dma_start3A_24 = tpu.memref_slice %arg2[%dma_start3A_22, %dma_start3A_23] : memref<10000x128xf32, #tpu.memory_space<hbm>> -> memref<10000x128xf32, #tpu.memory_space<hbm>>
      tpu.enqueue_indirect_dma source(%dma_start3A_24 : memref<10000x128xf32, #tpu.memory_space<hbm>>) target(%arg9 : memref<128x128xf32, #tpu.memory_space<vmem>>) offsets(%dma_start3A_21 : memref<128xi32, #tpu.memory_space<vmem>>) semaphore(%arg12 : memref<!tpu.dma_semaphore, #tpu.memory_space<semaphore_mem>>)
      %dma_start3A_25 = arith.constant 1 : i32
      %dma_start3A_26 = arith.constant 0 : i32
      %dma_start3A_27 = tpu.memref_slice %arg7[%dma_start3A_25, %dma_start3A_26] : memref<40x128xi32, #tpu.memory_space<vmem>> -> memref<1x128xi32, #tpu.memory_space<vmem>>
      %dma_start3A_28 = tpu.memref_squeeze %dma_start3A_27 : memref<1x128xi32, #tpu.memory_space<vmem>> -> memref<128xi32, #tpu.memory_space<vmem>>
      %dma_start3A_29 = arith.constant 0 : i32
      %dma_start3A_30 = arith.constant 0 : i32
      %dma_start3A_31 = tpu.memref_slice %arg2[%dma_start3A_29, %dma_start3A_30] : memref<10000x128xf32, #tpu.memory_space<hbm>> -> memref<10000x128xf32, #tpu.memory_space<hbm>>
      tpu.enqueue_indirect_dma source(%dma_start3A_31 : memref<10000x128xf32, #tpu.memory_space<hbm>>) target(%arg10 : memref<128x128xf32, #tpu.memory_space<vmem>>) offsets(%dma_start3A_28 : memref<128xi32, #tpu.memory_space<vmem>>) semaphore(%arg13 : memref<!tpu.dma_semaphore, #tpu.memory_space<semaphore_mem>>)
      %scan3A_32 = arith.constant 0 : i32
      %scan3A_33 = arith.constant 19 : i32
      %scan3A_34 = arith.addi %scan3A_32, %scan3A_33 : i32
      %scan3A_35 = arith.constant 1 : i32
      scf.for %scan3A_51 = %scan3A_32 to %scan3A_34 step %scan3A_35  : i32 {
        %mul3A_52 = arith.constant 2 : i32
        %mul3A_53 = arith.muli %scan3A_51, %mul3A_52 : i32
        %add3A_54 = arith.constant 0 : i32
        %add3A_55 = arith.addi %add3A_54, %mul3A_53 : i32
        %add3A_56 = arith.constant 0 : i32
        %add3A_57 = arith.addi %add3A_55, %add3A_56 : i32
        %dma_wait3A_58 = arith.constant 0 : i32
        %dma_wait3A_59 = tpu.memref_slice %arg7[%add3A_57, %dma_wait3A_58] : memref<40x128xi32, #tpu.memory_space<vmem>> -> memref<1x128xi32, #tpu.memory_space<vmem>>
        %dma_wait3A_60 = tpu.memref_squeeze %dma_wait3A_59 : memref<1x128xi32, #tpu.memory_space<vmem>> -> memref<128xi32, #tpu.memory_space<vmem>>
        %dma_wait3A_61 = arith.constant 0 : i32
        %dma_wait3A_62 = arith.constant 0 : i32
        %dma_wait3A_63 = tpu.memref_slice %arg2[%dma_wait3A_61, %dma_wait3A_62] : memref<10000x128xf32, #tpu.memory_space<hbm>> -> memref<10000x128xf32, #tpu.memory_space<hbm>>
        tpu.wait_indirect_dma semaphore(%arg12 : memref<!tpu.dma_semaphore, #tpu.memory_space<semaphore_mem>>) src(%dma_wait3A_63 : memref<10000x128xf32, #tpu.memory_space<hbm>>) dst(%arg9 : memref<128x128xf32, #tpu.memory_space<vmem>>)
        %add3A_64 = arith.constant 0 : i32
        %add3A_65 = arith.addi %add3A_55, %add3A_64 : i32
        "tpu.region"() ({
          %run_scoped3A_96 = tpu.sem_alloc : memref<!tpu.dma_semaphore, #tpu.memory_space<semaphore_mem>>
          %dma_start3A_97 = arith.constant 0 : i32
          %dma_start3A_98 = tpu.memref_slice %arg8[%add3A_65, %dma_start3A_97] : memref<40x128xi32, #tpu.memory_space<vmem>> -> memref<1x128xi32, #tpu.memory_space<vmem>>
          %dma_start3A_99 = tpu.memref_squeeze %dma_start3A_98 : memref<1x128xi32, #tpu.memory_space<vmem>> -> memref<128xi32, #tpu.memory_space<vmem>>
          %dma_start3A_100 = arith.constant 0 : i32
          %dma_start3A_101 = arith.constant 0 : i32
          %dma_start3A_102 = tpu.memref_slice %arg11[%dma_start3A_100, %dma_start3A_101] : memref<10240x128xf32, #tpu.memory_space<vmem_shared>> -> memref<10240x128xf32, #tpu.memory_space<vmem_shared>>
          tpu.enqueue_indirect_dma source(%arg9 : memref<128x128xf32, #tpu.memory_space<vmem>>) target(%dma_start3A_102 : memref<10240x128xf32, #tpu.memory_space<vmem_shared>>) offsets(%dma_start3A_99 : memref<128xi32, #tpu.memory_space<vmem>>) semaphore(%run_scoped3A_96 : memref<!tpu.dma_semaphore, #tpu.memory_space<semaphore_mem>>) {add = true}
          %dma_wait3A_103 = arith.constant 0 : i32
          %dma_wait3A_104 = tpu.memref_slice %arg8[%add3A_65, %dma_wait3A_103] : memref<40x128xi32, #tpu.memory_space<vmem>> -> memref<1x128xi32, #tpu.memory_space<vmem>>
          %dma_wait3A_105 = tpu.memref_squeeze %dma_wait3A_104 : memref<1x128xi32, #tpu.memory_space<vmem>> -> memref<128xi32, #tpu.memory_space<vmem>>
          %dma_wait3A_106 = arith.constant 0 : i32
          %dma_wait3A_107 = arith.constant 0 : i32
          %dma_wait3A_108 = tpu.memref_slice %arg11[%dma_wait3A_106, %dma_wait3A_107] : memref<10240x128xf32, #tpu.memory_space<vmem_shared>> -> memref<10240x128xf32, #tpu.memory_space<vmem_shared>>
          tpu.wait_indirect_dma semaphore(%run_scoped3A_96 : memref<!tpu.dma_semaphore, #tpu.memory_space<semaphore_mem>>) src(%arg9 : memref<128x128xf32, #tpu.memory_space<vmem>>) dst(%dma_wait3A_108 : memref<10240x128xf32, #tpu.memory_space<vmem_shared>>)
          tpu.yield
        }) : () -> ()
        %add3A_66 = arith.constant 0 : i32
        %add3A_67 = arith.addi %add3A_55, %add3A_66 : i32
        %add3A_68 = arith.constant 2 : i32
        %add3A_69 = arith.addi %add3A_67, %add3A_68 : i32
        %dma_start3A_70 = arith.constant 0 : i32
        %dma_start3A_71 = tpu.memref_slice %arg7[%add3A_69, %dma_start3A_70] : memref<40x128xi32, #tpu.memory_space<vmem>> -> memref<1x128xi32, #tpu.memory_space<vmem>>
        %dma_start3A_72 = tpu.memref_squeeze %dma_start3A_71 : memref<1x128xi32, #tpu.memory_space<vmem>> -> memref<128xi32, #tpu.memory_space<vmem>>
        %dma_start3A_73 = arith.constant 0 : i32
        %dma_start3A_74 = arith.constant 0 : i32
        %dma_start3A_75 = tpu.memref_slice %arg2[%dma_start3A_73, %dma_start3A_74] : memref<10000x128xf32, #tpu.memory_space<hbm>> -> memref<10000x128xf32, #tpu.memory_space<hbm>>
        tpu.enqueue_indirect_dma source(%dma_start3A_75 : memref<10000x128xf32, #tpu.memory_space<hbm>>) target(%arg9 : memref<128x128xf32, #tpu.memory_space<vmem>>) offsets(%dma_start3A_72 : memref<128xi32, #tpu.memory_space<vmem>>) semaphore(%arg12 : memref<!tpu.dma_semaphore, #tpu.memory_space<semaphore_mem>>)
        %add3A_76 = arith.constant 1 : i32
        %add3A_77 = arith.addi %add3A_55, %add3A_76 : i32
        %dma_wait3A_78 = arith.constant 0 : i32
        %dma_wait3A_79 = tpu.memref_slice %arg7[%add3A_77, %dma_wait3A_78] : memref<40x128xi32, #tpu.memory_space<vmem>> -> memref<1x128xi32, #tpu.memory_space<vmem>>
        %dma_wait3A_80 = tpu.memref_squeeze %dma_wait3A_79 : memref<1x128xi32, #tpu.memory_space<vmem>> -> memref<128xi32, #tpu.memory_space<vmem>>
        %dma_wait3A_81 = arith.constant 0 : i32
        %dma_wait3A_82 = arith.constant 0 : i32
        %dma_wait3A_83 = tpu.memref_slice %arg2[%dma_wait3A_81, %dma_wait3A_82] : memref<10000x128xf32, #tpu.memory_space<hbm>> -> memref<10000x128xf32, #tpu.memory_space<hbm>>
        tpu.wait_indirect_dma semaphore(%arg13 : memref<!tpu.dma_semaphore, #tpu.memory_space<semaphore_mem>>) src(%dma_wait3A_83 : memref<10000x128xf32, #tpu.memory_space<hbm>>) dst(%arg10 : memref<128x128xf32, #tpu.memory_space<vmem>>)
        %add3A_84 = arith.constant 1 : i32
        %add3A_85 = arith.addi %add3A_55, %add3A_84 : i32
        "tpu.region"() ({
          %run_scoped3A_96 = tpu.sem_alloc : memref<!tpu.dma_semaphore, #tpu.memory_space<semaphore_mem>>
          %dma_start3A_97 = arith.constant 0 : i32
          %dma_start3A_98 = tpu.memref_slice %arg8[%add3A_85, %dma_start3A_97] : memref<40x128xi32, #tpu.memory_space<vmem>> -> memref<1x128xi32, #tpu.memory_space<vmem>>
          %dma_start3A_99 = tpu.memref_squeeze %dma_start3A_98 : memref<1x128xi32, #tpu.memory_space<vmem>> -> memref<128xi32, #tpu.memory_space<vmem>>
          %dma_start3A_100 = arith.constant 0 : i32
          %dma_start3A_101 = arith.constant 0 : i32
          %dma_start3A_102 = tpu.memref_slice %arg11[%dma_start3A_100, %dma_start3A_101] : memref<10240x128xf32, #tpu.memory_space<vmem_shared>> -> memref<10240x128xf32, #tpu.memory_space<vmem_shared>>
          tpu.enqueue_indirect_dma source(%arg10 : memref<128x128xf32, #tpu.memory_space<vmem>>) target(%dma_start3A_102 : memref<10240x128xf32, #tpu.memory_space<vmem_shared>>) offsets(%dma_start3A_99 : memref<128xi32, #tpu.memory_space<vmem>>) semaphore(%run_scoped3A_96 : memref<!tpu.dma_semaphore, #tpu.memory_space<semaphore_mem>>) {add = true}
          %dma_wait3A_103 = arith.constant 0 : i32
          %dma_wait3A_104 = tpu.memref_slice %arg8[%add3A_85, %dma_wait3A_103] : memref<40x128xi32, #tpu.memory_space<vmem>> -> memref<1x128xi32, #tpu.memory_space<vmem>>
          %dma_wait3A_105 = tpu.memref_squeeze %dma_wait3A_104 : memref<1x128xi32, #tpu.memory_space<vmem>> -> memref<128xi32, #tpu.memory_space<vmem>>
          %dma_wait3A_106 = arith.constant 0 : i32
          %dma_wait3A_107 = arith.constant 0 : i32
          %dma_wait3A_108 = tpu.memref_slice %arg11[%dma_wait3A_106, %dma_wait3A_107] : memref<10240x128xf32, #tpu.memory_space<vmem_shared>> -> memref<10240x128xf32, #tpu.memory_space<vmem_shared>>
          tpu.wait_indirect_dma semaphore(%run_scoped3A_96 : memref<!tpu.dma_semaphore, #tpu.memory_space<semaphore_mem>>) src(%arg10 : memref<128x128xf32, #tpu.memory_space<vmem>>) dst(%dma_wait3A_108 : memref<10240x128xf32, #tpu.memory_space<vmem_shared>>)
          tpu.yield
        }) : () -> ()
        %add3A_86 = arith.constant 1 : i32
        %add3A_87 = arith.addi %add3A_55, %add3A_86 : i32
        %add3A_88 = arith.constant 2 : i32
        %add3A_89 = arith.addi %add3A_87, %add3A_88 : i32
        %dma_start3A_90 = arith.constant 0 : i32
        %dma_start3A_91 = tpu.memref_slice %arg7[%add3A_89, %dma_start3A_90] : memref<40x128xi32, #tpu.memory_space<vmem>> -> memref<1x128xi32, #tpu.memory_space<vmem>>
        %dma_start3A_92 = tpu.memref_squeeze %dma_start3A_91 : memref<1x128xi32, #tpu.memory_space<vmem>> -> memref<128xi32, #tpu.memory_space<vmem>>
        %dma_start3A_93 = arith.constant 0 : i32
        %dma_start3A_94 = arith.constant 0 : i32
        %dma_start3A_95 = tpu.memref_slice %arg2[%dma_start3A_93, %dma_start3A_94] : memref<10000x128xf32, #tpu.memory_space<hbm>> -> memref<10000x128xf32, #tpu.memory_space<hbm>>
        tpu.enqueue_indirect_dma source(%dma_start3A_95 : memref<10000x128xf32, #tpu.memory_space<hbm>>) target(%arg10 : memref<128x128xf32, #tpu.memory_space<vmem>>) offsets(%dma_start3A_92 : memref<128xi32, #tpu.memory_space<vmem>>) semaphore(%arg13 : memref<!tpu.dma_semaphore, #tpu.memory_space<semaphore_mem>>)
      }
      %scan3A_36 = arith.constant 19 : i32
      %dma_wait3A = arith.constant 38 : i32
      %dma_wait3A_37 = arith.constant 0 : i32
      %dma_wait3A_38 = tpu.memref_slice %arg7[%dma_wait3A, %dma_wait3A_37] : memref<40x128xi32, #tpu.memory_space<vmem>> -> memref<1x128xi32, #tpu.memory_space<vmem>>
      %dma_wait3A_39 = tpu.memref_squeeze %dma_wait3A_38 : memref<1x128xi32, #tpu.memory_space<vmem>> -> memref<128xi32, #tpu.memory_space<vmem>>
      %dma_wait3A_40 = arith.constant 0 : i32
      %dma_wait3A_41 = arith.constant 0 : i32
      %dma_wait3A_42 = tpu.memref_slice %arg2[%dma_wait3A_40, %dma_wait3A_41] : memref<10000x128xf32, #tpu.memory_space<hbm>> -> memref<10000x128xf32, #tpu.memory_space<hbm>>
      tpu.wait_indirect_dma semaphore(%arg12 : memref<!tpu.dma_semaphore, #tpu.memory_space<semaphore_mem>>) src(%dma_wait3A_42 : memref<10000x128xf32, #tpu.memory_space<hbm>>) dst(%arg9 : memref<128x128xf32, #tpu.memory_space<vmem>>)
      %run_scoped3A = arith.constant 38 : i32
      "tpu.region"() ({
        %run_scoped3A_51 = tpu.sem_alloc : memref<!tpu.dma_semaphore, #tpu.memory_space<semaphore_mem>>
        %dma_start3A_52 = arith.constant 0 : i32
        %dma_start3A_53 = tpu.memref_slice %arg8[%run_scoped3A, %dma_start3A_52] : memref<40x128xi32, #tpu.memory_space<vmem>> -> memref<1x128xi32, #tpu.memory_space<vmem>>
        %dma_start3A_54 = tpu.memref_squeeze %dma_start3A_53 : memref<1x128xi32, #tpu.memory_space<vmem>> -> memref<128xi32, #tpu.memory_space<vmem>>
        %dma_start3A_55 = arith.constant 0 : i32
        %dma_start3A_56 = arith.constant 0 : i32
        %dma_start3A_57 = tpu.memref_slice %arg11[%dma_start3A_55, %dma_start3A_56] : memref<10240x128xf32, #tpu.memory_space<vmem_shared>> -> memref<10240x128xf32, #tpu.memory_space<vmem_shared>>
        tpu.enqueue_indirect_dma source(%arg9 : memref<128x128xf32, #tpu.memory_space<vmem>>) target(%dma_start3A_57 : memref<10240x128xf32, #tpu.memory_space<vmem_shared>>) offsets(%dma_start3A_54 : memref<128xi32, #tpu.memory_space<vmem>>) semaphore(%run_scoped3A_51 : memref<!tpu.dma_semaphore, #tpu.memory_space<semaphore_mem>>) {add = true}
        %dma_wait3A_58 = arith.constant 0 : i32
        %dma_wait3A_59 = tpu.memref_slice %arg8[%run_scoped3A, %dma_wait3A_58] : memref<40x128xi32, #tpu.memory_space<vmem>> -> memref<1x128xi32, #tpu.memory_space<vmem>>
        %dma_wait3A_60 = tpu.memref_squeeze %dma_wait3A_59 : memref<1x128xi32, #tpu.memory_space<vmem>> -> memref<128xi32, #tpu.memory_space<vmem>>
        %dma_wait3A_61 = arith.constant 0 : i32
        %dma_wait3A_62 = arith.constant 0 : i32
        %dma_wait3A_63 = tpu.memref_slice %arg11[%dma_wait3A_61, %dma_wait3A_62] : memref<10240x128xf32, #tpu.memory_space<vmem_shared>> -> memref<10240x128xf32, #tpu.memory_space<vmem_shared>>
        tpu.wait_indirect_dma semaphore(%run_scoped3A_51 : memref<!tpu.dma_semaphore, #tpu.memory_space<semaphore_mem>>) src(%arg9 : memref<128x128xf32, #tpu.memory_space<vmem>>) dst(%dma_wait3A_63 : memref<10240x128xf32, #tpu.memory_space<vmem_shared>>)
        tpu.yield
      }) : () -> ()
      %dma_wait3A_43 = arith.constant 39 : i32
      %dma_wait3A_44 = arith.constant 0 : i32
      %dma_wait3A_45 = tpu.memref_slice %arg7[%dma_wait3A_43, %dma_wait3A_44] : memref<40x128xi32, #tpu.memory_space<vmem>> -> memref<1x128xi32, #tpu.memory_space<vmem>>
      %dma_wait3A_46 = tpu.memref_squeeze %dma_wait3A_45 : memref<1x128xi32, #tpu.memory_space<vmem>> -> memref<128xi32, #tpu.memory_space<vmem>>
      %dma_wait3A_47 = arith.constant 0 : i32
      %dma_wait3A_48 = arith.constant 0 : i32
      %dma_wait3A_49 = tpu.memref_slice %arg2[%dma_wait3A_47, %dma_wait3A_48] : memref<10000x128xf32, #tpu.memory_space<hbm>> -> memref<10000x128xf32, #tpu.memory_space<hbm>>
      tpu.wait_indirect_dma semaphore(%arg13 : memref<!tpu.dma_semaphore, #tpu.memory_space<semaphore_mem>>) src(%dma_wait3A_49 : memref<10000x128xf32, #tpu.memory_space<hbm>>) dst(%arg10 : memref<128x128xf32, #tpu.memory_space<vmem>>)
      %run_scoped3A_50 = arith.constant 39 : i32
      "tpu.region"() ({
        %run_scoped3A_51 = tpu.sem_alloc : memref<!tpu.dma_semaphore, #tpu.memory_space<semaphore_mem>>
        %dma_start3A_52 = arith.constant 0 : i32
        %dma_start3A_53 = tpu.memref_slice %arg8[%run_scoped3A_50, %dma_start3A_52] : memref<40x128xi32, #tpu.memory_space<vmem>> -> memref<1x128xi32, #tpu.memory_space<vmem>>
        %dma_start3A_54 = tpu.memref_squeeze %dma_start3A_53 : memref<1x128xi32, #tpu.memory_space<vmem>> -> memref<128xi32, #tpu.memory_space<vmem>>
        %dma_start3A_55 = arith.constant 0 : i32
        %dma_start3A_56 = arith.constant 0 : i32
        %dma_start3A_57 = tpu.memref_slice %arg11[%dma_start3A_55, %dma_start3A_56] : memref<10240x128xf32, #tpu.memory_space<vmem_shared>> -> memref<10240x128xf32, #tpu.memory_space<vmem_shared>>
        tpu.enqueue_indirect_dma source(%arg10 : memref<128x128xf32, #tpu.memory_space<vmem>>) target(%dma_start3A_57 : memref<10240x128xf32, #tpu.memory_space<vmem_shared>>) offsets(%dma_start3A_54 : memref<128xi32, #tpu.memory_space<vmem>>) semaphore(%run_scoped3A_51 : memref<!tpu.dma_semaphore, #tpu.memory_space<semaphore_mem>>) {add = true}
        %dma_wait3A_58 = arith.constant 0 : i32
        %dma_wait3A_59 = tpu.memref_slice %arg8[%run_scoped3A_50, %dma_wait3A_58] : memref<40x128xi32, #tpu.memory_space<vmem>> -> memref<1x128xi32, #tpu.memory_space<vmem>>
        %dma_wait3A_60 = tpu.memref_squeeze %dma_wait3A_59 : memref<1x128xi32, #tpu.memory_space<vmem>> -> memref<128xi32, #tpu.memory_space<vmem>>
        %dma_wait3A_61 = arith.constant 0 : i32
        %dma_wait3A_62 = arith.constant 0 : i32
        %dma_wait3A_63 = tpu.memref_slice %arg11[%dma_wait3A_61, %dma_wait3A_62] : memref<10240x128xf32, #tpu.memory_space<vmem_shared>> -> memref<10240x128xf32, #tpu.memory_space<vmem_shared>>
        tpu.wait_indirect_dma semaphore(%run_scoped3A_51 : memref<!tpu.dma_semaphore, #tpu.memory_space<semaphore_mem>>) src(%arg10 : memref<128x128xf32, #tpu.memory_space<vmem>>) dst(%dma_wait3A_63 : memref<10240x128xf32, #tpu.memory_space<vmem_shared>>)
        tpu.yield
      }) : () -> ()
    }
    %scan3A_9 = arith.constant 2 : i32
    %barrier3A_10 = arith.constant 0 : index
    tpu.barrier barrier_id(%barrier3A_10)
    "tpu.region"() ({
      %run_scoped3A = tpu.sem_alloc : memref<!tpu.dma_semaphore, #tpu.memory_space<semaphore_mem>>
      %dma_start3A = arith.constant 0 : i32
      %dma_start3A_11 = arith.constant 0 : i32
      %dma_start3A_12 = tpu.memref_slice %arg6[%arg0, %dma_start3A, %dma_start3A_11] : memref<2x10240x128xf32, #tpu.memory_space<hbm>> -> memref<1x10240x128xf32, #tpu.memory_space<hbm>>
      %dma_start3A_13 = tpu.memref_squeeze %dma_start3A_12 : memref<1x10240x128xf32, #tpu.memory_space<hbm>> -> memref<10240x128xf32, #tpu.memory_space<hbm>>
      %dma_start3A_14 = arith.constant 0 : i32
      %dma_start3A_15 = tpu.memref_slice %dma_start3A_13[%mul3A_0, %dma_start3A_14] : memref<10240x128xf32, #tpu.memory_space<hbm>> -> memref<640x128xf32, #tpu.memory_space<hbm>>
      %dma_start3A_16 = arith.constant 0 : i32
      %dma_start3A_17 = tpu.memref_slice %arg11[%mul3A_0, %dma_start3A_16] : memref<10240x128xf32, #tpu.memory_space<vmem_shared>> -> memref<640x128xf32, #tpu.memory_space<vmem_shared>>
      tpu.enqueue_dma source(%dma_start3A_17 : memref<640x128xf32, #tpu.memory_space<vmem_shared>>) target(%dma_start3A_15 : memref<640x128xf32, #tpu.memory_space<hbm>>) target_semaphore(%run_scoped3A : memref<!tpu.dma_semaphore, #tpu.memory_space<semaphore_mem>>)
      %dma_wait3A = arith.constant 0 : i32
      %dma_wait3A_18 = arith.constant 0 : i32
      %dma_wait3A_19 = tpu.memref_slice %arg6[%arg0, %dma_wait3A, %dma_wait3A_18] : memref<2x10240x128xf32, #tpu.memory_space<hbm>> -> memref<1x10240x128xf32, #tpu.memory_space<hbm>>
      %dma_wait3A_20 = tpu.memref_squeeze %dma_wait3A_19 : memref<1x10240x128xf32, #tpu.memory_space<hbm>> -> memref<10240x128xf32, #tpu.memory_space<hbm>>
      %dma_wait3A_21 = arith.constant 0 : i32
      %dma_wait3A_22 = tpu.memref_slice %dma_wait3A_20[%mul3A_0, %dma_wait3A_21] : memref<10240x128xf32, #tpu.memory_space<hbm>> -> memref<640x128xf32, #tpu.memory_space<hbm>>
      %dma_wait3A_23 = arith.constant 0 : i32
      %dma_wait3A_24 = tpu.memref_slice %arg11[%mul3A_0, %dma_wait3A_23] : memref<10240x128xf32, #tpu.memory_space<vmem_shared>> -> memref<640x128xf32, #tpu.memory_space<vmem_shared>>
      tpu.wait_dma2 semaphore(%run_scoped3A : memref<!tpu.dma_semaphore, #tpu.memory_space<semaphore_mem>>) src(%dma_wait3A_24 : memref<640x128xf32, #tpu.memory_space<vmem_shared>>) dst(%dma_wait3A_22 : memref<640x128xf32, #tpu.memory_space<hbm>>)
      tpu.yield
    }) : () -> ()
    return
  }
}

#map = affine_map<(d0, d1) -> (0, 0)>
#map1 = affine_map<(d0, d1) -> (0, 0, 0, 0)>
#map2 = affine_map<(d0, d1) -> (0, 0, 0)>
module attributes {stable_mosaic.version = 14 : i64} {
  func.func @_sc_agg_body(%arg0: i32, %arg1: i32, %arg2: memref<10000x128xf32, #tpu.memory_space<hbm>>, %arg3: memref<2x16x80x128xi32, #tpu.memory_space<hbm>>, %arg4: memref<2x16x80x128xi32, #tpu.memory_space<hbm>>, %arg5: memref<64x128xf32, #tpu.memory_space<hbm>>, %arg6: memref<2x10240x128xf32, #tpu.memory_space<hbm>>, %arg7: memref<40x128xi32, #tpu.memory_space<vmem>>, %arg8: memref<40x128xi32, #tpu.memory_space<vmem>>, %arg9: memref<128x128xf32, #tpu.memory_space<vmem>>, %arg10: memref<128x128xf32, #tpu.memory_space<vmem>>, %arg11: memref<10240x128xf32, #tpu.memory_space<vmem_shared>>, %arg12: memref<!tpu.dma_semaphore, #tpu.memory_space<semaphore_mem>>, %arg13: memref<!tpu.dma_semaphore, #tpu.memory_space<semaphore_mem>>) attributes {dimension_semantics = [#tpu.dimension_semantics<core_parallel>, #tpu.dimension_semantics<subcore_parallel>], iteration_bounds = array<i64: 2, 16>, scalar_prefetch = 0 : i64, scratch_operands = 7 : i64, tpu.core_type = #tpu.core_type<sc_vector_subcore>, window_params = [{transform_indices = #map}, {transform_indices = #map1}, {transform_indices = #map1}, {transform_indices = #map}, {transform_indices = #map2}]} {
    %mul3A = arith.constant 640 : i32
    %mul3A_0 = arith.muli %arg1, %mul3A : i32
    "tpu.region"() ({
      %run_scoped3A = tpu.sem_alloc : memref<!tpu.dma_semaphore, #tpu.memory_space<semaphore_mem>>
      %dma_start3A = arith.constant 0 : i32
      %dma_start3A_11 = arith.constant 0 : i32
      %dma_start3A_12 = tpu.memref_slice %arg9[%dma_start3A, %dma_start3A_11] : memref<128x128xf32, #tpu.memory_space<vmem>> -> memref<64x128xf32, #tpu.memory_space<vmem>>
      %dma_start3A_13 = arith.constant 0 : i32
      %dma_start3A_14 = arith.constant 0 : i32
      %dma_start3A_15 = tpu.memref_slice %arg9[%dma_start3A_13, %dma_start3A_14] : memref<128x128xf32, #tpu.memory_space<vmem>> -> memref<64x128xf32, #tpu.memory_space<vmem>>
      tpu.enqueue_dma source(%arg5 : memref<64x128xf32, #tpu.memory_space<hbm>>) target(%dma_start3A_15 : memref<64x128xf32, #tpu.memory_space<vmem>>) target_semaphore(%run_scoped3A : memref<!tpu.dma_semaphore, #tpu.memory_space<semaphore_mem>>)
      %dma_wait3A = arith.constant 0 : i32
      %dma_wait3A_16 = arith.constant 0 : i32
      %dma_wait3A_17 = tpu.memref_slice %arg9[%dma_wait3A, %dma_wait3A_16] : memref<128x128xf32, #tpu.memory_space<vmem>> -> memref<64x128xf32, #tpu.memory_space<vmem>>
      %dma_wait3A_18 = arith.constant 0 : i32
      %dma_wait3A_19 = arith.constant 0 : i32
      %dma_wait3A_20 = tpu.memref_slice %arg9[%dma_wait3A_18, %dma_wait3A_19] : memref<128x128xf32, #tpu.memory_space<vmem>> -> memref<64x128xf32, #tpu.memory_space<vmem>>
      tpu.wait_dma2 semaphore(%run_scoped3A : memref<!tpu.dma_semaphore, #tpu.memory_space<semaphore_mem>>) src(%arg5 : memref<64x128xf32, #tpu.memory_space<hbm>>) dst(%dma_wait3A_20 : memref<64x128xf32, #tpu.memory_space<vmem>>)
      tpu.yield
    }) : () -> ()
    %scan3A = arith.constant 0 : i32
    %scan3A_1 = arith.constant 10 : i32
    %scan3A_2 = arith.addi %scan3A, %scan3A_1 : i32
    %scan3A_3 = arith.constant 1 : i32
    scf.for %scan3A_11 = %scan3A to %scan3A_2 step %scan3A_3  : i32 {
      %mul3A_12 = arith.constant 1 : i32
      %mul3A_13 = arith.muli %scan3A_11, %mul3A_12 : i32
      %add3A = arith.constant 0 : i32
      %add3A_14 = arith.addi %add3A, %mul3A_13 : i32
      %mul3A_15 = arith.constant 64 : i32
      %mul3A_16 = arith.muli %add3A_14, %mul3A_15 : i32
      %add3A_17 = arith.addi %mul3A_0, %mul3A_16 : i32
      "tpu.region"() ({
        %run_scoped3A = tpu.sem_alloc : memref<!tpu.dma_semaphore, #tpu.memory_space<semaphore_mem>>
        %dma_start3A = arith.constant 0 : i32
        %dma_start3A_18 = arith.constant 0 : i32
        %dma_start3A_19 = tpu.memref_slice %arg9[%dma_start3A, %dma_start3A_18] : memref<128x128xf32, #tpu.memory_space<vmem>> -> memref<64x128xf32, #tpu.memory_space<vmem>>
        %dma_start3A_20 = arith.constant 0 : i32
        %dma_start3A_21 = tpu.memref_slice %arg11[%add3A_17, %dma_start3A_20] : memref<10240x128xf32, #tpu.memory_space<vmem_shared>> -> memref<64x128xf32, #tpu.memory_space<vmem_shared>>
        %dma_start3A_22 = arith.constant 0 : i32
        %dma_start3A_23 = tpu.memref_slice %arg11[%add3A_17, %dma_start3A_22] : memref<10240x128xf32, #tpu.memory_space<vmem_shared>> -> memref<64x128xf32, #tpu.memory_space<vmem_shared>>
        %dma_start3A_24 = arith.constant 0 : i32
        %dma_start3A_25 = arith.constant 0 : i32
        %dma_start3A_26 = tpu.memref_slice %arg9[%dma_start3A_24, %dma_start3A_25] : memref<128x128xf32, #tpu.memory_space<vmem>> -> memref<64x128xf32, #tpu.memory_space<vmem>>
        tpu.enqueue_dma source(%dma_start3A_26 : memref<64x128xf32, #tpu.memory_space<vmem>>) target(%dma_start3A_23 : memref<64x128xf32, #tpu.memory_space<vmem_shared>>) target_semaphore(%run_scoped3A : memref<!tpu.dma_semaphore, #tpu.memory_space<semaphore_mem>>)
        %dma_wait3A = arith.constant 0 : i32
        %dma_wait3A_27 = arith.constant 0 : i32
        %dma_wait3A_28 = tpu.memref_slice %arg9[%dma_wait3A, %dma_wait3A_27] : memref<128x128xf32, #tpu.memory_space<vmem>> -> memref<64x128xf32, #tpu.memory_space<vmem>>
        %dma_wait3A_29 = arith.constant 0 : i32
        %dma_wait3A_30 = tpu.memref_slice %arg11[%add3A_17, %dma_wait3A_29] : memref<10240x128xf32, #tpu.memory_space<vmem_shared>> -> memref<64x128xf32, #tpu.memory_space<vmem_shared>>
        %dma_wait3A_31 = arith.constant 0 : i32
        %dma_wait3A_32 = tpu.memref_slice %arg11[%add3A_17, %dma_wait3A_31] : memref<10240x128xf32, #tpu.memory_space<vmem_shared>> -> memref<64x128xf32, #tpu.memory_space<vmem_shared>>
        %dma_wait3A_33 = arith.constant 0 : i32
        %dma_wait3A_34 = arith.constant 0 : i32
        %dma_wait3A_35 = tpu.memref_slice %arg9[%dma_wait3A_33, %dma_wait3A_34] : memref<128x128xf32, #tpu.memory_space<vmem>> -> memref<64x128xf32, #tpu.memory_space<vmem>>
        tpu.wait_dma2 semaphore(%run_scoped3A : memref<!tpu.dma_semaphore, #tpu.memory_space<semaphore_mem>>) src(%dma_wait3A_35 : memref<64x128xf32, #tpu.memory_space<vmem>>) dst(%dma_wait3A_32 : memref<64x128xf32, #tpu.memory_space<vmem_shared>>)
        tpu.yield
      }) : () -> ()
    }
    %scan3A_4 = arith.constant 10 : i32
    %barrier3A = arith.constant 0 : index
    tpu.barrier barrier_id(%barrier3A)
    %scan3A_5 = arith.constant 0 : i32
    %scan3A_6 = arith.constant 2 : i32
    %scan3A_7 = arith.addi %scan3A_5, %scan3A_6 : i32
    %scan3A_8 = arith.constant 1 : i32
    scf.for %scan3A_11 = %scan3A_5 to %scan3A_7 step %scan3A_8  : i32 {
      %mul3A_12 = arith.constant 1 : i32
      %mul3A_13 = arith.muli %scan3A_11, %mul3A_12 : i32
      %add3A = arith.constant 0 : i32
      %add3A_14 = arith.addi %add3A, %mul3A_13 : i32
      %mul3A_15 = arith.constant 40 : i32
      %mul3A_16 = arith.muli %add3A_14, %mul3A_15 : i32
      "tpu.region"() ({
        %run_scoped3A_51 = tpu.sem_alloc : memref<!tpu.dma_semaphore, #tpu.memory_space<semaphore_mem>>
        %dma_start3A_52 = arith.constant 0 : i32
        %dma_start3A_53 = arith.constant 0 : i32
        %dma_start3A_54 = arith.constant 0 : i32
        %dma_start3A_55 = tpu.memref_slice %arg3[%arg0, %dma_start3A_52, %dma_start3A_53, %dma_start3A_54] : memref<2x16x80x128xi32, #tpu.memory_space<hbm>> -> memref<1x16x80x128xi32, #tpu.memory_space<hbm>>
        %dma_start3A_56 = tpu.memref_squeeze %dma_start3A_55 : memref<1x16x80x128xi32, #tpu.memory_space<hbm>> -> memref<16x80x128xi32, #tpu.memory_space<hbm>>
        %dma_start3A_57 = arith.constant 0 : i32
        %dma_start3A_58 = arith.constant 0 : i32
        %dma_start3A_59 = tpu.memref_slice %dma_start3A_56[%arg1, %dma_start3A_57, %dma_start3A_58] : memref<16x80x128xi32, #tpu.memory_space<hbm>> -> memref<1x80x128xi32, #tpu.memory_space<hbm>>
        %dma_start3A_60 = tpu.memref_squeeze %dma_start3A_59 : memref<1x80x128xi32, #tpu.memory_space<hbm>> -> memref<80x128xi32, #tpu.memory_space<hbm>>
        %dma_start3A_61 = arith.constant 0 : i32
        %dma_start3A_62 = tpu.memref_slice %dma_start3A_60[%mul3A_16, %dma_start3A_61] : memref<80x128xi32, #tpu.memory_space<hbm>> -> memref<40x128xi32, #tpu.memory_space<hbm>>
        %dma_start3A_63 = arith.constant 0 : i32
        %dma_start3A_64 = arith.constant 0 : i32
        %dma_start3A_65 = arith.constant 0 : i32
        %dma_start3A_66 = tpu.memref_slice %arg3[%arg0, %dma_start3A_63, %dma_start3A_64, %dma_start3A_65] : memref<2x16x80x128xi32, #tpu.memory_space<hbm>> -> memref<1x16x80x128xi32, #tpu.memory_space<hbm>>
        %dma_start3A_67 = tpu.memref_squeeze %dma_start3A_66 : memref<1x16x80x128xi32, #tpu.memory_space<hbm>> -> memref<16x80x128xi32, #tpu.memory_space<hbm>>
        %dma_start3A_68 = arith.constant 0 : i32
        %dma_start3A_69 = arith.constant 0 : i32
        %dma_start3A_70 = tpu.memref_slice %dma_start3A_67[%arg1, %dma_start3A_68, %dma_start3A_69] : memref<16x80x128xi32, #tpu.memory_space<hbm>> -> memref<1x80x128xi32, #tpu.memory_space<hbm>>
        %dma_start3A_71 = tpu.memref_squeeze %dma_start3A_70 : memref<1x80x128xi32, #tpu.memory_space<hbm>> -> memref<80x128xi32, #tpu.memory_space<hbm>>
        %dma_start3A_72 = arith.constant 0 : i32
        %dma_start3A_73 = tpu.memref_slice %dma_start3A_71[%mul3A_16, %dma_start3A_72] : memref<80x128xi32, #tpu.memory_space<hbm>> -> memref<40x128xi32, #tpu.memory_space<hbm>>
        tpu.enqueue_dma source(%dma_start3A_73 : memref<40x128xi32, #tpu.memory_space<hbm>>) target(%arg7 : memref<40x128xi32, #tpu.memory_space<vmem>>) target_semaphore(%run_scoped3A_51 : memref<!tpu.dma_semaphore, #tpu.memory_space<semaphore_mem>>)
        %dma_wait3A_74 = arith.constant 0 : i32
        %dma_wait3A_75 = arith.constant 0 : i32
        %dma_wait3A_76 = arith.constant 0 : i32
        %dma_wait3A_77 = tpu.memref_slice %arg3[%arg0, %dma_wait3A_74, %dma_wait3A_75, %dma_wait3A_76] : memref<2x16x80x128xi32, #tpu.memory_space<hbm>> -> memref<1x16x80x128xi32, #tpu.memory_space<hbm>>
        %dma_wait3A_78 = tpu.memref_squeeze %dma_wait3A_77 : memref<1x16x80x128xi32, #tpu.memory_space<hbm>> -> memref<16x80x128xi32, #tpu.memory_space<hbm>>
        %dma_wait3A_79 = arith.constant 0 : i32
        %dma_wait3A_80 = arith.constant 0 : i32
        %dma_wait3A_81 = tpu.memref_slice %dma_wait3A_78[%arg1, %dma_wait3A_79, %dma_wait3A_80] : memref<16x80x128xi32, #tpu.memory_space<hbm>> -> memref<1x80x128xi32, #tpu.memory_space<hbm>>
        %dma_wait3A_82 = tpu.memref_squeeze %dma_wait3A_81 : memref<1x80x128xi32, #tpu.memory_space<hbm>> -> memref<80x128xi32, #tpu.memory_space<hbm>>
        %dma_wait3A_83 = arith.constant 0 : i32
        %dma_wait3A_84 = tpu.memref_slice %dma_wait3A_82[%mul3A_16, %dma_wait3A_83] : memref<80x128xi32, #tpu.memory_space<hbm>> -> memref<40x128xi32, #tpu.memory_space<hbm>>
        %dma_wait3A_85 = arith.constant 0 : i32
        %dma_wait3A_86 = arith.constant 0 : i32
        %dma_wait3A_87 = arith.constant 0 : i32
        %dma_wait3A_88 = tpu.memref_slice %arg3[%arg0, %dma_wait3A_85, %dma_wait3A_86, %dma_wait3A_87] : memref<2x16x80x128xi32, #tpu.memory_space<hbm>> -> memref<1x16x80x128xi32, #tpu.memory_space<hbm>>
        %dma_wait3A_89 = tpu.memref_squeeze %dma_wait3A_88 : memref<1x16x80x128xi32, #tpu.memory_space<hbm>> -> memref<16x80x128xi32, #tpu.memory_space<hbm>>
        %dma_wait3A_90 = arith.constant 0 : i32
        %dma_wait3A_91 = arith.constant 0 : i32
        %dma_wait3A_92 = tpu.memref_slice %dma_wait3A_89[%arg1, %dma_wait3A_90, %dma_wait3A_91] : memref<16x80x128xi32, #tpu.memory_space<hbm>> -> memref<1x80x128xi32, #tpu.memory_space<hbm>>
        %dma_wait3A_93 = tpu.memref_squeeze %dma_wait3A_92 : memref<1x80x128xi32, #tpu.memory_space<hbm>> -> memref<80x128xi32, #tpu.memory_space<hbm>>
        %dma_wait3A_94 = arith.constant 0 : i32
        %dma_wait3A_95 = tpu.memref_slice %dma_wait3A_93[%mul3A_16, %dma_wait3A_94] : memref<80x128xi32, #tpu.memory_space<hbm>> -> memref<40x128xi32, #tpu.memory_space<hbm>>
        tpu.wait_dma2 semaphore(%run_scoped3A_51 : memref<!tpu.dma_semaphore, #tpu.memory_space<semaphore_mem>>) src(%dma_wait3A_95 : memref<40x128xi32, #tpu.memory_space<hbm>>) dst(%arg7 : memref<40x128xi32, #tpu.memory_space<vmem>>)
        tpu.yield
      }) : () -> ()
      %mul3A_17 = arith.constant 40 : i32
      %mul3A_18 = arith.muli %add3A_14, %mul3A_17 : i32
      "tpu.region"() ({
        %run_scoped3A_51 = tpu.sem_alloc : memref<!tpu.dma_semaphore, #tpu.memory_space<semaphore_mem>>
        %dma_start3A_52 = arith.constant 0 : i32
        %dma_start3A_53 = arith.constant 0 : i32
        %dma_start3A_54 = arith.constant 0 : i32
        %dma_start3A_55 = tpu.memref_slice %arg4[%arg0, %dma_start3A_52, %dma_start3A_53, %dma_start3A_54] : memref<2x16x80x128xi32, #tpu.memory_space<hbm>> -> memref<1x16x80x128xi32, #tpu.memory_space<hbm>>
        %dma_start3A_56 = tpu.memref_squeeze %dma_start3A_55 : memref<1x16x80x128xi32, #tpu.memory_space<hbm>> -> memref<16x80x128xi32, #tpu.memory_space<hbm>>
        %dma_start3A_57 = arith.constant 0 : i32
        %dma_start3A_58 = arith.constant 0 : i32
        %dma_start3A_59 = tpu.memref_slice %dma_start3A_56[%arg1, %dma_start3A_57, %dma_start3A_58] : memref<16x80x128xi32, #tpu.memory_space<hbm>> -> memref<1x80x128xi32, #tpu.memory_space<hbm>>
        %dma_start3A_60 = tpu.memref_squeeze %dma_start3A_59 : memref<1x80x128xi32, #tpu.memory_space<hbm>> -> memref<80x128xi32, #tpu.memory_space<hbm>>
        %dma_start3A_61 = arith.constant 0 : i32
        %dma_start3A_62 = tpu.memref_slice %dma_start3A_60[%mul3A_18, %dma_start3A_61] : memref<80x128xi32, #tpu.memory_space<hbm>> -> memref<40x128xi32, #tpu.memory_space<hbm>>
        %dma_start3A_63 = arith.constant 0 : i32
        %dma_start3A_64 = arith.constant 0 : i32
        %dma_start3A_65 = arith.constant 0 : i32
        %dma_start3A_66 = tpu.memref_slice %arg4[%arg0, %dma_start3A_63, %dma_start3A_64, %dma_start3A_65] : memref<2x16x80x128xi32, #tpu.memory_space<hbm>> -> memref<1x16x80x128xi32, #tpu.memory_space<hbm>>
        %dma_start3A_67 = tpu.memref_squeeze %dma_start3A_66 : memref<1x16x80x128xi32, #tpu.memory_space<hbm>> -> memref<16x80x128xi32, #tpu.memory_space<hbm>>
        %dma_start3A_68 = arith.constant 0 : i32
        %dma_start3A_69 = arith.constant 0 : i32
        %dma_start3A_70 = tpu.memref_slice %dma_start3A_67[%arg1, %dma_start3A_68, %dma_start3A_69] : memref<16x80x128xi32, #tpu.memory_space<hbm>> -> memref<1x80x128xi32, #tpu.memory_space<hbm>>
        %dma_start3A_71 = tpu.memref_squeeze %dma_start3A_70 : memref<1x80x128xi32, #tpu.memory_space<hbm>> -> memref<80x128xi32, #tpu.memory_space<hbm>>
        %dma_start3A_72 = arith.constant 0 : i32
        %dma_start3A_73 = tpu.memref_slice %dma_start3A_71[%mul3A_18, %dma_start3A_72] : memref<80x128xi32, #tpu.memory_space<hbm>> -> memref<40x128xi32, #tpu.memory_space<hbm>>
        tpu.enqueue_dma source(%dma_start3A_73 : memref<40x128xi32, #tpu.memory_space<hbm>>) target(%arg8 : memref<40x128xi32, #tpu.memory_space<vmem>>) target_semaphore(%run_scoped3A_51 : memref<!tpu.dma_semaphore, #tpu.memory_space<semaphore_mem>>)
        %dma_wait3A_74 = arith.constant 0 : i32
        %dma_wait3A_75 = arith.constant 0 : i32
        %dma_wait3A_76 = arith.constant 0 : i32
        %dma_wait3A_77 = tpu.memref_slice %arg4[%arg0, %dma_wait3A_74, %dma_wait3A_75, %dma_wait3A_76] : memref<2x16x80x128xi32, #tpu.memory_space<hbm>> -> memref<1x16x80x128xi32, #tpu.memory_space<hbm>>
        %dma_wait3A_78 = tpu.memref_squeeze %dma_wait3A_77 : memref<1x16x80x128xi32, #tpu.memory_space<hbm>> -> memref<16x80x128xi32, #tpu.memory_space<hbm>>
        %dma_wait3A_79 = arith.constant 0 : i32
        %dma_wait3A_80 = arith.constant 0 : i32
        %dma_wait3A_81 = tpu.memref_slice %dma_wait3A_78[%arg1, %dma_wait3A_79, %dma_wait3A_80] : memref<16x80x128xi32, #tpu.memory_space<hbm>> -> memref<1x80x128xi32, #tpu.memory_space<hbm>>
        %dma_wait3A_82 = tpu.memref_squeeze %dma_wait3A_81 : memref<1x80x128xi32, #tpu.memory_space<hbm>> -> memref<80x128xi32, #tpu.memory_space<hbm>>
        %dma_wait3A_83 = arith.constant 0 : i32
        %dma_wait3A_84 = tpu.memref_slice %dma_wait3A_82[%mul3A_18, %dma_wait3A_83] : memref<80x128xi32, #tpu.memory_space<hbm>> -> memref<40x128xi32, #tpu.memory_space<hbm>>
        %dma_wait3A_85 = arith.constant 0 : i32
        %dma_wait3A_86 = arith.constant 0 : i32
        %dma_wait3A_87 = arith.constant 0 : i32
        %dma_wait3A_88 = tpu.memref_slice %arg4[%arg0, %dma_wait3A_85, %dma_wait3A_86, %dma_wait3A_87] : memref<2x16x80x128xi32, #tpu.memory_space<hbm>> -> memref<1x16x80x128xi32, #tpu.memory_space<hbm>>
        %dma_wait3A_89 = tpu.memref_squeeze %dma_wait3A_88 : memref<1x16x80x128xi32, #tpu.memory_space<hbm>> -> memref<16x80x128xi32, #tpu.memory_space<hbm>>
        %dma_wait3A_90 = arith.constant 0 : i32
        %dma_wait3A_91 = arith.constant 0 : i32
        %dma_wait3A_92 = tpu.memref_slice %dma_wait3A_89[%arg1, %dma_wait3A_90, %dma_wait3A_91] : memref<16x80x128xi32, #tpu.memory_space<hbm>> -> memref<1x80x128xi32, #tpu.memory_space<hbm>>
        %dma_wait3A_93 = tpu.memref_squeeze %dma_wait3A_92 : memref<1x80x128xi32, #tpu.memory_space<hbm>> -> memref<80x128xi32, #tpu.memory_space<hbm>>
        %dma_wait3A_94 = arith.constant 0 : i32
        %dma_wait3A_95 = tpu.memref_slice %dma_wait3A_93[%mul3A_18, %dma_wait3A_94] : memref<80x128xi32, #tpu.memory_space<hbm>> -> memref<40x128xi32, #tpu.memory_space<hbm>>
        tpu.wait_dma2 semaphore(%run_scoped3A_51 : memref<!tpu.dma_semaphore, #tpu.memory_space<semaphore_mem>>) src(%dma_wait3A_95 : memref<40x128xi32, #tpu.memory_space<hbm>>) dst(%arg8 : memref<40x128xi32, #tpu.memory_space<vmem>>)
        tpu.yield
      }) : () -> ()
      %dma_start3A = arith.constant 0 : i32
      %dma_start3A_19 = arith.constant 0 : i32
      %dma_start3A_20 = tpu.memref_slice %arg7[%dma_start3A, %dma_start3A_19] : memref<40x128xi32, #tpu.memory_space<vmem>> -> memref<1x128xi32, #tpu.memory_space<vmem>>
      %dma_start3A_21 = tpu.memref_squeeze %dma_start3A_20 : memref<1x128xi32, #tpu.memory_space<vmem>> -> memref<128xi32, #tpu.memory_space<vmem>>
      %dma_start3A_22 = arith.constant 0 : i32
      %dma_start3A_23 = arith.constant 0 : i32
      %dma_start3A_24 = tpu.memref_slice %arg2[%dma_start3A_22, %dma_start3A_23] : memref<10000x128xf32, #tpu.memory_space<hbm>> -> memref<10000x128xf32, #tpu.memory_space<hbm>>
      tpu.enqueue_indirect_dma source(%dma_start3A_24 : memref<10000x128xf32, #tpu.memory_space<hbm>>) target(%arg9 : memref<128x128xf32, #tpu.memory_space<vmem>>) offsets(%dma_start3A_21 : memref<128xi32, #tpu.memory_space<vmem>>) semaphore(%arg12 : memref<!tpu.dma_semaphore, #tpu.memory_space<semaphore_mem>>)
      %dma_start3A_25 = arith.constant 1 : i32
      %dma_start3A_26 = arith.constant 0 : i32
      %dma_start3A_27 = tpu.memref_slice %arg7[%dma_start3A_25, %dma_start3A_26] : memref<40x128xi32, #tpu.memory_space<vmem>> -> memref<1x128xi32, #tpu.memory_space<vmem>>
      %dma_start3A_28 = tpu.memref_squeeze %dma_start3A_27 : memref<1x128xi32, #tpu.memory_space<vmem>> -> memref<128xi32, #tpu.memory_space<vmem>>
      %dma_start3A_29 = arith.constant 0 : i32
      %dma_start3A_30 = arith.constant 0 : i32
      %dma_start3A_31 = tpu.memref_slice %arg2[%dma_start3A_29, %dma_start3A_30] : memref<10000x128xf32, #tpu.memory_space<hbm>> -> memref<10000x128xf32, #tpu.memory_space<hbm>>
      tpu.enqueue_indirect_dma source(%dma_start3A_31 : memref<10000x128xf32, #tpu.memory_space<hbm>>) target(%arg10 : memref<128x128xf32, #tpu.memory_space<vmem>>) offsets(%dma_start3A_28 : memref<128xi32, #tpu.memory_space<vmem>>) semaphore(%arg13 : memref<!tpu.dma_semaphore, #tpu.memory_space<semaphore_mem>>)
      %scan3A_32 = arith.constant 0 : i32
      %scan3A_33 = arith.constant 19 : i32
      %scan3A_34 = arith.addi %scan3A_32, %scan3A_33 : i32
      %scan3A_35 = arith.constant 1 : i32
      scf.for %scan3A_51 = %scan3A_32 to %scan3A_34 step %scan3A_35  : i32 {
        %mul3A_52 = arith.constant 2 : i32
        %mul3A_53 = arith.muli %scan3A_51, %mul3A_52 : i32
        %add3A_54 = arith.constant 0 : i32
        %add3A_55 = arith.addi %add3A_54, %mul3A_53 : i32
        %add3A_56 = arith.constant 0 : i32
        %add3A_57 = arith.addi %add3A_55, %add3A_56 : i32
        %dma_wait3A_58 = arith.constant 0 : i32
        %dma_wait3A_59 = tpu.memref_slice %arg7[%add3A_57, %dma_wait3A_58] : memref<40x128xi32, #tpu.memory_space<vmem>> -> memref<1x128xi32, #tpu.memory_space<vmem>>
        %dma_wait3A_60 = tpu.memref_squeeze %dma_wait3A_59 : memref<1x128xi32, #tpu.memory_space<vmem>> -> memref<128xi32, #tpu.memory_space<vmem>>
        %dma_wait3A_61 = arith.constant 0 : i32
        %dma_wait3A_62 = arith.constant 0 : i32
        %dma_wait3A_63 = tpu.memref_slice %arg2[%dma_wait3A_61, %dma_wait3A_62] : memref<10000x128xf32, #tpu.memory_space<hbm>> -> memref<10000x128xf32, #tpu.memory_space<hbm>>
        tpu.wait_indirect_dma semaphore(%arg12 : memref<!tpu.dma_semaphore, #tpu.memory_space<semaphore_mem>>) src(%dma_wait3A_63 : memref<10000x128xf32, #tpu.memory_space<hbm>>) dst(%arg9 : memref<128x128xf32, #tpu.memory_space<vmem>>)
        %add3A_64 = arith.constant 0 : i32
        %add3A_65 = arith.addi %add3A_55, %add3A_64 : i32
        "tpu.region"() ({
          %run_scoped3A_96 = tpu.sem_alloc : memref<!tpu.dma_semaphore, #tpu.memory_space<semaphore_mem>>
          %dma_start3A_97 = arith.constant 0 : i32
          %dma_start3A_98 = tpu.memref_slice %arg8[%add3A_65, %dma_start3A_97] : memref<40x128xi32, #tpu.memory_space<vmem>> -> memref<1x128xi32, #tpu.memory_space<vmem>>
          %dma_start3A_99 = tpu.memref_squeeze %dma_start3A_98 : memref<1x128xi32, #tpu.memory_space<vmem>> -> memref<128xi32, #tpu.memory_space<vmem>>
          %dma_start3A_100 = arith.constant 0 : i32
          %dma_start3A_101 = arith.constant 0 : i32
          %dma_start3A_102 = tpu.memref_slice %arg11[%dma_start3A_100, %dma_start3A_101] : memref<10240x128xf32, #tpu.memory_space<vmem_shared>> -> memref<10240x128xf32, #tpu.memory_space<vmem_shared>>
          tpu.enqueue_indirect_dma source(%arg9 : memref<128x128xf32, #tpu.memory_space<vmem>>) target(%dma_start3A_102 : memref<10240x128xf32, #tpu.memory_space<vmem_shared>>) offsets(%dma_start3A_99 : memref<128xi32, #tpu.memory_space<vmem>>) semaphore(%run_scoped3A_96 : memref<!tpu.dma_semaphore, #tpu.memory_space<semaphore_mem>>) {add = true}
          %dma_wait3A_103 = arith.constant 0 : i32
          %dma_wait3A_104 = tpu.memref_slice %arg8[%add3A_65, %dma_wait3A_103] : memref<40x128xi32, #tpu.memory_space<vmem>> -> memref<1x128xi32, #tpu.memory_space<vmem>>
          %dma_wait3A_105 = tpu.memref_squeeze %dma_wait3A_104 : memref<1x128xi32, #tpu.memory_space<vmem>> -> memref<128xi32, #tpu.memory_space<vmem>>
          %dma_wait3A_106 = arith.constant 0 : i32
          %dma_wait3A_107 = arith.constant 0 : i32
          %dma_wait3A_108 = tpu.memref_slice %arg11[%dma_wait3A_106, %dma_wait3A_107] : memref<10240x128xf32, #tpu.memory_space<vmem_shared>> -> memref<10240x128xf32, #tpu.memory_space<vmem_shared>>
          tpu.wait_indirect_dma semaphore(%run_scoped3A_96 : memref<!tpu.dma_semaphore, #tpu.memory_space<semaphore_mem>>) src(%arg9 : memref<128x128xf32, #tpu.memory_space<vmem>>) dst(%dma_wait3A_108 : memref<10240x128xf32, #tpu.memory_space<vmem_shared>>)
          tpu.yield
        }) : () -> ()
        %add3A_66 = arith.constant 0 : i32
        %add3A_67 = arith.addi %add3A_55, %add3A_66 : i32
        %add3A_68 = arith.constant 2 : i32
        %add3A_69 = arith.addi %add3A_67, %add3A_68 : i32
        %dma_start3A_70 = arith.constant 0 : i32
        %dma_start3A_71 = tpu.memref_slice %arg7[%add3A_69, %dma_start3A_70] : memref<40x128xi32, #tpu.memory_space<vmem>> -> memref<1x128xi32, #tpu.memory_space<vmem>>
        %dma_start3A_72 = tpu.memref_squeeze %dma_start3A_71 : memref<1x128xi32, #tpu.memory_space<vmem>> -> memref<128xi32, #tpu.memory_space<vmem>>
        %dma_start3A_73 = arith.constant 0 : i32
        %dma_start3A_74 = arith.constant 0 : i32
        %dma_start3A_75 = tpu.memref_slice %arg2[%dma_start3A_73, %dma_start3A_74] : memref<10000x128xf32, #tpu.memory_space<hbm>> -> memref<10000x128xf32, #tpu.memory_space<hbm>>
        tpu.enqueue_indirect_dma source(%dma_start3A_75 : memref<10000x128xf32, #tpu.memory_space<hbm>>) target(%arg9 : memref<128x128xf32, #tpu.memory_space<vmem>>) offsets(%dma_start3A_72 : memref<128xi32, #tpu.memory_space<vmem>>) semaphore(%arg12 : memref<!tpu.dma_semaphore, #tpu.memory_space<semaphore_mem>>)
        %add3A_76 = arith.constant 1 : i32
        %add3A_77 = arith.addi %add3A_55, %add3A_76 : i32
        %dma_wait3A_78 = arith.constant 0 : i32
        %dma_wait3A_79 = tpu.memref_slice %arg7[%add3A_77, %dma_wait3A_78] : memref<40x128xi32, #tpu.memory_space<vmem>> -> memref<1x128xi32, #tpu.memory_space<vmem>>
        %dma_wait3A_80 = tpu.memref_squeeze %dma_wait3A_79 : memref<1x128xi32, #tpu.memory_space<vmem>> -> memref<128xi32, #tpu.memory_space<vmem>>
        %dma_wait3A_81 = arith.constant 0 : i32
        %dma_wait3A_82 = arith.constant 0 : i32
        %dma_wait3A_83 = tpu.memref_slice %arg2[%dma_wait3A_81, %dma_wait3A_82] : memref<10000x128xf32, #tpu.memory_space<hbm>> -> memref<10000x128xf32, #tpu.memory_space<hbm>>
        tpu.wait_indirect_dma semaphore(%arg13 : memref<!tpu.dma_semaphore, #tpu.memory_space<semaphore_mem>>) src(%dma_wait3A_83 : memref<10000x128xf32, #tpu.memory_space<hbm>>) dst(%arg10 : memref<128x128xf32, #tpu.memory_space<vmem>>)
        %add3A_84 = arith.constant 1 : i32
        %add3A_85 = arith.addi %add3A_55, %add3A_84 : i32
        "tpu.region"() ({
          %run_scoped3A_96 = tpu.sem_alloc : memref<!tpu.dma_semaphore, #tpu.memory_space<semaphore_mem>>
          %dma_start3A_97 = arith.constant 0 : i32
          %dma_start3A_98 = tpu.memref_slice %arg8[%add3A_85, %dma_start3A_97] : memref<40x128xi32, #tpu.memory_space<vmem>> -> memref<1x128xi32, #tpu.memory_space<vmem>>
          %dma_start3A_99 = tpu.memref_squeeze %dma_start3A_98 : memref<1x128xi32, #tpu.memory_space<vmem>> -> memref<128xi32, #tpu.memory_space<vmem>>
          %dma_start3A_100 = arith.constant 0 : i32
          %dma_start3A_101 = arith.constant 0 : i32
          %dma_start3A_102 = tpu.memref_slice %arg11[%dma_start3A_100, %dma_start3A_101] : memref<10240x128xf32, #tpu.memory_space<vmem_shared>> -> memref<10240x128xf32, #tpu.memory_space<vmem_shared>>
          tpu.enqueue_indirect_dma source(%arg10 : memref<128x128xf32, #tpu.memory_space<vmem>>) target(%dma_start3A_102 : memref<10240x128xf32, #tpu.memory_space<vmem_shared>>) offsets(%dma_start3A_99 : memref<128xi32, #tpu.memory_space<vmem>>) semaphore(%run_scoped3A_96 : memref<!tpu.dma_semaphore, #tpu.memory_space<semaphore_mem>>) {add = true}
          %dma_wait3A_103 = arith.constant 0 : i32
          %dma_wait3A_104 = tpu.memref_slice %arg8[%add3A_85, %dma_wait3A_103] : memref<40x128xi32, #tpu.memory_space<vmem>> -> memref<1x128xi32, #tpu.memory_space<vmem>>
          %dma_wait3A_105 = tpu.memref_squeeze %dma_wait3A_104 : memref<1x128xi32, #tpu.memory_space<vmem>> -> memref<128xi32, #tpu.memory_space<vmem>>
          %dma_wait3A_106 = arith.constant 0 : i32
          %dma_wait3A_107 = arith.constant 0 : i32
          %dma_wait3A_108 = tpu.memref_slice %arg11[%dma_wait3A_106, %dma_wait3A_107] : memref<10240x128xf32, #tpu.memory_space<vmem_shared>> -> memref<10240x128xf32, #tpu.memory_space<vmem_shared>>
          tpu.wait_indirect_dma semaphore(%run_scoped3A_96 : memref<!tpu.dma_semaphore, #tpu.memory_space<semaphore_mem>>) src(%arg10 : memref<128x128xf32, #tpu.memory_space<vmem>>) dst(%dma_wait3A_108 : memref<10240x128xf32, #tpu.memory_space<vmem_shared>>)
          tpu.yield
        }) : () -> ()
        %add3A_86 = arith.constant 1 : i32
        %add3A_87 = arith.addi %add3A_55, %add3A_86 : i32
        %add3A_88 = arith.constant 2 : i32
        %add3A_89 = arith.addi %add3A_87, %add3A_88 : i32
        %dma_start3A_90 = arith.constant 0 : i32
        %dma_start3A_91 = tpu.memref_slice %arg7[%add3A_89, %dma_start3A_90] : memref<40x128xi32, #tpu.memory_space<vmem>> -> memref<1x128xi32, #tpu.memory_space<vmem>>
        %dma_start3A_92 = tpu.memref_squeeze %dma_start3A_91 : memref<1x128xi32, #tpu.memory_space<vmem>> -> memref<128xi32, #tpu.memory_space<vmem>>
        %dma_start3A_93 = arith.constant 0 : i32
        %dma_start3A_94 = arith.constant 0 : i32
        %dma_start3A_95 = tpu.memref_slice %arg2[%dma_start3A_93, %dma_start3A_94] : memref<10000x128xf32, #tpu.memory_space<hbm>> -> memref<10000x128xf32, #tpu.memory_space<hbm>>
        tpu.enqueue_indirect_dma source(%dma_start3A_95 : memref<10000x128xf32, #tpu.memory_space<hbm>>) target(%arg10 : memref<128x128xf32, #tpu.memory_space<vmem>>) offsets(%dma_start3A_92 : memref<128xi32, #tpu.memory_space<vmem>>) semaphore(%arg13 : memref<!tpu.dma_semaphore, #tpu.memory_space<semaphore_mem>>)
      }
      %scan3A_36 = arith.constant 19 : i32
      %dma_wait3A = arith.constant 38 : i32
      %dma_wait3A_37 = arith.constant 0 : i32
      %dma_wait3A_38 = tpu.memref_slice %arg7[%dma_wait3A, %dma_wait3A_37] : memref<40x128xi32, #tpu.memory_space<vmem>> -> memref<1x128xi32, #tpu.memory_space<vmem>>
      %dma_wait3A_39 = tpu.memref_squeeze %dma_wait3A_38 : memref<1x128xi32, #tpu.memory_space<vmem>> -> memref<128xi32, #tpu.memory_space<vmem>>
      %dma_wait3A_40 = arith.constant 0 : i32
      %dma_wait3A_41 = arith.constant 0 : i32
      %dma_wait3A_42 = tpu.memref_slice %arg2[%dma_wait3A_40, %dma_wait3A_41] : memref<10000x128xf32, #tpu.memory_space<hbm>> -> memref<10000x128xf32, #tpu.memory_space<hbm>>
      tpu.wait_indirect_dma semaphore(%arg12 : memref<!tpu.dma_semaphore, #tpu.memory_space<semaphore_mem>>) src(%dma_wait3A_42 : memref<10000x128xf32, #tpu.memory_space<hbm>>) dst(%arg9 : memref<128x128xf32, #tpu.memory_space<vmem>>)
      %run_scoped3A = arith.constant 38 : i32
      "tpu.region"() ({
        %run_scoped3A_51 = tpu.sem_alloc : memref<!tpu.dma_semaphore, #tpu.memory_space<semaphore_mem>>
        %dma_start3A_52 = arith.constant 0 : i32
        %dma_start3A_53 = tpu.memref_slice %arg8[%run_scoped3A, %dma_start3A_52] : memref<40x128xi32, #tpu.memory_space<vmem>> -> memref<1x128xi32, #tpu.memory_space<vmem>>
        %dma_start3A_54 = tpu.memref_squeeze %dma_start3A_53 : memref<1x128xi32, #tpu.memory_space<vmem>> -> memref<128xi32, #tpu.memory_space<vmem>>
        %dma_start3A_55 = arith.constant 0 : i32
        %dma_start3A_56 = arith.constant 0 : i32
        %dma_start3A_57 = tpu.memref_slice %arg11[%dma_start3A_55, %dma_start3A_56] : memref<10240x128xf32, #tpu.memory_space<vmem_shared>> -> memref<10240x128xf32, #tpu.memory_space<vmem_shared>>
        tpu.enqueue_indirect_dma source(%arg9 : memref<128x128xf32, #tpu.memory_space<vmem>>) target(%dma_start3A_57 : memref<10240x128xf32, #tpu.memory_space<vmem_shared>>) offsets(%dma_start3A_54 : memref<128xi32, #tpu.memory_space<vmem>>) semaphore(%run_scoped3A_51 : memref<!tpu.dma_semaphore, #tpu.memory_space<semaphore_mem>>) {add = true}
        %dma_wait3A_58 = arith.constant 0 : i32
        %dma_wait3A_59 = tpu.memref_slice %arg8[%run_scoped3A, %dma_wait3A_58] : memref<40x128xi32, #tpu.memory_space<vmem>> -> memref<1x128xi32, #tpu.memory_space<vmem>>
        %dma_wait3A_60 = tpu.memref_squeeze %dma_wait3A_59 : memref<1x128xi32, #tpu.memory_space<vmem>> -> memref<128xi32, #tpu.memory_space<vmem>>
        %dma_wait3A_61 = arith.constant 0 : i32
        %dma_wait3A_62 = arith.constant 0 : i32
        %dma_wait3A_63 = tpu.memref_slice %arg11[%dma_wait3A_61, %dma_wait3A_62] : memref<10240x128xf32, #tpu.memory_space<vmem_shared>> -> memref<10240x128xf32, #tpu.memory_space<vmem_shared>>
        tpu.wait_indirect_dma semaphore(%run_scoped3A_51 : memref<!tpu.dma_semaphore, #tpu.memory_space<semaphore_mem>>) src(%arg9 : memref<128x128xf32, #tpu.memory_space<vmem>>) dst(%dma_wait3A_63 : memref<10240x128xf32, #tpu.memory_space<vmem_shared>>)
        tpu.yield
      }) : () -> ()
      %dma_wait3A_43 = arith.constant 39 : i32
      %dma_wait3A_44 = arith.constant 0 : i32
      %dma_wait3A_45 = tpu.memref_slice %arg7[%dma_wait3A_43, %dma_wait3A_44] : memref<40x128xi32, #tpu.memory_space<vmem>> -> memref<1x128xi32, #tpu.memory_space<vmem>>
      %dma_wait3A_46 = tpu.memref_squeeze %dma_wait3A_45 : memref<1x128xi32, #tpu.memory_space<vmem>> -> memref<128xi32, #tpu.memory_space<vmem>>
      %dma_wait3A_47 = arith.constant 0 : i32
      %dma_wait3A_48 = arith.constant 0 : i32
      %dma_wait3A_49 = tpu.memref_slice %arg2[%dma_wait3A_47, %dma_wait3A_48] : memref<10000x128xf32, #tpu.memory_space<hbm>> -> memref<10000x128xf32, #tpu.memory_space<hbm>>
      tpu.wait_indirect_dma semaphore(%arg13 : memref<!tpu.dma_semaphore, #tpu.memory_space<semaphore_mem>>) src(%dma_wait3A_49 : memref<10000x128xf32, #tpu.memory_space<hbm>>) dst(%arg10 : memref<128x128xf32, #tpu.memory_space<vmem>>)
      %run_scoped3A_50 = arith.constant 39 : i32
      "tpu.region"() ({
        %run_scoped3A_51 = tpu.sem_alloc : memref<!tpu.dma_semaphore, #tpu.memory_space<semaphore_mem>>
        %dma_start3A_52 = arith.constant 0 : i32
        %dma_start3A_53 = tpu.memref_slice %arg8[%run_scoped3A_50, %dma_start3A_52] : memref<40x128xi32, #tpu.memory_space<vmem>> -> memref<1x128xi32, #tpu.memory_space<vmem>>
        %dma_start3A_54 = tpu.memref_squeeze %dma_start3A_53 : memref<1x128xi32, #tpu.memory_space<vmem>> -> memref<128xi32, #tpu.memory_space<vmem>>
        %dma_start3A_55 = arith.constant 0 : i32
        %dma_start3A_56 = arith.constant 0 : i32
        %dma_start3A_57 = tpu.memref_slice %arg11[%dma_start3A_55, %dma_start3A_56] : memref<10240x128xf32, #tpu.memory_space<vmem_shared>> -> memref<10240x128xf32, #tpu.memory_space<vmem_shared>>
        tpu.enqueue_indirect_dma source(%arg10 : memref<128x128xf32, #tpu.memory_space<vmem>>) target(%dma_start3A_57 : memref<10240x128xf32, #tpu.memory_space<vmem_shared>>) offsets(%dma_start3A_54 : memref<128xi32, #tpu.memory_space<vmem>>) semaphore(%run_scoped3A_51 : memref<!tpu.dma_semaphore, #tpu.memory_space<semaphore_mem>>) {add = true}
        %dma_wait3A_58 = arith.constant 0 : i32
        %dma_wait3A_59 = tpu.memref_slice %arg8[%run_scoped3A_50, %dma_wait3A_58] : memref<40x128xi32, #tpu.memory_space<vmem>> -> memref<1x128xi32, #tpu.memory_space<vmem>>
        %dma_wait3A_60 = tpu.memref_squeeze %dma_wait3A_59 : memref<1x128xi32, #tpu.memory_space<vmem>> -> memref<128xi32, #tpu.memory_space<vmem>>
        %dma_wait3A_61 = arith.constant 0 : i32
        %dma_wait3A_62 = arith.constant 0 : i32
        %dma_wait3A_63 = tpu.memref_slice %arg11[%dma_wait3A_61, %dma_wait3A_62] : memref<10240x128xf32, #tpu.memory_space<vmem_shared>> -> memref<10240x128xf32, #tpu.memory_space<vmem_shared>>
        tpu.wait_indirect_dma semaphore(%run_scoped3A_51 : memref<!tpu.dma_semaphore, #tpu.memory_space<semaphore_mem>>) src(%arg10 : memref<128x128xf32, #tpu.memory_space<vmem>>) dst(%dma_wait3A_63 : memref<10240x128xf32, #tpu.memory_space<vmem_shared>>)
        tpu.yield
      }) : () -> ()
    }
    %scan3A_9 = arith.constant 2 : i32
    %barrier3A_10 = arith.constant 0 : index
    tpu.barrier barrier_id(%barrier3A_10)
    "tpu.region"() ({
      %run_scoped3A = tpu.sem_alloc : memref<!tpu.dma_semaphore, #tpu.memory_space<semaphore_mem>>
      %dma_start3A = arith.constant 0 : i32
      %dma_start3A_11 = arith.constant 0 : i32
      %dma_start3A_12 = tpu.memref_slice %arg6[%arg0, %dma_start3A, %dma_start3A_11] : memref<2x10240x128xf32, #tpu.memory_space<hbm>> -> memref<1x10240x128xf32, #tpu.memory_space<hbm>>
      %dma_start3A_13 = tpu.memref_squeeze %dma_start3A_12 : memref<1x10240x128xf32, #tpu.memory_space<hbm>> -> memref<10240x128xf32, #tpu.memory_space<hbm>>
      %dma_start3A_14 = arith.constant 0 : i32
      %dma_start3A_15 = tpu.memref_slice %dma_start3A_13[%mul3A_0, %dma_start3A_14] : memref<10240x128xf32, #tpu.memory_space<hbm>> -> memref<640x128xf32, #tpu.memory_space<hbm>>
      %dma_start3A_16 = arith.constant 0 : i32
      %dma_start3A_17 = tpu.memref_slice %arg11[%mul3A_0, %dma_start3A_16] : memref<10240x128xf32, #tpu.memory_space<vmem_shared>> -> memref<640x128xf32, #tpu.memory_space<vmem_shared>>
      tpu.enqueue_dma source(%dma_start3A_17 : memref<640x128xf32, #tpu.memory_space<vmem_shared>>) target(%dma_start3A_15 : memref<640x128xf32, #tpu.memory_space<hbm>>) target_semaphore(%run_scoped3A : memref<!tpu.dma_semaphore, #tpu.memory_space<semaphore_mem>>)
      %dma_wait3A = arith.constant 0 : i32
      %dma_wait3A_18 = arith.constant 0 : i32
      %dma_wait3A_19 = tpu.memref_slice %arg6[%arg0, %dma_wait3A, %dma_wait3A_18] : memref<2x10240x128xf32, #tpu.memory_space<hbm>> -> memref<1x10240x128xf32, #tpu.memory_space<hbm>>
      %dma_wait3A_20 = tpu.memref_squeeze %dma_wait3A_19 : memref<1x10240x128xf32, #tpu.memory_space<hbm>> -> memref<10240x128xf32, #tpu.memory_space<hbm>>
      %dma_wait3A_21 = arith.constant 0 : i32
      %dma_wait3A_22 = tpu.memref_slice %dma_wait3A_20[%mul3A_0, %dma_wait3A_21] : memref<10240x128xf32, #tpu.memory_space<hbm>> -> memref<640x128xf32, #tpu.memory_space<hbm>>
      %dma_wait3A_23 = arith.constant 0 : i32
      %dma_wait3A_24 = tpu.memref_slice %arg11[%mul3A_0, %dma_wait3A_23] : memref<10240x128xf32, #tpu.memory_space<vmem_shared>> -> memref<640x128xf32, #tpu.memory_space<vmem_shared>>
      tpu.wait_dma2 semaphore(%run_scoped3A : memref<!tpu.dma_semaphore, #tpu.memory_space<semaphore_mem>>) src(%dma_wait3A_24 : memref<640x128xf32, #tpu.memory_space<vmem_shared>>) dst(%dma_wait3A_22 : memref<640x128xf32, #tpu.memory_space<hbm>>)
      tpu.yield
    }) : () -> ()
    return
  }
}

#map = affine_map<(d0, d1) -> (0, 0)>
#map1 = affine_map<(d0, d1) -> (0, 0, 0, 0)>
#map2 = affine_map<(d0, d1) -> (0, 0, 0)>
module attributes {stable_mosaic.version = 14 : i64} {
  func.func @_sc_agg_body(%arg0: i32, %arg1: i32, %arg2: memref<10000x128xf32, #tpu.memory_space<hbm>>, %arg3: memref<2x16x80x128xi32, #tpu.memory_space<hbm>>, %arg4: memref<2x16x80x128xi32, #tpu.memory_space<hbm>>, %arg5: memref<64x128xf32, #tpu.memory_space<hbm>>, %arg6: memref<2x10240x128xf32, #tpu.memory_space<hbm>>, %arg7: memref<40x128xi32, #tpu.memory_space<vmem>>, %arg8: memref<40x128xi32, #tpu.memory_space<vmem>>, %arg9: memref<128x128xf32, #tpu.memory_space<vmem>>, %arg10: memref<128x128xf32, #tpu.memory_space<vmem>>, %arg11: memref<10240x128xf32, #tpu.memory_space<vmem_shared>>, %arg12: memref<!tpu.dma_semaphore, #tpu.memory_space<semaphore_mem>>, %arg13: memref<!tpu.dma_semaphore, #tpu.memory_space<semaphore_mem>>) attributes {dimension_semantics = [#tpu.dimension_semantics<core_parallel>, #tpu.dimension_semantics<subcore_parallel>], iteration_bounds = array<i64: 2, 16>, scalar_prefetch = 0 : i64, scratch_operands = 7 : i64, tpu.core_type = #tpu.core_type<sc_vector_subcore>, window_params = [{transform_indices = #map}, {transform_indices = #map1}, {transform_indices = #map1}, {transform_indices = #map}, {transform_indices = #map2}]} {
    %mul3A = arith.constant 640 : i32
    %mul3A_0 = arith.muli %arg1, %mul3A : i32
    "tpu.region"() ({
      %run_scoped3A = tpu.sem_alloc : memref<!tpu.dma_semaphore, #tpu.memory_space<semaphore_mem>>
      %dma_start3A = arith.constant 0 : i32
      %dma_start3A_11 = arith.constant 0 : i32
      %dma_start3A_12 = tpu.memref_slice %arg9[%dma_start3A, %dma_start3A_11] : memref<128x128xf32, #tpu.memory_space<vmem>> -> memref<64x128xf32, #tpu.memory_space<vmem>>
      %dma_start3A_13 = arith.constant 0 : i32
      %dma_start3A_14 = arith.constant 0 : i32
      %dma_start3A_15 = tpu.memref_slice %arg9[%dma_start3A_13, %dma_start3A_14] : memref<128x128xf32, #tpu.memory_space<vmem>> -> memref<64x128xf32, #tpu.memory_space<vmem>>
      tpu.enqueue_dma source(%arg5 : memref<64x128xf32, #tpu.memory_space<hbm>>) target(%dma_start3A_15 : memref<64x128xf32, #tpu.memory_space<vmem>>) target_semaphore(%run_scoped3A : memref<!tpu.dma_semaphore, #tpu.memory_space<semaphore_mem>>)
      %dma_wait3A = arith.constant 0 : i32
      %dma_wait3A_16 = arith.constant 0 : i32
      %dma_wait3A_17 = tpu.memref_slice %arg9[%dma_wait3A, %dma_wait3A_16] : memref<128x128xf32, #tpu.memory_space<vmem>> -> memref<64x128xf32, #tpu.memory_space<vmem>>
      %dma_wait3A_18 = arith.constant 0 : i32
      %dma_wait3A_19 = arith.constant 0 : i32
      %dma_wait3A_20 = tpu.memref_slice %arg9[%dma_wait3A_18, %dma_wait3A_19] : memref<128x128xf32, #tpu.memory_space<vmem>> -> memref<64x128xf32, #tpu.memory_space<vmem>>
      tpu.wait_dma2 semaphore(%run_scoped3A : memref<!tpu.dma_semaphore, #tpu.memory_space<semaphore_mem>>) src(%arg5 : memref<64x128xf32, #tpu.memory_space<hbm>>) dst(%dma_wait3A_20 : memref<64x128xf32, #tpu.memory_space<vmem>>)
      tpu.yield
    }) : () -> ()
    %scan3A = arith.constant 0 : i32
    %scan3A_1 = arith.constant 10 : i32
    %scan3A_2 = arith.addi %scan3A, %scan3A_1 : i32
    %scan3A_3 = arith.constant 1 : i32
    scf.for %scan3A_11 = %scan3A to %scan3A_2 step %scan3A_3  : i32 {
      %mul3A_12 = arith.constant 1 : i32
      %mul3A_13 = arith.muli %scan3A_11, %mul3A_12 : i32
      %add3A = arith.constant 0 : i32
      %add3A_14 = arith.addi %add3A, %mul3A_13 : i32
      %mul3A_15 = arith.constant 64 : i32
      %mul3A_16 = arith.muli %add3A_14, %mul3A_15 : i32
      %add3A_17 = arith.addi %mul3A_0, %mul3A_16 : i32
      "tpu.region"() ({
        %run_scoped3A = tpu.sem_alloc : memref<!tpu.dma_semaphore, #tpu.memory_space<semaphore_mem>>
        %dma_start3A = arith.constant 0 : i32
        %dma_start3A_18 = arith.constant 0 : i32
        %dma_start3A_19 = tpu.memref_slice %arg9[%dma_start3A, %dma_start3A_18] : memref<128x128xf32, #tpu.memory_space<vmem>> -> memref<64x128xf32, #tpu.memory_space<vmem>>
        %dma_start3A_20 = arith.constant 0 : i32
        %dma_start3A_21 = tpu.memref_slice %arg11[%add3A_17, %dma_start3A_20] : memref<10240x128xf32, #tpu.memory_space<vmem_shared>> -> memref<64x128xf32, #tpu.memory_space<vmem_shared>>
        %dma_start3A_22 = arith.constant 0 : i32
        %dma_start3A_23 = tpu.memref_slice %arg11[%add3A_17, %dma_start3A_22] : memref<10240x128xf32, #tpu.memory_space<vmem_shared>> -> memref<64x128xf32, #tpu.memory_space<vmem_shared>>
        %dma_start3A_24 = arith.constant 0 : i32
        %dma_start3A_25 = arith.constant 0 : i32
        %dma_start3A_26 = tpu.memref_slice %arg9[%dma_start3A_24, %dma_start3A_25] : memref<128x128xf32, #tpu.memory_space<vmem>> -> memref<64x128xf32, #tpu.memory_space<vmem>>
        tpu.enqueue_dma source(%dma_start3A_26 : memref<64x128xf32, #tpu.memory_space<vmem>>) target(%dma_start3A_23 : memref<64x128xf32, #tpu.memory_space<vmem_shared>>) target_semaphore(%run_scoped3A : memref<!tpu.dma_semaphore, #tpu.memory_space<semaphore_mem>>)
        %dma_wait3A = arith.constant 0 : i32
        %dma_wait3A_27 = arith.constant 0 : i32
        %dma_wait3A_28 = tpu.memref_slice %arg9[%dma_wait3A, %dma_wait3A_27] : memref<128x128xf32, #tpu.memory_space<vmem>> -> memref<64x128xf32, #tpu.memory_space<vmem>>
        %dma_wait3A_29 = arith.constant 0 : i32
        %dma_wait3A_30 = tpu.memref_slice %arg11[%add3A_17, %dma_wait3A_29] : memref<10240x128xf32, #tpu.memory_space<vmem_shared>> -> memref<64x128xf32, #tpu.memory_space<vmem_shared>>
        %dma_wait3A_31 = arith.constant 0 : i32
        %dma_wait3A_32 = tpu.memref_slice %arg11[%add3A_17, %dma_wait3A_31] : memref<10240x128xf32, #tpu.memory_space<vmem_shared>> -> memref<64x128xf32, #tpu.memory_space<vmem_shared>>
        %dma_wait3A_33 = arith.constant 0 : i32
        %dma_wait3A_34 = arith.constant 0 : i32
        %dma_wait3A_35 = tpu.memref_slice %arg9[%dma_wait3A_33, %dma_wait3A_34] : memref<128x128xf32, #tpu.memory_space<vmem>> -> memref<64x128xf32, #tpu.memory_space<vmem>>
        tpu.wait_dma2 semaphore(%run_scoped3A : memref<!tpu.dma_semaphore, #tpu.memory_space<semaphore_mem>>) src(%dma_wait3A_35 : memref<64x128xf32, #tpu.memory_space<vmem>>) dst(%dma_wait3A_32 : memref<64x128xf32, #tpu.memory_space<vmem_shared>>)
        tpu.yield
      }) : () -> ()
    }
    %scan3A_4 = arith.constant 10 : i32
    %barrier3A = arith.constant 0 : index
    tpu.barrier barrier_id(%barrier3A)
    %scan3A_5 = arith.constant 0 : i32
    %scan3A_6 = arith.constant 2 : i32
    %scan3A_7 = arith.addi %scan3A_5, %scan3A_6 : i32
    %scan3A_8 = arith.constant 1 : i32
    scf.for %scan3A_11 = %scan3A_5 to %scan3A_7 step %scan3A_8  : i32 {
      %mul3A_12 = arith.constant 1 : i32
      %mul3A_13 = arith.muli %scan3A_11, %mul3A_12 : i32
      %add3A = arith.constant 0 : i32
      %add3A_14 = arith.addi %add3A, %mul3A_13 : i32
      %mul3A_15 = arith.constant 40 : i32
      %mul3A_16 = arith.muli %add3A_14, %mul3A_15 : i32
      "tpu.region"() ({
        %run_scoped3A_51 = tpu.sem_alloc : memref<!tpu.dma_semaphore, #tpu.memory_space<semaphore_mem>>
        %dma_start3A_52 = arith.constant 0 : i32
        %dma_start3A_53 = arith.constant 0 : i32
        %dma_start3A_54 = arith.constant 0 : i32
        %dma_start3A_55 = tpu.memref_slice %arg3[%arg0, %dma_start3A_52, %dma_start3A_53, %dma_start3A_54] : memref<2x16x80x128xi32, #tpu.memory_space<hbm>> -> memref<1x16x80x128xi32, #tpu.memory_space<hbm>>
        %dma_start3A_56 = tpu.memref_squeeze %dma_start3A_55 : memref<1x16x80x128xi32, #tpu.memory_space<hbm>> -> memref<16x80x128xi32, #tpu.memory_space<hbm>>
        %dma_start3A_57 = arith.constant 0 : i32
        %dma_start3A_58 = arith.constant 0 : i32
        %dma_start3A_59 = tpu.memref_slice %dma_start3A_56[%arg1, %dma_start3A_57, %dma_start3A_58] : memref<16x80x128xi32, #tpu.memory_space<hbm>> -> memref<1x80x128xi32, #tpu.memory_space<hbm>>
        %dma_start3A_60 = tpu.memref_squeeze %dma_start3A_59 : memref<1x80x128xi32, #tpu.memory_space<hbm>> -> memref<80x128xi32, #tpu.memory_space<hbm>>
        %dma_start3A_61 = arith.constant 0 : i32
        %dma_start3A_62 = tpu.memref_slice %dma_start3A_60[%mul3A_16, %dma_start3A_61] : memref<80x128xi32, #tpu.memory_space<hbm>> -> memref<40x128xi32, #tpu.memory_space<hbm>>
        %dma_start3A_63 = arith.constant 0 : i32
        %dma_start3A_64 = arith.constant 0 : i32
        %dma_start3A_65 = arith.constant 0 : i32
        %dma_start3A_66 = tpu.memref_slice %arg3[%arg0, %dma_start3A_63, %dma_start3A_64, %dma_start3A_65] : memref<2x16x80x128xi32, #tpu.memory_space<hbm>> -> memref<1x16x80x128xi32, #tpu.memory_space<hbm>>
        %dma_start3A_67 = tpu.memref_squeeze %dma_start3A_66 : memref<1x16x80x128xi32, #tpu.memory_space<hbm>> -> memref<16x80x128xi32, #tpu.memory_space<hbm>>
        %dma_start3A_68 = arith.constant 0 : i32
        %dma_start3A_69 = arith.constant 0 : i32
        %dma_start3A_70 = tpu.memref_slice %dma_start3A_67[%arg1, %dma_start3A_68, %dma_start3A_69] : memref<16x80x128xi32, #tpu.memory_space<hbm>> -> memref<1x80x128xi32, #tpu.memory_space<hbm>>
        %dma_start3A_71 = tpu.memref_squeeze %dma_start3A_70 : memref<1x80x128xi32, #tpu.memory_space<hbm>> -> memref<80x128xi32, #tpu.memory_space<hbm>>
        %dma_start3A_72 = arith.constant 0 : i32
        %dma_start3A_73 = tpu.memref_slice %dma_start3A_71[%mul3A_16, %dma_start3A_72] : memref<80x128xi32, #tpu.memory_space<hbm>> -> memref<40x128xi32, #tpu.memory_space<hbm>>
        tpu.enqueue_dma source(%dma_start3A_73 : memref<40x128xi32, #tpu.memory_space<hbm>>) target(%arg7 : memref<40x128xi32, #tpu.memory_space<vmem>>) target_semaphore(%run_scoped3A_51 : memref<!tpu.dma_semaphore, #tpu.memory_space<semaphore_mem>>)
        %dma_wait3A_74 = arith.constant 0 : i32
        %dma_wait3A_75 = arith.constant 0 : i32
        %dma_wait3A_76 = arith.constant 0 : i32
        %dma_wait3A_77 = tpu.memref_slice %arg3[%arg0, %dma_wait3A_74, %dma_wait3A_75, %dma_wait3A_76] : memref<2x16x80x128xi32, #tpu.memory_space<hbm>> -> memref<1x16x80x128xi32, #tpu.memory_space<hbm>>
        %dma_wait3A_78 = tpu.memref_squeeze %dma_wait3A_77 : memref<1x16x80x128xi32, #tpu.memory_space<hbm>> -> memref<16x80x128xi32, #tpu.memory_space<hbm>>
        %dma_wait3A_79 = arith.constant 0 : i32
        %dma_wait3A_80 = arith.constant 0 : i32
        %dma_wait3A_81 = tpu.memref_slice %dma_wait3A_78[%arg1, %dma_wait3A_79, %dma_wait3A_80] : memref<16x80x128xi32, #tpu.memory_space<hbm>> -> memref<1x80x128xi32, #tpu.memory_space<hbm>>
        %dma_wait3A_82 = tpu.memref_squeeze %dma_wait3A_81 : memref<1x80x128xi32, #tpu.memory_space<hbm>> -> memref<80x128xi32, #tpu.memory_space<hbm>>
        %dma_wait3A_83 = arith.constant 0 : i32
        %dma_wait3A_84 = tpu.memref_slice %dma_wait3A_82[%mul3A_16, %dma_wait3A_83] : memref<80x128xi32, #tpu.memory_space<hbm>> -> memref<40x128xi32, #tpu.memory_space<hbm>>
        %dma_wait3A_85 = arith.constant 0 : i32
        %dma_wait3A_86 = arith.constant 0 : i32
        %dma_wait3A_87 = arith.constant 0 : i32
        %dma_wait3A_88 = tpu.memref_slice %arg3[%arg0, %dma_wait3A_85, %dma_wait3A_86, %dma_wait3A_87] : memref<2x16x80x128xi32, #tpu.memory_space<hbm>> -> memref<1x16x80x128xi32, #tpu.memory_space<hbm>>
        %dma_wait3A_89 = tpu.memref_squeeze %dma_wait3A_88 : memref<1x16x80x128xi32, #tpu.memory_space<hbm>> -> memref<16x80x128xi32, #tpu.memory_space<hbm>>
        %dma_wait3A_90 = arith.constant 0 : i32
        %dma_wait3A_91 = arith.constant 0 : i32
        %dma_wait3A_92 = tpu.memref_slice %dma_wait3A_89[%arg1, %dma_wait3A_90, %dma_wait3A_91] : memref<16x80x128xi32, #tpu.memory_space<hbm>> -> memref<1x80x128xi32, #tpu.memory_space<hbm>>
        %dma_wait3A_93 = tpu.memref_squeeze %dma_wait3A_92 : memref<1x80x128xi32, #tpu.memory_space<hbm>> -> memref<80x128xi32, #tpu.memory_space<hbm>>
        %dma_wait3A_94 = arith.constant 0 : i32
        %dma_wait3A_95 = tpu.memref_slice %dma_wait3A_93[%mul3A_16, %dma_wait3A_94] : memref<80x128xi32, #tpu.memory_space<hbm>> -> memref<40x128xi32, #tpu.memory_space<hbm>>
        tpu.wait_dma2 semaphore(%run_scoped3A_51 : memref<!tpu.dma_semaphore, #tpu.memory_space<semaphore_mem>>) src(%dma_wait3A_95 : memref<40x128xi32, #tpu.memory_space<hbm>>) dst(%arg7 : memref<40x128xi32, #tpu.memory_space<vmem>>)
        tpu.yield
      }) : () -> ()
      %mul3A_17 = arith.constant 40 : i32
      %mul3A_18 = arith.muli %add3A_14, %mul3A_17 : i32
      "tpu.region"() ({
        %run_scoped3A_51 = tpu.sem_alloc : memref<!tpu.dma_semaphore, #tpu.memory_space<semaphore_mem>>
        %dma_start3A_52 = arith.constant 0 : i32
        %dma_start3A_53 = arith.constant 0 : i32
        %dma_start3A_54 = arith.constant 0 : i32
        %dma_start3A_55 = tpu.memref_slice %arg4[%arg0, %dma_start3A_52, %dma_start3A_53, %dma_start3A_54] : memref<2x16x80x128xi32, #tpu.memory_space<hbm>> -> memref<1x16x80x128xi32, #tpu.memory_space<hbm>>
        %dma_start3A_56 = tpu.memref_squeeze %dma_start3A_55 : memref<1x16x80x128xi32, #tpu.memory_space<hbm>> -> memref<16x80x128xi32, #tpu.memory_space<hbm>>
        %dma_start3A_57 = arith.constant 0 : i32
        %dma_start3A_58 = arith.constant 0 : i32
        %dma_start3A_59 = tpu.memref_slice %dma_start3A_56[%arg1, %dma_start3A_57, %dma_start3A_58] : memref<16x80x128xi32, #tpu.memory_space<hbm>> -> memref<1x80x128xi32, #tpu.memory_space<hbm>>
        %dma_start3A_60 = tpu.memref_squeeze %dma_start3A_59 : memref<1x80x128xi32, #tpu.memory_space<hbm>> -> memref<80x128xi32, #tpu.memory_space<hbm>>
        %dma_start3A_61 = arith.constant 0 : i32
        %dma_start3A_62 = tpu.memref_slice %dma_start3A_60[%mul3A_18, %dma_start3A_61] : memref<80x128xi32, #tpu.memory_space<hbm>> -> memref<40x128xi32, #tpu.memory_space<hbm>>
        %dma_start3A_63 = arith.constant 0 : i32
        %dma_start3A_64 = arith.constant 0 : i32
        %dma_start3A_65 = arith.constant 0 : i32
        %dma_start3A_66 = tpu.memref_slice %arg4[%arg0, %dma_start3A_63, %dma_start3A_64, %dma_start3A_65] : memref<2x16x80x128xi32, #tpu.memory_space<hbm>> -> memref<1x16x80x128xi32, #tpu.memory_space<hbm>>
        %dma_start3A_67 = tpu.memref_squeeze %dma_start3A_66 : memref<1x16x80x128xi32, #tpu.memory_space<hbm>> -> memref<16x80x128xi32, #tpu.memory_space<hbm>>
        %dma_start3A_68 = arith.constant 0 : i32
        %dma_start3A_69 = arith.constant 0 : i32
        %dma_start3A_70 = tpu.memref_slice %dma_start3A_67[%arg1, %dma_start3A_68, %dma_start3A_69] : memref<16x80x128xi32, #tpu.memory_space<hbm>> -> memref<1x80x128xi32, #tpu.memory_space<hbm>>
        %dma_start3A_71 = tpu.memref_squeeze %dma_start3A_70 : memref<1x80x128xi32, #tpu.memory_space<hbm>> -> memref<80x128xi32, #tpu.memory_space<hbm>>
        %dma_start3A_72 = arith.constant 0 : i32
        %dma_start3A_73 = tpu.memref_slice %dma_start3A_71[%mul3A_18, %dma_start3A_72] : memref<80x128xi32, #tpu.memory_space<hbm>> -> memref<40x128xi32, #tpu.memory_space<hbm>>
        tpu.enqueue_dma source(%dma_start3A_73 : memref<40x128xi32, #tpu.memory_space<hbm>>) target(%arg8 : memref<40x128xi32, #tpu.memory_space<vmem>>) target_semaphore(%run_scoped3A_51 : memref<!tpu.dma_semaphore, #tpu.memory_space<semaphore_mem>>)
        %dma_wait3A_74 = arith.constant 0 : i32
        %dma_wait3A_75 = arith.constant 0 : i32
        %dma_wait3A_76 = arith.constant 0 : i32
        %dma_wait3A_77 = tpu.memref_slice %arg4[%arg0, %dma_wait3A_74, %dma_wait3A_75, %dma_wait3A_76] : memref<2x16x80x128xi32, #tpu.memory_space<hbm>> -> memref<1x16x80x128xi32, #tpu.memory_space<hbm>>
        %dma_wait3A_78 = tpu.memref_squeeze %dma_wait3A_77 : memref<1x16x80x128xi32, #tpu.memory_space<hbm>> -> memref<16x80x128xi32, #tpu.memory_space<hbm>>
        %dma_wait3A_79 = arith.constant 0 : i32
        %dma_wait3A_80 = arith.constant 0 : i32
        %dma_wait3A_81 = tpu.memref_slice %dma_wait3A_78[%arg1, %dma_wait3A_79, %dma_wait3A_80] : memref<16x80x128xi32, #tpu.memory_space<hbm>> -> memref<1x80x128xi32, #tpu.memory_space<hbm>>
        %dma_wait3A_82 = tpu.memref_squeeze %dma_wait3A_81 : memref<1x80x128xi32, #tpu.memory_space<hbm>> -> memref<80x128xi32, #tpu.memory_space<hbm>>
        %dma_wait3A_83 = arith.constant 0 : i32
        %dma_wait3A_84 = tpu.memref_slice %dma_wait3A_82[%mul3A_18, %dma_wait3A_83] : memref<80x128xi32, #tpu.memory_space<hbm>> -> memref<40x128xi32, #tpu.memory_space<hbm>>
        %dma_wait3A_85 = arith.constant 0 : i32
        %dma_wait3A_86 = arith.constant 0 : i32
        %dma_wait3A_87 = arith.constant 0 : i32
        %dma_wait3A_88 = tpu.memref_slice %arg4[%arg0, %dma_wait3A_85, %dma_wait3A_86, %dma_wait3A_87] : memref<2x16x80x128xi32, #tpu.memory_space<hbm>> -> memref<1x16x80x128xi32, #tpu.memory_space<hbm>>
        %dma_wait3A_89 = tpu.memref_squeeze %dma_wait3A_88 : memref<1x16x80x128xi32, #tpu.memory_space<hbm>> -> memref<16x80x128xi32, #tpu.memory_space<hbm>>
        %dma_wait3A_90 = arith.constant 0 : i32
        %dma_wait3A_91 = arith.constant 0 : i32
        %dma_wait3A_92 = tpu.memref_slice %dma_wait3A_89[%arg1, %dma_wait3A_90, %dma_wait3A_91] : memref<16x80x128xi32, #tpu.memory_space<hbm>> -> memref<1x80x128xi32, #tpu.memory_space<hbm>>
        %dma_wait3A_93 = tpu.memref_squeeze %dma_wait3A_92 : memref<1x80x128xi32, #tpu.memory_space<hbm>> -> memref<80x128xi32, #tpu.memory_space<hbm>>
        %dma_wait3A_94 = arith.constant 0 : i32
        %dma_wait3A_95 = tpu.memref_slice %dma_wait3A_93[%mul3A_18, %dma_wait3A_94] : memref<80x128xi32, #tpu.memory_space<hbm>> -> memref<40x128xi32, #tpu.memory_space<hbm>>
        tpu.wait_dma2 semaphore(%run_scoped3A_51 : memref<!tpu.dma_semaphore, #tpu.memory_space<semaphore_mem>>) src(%dma_wait3A_95 : memref<40x128xi32, #tpu.memory_space<hbm>>) dst(%arg8 : memref<40x128xi32, #tpu.memory_space<vmem>>)
        tpu.yield
      }) : () -> ()
      %dma_start3A = arith.constant 0 : i32
      %dma_start3A_19 = arith.constant 0 : i32
      %dma_start3A_20 = tpu.memref_slice %arg7[%dma_start3A, %dma_start3A_19] : memref<40x128xi32, #tpu.memory_space<vmem>> -> memref<1x128xi32, #tpu.memory_space<vmem>>
      %dma_start3A_21 = tpu.memref_squeeze %dma_start3A_20 : memref<1x128xi32, #tpu.memory_space<vmem>> -> memref<128xi32, #tpu.memory_space<vmem>>
      %dma_start3A_22 = arith.constant 0 : i32
      %dma_start3A_23 = arith.constant 0 : i32
      %dma_start3A_24 = tpu.memref_slice %arg2[%dma_start3A_22, %dma_start3A_23] : memref<10000x128xf32, #tpu.memory_space<hbm>> -> memref<10000x128xf32, #tpu.memory_space<hbm>>
      tpu.enqueue_indirect_dma source(%dma_start3A_24 : memref<10000x128xf32, #tpu.memory_space<hbm>>) target(%arg9 : memref<128x128xf32, #tpu.memory_space<vmem>>) offsets(%dma_start3A_21 : memref<128xi32, #tpu.memory_space<vmem>>) semaphore(%arg12 : memref<!tpu.dma_semaphore, #tpu.memory_space<semaphore_mem>>)
      %dma_start3A_25 = arith.constant 1 : i32
      %dma_start3A_26 = arith.constant 0 : i32
      %dma_start3A_27 = tpu.memref_slice %arg7[%dma_start3A_25, %dma_start3A_26] : memref<40x128xi32, #tpu.memory_space<vmem>> -> memref<1x128xi32, #tpu.memory_space<vmem>>
      %dma_start3A_28 = tpu.memref_squeeze %dma_start3A_27 : memref<1x128xi32, #tpu.memory_space<vmem>> -> memref<128xi32, #tpu.memory_space<vmem>>
      %dma_start3A_29 = arith.constant 0 : i32
      %dma_start3A_30 = arith.constant 0 : i32
      %dma_start3A_31 = tpu.memref_slice %arg2[%dma_start3A_29, %dma_start3A_30] : memref<10000x128xf32, #tpu.memory_space<hbm>> -> memref<10000x128xf32, #tpu.memory_space<hbm>>
      tpu.enqueue_indirect_dma source(%dma_start3A_31 : memref<10000x128xf32, #tpu.memory_space<hbm>>) target(%arg10 : memref<128x128xf32, #tpu.memory_space<vmem>>) offsets(%dma_start3A_28 : memref<128xi32, #tpu.memory_space<vmem>>) semaphore(%arg13 : memref<!tpu.dma_semaphore, #tpu.memory_space<semaphore_mem>>)
      %scan3A_32 = arith.constant 0 : i32
      %scan3A_33 = arith.constant 19 : i32
      %scan3A_34 = arith.addi %scan3A_32, %scan3A_33 : i32
      %scan3A_35 = arith.constant 1 : i32
      scf.for %scan3A_51 = %scan3A_32 to %scan3A_34 step %scan3A_35  : i32 {
        %mul3A_52 = arith.constant 2 : i32
        %mul3A_53 = arith.muli %scan3A_51, %mul3A_52 : i32
        %add3A_54 = arith.constant 0 : i32
        %add3A_55 = arith.addi %add3A_54, %mul3A_53 : i32
        %add3A_56 = arith.constant 0 : i32
        %add3A_57 = arith.addi %add3A_55, %add3A_56 : i32
        %dma_wait3A_58 = arith.constant 0 : i32
        %dma_wait3A_59 = tpu.memref_slice %arg7[%add3A_57, %dma_wait3A_58] : memref<40x128xi32, #tpu.memory_space<vmem>> -> memref<1x128xi32, #tpu.memory_space<vmem>>
        %dma_wait3A_60 = tpu.memref_squeeze %dma_wait3A_59 : memref<1x128xi32, #tpu.memory_space<vmem>> -> memref<128xi32, #tpu.memory_space<vmem>>
        %dma_wait3A_61 = arith.constant 0 : i32
        %dma_wait3A_62 = arith.constant 0 : i32
        %dma_wait3A_63 = tpu.memref_slice %arg2[%dma_wait3A_61, %dma_wait3A_62] : memref<10000x128xf32, #tpu.memory_space<hbm>> -> memref<10000x128xf32, #tpu.memory_space<hbm>>
        tpu.wait_indirect_dma semaphore(%arg12 : memref<!tpu.dma_semaphore, #tpu.memory_space<semaphore_mem>>) src(%dma_wait3A_63 : memref<10000x128xf32, #tpu.memory_space<hbm>>) dst(%arg9 : memref<128x128xf32, #tpu.memory_space<vmem>>)
        %add3A_64 = arith.constant 0 : i32
        %add3A_65 = arith.addi %add3A_55, %add3A_64 : i32
        "tpu.region"() ({
          %run_scoped3A_96 = tpu.sem_alloc : memref<!tpu.dma_semaphore, #tpu.memory_space<semaphore_mem>>
          %dma_start3A_97 = arith.constant 0 : i32
          %dma_start3A_98 = tpu.memref_slice %arg8[%add3A_65, %dma_start3A_97] : memref<40x128xi32, #tpu.memory_space<vmem>> -> memref<1x128xi32, #tpu.memory_space<vmem>>
          %dma_start3A_99 = tpu.memref_squeeze %dma_start3A_98 : memref<1x128xi32, #tpu.memory_space<vmem>> -> memref<128xi32, #tpu.memory_space<vmem>>
          %dma_start3A_100 = arith.constant 0 : i32
          %dma_start3A_101 = arith.constant 0 : i32
          %dma_start3A_102 = tpu.memref_slice %arg11[%dma_start3A_100, %dma_start3A_101] : memref<10240x128xf32, #tpu.memory_space<vmem_shared>> -> memref<10240x128xf32, #tpu.memory_space<vmem_shared>>
          tpu.enqueue_indirect_dma source(%arg9 : memref<128x128xf32, #tpu.memory_space<vmem>>) target(%dma_start3A_102 : memref<10240x128xf32, #tpu.memory_space<vmem_shared>>) offsets(%dma_start3A_99 : memref<128xi32, #tpu.memory_space<vmem>>) semaphore(%run_scoped3A_96 : memref<!tpu.dma_semaphore, #tpu.memory_space<semaphore_mem>>) {add = true}
          %dma_wait3A_103 = arith.constant 0 : i32
          %dma_wait3A_104 = tpu.memref_slice %arg8[%add3A_65, %dma_wait3A_103] : memref<40x128xi32, #tpu.memory_space<vmem>> -> memref<1x128xi32, #tpu.memory_space<vmem>>
          %dma_wait3A_105 = tpu.memref_squeeze %dma_wait3A_104 : memref<1x128xi32, #tpu.memory_space<vmem>> -> memref<128xi32, #tpu.memory_space<vmem>>
          %dma_wait3A_106 = arith.constant 0 : i32
          %dma_wait3A_107 = arith.constant 0 : i32
          %dma_wait3A_108 = tpu.memref_slice %arg11[%dma_wait3A_106, %dma_wait3A_107] : memref<10240x128xf32, #tpu.memory_space<vmem_shared>> -> memref<10240x128xf32, #tpu.memory_space<vmem_shared>>
          tpu.wait_indirect_dma semaphore(%run_scoped3A_96 : memref<!tpu.dma_semaphore, #tpu.memory_space<semaphore_mem>>) src(%arg9 : memref<128x128xf32, #tpu.memory_space<vmem>>) dst(%dma_wait3A_108 : memref<10240x128xf32, #tpu.memory_space<vmem_shared>>)
          tpu.yield
        }) : () -> ()
        %add3A_66 = arith.constant 0 : i32
        %add3A_67 = arith.addi %add3A_55, %add3A_66 : i32
        %add3A_68 = arith.constant 2 : i32
        %add3A_69 = arith.addi %add3A_67, %add3A_68 : i32
        %dma_start3A_70 = arith.constant 0 : i32
        %dma_start3A_71 = tpu.memref_slice %arg7[%add3A_69, %dma_start3A_70] : memref<40x128xi32, #tpu.memory_space<vmem>> -> memref<1x128xi32, #tpu.memory_space<vmem>>
        %dma_start3A_72 = tpu.memref_squeeze %dma_start3A_71 : memref<1x128xi32, #tpu.memory_space<vmem>> -> memref<128xi32, #tpu.memory_space<vmem>>
        %dma_start3A_73 = arith.constant 0 : i32
        %dma_start3A_74 = arith.constant 0 : i32
        %dma_start3A_75 = tpu.memref_slice %arg2[%dma_start3A_73, %dma_start3A_74] : memref<10000x128xf32, #tpu.memory_space<hbm>> -> memref<10000x128xf32, #tpu.memory_space<hbm>>
        tpu.enqueue_indirect_dma source(%dma_start3A_75 : memref<10000x128xf32, #tpu.memory_space<hbm>>) target(%arg9 : memref<128x128xf32, #tpu.memory_space<vmem>>) offsets(%dma_start3A_72 : memref<128xi32, #tpu.memory_space<vmem>>) semaphore(%arg12 : memref<!tpu.dma_semaphore, #tpu.memory_space<semaphore_mem>>)
        %add3A_76 = arith.constant 1 : i32
        %add3A_77 = arith.addi %add3A_55, %add3A_76 : i32
        %dma_wait3A_78 = arith.constant 0 : i32
        %dma_wait3A_79 = tpu.memref_slice %arg7[%add3A_77, %dma_wait3A_78] : memref<40x128xi32, #tpu.memory_space<vmem>> -> memref<1x128xi32, #tpu.memory_space<vmem>>
        %dma_wait3A_80 = tpu.memref_squeeze %dma_wait3A_79 : memref<1x128xi32, #tpu.memory_space<vmem>> -> memref<128xi32, #tpu.memory_space<vmem>>
        %dma_wait3A_81 = arith.constant 0 : i32
        %dma_wait3A_82 = arith.constant 0 : i32
        %dma_wait3A_83 = tpu.memref_slice %arg2[%dma_wait3A_81, %dma_wait3A_82] : memref<10000x128xf32, #tpu.memory_space<hbm>> -> memref<10000x128xf32, #tpu.memory_space<hbm>>
        tpu.wait_indirect_dma semaphore(%arg13 : memref<!tpu.dma_semaphore, #tpu.memory_space<semaphore_mem>>) src(%dma_wait3A_83 : memref<10000x128xf32, #tpu.memory_space<hbm>>) dst(%arg10 : memref<128x128xf32, #tpu.memory_space<vmem>>)
        %add3A_84 = arith.constant 1 : i32
        %add3A_85 = arith.addi %add3A_55, %add3A_84 : i32
        "tpu.region"() ({
          %run_scoped3A_96 = tpu.sem_alloc : memref<!tpu.dma_semaphore, #tpu.memory_space<semaphore_mem>>
          %dma_start3A_97 = arith.constant 0 : i32
          %dma_start3A_98 = tpu.memref_slice %arg8[%add3A_85, %dma_start3A_97] : memref<40x128xi32, #tpu.memory_space<vmem>> -> memref<1x128xi32, #tpu.memory_space<vmem>>
          %dma_start3A_99 = tpu.memref_squeeze %dma_start3A_98 : memref<1x128xi32, #tpu.memory_space<vmem>> -> memref<128xi32, #tpu.memory_space<vmem>>
          %dma_start3A_100 = arith.constant 0 : i32
          %dma_start3A_101 = arith.constant 0 : i32
          %dma_start3A_102 = tpu.memref_slice %arg11[%dma_start3A_100, %dma_start3A_101] : memref<10240x128xf32, #tpu.memory_space<vmem_shared>> -> memref<10240x128xf32, #tpu.memory_space<vmem_shared>>
          tpu.enqueue_indirect_dma source(%arg10 : memref<128x128xf32, #tpu.memory_space<vmem>>) target(%dma_start3A_102 : memref<10240x128xf32, #tpu.memory_space<vmem_shared>>) offsets(%dma_start3A_99 : memref<128xi32, #tpu.memory_space<vmem>>) semaphore(%run_scoped3A_96 : memref<!tpu.dma_semaphore, #tpu.memory_space<semaphore_mem>>) {add = true}
          %dma_wait3A_103 = arith.constant 0 : i32
          %dma_wait3A_104 = tpu.memref_slice %arg8[%add3A_85, %dma_wait3A_103] : memref<40x128xi32, #tpu.memory_space<vmem>> -> memref<1x128xi32, #tpu.memory_space<vmem>>
          %dma_wait3A_105 = tpu.memref_squeeze %dma_wait3A_104 : memref<1x128xi32, #tpu.memory_space<vmem>> -> memref<128xi32, #tpu.memory_space<vmem>>
          %dma_wait3A_106 = arith.constant 0 : i32
          %dma_wait3A_107 = arith.constant 0 : i32
          %dma_wait3A_108 = tpu.memref_slice %arg11[%dma_wait3A_106, %dma_wait3A_107] : memref<10240x128xf32, #tpu.memory_space<vmem_shared>> -> memref<10240x128xf32, #tpu.memory_space<vmem_shared>>
          tpu.wait_indirect_dma semaphore(%run_scoped3A_96 : memref<!tpu.dma_semaphore, #tpu.memory_space<semaphore_mem>>) src(%arg10 : memref<128x128xf32, #tpu.memory_space<vmem>>) dst(%dma_wait3A_108 : memref<10240x128xf32, #tpu.memory_space<vmem_shared>>)
          tpu.yield
        }) : () -> ()
        %add3A_86 = arith.constant 1 : i32
        %add3A_87 = arith.addi %add3A_55, %add3A_86 : i32
        %add3A_88 = arith.constant 2 : i32
        %add3A_89 = arith.addi %add3A_87, %add3A_88 : i32
        %dma_start3A_90 = arith.constant 0 : i32
        %dma_start3A_91 = tpu.memref_slice %arg7[%add3A_89, %dma_start3A_90] : memref<40x128xi32, #tpu.memory_space<vmem>> -> memref<1x128xi32, #tpu.memory_space<vmem>>
        %dma_start3A_92 = tpu.memref_squeeze %dma_start3A_91 : memref<1x128xi32, #tpu.memory_space<vmem>> -> memref<128xi32, #tpu.memory_space<vmem>>
        %dma_start3A_93 = arith.constant 0 : i32
        %dma_start3A_94 = arith.constant 0 : i32
        %dma_start3A_95 = tpu.memref_slice %arg2[%dma_start3A_93, %dma_start3A_94] : memref<10000x128xf32, #tpu.memory_space<hbm>> -> memref<10000x128xf32, #tpu.memory_space<hbm>>
        tpu.enqueue_indirect_dma source(%dma_start3A_95 : memref<10000x128xf32, #tpu.memory_space<hbm>>) target(%arg10 : memref<128x128xf32, #tpu.memory_space<vmem>>) offsets(%dma_start3A_92 : memref<128xi32, #tpu.memory_space<vmem>>) semaphore(%arg13 : memref<!tpu.dma_semaphore, #tpu.memory_space<semaphore_mem>>)
      }
      %scan3A_36 = arith.constant 19 : i32
      %dma_wait3A = arith.constant 38 : i32
      %dma_wait3A_37 = arith.constant 0 : i32
      %dma_wait3A_38 = tpu.memref_slice %arg7[%dma_wait3A, %dma_wait3A_37] : memref<40x128xi32, #tpu.memory_space<vmem>> -> memref<1x128xi32, #tpu.memory_space<vmem>>
      %dma_wait3A_39 = tpu.memref_squeeze %dma_wait3A_38 : memref<1x128xi32, #tpu.memory_space<vmem>> -> memref<128xi32, #tpu.memory_space<vmem>>
      %dma_wait3A_40 = arith.constant 0 : i32
      %dma_wait3A_41 = arith.constant 0 : i32
      %dma_wait3A_42 = tpu.memref_slice %arg2[%dma_wait3A_40, %dma_wait3A_41] : memref<10000x128xf32, #tpu.memory_space<hbm>> -> memref<10000x128xf32, #tpu.memory_space<hbm>>
      tpu.wait_indirect_dma semaphore(%arg12 : memref<!tpu.dma_semaphore, #tpu.memory_space<semaphore_mem>>) src(%dma_wait3A_42 : memref<10000x128xf32, #tpu.memory_space<hbm>>) dst(%arg9 : memref<128x128xf32, #tpu.memory_space<vmem>>)
      %run_scoped3A = arith.constant 38 : i32
      "tpu.region"() ({
        %run_scoped3A_51 = tpu.sem_alloc : memref<!tpu.dma_semaphore, #tpu.memory_space<semaphore_mem>>
        %dma_start3A_52 = arith.constant 0 : i32
        %dma_start3A_53 = tpu.memref_slice %arg8[%run_scoped3A, %dma_start3A_52] : memref<40x128xi32, #tpu.memory_space<vmem>> -> memref<1x128xi32, #tpu.memory_space<vmem>>
        %dma_start3A_54 = tpu.memref_squeeze %dma_start3A_53 : memref<1x128xi32, #tpu.memory_space<vmem>> -> memref<128xi32, #tpu.memory_space<vmem>>
        %dma_start3A_55 = arith.constant 0 : i32
        %dma_start3A_56 = arith.constant 0 : i32
        %dma_start3A_57 = tpu.memref_slice %arg11[%dma_start3A_55, %dma_start3A_56] : memref<10240x128xf32, #tpu.memory_space<vmem_shared>> -> memref<10240x128xf32, #tpu.memory_space<vmem_shared>>
        tpu.enqueue_indirect_dma source(%arg9 : memref<128x128xf32, #tpu.memory_space<vmem>>) target(%dma_start3A_57 : memref<10240x128xf32, #tpu.memory_space<vmem_shared>>) offsets(%dma_start3A_54 : memref<128xi32, #tpu.memory_space<vmem>>) semaphore(%run_scoped3A_51 : memref<!tpu.dma_semaphore, #tpu.memory_space<semaphore_mem>>) {add = true}
        %dma_wait3A_58 = arith.constant 0 : i32
        %dma_wait3A_59 = tpu.memref_slice %arg8[%run_scoped3A, %dma_wait3A_58] : memref<40x128xi32, #tpu.memory_space<vmem>> -> memref<1x128xi32, #tpu.memory_space<vmem>>
        %dma_wait3A_60 = tpu.memref_squeeze %dma_wait3A_59 : memref<1x128xi32, #tpu.memory_space<vmem>> -> memref<128xi32, #tpu.memory_space<vmem>>
        %dma_wait3A_61 = arith.constant 0 : i32
        %dma_wait3A_62 = arith.constant 0 : i32
        %dma_wait3A_63 = tpu.memref_slice %arg11[%dma_wait3A_61, %dma_wait3A_62] : memref<10240x128xf32, #tpu.memory_space<vmem_shared>> -> memref<10240x128xf32, #tpu.memory_space<vmem_shared>>
        tpu.wait_indirect_dma semaphore(%run_scoped3A_51 : memref<!tpu.dma_semaphore, #tpu.memory_space<semaphore_mem>>) src(%arg9 : memref<128x128xf32, #tpu.memory_space<vmem>>) dst(%dma_wait3A_63 : memref<10240x128xf32, #tpu.memory_space<vmem_shared>>)
        tpu.yield
      }) : () -> ()
      %dma_wait3A_43 = arith.constant 39 : i32
      %dma_wait3A_44 = arith.constant 0 : i32
      %dma_wait3A_45 = tpu.memref_slice %arg7[%dma_wait3A_43, %dma_wait3A_44] : memref<40x128xi32, #tpu.memory_space<vmem>> -> memref<1x128xi32, #tpu.memory_space<vmem>>
      %dma_wait3A_46 = tpu.memref_squeeze %dma_wait3A_45 : memref<1x128xi32, #tpu.memory_space<vmem>> -> memref<128xi32, #tpu.memory_space<vmem>>
      %dma_wait3A_47 = arith.constant 0 : i32
      %dma_wait3A_48 = arith.constant 0 : i32
      %dma_wait3A_49 = tpu.memref_slice %arg2[%dma_wait3A_47, %dma_wait3A_48] : memref<10000x128xf32, #tpu.memory_space<hbm>> -> memref<10000x128xf32, #tpu.memory_space<hbm>>
      tpu.wait_indirect_dma semaphore(%arg13 : memref<!tpu.dma_semaphore, #tpu.memory_space<semaphore_mem>>) src(%dma_wait3A_49 : memref<10000x128xf32, #tpu.memory_space<hbm>>) dst(%arg10 : memref<128x128xf32, #tpu.memory_space<vmem>>)
      %run_scoped3A_50 = arith.constant 39 : i32
      "tpu.region"() ({
        %run_scoped3A_51 = tpu.sem_alloc : memref<!tpu.dma_semaphore, #tpu.memory_space<semaphore_mem>>
        %dma_start3A_52 = arith.constant 0 : i32
        %dma_start3A_53 = tpu.memref_slice %arg8[%run_scoped3A_50, %dma_start3A_52] : memref<40x128xi32, #tpu.memory_space<vmem>> -> memref<1x128xi32, #tpu.memory_space<vmem>>
        %dma_start3A_54 = tpu.memref_squeeze %dma_start3A_53 : memref<1x128xi32, #tpu.memory_space<vmem>> -> memref<128xi32, #tpu.memory_space<vmem>>
        %dma_start3A_55 = arith.constant 0 : i32
        %dma_start3A_56 = arith.constant 0 : i32
        %dma_start3A_57 = tpu.memref_slice %arg11[%dma_start3A_55, %dma_start3A_56] : memref<10240x128xf32, #tpu.memory_space<vmem_shared>> -> memref<10240x128xf32, #tpu.memory_space<vmem_shared>>
        tpu.enqueue_indirect_dma source(%arg10 : memref<128x128xf32, #tpu.memory_space<vmem>>) target(%dma_start3A_57 : memref<10240x128xf32, #tpu.memory_space<vmem_shared>>) offsets(%dma_start3A_54 : memref<128xi32, #tpu.memory_space<vmem>>) semaphore(%run_scoped3A_51 : memref<!tpu.dma_semaphore, #tpu.memory_space<semaphore_mem>>) {add = true}
        %dma_wait3A_58 = arith.constant 0 : i32
        %dma_wait3A_59 = tpu.memref_slice %arg8[%run_scoped3A_50, %dma_wait3A_58] : memref<40x128xi32, #tpu.memory_space<vmem>> -> memref<1x128xi32, #tpu.memory_space<vmem>>
        %dma_wait3A_60 = tpu.memref_squeeze %dma_wait3A_59 : memref<1x128xi32, #tpu.memory_space<vmem>> -> memref<128xi32, #tpu.memory_space<vmem>>
        %dma_wait3A_61 = arith.constant 0 : i32
        %dma_wait3A_62 = arith.constant 0 : i32
        %dma_wait3A_63 = tpu.memref_slice %arg11[%dma_wait3A_61, %dma_wait3A_62] : memref<10240x128xf32, #tpu.memory_space<vmem_shared>> -> memref<10240x128xf32, #tpu.memory_space<vmem_shared>>
        tpu.wait_indirect_dma semaphore(%run_scoped3A_51 : memref<!tpu.dma_semaphore, #tpu.memory_space<semaphore_mem>>) src(%arg10 : memref<128x128xf32, #tpu.memory_space<vmem>>) dst(%dma_wait3A_63 : memref<10240x128xf32, #tpu.memory_space<vmem_shared>>)
        tpu.yield
      }) : () -> ()
    }
    %scan3A_9 = arith.constant 2 : i32
    %barrier3A_10 = arith.constant 0 : index
    tpu.barrier barrier_id(%barrier3A_10)
    "tpu.region"() ({
      %run_scoped3A = tpu.sem_alloc : memref<!tpu.dma_semaphore, #tpu.memory_space<semaphore_mem>>
      %dma_start3A = arith.constant 0 : i32
      %dma_start3A_11 = arith.constant 0 : i32
      %dma_start3A_12 = tpu.memref_slice %arg6[%arg0, %dma_start3A, %dma_start3A_11] : memref<2x10240x128xf32, #tpu.memory_space<hbm>> -> memref<1x10240x128xf32, #tpu.memory_space<hbm>>
      %dma_start3A_13 = tpu.memref_squeeze %dma_start3A_12 : memref<1x10240x128xf32, #tpu.memory_space<hbm>> -> memref<10240x128xf32, #tpu.memory_space<hbm>>
      %dma_start3A_14 = arith.constant 0 : i32
      %dma_start3A_15 = tpu.memref_slice %dma_start3A_13[%mul3A_0, %dma_start3A_14] : memref<10240x128xf32, #tpu.memory_space<hbm>> -> memref<640x128xf32, #tpu.memory_space<hbm>>
      %dma_start3A_16 = arith.constant 0 : i32
      %dma_start3A_17 = tpu.memref_slice %arg11[%mul3A_0, %dma_start3A_16] : memref<10240x128xf32, #tpu.memory_space<vmem_shared>> -> memref<640x128xf32, #tpu.memory_space<vmem_shared>>
      tpu.enqueue_dma source(%dma_start3A_17 : memref<640x128xf32, #tpu.memory_space<vmem_shared>>) target(%dma_start3A_15 : memref<640x128xf32, #tpu.memory_space<hbm>>) target_semaphore(%run_scoped3A : memref<!tpu.dma_semaphore, #tpu.memory_space<semaphore_mem>>)
      %dma_wait3A = arith.constant 0 : i32
      %dma_wait3A_18 = arith.constant 0 : i32
      %dma_wait3A_19 = tpu.memref_slice %arg6[%arg0, %dma_wait3A, %dma_wait3A_18] : memref<2x10240x128xf32, #tpu.memory_space<hbm>> -> memref<1x10240x128xf32, #tpu.memory_space<hbm>>
      %dma_wait3A_20 = tpu.memref_squeeze %dma_wait3A_19 : memref<1x10240x128xf32, #tpu.memory_space<hbm>> -> memref<10240x128xf32, #tpu.memory_space<hbm>>
      %dma_wait3A_21 = arith.constant 0 : i32
      %dma_wait3A_22 = tpu.memref_slice %dma_wait3A_20[%mul3A_0, %dma_wait3A_21] : memref<10240x128xf32, #tpu.memory_space<hbm>> -> memref<640x128xf32, #tpu.memory_space<hbm>>
      %dma_wait3A_23 = arith.constant 0 : i32
      %dma_wait3A_24 = tpu.memref_slice %arg11[%mul3A_0, %dma_wait3A_23] : memref<10240x128xf32, #tpu.memory_space<vmem_shared>> -> memref<640x128xf32, #tpu.memory_space<vmem_shared>>
      tpu.wait_dma2 semaphore(%run_scoped3A : memref<!tpu.dma_semaphore, #tpu.memory_space<semaphore_mem>>) src(%dma_wait3A_24 : memref<640x128xf32, #tpu.memory_space<vmem_shared>>) dst(%dma_wait3A_22 : memref<640x128xf32, #tpu.memory_space<hbm>>)
      tpu.yield
    }) : () -> ()
    return
  }
}

#map = affine_map<(d0, d1) -> (0, 0)>
#map1 = affine_map<(d0, d1) -> (0, 0, 0, 0)>
#map2 = affine_map<(d0, d1) -> (0, 0, 0)>
module attributes {stable_mosaic.version = 14 : i64} {
  func.func @_sc_agg_body(%arg0: i32, %arg1: i32, %arg2: memref<10000x128xf32, #tpu.memory_space<hbm>>, %arg3: memref<2x16x80x128xi32, #tpu.memory_space<hbm>>, %arg4: memref<2x16x80x128xi32, #tpu.memory_space<hbm>>, %arg5: memref<64x128xf32, #tpu.memory_space<hbm>>, %arg6: memref<2x10240x128xf32, #tpu.memory_space<hbm>>, %arg7: memref<40x128xi32, #tpu.memory_space<vmem>>, %arg8: memref<40x128xi32, #tpu.memory_space<vmem>>, %arg9: memref<128x128xf32, #tpu.memory_space<vmem>>, %arg10: memref<128x128xf32, #tpu.memory_space<vmem>>, %arg11: memref<10240x128xf32, #tpu.memory_space<vmem_shared>>, %arg12: memref<!tpu.dma_semaphore, #tpu.memory_space<semaphore_mem>>, %arg13: memref<!tpu.dma_semaphore, #tpu.memory_space<semaphore_mem>>) attributes {dimension_semantics = [#tpu.dimension_semantics<core_parallel>, #tpu.dimension_semantics<subcore_parallel>], iteration_bounds = array<i64: 2, 16>, scalar_prefetch = 0 : i64, scratch_operands = 7 : i64, tpu.core_type = #tpu.core_type<sc_vector_subcore>, window_params = [{transform_indices = #map}, {transform_indices = #map1}, {transform_indices = #map1}, {transform_indices = #map}, {transform_indices = #map2}]} {
    %mul3A = arith.constant 640 : i32
    %mul3A_0 = arith.muli %arg1, %mul3A : i32
    "tpu.region"() ({
      %run_scoped3A = tpu.sem_alloc : memref<!tpu.dma_semaphore, #tpu.memory_space<semaphore_mem>>
      %dma_start3A = arith.constant 0 : i32
      %dma_start3A_11 = arith.constant 0 : i32
      %dma_start3A_12 = tpu.memref_slice %arg9[%dma_start3A, %dma_start3A_11] : memref<128x128xf32, #tpu.memory_space<vmem>> -> memref<64x128xf32, #tpu.memory_space<vmem>>
      %dma_start3A_13 = arith.constant 0 : i32
      %dma_start3A_14 = arith.constant 0 : i32
      %dma_start3A_15 = tpu.memref_slice %arg9[%dma_start3A_13, %dma_start3A_14] : memref<128x128xf32, #tpu.memory_space<vmem>> -> memref<64x128xf32, #tpu.memory_space<vmem>>
      tpu.enqueue_dma source(%arg5 : memref<64x128xf32, #tpu.memory_space<hbm>>) target(%dma_start3A_15 : memref<64x128xf32, #tpu.memory_space<vmem>>) target_semaphore(%run_scoped3A : memref<!tpu.dma_semaphore, #tpu.memory_space<semaphore_mem>>)
      %dma_wait3A = arith.constant 0 : i32
      %dma_wait3A_16 = arith.constant 0 : i32
      %dma_wait3A_17 = tpu.memref_slice %arg9[%dma_wait3A, %dma_wait3A_16] : memref<128x128xf32, #tpu.memory_space<vmem>> -> memref<64x128xf32, #tpu.memory_space<vmem>>
      %dma_wait3A_18 = arith.constant 0 : i32
      %dma_wait3A_19 = arith.constant 0 : i32
      %dma_wait3A_20 = tpu.memref_slice %arg9[%dma_wait3A_18, %dma_wait3A_19] : memref<128x128xf32, #tpu.memory_space<vmem>> -> memref<64x128xf32, #tpu.memory_space<vmem>>
      tpu.wait_dma2 semaphore(%run_scoped3A : memref<!tpu.dma_semaphore, #tpu.memory_space<semaphore_mem>>) src(%arg5 : memref<64x128xf32, #tpu.memory_space<hbm>>) dst(%dma_wait3A_20 : memref<64x128xf32, #tpu.memory_space<vmem>>)
      tpu.yield
    }) : () -> ()
    %scan3A = arith.constant 0 : i32
    %scan3A_1 = arith.constant 10 : i32
    %scan3A_2 = arith.addi %scan3A, %scan3A_1 : i32
    %scan3A_3 = arith.constant 1 : i32
    scf.for %scan3A_11 = %scan3A to %scan3A_2 step %scan3A_3  : i32 {
      %mul3A_12 = arith.constant 1 : i32
      %mul3A_13 = arith.muli %scan3A_11, %mul3A_12 : i32
      %add3A = arith.constant 0 : i32
      %add3A_14 = arith.addi %add3A, %mul3A_13 : i32
      %mul3A_15 = arith.constant 64 : i32
      %mul3A_16 = arith.muli %add3A_14, %mul3A_15 : i32
      %add3A_17 = arith.addi %mul3A_0, %mul3A_16 : i32
      "tpu.region"() ({
        %run_scoped3A = tpu.sem_alloc : memref<!tpu.dma_semaphore, #tpu.memory_space<semaphore_mem>>
        %dma_start3A = arith.constant 0 : i32
        %dma_start3A_18 = arith.constant 0 : i32
        %dma_start3A_19 = tpu.memref_slice %arg9[%dma_start3A, %dma_start3A_18] : memref<128x128xf32, #tpu.memory_space<vmem>> -> memref<64x128xf32, #tpu.memory_space<vmem>>
        %dma_start3A_20 = arith.constant 0 : i32
        %dma_start3A_21 = tpu.memref_slice %arg11[%add3A_17, %dma_start3A_20] : memref<10240x128xf32, #tpu.memory_space<vmem_shared>> -> memref<64x128xf32, #tpu.memory_space<vmem_shared>>
        %dma_start3A_22 = arith.constant 0 : i32
        %dma_start3A_23 = tpu.memref_slice %arg11[%add3A_17, %dma_start3A_22] : memref<10240x128xf32, #tpu.memory_space<vmem_shared>> -> memref<64x128xf32, #tpu.memory_space<vmem_shared>>
        %dma_start3A_24 = arith.constant 0 : i32
        %dma_start3A_25 = arith.constant 0 : i32
        %dma_start3A_26 = tpu.memref_slice %arg9[%dma_start3A_24, %dma_start3A_25] : memref<128x128xf32, #tpu.memory_space<vmem>> -> memref<64x128xf32, #tpu.memory_space<vmem>>
        tpu.enqueue_dma source(%dma_start3A_26 : memref<64x128xf32, #tpu.memory_space<vmem>>) target(%dma_start3A_23 : memref<64x128xf32, #tpu.memory_space<vmem_shared>>) target_semaphore(%run_scoped3A : memref<!tpu.dma_semaphore, #tpu.memory_space<semaphore_mem>>)
        %dma_wait3A = arith.constant 0 : i32
        %dma_wait3A_27 = arith.constant 0 : i32
        %dma_wait3A_28 = tpu.memref_slice %arg9[%dma_wait3A, %dma_wait3A_27] : memref<128x128xf32, #tpu.memory_space<vmem>> -> memref<64x128xf32, #tpu.memory_space<vmem>>
        %dma_wait3A_29 = arith.constant 0 : i32
        %dma_wait3A_30 = tpu.memref_slice %arg11[%add3A_17, %dma_wait3A_29] : memref<10240x128xf32, #tpu.memory_space<vmem_shared>> -> memref<64x128xf32, #tpu.memory_space<vmem_shared>>
        %dma_wait3A_31 = arith.constant 0 : i32
        %dma_wait3A_32 = tpu.memref_slice %arg11[%add3A_17, %dma_wait3A_31] : memref<10240x128xf32, #tpu.memory_space<vmem_shared>> -> memref<64x128xf32, #tpu.memory_space<vmem_shared>>
        %dma_wait3A_33 = arith.constant 0 : i32
        %dma_wait3A_34 = arith.constant 0 : i32
        %dma_wait3A_35 = tpu.memref_slice %arg9[%dma_wait3A_33, %dma_wait3A_34] : memref<128x128xf32, #tpu.memory_space<vmem>> -> memref<64x128xf32, #tpu.memory_space<vmem>>
        tpu.wait_dma2 semaphore(%run_scoped3A : memref<!tpu.dma_semaphore, #tpu.memory_space<semaphore_mem>>) src(%dma_wait3A_35 : memref<64x128xf32, #tpu.memory_space<vmem>>) dst(%dma_wait3A_32 : memref<64x128xf32, #tpu.memory_space<vmem_shared>>)
        tpu.yield
      }) : () -> ()
    }
    %scan3A_4 = arith.constant 10 : i32
    %barrier3A = arith.constant 0 : index
    tpu.barrier barrier_id(%barrier3A)
    %scan3A_5 = arith.constant 0 : i32
    %scan3A_6 = arith.constant 2 : i32
    %scan3A_7 = arith.addi %scan3A_5, %scan3A_6 : i32
    %scan3A_8 = arith.constant 1 : i32
    scf.for %scan3A_11 = %scan3A_5 to %scan3A_7 step %scan3A_8  : i32 {
      %mul3A_12 = arith.constant 1 : i32
      %mul3A_13 = arith.muli %scan3A_11, %mul3A_12 : i32
      %add3A = arith.constant 0 : i32
      %add3A_14 = arith.addi %add3A, %mul3A_13 : i32
      %mul3A_15 = arith.constant 40 : i32
      %mul3A_16 = arith.muli %add3A_14, %mul3A_15 : i32
      "tpu.region"() ({
        %run_scoped3A_51 = tpu.sem_alloc : memref<!tpu.dma_semaphore, #tpu.memory_space<semaphore_mem>>
        %dma_start3A_52 = arith.constant 0 : i32
        %dma_start3A_53 = arith.constant 0 : i32
        %dma_start3A_54 = arith.constant 0 : i32
        %dma_start3A_55 = tpu.memref_slice %arg3[%arg0, %dma_start3A_52, %dma_start3A_53, %dma_start3A_54] : memref<2x16x80x128xi32, #tpu.memory_space<hbm>> -> memref<1x16x80x128xi32, #tpu.memory_space<hbm>>
        %dma_start3A_56 = tpu.memref_squeeze %dma_start3A_55 : memref<1x16x80x128xi32, #tpu.memory_space<hbm>> -> memref<16x80x128xi32, #tpu.memory_space<hbm>>
        %dma_start3A_57 = arith.constant 0 : i32
        %dma_start3A_58 = arith.constant 0 : i32
        %dma_start3A_59 = tpu.memref_slice %dma_start3A_56[%arg1, %dma_start3A_57, %dma_start3A_58] : memref<16x80x128xi32, #tpu.memory_space<hbm>> -> memref<1x80x128xi32, #tpu.memory_space<hbm>>
        %dma_start3A_60 = tpu.memref_squeeze %dma_start3A_59 : memref<1x80x128xi32, #tpu.memory_space<hbm>> -> memref<80x128xi32, #tpu.memory_space<hbm>>
        %dma_start3A_61 = arith.constant 0 : i32
        %dma_start3A_62 = tpu.memref_slice %dma_start3A_60[%mul3A_16, %dma_start3A_61] : memref<80x128xi32, #tpu.memory_space<hbm>> -> memref<40x128xi32, #tpu.memory_space<hbm>>
        %dma_start3A_63 = arith.constant 0 : i32
        %dma_start3A_64 = arith.constant 0 : i32
        %dma_start3A_65 = arith.constant 0 : i32
        %dma_start3A_66 = tpu.memref_slice %arg3[%arg0, %dma_start3A_63, %dma_start3A_64, %dma_start3A_65] : memref<2x16x80x128xi32, #tpu.memory_space<hbm>> -> memref<1x16x80x128xi32, #tpu.memory_space<hbm>>
        %dma_start3A_67 = tpu.memref_squeeze %dma_start3A_66 : memref<1x16x80x128xi32, #tpu.memory_space<hbm>> -> memref<16x80x128xi32, #tpu.memory_space<hbm>>
        %dma_start3A_68 = arith.constant 0 : i32
        %dma_start3A_69 = arith.constant 0 : i32
        %dma_start3A_70 = tpu.memref_slice %dma_start3A_67[%arg1, %dma_start3A_68, %dma_start3A_69] : memref<16x80x128xi32, #tpu.memory_space<hbm>> -> memref<1x80x128xi32, #tpu.memory_space<hbm>>
        %dma_start3A_71 = tpu.memref_squeeze %dma_start3A_70 : memref<1x80x128xi32, #tpu.memory_space<hbm>> -> memref<80x128xi32, #tpu.memory_space<hbm>>
        %dma_start3A_72 = arith.constant 0 : i32
        %dma_start3A_73 = tpu.memref_slice %dma_start3A_71[%mul3A_16, %dma_start3A_72] : memref<80x128xi32, #tpu.memory_space<hbm>> -> memref<40x128xi32, #tpu.memory_space<hbm>>
        tpu.enqueue_dma source(%dma_start3A_73 : memref<40x128xi32, #tpu.memory_space<hbm>>) target(%arg7 : memref<40x128xi32, #tpu.memory_space<vmem>>) target_semaphore(%run_scoped3A_51 : memref<!tpu.dma_semaphore, #tpu.memory_space<semaphore_mem>>)
        %dma_wait3A_74 = arith.constant 0 : i32
        %dma_wait3A_75 = arith.constant 0 : i32
        %dma_wait3A_76 = arith.constant 0 : i32
        %dma_wait3A_77 = tpu.memref_slice %arg3[%arg0, %dma_wait3A_74, %dma_wait3A_75, %dma_wait3A_76] : memref<2x16x80x128xi32, #tpu.memory_space<hbm>> -> memref<1x16x80x128xi32, #tpu.memory_space<hbm>>
        %dma_wait3A_78 = tpu.memref_squeeze %dma_wait3A_77 : memref<1x16x80x128xi32, #tpu.memory_space<hbm>> -> memref<16x80x128xi32, #tpu.memory_space<hbm>>
        %dma_wait3A_79 = arith.constant 0 : i32
        %dma_wait3A_80 = arith.constant 0 : i32
        %dma_wait3A_81 = tpu.memref_slice %dma_wait3A_78[%arg1, %dma_wait3A_79, %dma_wait3A_80] : memref<16x80x128xi32, #tpu.memory_space<hbm>> -> memref<1x80x128xi32, #tpu.memory_space<hbm>>
        %dma_wait3A_82 = tpu.memref_squeeze %dma_wait3A_81 : memref<1x80x128xi32, #tpu.memory_space<hbm>> -> memref<80x128xi32, #tpu.memory_space<hbm>>
        %dma_wait3A_83 = arith.constant 0 : i32
        %dma_wait3A_84 = tpu.memref_slice %dma_wait3A_82[%mul3A_16, %dma_wait3A_83] : memref<80x128xi32, #tpu.memory_space<hbm>> -> memref<40x128xi32, #tpu.memory_space<hbm>>
        %dma_wait3A_85 = arith.constant 0 : i32
        %dma_wait3A_86 = arith.constant 0 : i32
        %dma_wait3A_87 = arith.constant 0 : i32
        %dma_wait3A_88 = tpu.memref_slice %arg3[%arg0, %dma_wait3A_85, %dma_wait3A_86, %dma_wait3A_87] : memref<2x16x80x128xi32, #tpu.memory_space<hbm>> -> memref<1x16x80x128xi32, #tpu.memory_space<hbm>>
        %dma_wait3A_89 = tpu.memref_squeeze %dma_wait3A_88 : memref<1x16x80x128xi32, #tpu.memory_space<hbm>> -> memref<16x80x128xi32, #tpu.memory_space<hbm>>
        %dma_wait3A_90 = arith.constant 0 : i32
        %dma_wait3A_91 = arith.constant 0 : i32
        %dma_wait3A_92 = tpu.memref_slice %dma_wait3A_89[%arg1, %dma_wait3A_90, %dma_wait3A_91] : memref<16x80x128xi32, #tpu.memory_space<hbm>> -> memref<1x80x128xi32, #tpu.memory_space<hbm>>
        %dma_wait3A_93 = tpu.memref_squeeze %dma_wait3A_92 : memref<1x80x128xi32, #tpu.memory_space<hbm>> -> memref<80x128xi32, #tpu.memory_space<hbm>>
        %dma_wait3A_94 = arith.constant 0 : i32
        %dma_wait3A_95 = tpu.memref_slice %dma_wait3A_93[%mul3A_16, %dma_wait3A_94] : memref<80x128xi32, #tpu.memory_space<hbm>> -> memref<40x128xi32, #tpu.memory_space<hbm>>
        tpu.wait_dma2 semaphore(%run_scoped3A_51 : memref<!tpu.dma_semaphore, #tpu.memory_space<semaphore_mem>>) src(%dma_wait3A_95 : memref<40x128xi32, #tpu.memory_space<hbm>>) dst(%arg7 : memref<40x128xi32, #tpu.memory_space<vmem>>)
        tpu.yield
      }) : () -> ()
      %mul3A_17 = arith.constant 40 : i32
      %mul3A_18 = arith.muli %add3A_14, %mul3A_17 : i32
      "tpu.region"() ({
        %run_scoped3A_51 = tpu.sem_alloc : memref<!tpu.dma_semaphore, #tpu.memory_space<semaphore_mem>>
        %dma_start3A_52 = arith.constant 0 : i32
        %dma_start3A_53 = arith.constant 0 : i32
        %dma_start3A_54 = arith.constant 0 : i32
        %dma_start3A_55 = tpu.memref_slice %arg4[%arg0, %dma_start3A_52, %dma_start3A_53, %dma_start3A_54] : memref<2x16x80x128xi32, #tpu.memory_space<hbm>> -> memref<1x16x80x128xi32, #tpu.memory_space<hbm>>
        %dma_start3A_56 = tpu.memref_squeeze %dma_start3A_55 : memref<1x16x80x128xi32, #tpu.memory_space<hbm>> -> memref<16x80x128xi32, #tpu.memory_space<hbm>>
        %dma_start3A_57 = arith.constant 0 : i32
        %dma_start3A_58 = arith.constant 0 : i32
        %dma_start3A_59 = tpu.memref_slice %dma_start3A_56[%arg1, %dma_start3A_57, %dma_start3A_58] : memref<16x80x128xi32, #tpu.memory_space<hbm>> -> memref<1x80x128xi32, #tpu.memory_space<hbm>>
        %dma_start3A_60 = tpu.memref_squeeze %dma_start3A_59 : memref<1x80x128xi32, #tpu.memory_space<hbm>> -> memref<80x128xi32, #tpu.memory_space<hbm>>
        %dma_start3A_61 = arith.constant 0 : i32
        %dma_start3A_62 = tpu.memref_slice %dma_start3A_60[%mul3A_18, %dma_start3A_61] : memref<80x128xi32, #tpu.memory_space<hbm>> -> memref<40x128xi32, #tpu.memory_space<hbm>>
        %dma_start3A_63 = arith.constant 0 : i32
        %dma_start3A_64 = arith.constant 0 : i32
        %dma_start3A_65 = arith.constant 0 : i32
        %dma_start3A_66 = tpu.memref_slice %arg4[%arg0, %dma_start3A_63, %dma_start3A_64, %dma_start3A_65] : memref<2x16x80x128xi32, #tpu.memory_space<hbm>> -> memref<1x16x80x128xi32, #tpu.memory_space<hbm>>
        %dma_start3A_67 = tpu.memref_squeeze %dma_start3A_66 : memref<1x16x80x128xi32, #tpu.memory_space<hbm>> -> memref<16x80x128xi32, #tpu.memory_space<hbm>>
        %dma_start3A_68 = arith.constant 0 : i32
        %dma_start3A_69 = arith.constant 0 : i32
        %dma_start3A_70 = tpu.memref_slice %dma_start3A_67[%arg1, %dma_start3A_68, %dma_start3A_69] : memref<16x80x128xi32, #tpu.memory_space<hbm>> -> memref<1x80x128xi32, #tpu.memory_space<hbm>>
        %dma_start3A_71 = tpu.memref_squeeze %dma_start3A_70 : memref<1x80x128xi32, #tpu.memory_space<hbm>> -> memref<80x128xi32, #tpu.memory_space<hbm>>
        %dma_start3A_72 = arith.constant 0 : i32
        %dma_start3A_73 = tpu.memref_slice %dma_start3A_71[%mul3A_18, %dma_start3A_72] : memref<80x128xi32, #tpu.memory_space<hbm>> -> memref<40x128xi32, #tpu.memory_space<hbm>>
        tpu.enqueue_dma source(%dma_start3A_73 : memref<40x128xi32, #tpu.memory_space<hbm>>) target(%arg8 : memref<40x128xi32, #tpu.memory_space<vmem>>) target_semaphore(%run_scoped3A_51 : memref<!tpu.dma_semaphore, #tpu.memory_space<semaphore_mem>>)
        %dma_wait3A_74 = arith.constant 0 : i32
        %dma_wait3A_75 = arith.constant 0 : i32
        %dma_wait3A_76 = arith.constant 0 : i32
        %dma_wait3A_77 = tpu.memref_slice %arg4[%arg0, %dma_wait3A_74, %dma_wait3A_75, %dma_wait3A_76] : memref<2x16x80x128xi32, #tpu.memory_space<hbm>> -> memref<1x16x80x128xi32, #tpu.memory_space<hbm>>
        %dma_wait3A_78 = tpu.memref_squeeze %dma_wait3A_77 : memref<1x16x80x128xi32, #tpu.memory_space<hbm>> -> memref<16x80x128xi32, #tpu.memory_space<hbm>>
        %dma_wait3A_79 = arith.constant 0 : i32
        %dma_wait3A_80 = arith.constant 0 : i32
        %dma_wait3A_81 = tpu.memref_slice %dma_wait3A_78[%arg1, %dma_wait3A_79, %dma_wait3A_80] : memref<16x80x128xi32, #tpu.memory_space<hbm>> -> memref<1x80x128xi32, #tpu.memory_space<hbm>>
        %dma_wait3A_82 = tpu.memref_squeeze %dma_wait3A_81 : memref<1x80x128xi32, #tpu.memory_space<hbm>> -> memref<80x128xi32, #tpu.memory_space<hbm>>
        %dma_wait3A_83 = arith.constant 0 : i32
        %dma_wait3A_84 = tpu.memref_slice %dma_wait3A_82[%mul3A_18, %dma_wait3A_83] : memref<80x128xi32, #tpu.memory_space<hbm>> -> memref<40x128xi32, #tpu.memory_space<hbm>>
        %dma_wait3A_85 = arith.constant 0 : i32
        %dma_wait3A_86 = arith.constant 0 : i32
        %dma_wait3A_87 = arith.constant 0 : i32
        %dma_wait3A_88 = tpu.memref_slice %arg4[%arg0, %dma_wait3A_85, %dma_wait3A_86, %dma_wait3A_87] : memref<2x16x80x128xi32, #tpu.memory_space<hbm>> -> memref<1x16x80x128xi32, #tpu.memory_space<hbm>>
        %dma_wait3A_89 = tpu.memref_squeeze %dma_wait3A_88 : memref<1x16x80x128xi32, #tpu.memory_space<hbm>> -> memref<16x80x128xi32, #tpu.memory_space<hbm>>
        %dma_wait3A_90 = arith.constant 0 : i32
        %dma_wait3A_91 = arith.constant 0 : i32
        %dma_wait3A_92 = tpu.memref_slice %dma_wait3A_89[%arg1, %dma_wait3A_90, %dma_wait3A_91] : memref<16x80x128xi32, #tpu.memory_space<hbm>> -> memref<1x80x128xi32, #tpu.memory_space<hbm>>
        %dma_wait3A_93 = tpu.memref_squeeze %dma_wait3A_92 : memref<1x80x128xi32, #tpu.memory_space<hbm>> -> memref<80x128xi32, #tpu.memory_space<hbm>>
        %dma_wait3A_94 = arith.constant 0 : i32
        %dma_wait3A_95 = tpu.memref_slice %dma_wait3A_93[%mul3A_18, %dma_wait3A_94] : memref<80x128xi32, #tpu.memory_space<hbm>> -> memref<40x128xi32, #tpu.memory_space<hbm>>
        tpu.wait_dma2 semaphore(%run_scoped3A_51 : memref<!tpu.dma_semaphore, #tpu.memory_space<semaphore_mem>>) src(%dma_wait3A_95 : memref<40x128xi32, #tpu.memory_space<hbm>>) dst(%arg8 : memref<40x128xi32, #tpu.memory_space<vmem>>)
        tpu.yield
      }) : () -> ()
      %dma_start3A = arith.constant 0 : i32
      %dma_start3A_19 = arith.constant 0 : i32
      %dma_start3A_20 = tpu.memref_slice %arg7[%dma_start3A, %dma_start3A_19] : memref<40x128xi32, #tpu.memory_space<vmem>> -> memref<1x128xi32, #tpu.memory_space<vmem>>
      %dma_start3A_21 = tpu.memref_squeeze %dma_start3A_20 : memref<1x128xi32, #tpu.memory_space<vmem>> -> memref<128xi32, #tpu.memory_space<vmem>>
      %dma_start3A_22 = arith.constant 0 : i32
      %dma_start3A_23 = arith.constant 0 : i32
      %dma_start3A_24 = tpu.memref_slice %arg2[%dma_start3A_22, %dma_start3A_23] : memref<10000x128xf32, #tpu.memory_space<hbm>> -> memref<10000x128xf32, #tpu.memory_space<hbm>>
      tpu.enqueue_indirect_dma source(%dma_start3A_24 : memref<10000x128xf32, #tpu.memory_space<hbm>>) target(%arg9 : memref<128x128xf32, #tpu.memory_space<vmem>>) offsets(%dma_start3A_21 : memref<128xi32, #tpu.memory_space<vmem>>) semaphore(%arg12 : memref<!tpu.dma_semaphore, #tpu.memory_space<semaphore_mem>>)
      %dma_start3A_25 = arith.constant 1 : i32
      %dma_start3A_26 = arith.constant 0 : i32
      %dma_start3A_27 = tpu.memref_slice %arg7[%dma_start3A_25, %dma_start3A_26] : memref<40x128xi32, #tpu.memory_space<vmem>> -> memref<1x128xi32, #tpu.memory_space<vmem>>
      %dma_start3A_28 = tpu.memref_squeeze %dma_start3A_27 : memref<1x128xi32, #tpu.memory_space<vmem>> -> memref<128xi32, #tpu.memory_space<vmem>>
      %dma_start3A_29 = arith.constant 0 : i32
      %dma_start3A_30 = arith.constant 0 : i32
      %dma_start3A_31 = tpu.memref_slice %arg2[%dma_start3A_29, %dma_start3A_30] : memref<10000x128xf32, #tpu.memory_space<hbm>> -> memref<10000x128xf32, #tpu.memory_space<hbm>>
      tpu.enqueue_indirect_dma source(%dma_start3A_31 : memref<10000x128xf32, #tpu.memory_space<hbm>>) target(%arg10 : memref<128x128xf32, #tpu.memory_space<vmem>>) offsets(%dma_start3A_28 : memref<128xi32, #tpu.memory_space<vmem>>) semaphore(%arg13 : memref<!tpu.dma_semaphore, #tpu.memory_space<semaphore_mem>>)
      %scan3A_32 = arith.constant 0 : i32
      %scan3A_33 = arith.constant 19 : i32
      %scan3A_34 = arith.addi %scan3A_32, %scan3A_33 : i32
      %scan3A_35 = arith.constant 1 : i32
      scf.for %scan3A_51 = %scan3A_32 to %scan3A_34 step %scan3A_35  : i32 {
        %mul3A_52 = arith.constant 2 : i32
        %mul3A_53 = arith.muli %scan3A_51, %mul3A_52 : i32
        %add3A_54 = arith.constant 0 : i32
        %add3A_55 = arith.addi %add3A_54, %mul3A_53 : i32
        %add3A_56 = arith.constant 0 : i32
        %add3A_57 = arith.addi %add3A_55, %add3A_56 : i32
        %dma_wait3A_58 = arith.constant 0 : i32
        %dma_wait3A_59 = tpu.memref_slice %arg7[%add3A_57, %dma_wait3A_58] : memref<40x128xi32, #tpu.memory_space<vmem>> -> memref<1x128xi32, #tpu.memory_space<vmem>>
        %dma_wait3A_60 = tpu.memref_squeeze %dma_wait3A_59 : memref<1x128xi32, #tpu.memory_space<vmem>> -> memref<128xi32, #tpu.memory_space<vmem>>
        %dma_wait3A_61 = arith.constant 0 : i32
        %dma_wait3A_62 = arith.constant 0 : i32
        %dma_wait3A_63 = tpu.memref_slice %arg2[%dma_wait3A_61, %dma_wait3A_62] : memref<10000x128xf32, #tpu.memory_space<hbm>> -> memref<10000x128xf32, #tpu.memory_space<hbm>>
        tpu.wait_indirect_dma semaphore(%arg12 : memref<!tpu.dma_semaphore, #tpu.memory_space<semaphore_mem>>) src(%dma_wait3A_63 : memref<10000x128xf32, #tpu.memory_space<hbm>>) dst(%arg9 : memref<128x128xf32, #tpu.memory_space<vmem>>)
        %add3A_64 = arith.constant 0 : i32
        %add3A_65 = arith.addi %add3A_55, %add3A_64 : i32
        "tpu.region"() ({
          %run_scoped3A_96 = tpu.sem_alloc : memref<!tpu.dma_semaphore, #tpu.memory_space<semaphore_mem>>
          %dma_start3A_97 = arith.constant 0 : i32
          %dma_start3A_98 = tpu.memref_slice %arg8[%add3A_65, %dma_start3A_97] : memref<40x128xi32, #tpu.memory_space<vmem>> -> memref<1x128xi32, #tpu.memory_space<vmem>>
          %dma_start3A_99 = tpu.memref_squeeze %dma_start3A_98 : memref<1x128xi32, #tpu.memory_space<vmem>> -> memref<128xi32, #tpu.memory_space<vmem>>
          %dma_start3A_100 = arith.constant 0 : i32
          %dma_start3A_101 = arith.constant 0 : i32
          %dma_start3A_102 = tpu.memref_slice %arg11[%dma_start3A_100, %dma_start3A_101] : memref<10240x128xf32, #tpu.memory_space<vmem_shared>> -> memref<10240x128xf32, #tpu.memory_space<vmem_shared>>
          tpu.enqueue_indirect_dma source(%arg9 : memref<128x128xf32, #tpu.memory_space<vmem>>) target(%dma_start3A_102 : memref<10240x128xf32, #tpu.memory_space<vmem_shared>>) offsets(%dma_start3A_99 : memref<128xi32, #tpu.memory_space<vmem>>) semaphore(%run_scoped3A_96 : memref<!tpu.dma_semaphore, #tpu.memory_space<semaphore_mem>>) {add = true}
          %dma_wait3A_103 = arith.constant 0 : i32
          %dma_wait3A_104 = tpu.memref_slice %arg8[%add3A_65, %dma_wait3A_103] : memref<40x128xi32, #tpu.memory_space<vmem>> -> memref<1x128xi32, #tpu.memory_space<vmem>>
          %dma_wait3A_105 = tpu.memref_squeeze %dma_wait3A_104 : memref<1x128xi32, #tpu.memory_space<vmem>> -> memref<128xi32, #tpu.memory_space<vmem>>
          %dma_wait3A_106 = arith.constant 0 : i32
          %dma_wait3A_107 = arith.constant 0 : i32
          %dma_wait3A_108 = tpu.memref_slice %arg11[%dma_wait3A_106, %dma_wait3A_107] : memref<10240x128xf32, #tpu.memory_space<vmem_shared>> -> memref<10240x128xf32, #tpu.memory_space<vmem_shared>>
          tpu.wait_indirect_dma semaphore(%run_scoped3A_96 : memref<!tpu.dma_semaphore, #tpu.memory_space<semaphore_mem>>) src(%arg9 : memref<128x128xf32, #tpu.memory_space<vmem>>) dst(%dma_wait3A_108 : memref<10240x128xf32, #tpu.memory_space<vmem_shared>>)
          tpu.yield
        }) : () -> ()
        %add3A_66 = arith.constant 0 : i32
        %add3A_67 = arith.addi %add3A_55, %add3A_66 : i32
        %add3A_68 = arith.constant 2 : i32
        %add3A_69 = arith.addi %add3A_67, %add3A_68 : i32
        %dma_start3A_70 = arith.constant 0 : i32
        %dma_start3A_71 = tpu.memref_slice %arg7[%add3A_69, %dma_start3A_70] : memref<40x128xi32, #tpu.memory_space<vmem>> -> memref<1x128xi32, #tpu.memory_space<vmem>>
        %dma_start3A_72 = tpu.memref_squeeze %dma_start3A_71 : memref<1x128xi32, #tpu.memory_space<vmem>> -> memref<128xi32, #tpu.memory_space<vmem>>
        %dma_start3A_73 = arith.constant 0 : i32
        %dma_start3A_74 = arith.constant 0 : i32
        %dma_start3A_75 = tpu.memref_slice %arg2[%dma_start3A_73, %dma_start3A_74] : memref<10000x128xf32, #tpu.memory_space<hbm>> -> memref<10000x128xf32, #tpu.memory_space<hbm>>
        tpu.enqueue_indirect_dma source(%dma_start3A_75 : memref<10000x128xf32, #tpu.memory_space<hbm>>) target(%arg9 : memref<128x128xf32, #tpu.memory_space<vmem>>) offsets(%dma_start3A_72 : memref<128xi32, #tpu.memory_space<vmem>>) semaphore(%arg12 : memref<!tpu.dma_semaphore, #tpu.memory_space<semaphore_mem>>)
        %add3A_76 = arith.constant 1 : i32
        %add3A_77 = arith.addi %add3A_55, %add3A_76 : i32
        %dma_wait3A_78 = arith.constant 0 : i32
        %dma_wait3A_79 = tpu.memref_slice %arg7[%add3A_77, %dma_wait3A_78] : memref<40x128xi32, #tpu.memory_space<vmem>> -> memref<1x128xi32, #tpu.memory_space<vmem>>
        %dma_wait3A_80 = tpu.memref_squeeze %dma_wait3A_79 : memref<1x128xi32, #tpu.memory_space<vmem>> -> memref<128xi32, #tpu.memory_space<vmem>>
        %dma_wait3A_81 = arith.constant 0 : i32
        %dma_wait3A_82 = arith.constant 0 : i32
        %dma_wait3A_83 = tpu.memref_slice %arg2[%dma_wait3A_81, %dma_wait3A_82] : memref<10000x128xf32, #tpu.memory_space<hbm>> -> memref<10000x128xf32, #tpu.memory_space<hbm>>
        tpu.wait_indirect_dma semaphore(%arg13 : memref<!tpu.dma_semaphore, #tpu.memory_space<semaphore_mem>>) src(%dma_wait3A_83 : memref<10000x128xf32, #tpu.memory_space<hbm>>) dst(%arg10 : memref<128x128xf32, #tpu.memory_space<vmem>>)
        %add3A_84 = arith.constant 1 : i32
        %add3A_85 = arith.addi %add3A_55, %add3A_84 : i32
        "tpu.region"() ({
          %run_scoped3A_96 = tpu.sem_alloc : memref<!tpu.dma_semaphore, #tpu.memory_space<semaphore_mem>>
          %dma_start3A_97 = arith.constant 0 : i32
          %dma_start3A_98 = tpu.memref_slice %arg8[%add3A_85, %dma_start3A_97] : memref<40x128xi32, #tpu.memory_space<vmem>> -> memref<1x128xi32, #tpu.memory_space<vmem>>
          %dma_start3A_99 = tpu.memref_squeeze %dma_start3A_98 : memref<1x128xi32, #tpu.memory_space<vmem>> -> memref<128xi32, #tpu.memory_space<vmem>>
          %dma_start3A_100 = arith.constant 0 : i32
          %dma_start3A_101 = arith.constant 0 : i32
          %dma_start3A_102 = tpu.memref_slice %arg11[%dma_start3A_100, %dma_start3A_101] : memref<10240x128xf32, #tpu.memory_space<vmem_shared>> -> memref<10240x128xf32, #tpu.memory_space<vmem_shared>>
          tpu.enqueue_indirect_dma source(%arg10 : memref<128x128xf32, #tpu.memory_space<vmem>>) target(%dma_start3A_102 : memref<10240x128xf32, #tpu.memory_space<vmem_shared>>) offsets(%dma_start3A_99 : memref<128xi32, #tpu.memory_space<vmem>>) semaphore(%run_scoped3A_96 : memref<!tpu.dma_semaphore, #tpu.memory_space<semaphore_mem>>) {add = true}
          %dma_wait3A_103 = arith.constant 0 : i32
          %dma_wait3A_104 = tpu.memref_slice %arg8[%add3A_85, %dma_wait3A_103] : memref<40x128xi32, #tpu.memory_space<vmem>> -> memref<1x128xi32, #tpu.memory_space<vmem>>
          %dma_wait3A_105 = tpu.memref_squeeze %dma_wait3A_104 : memref<1x128xi32, #tpu.memory_space<vmem>> -> memref<128xi32, #tpu.memory_space<vmem>>
          %dma_wait3A_106 = arith.constant 0 : i32
          %dma_wait3A_107 = arith.constant 0 : i32
          %dma_wait3A_108 = tpu.memref_slice %arg11[%dma_wait3A_106, %dma_wait3A_107] : memref<10240x128xf32, #tpu.memory_space<vmem_shared>> -> memref<10240x128xf32, #tpu.memory_space<vmem_shared>>
          tpu.wait_indirect_dma semaphore(%run_scoped3A_96 : memref<!tpu.dma_semaphore, #tpu.memory_space<semaphore_mem>>) src(%arg10 : memref<128x128xf32, #tpu.memory_space<vmem>>) dst(%dma_wait3A_108 : memref<10240x128xf32, #tpu.memory_space<vmem_shared>>)
          tpu.yield
        }) : () -> ()
        %add3A_86 = arith.constant 1 : i32
        %add3A_87 = arith.addi %add3A_55, %add3A_86 : i32
        %add3A_88 = arith.constant 2 : i32
        %add3A_89 = arith.addi %add3A_87, %add3A_88 : i32
        %dma_start3A_90 = arith.constant 0 : i32
        %dma_start3A_91 = tpu.memref_slice %arg7[%add3A_89, %dma_start3A_90] : memref<40x128xi32, #tpu.memory_space<vmem>> -> memref<1x128xi32, #tpu.memory_space<vmem>>
        %dma_start3A_92 = tpu.memref_squeeze %dma_start3A_91 : memref<1x128xi32, #tpu.memory_space<vmem>> -> memref<128xi32, #tpu.memory_space<vmem>>
        %dma_start3A_93 = arith.constant 0 : i32
        %dma_start3A_94 = arith.constant 0 : i32
        %dma_start3A_95 = tpu.memref_slice %arg2[%dma_start3A_93, %dma_start3A_94] : memref<10000x128xf32, #tpu.memory_space<hbm>> -> memref<10000x128xf32, #tpu.memory_space<hbm>>
        tpu.enqueue_indirect_dma source(%dma_start3A_95 : memref<10000x128xf32, #tpu.memory_space<hbm>>) target(%arg10 : memref<128x128xf32, #tpu.memory_space<vmem>>) offsets(%dma_start3A_92 : memref<128xi32, #tpu.memory_space<vmem>>) semaphore(%arg13 : memref<!tpu.dma_semaphore, #tpu.memory_space<semaphore_mem>>)
      }
      %scan3A_36 = arith.constant 19 : i32
      %dma_wait3A = arith.constant 38 : i32
      %dma_wait3A_37 = arith.constant 0 : i32
      %dma_wait3A_38 = tpu.memref_slice %arg7[%dma_wait3A, %dma_wait3A_37] : memref<40x128xi32, #tpu.memory_space<vmem>> -> memref<1x128xi32, #tpu.memory_space<vmem>>
      %dma_wait3A_39 = tpu.memref_squeeze %dma_wait3A_38 : memref<1x128xi32, #tpu.memory_space<vmem>> -> memref<128xi32, #tpu.memory_space<vmem>>
      %dma_wait3A_40 = arith.constant 0 : i32
      %dma_wait3A_41 = arith.constant 0 : i32
      %dma_wait3A_42 = tpu.memref_slice %arg2[%dma_wait3A_40, %dma_wait3A_41] : memref<10000x128xf32, #tpu.memory_space<hbm>> -> memref<10000x128xf32, #tpu.memory_space<hbm>>
      tpu.wait_indirect_dma semaphore(%arg12 : memref<!tpu.dma_semaphore, #tpu.memory_space<semaphore_mem>>) src(%dma_wait3A_42 : memref<10000x128xf32, #tpu.memory_space<hbm>>) dst(%arg9 : memref<128x128xf32, #tpu.memory_space<vmem>>)
      %run_scoped3A = arith.constant 38 : i32
      "tpu.region"() ({
        %run_scoped3A_51 = tpu.sem_alloc : memref<!tpu.dma_semaphore, #tpu.memory_space<semaphore_mem>>
        %dma_start3A_52 = arith.constant 0 : i32
        %dma_start3A_53 = tpu.memref_slice %arg8[%run_scoped3A, %dma_start3A_52] : memref<40x128xi32, #tpu.memory_space<vmem>> -> memref<1x128xi32, #tpu.memory_space<vmem>>
        %dma_start3A_54 = tpu.memref_squeeze %dma_start3A_53 : memref<1x128xi32, #tpu.memory_space<vmem>> -> memref<128xi32, #tpu.memory_space<vmem>>
        %dma_start3A_55 = arith.constant 0 : i32
        %dma_start3A_56 = arith.constant 0 : i32
        %dma_start3A_57 = tpu.memref_slice %arg11[%dma_start3A_55, %dma_start3A_56] : memref<10240x128xf32, #tpu.memory_space<vmem_shared>> -> memref<10240x128xf32, #tpu.memory_space<vmem_shared>>
        tpu.enqueue_indirect_dma source(%arg9 : memref<128x128xf32, #tpu.memory_space<vmem>>) target(%dma_start3A_57 : memref<10240x128xf32, #tpu.memory_space<vmem_shared>>) offsets(%dma_start3A_54 : memref<128xi32, #tpu.memory_space<vmem>>) semaphore(%run_scoped3A_51 : memref<!tpu.dma_semaphore, #tpu.memory_space<semaphore_mem>>) {add = true}
        %dma_wait3A_58 = arith.constant 0 : i32
        %dma_wait3A_59 = tpu.memref_slice %arg8[%run_scoped3A, %dma_wait3A_58] : memref<40x128xi32, #tpu.memory_space<vmem>> -> memref<1x128xi32, #tpu.memory_space<vmem>>
        %dma_wait3A_60 = tpu.memref_squeeze %dma_wait3A_59 : memref<1x128xi32, #tpu.memory_space<vmem>> -> memref<128xi32, #tpu.memory_space<vmem>>
        %dma_wait3A_61 = arith.constant 0 : i32
        %dma_wait3A_62 = arith.constant 0 : i32
        %dma_wait3A_63 = tpu.memref_slice %arg11[%dma_wait3A_61, %dma_wait3A_62] : memref<10240x128xf32, #tpu.memory_space<vmem_shared>> -> memref<10240x128xf32, #tpu.memory_space<vmem_shared>>
        tpu.wait_indirect_dma semaphore(%run_scoped3A_51 : memref<!tpu.dma_semaphore, #tpu.memory_space<semaphore_mem>>) src(%arg9 : memref<128x128xf32, #tpu.memory_space<vmem>>) dst(%dma_wait3A_63 : memref<10240x128xf32, #tpu.memory_space<vmem_shared>>)
        tpu.yield
      }) : () -> ()
      %dma_wait3A_43 = arith.constant 39 : i32
      %dma_wait3A_44 = arith.constant 0 : i32
      %dma_wait3A_45 = tpu.memref_slice %arg7[%dma_wait3A_43, %dma_wait3A_44] : memref<40x128xi32, #tpu.memory_space<vmem>> -> memref<1x128xi32, #tpu.memory_space<vmem>>
      %dma_wait3A_46 = tpu.memref_squeeze %dma_wait3A_45 : memref<1x128xi32, #tpu.memory_space<vmem>> -> memref<128xi32, #tpu.memory_space<vmem>>
      %dma_wait3A_47 = arith.constant 0 : i32
      %dma_wait3A_48 = arith.constant 0 : i32
      %dma_wait3A_49 = tpu.memref_slice %arg2[%dma_wait3A_47, %dma_wait3A_48] : memref<10000x128xf32, #tpu.memory_space<hbm>> -> memref<10000x128xf32, #tpu.memory_space<hbm>>
      tpu.wait_indirect_dma semaphore(%arg13 : memref<!tpu.dma_semaphore, #tpu.memory_space<semaphore_mem>>) src(%dma_wait3A_49 : memref<10000x128xf32, #tpu.memory_space<hbm>>) dst(%arg10 : memref<128x128xf32, #tpu.memory_space<vmem>>)
      %run_scoped3A_50 = arith.constant 39 : i32
      "tpu.region"() ({
        %run_scoped3A_51 = tpu.sem_alloc : memref<!tpu.dma_semaphore, #tpu.memory_space<semaphore_mem>>
        %dma_start3A_52 = arith.constant 0 : i32
        %dma_start3A_53 = tpu.memref_slice %arg8[%run_scoped3A_50, %dma_start3A_52] : memref<40x128xi32, #tpu.memory_space<vmem>> -> memref<1x128xi32, #tpu.memory_space<vmem>>
        %dma_start3A_54 = tpu.memref_squeeze %dma_start3A_53 : memref<1x128xi32, #tpu.memory_space<vmem>> -> memref<128xi32, #tpu.memory_space<vmem>>
        %dma_start3A_55 = arith.constant 0 : i32
        %dma_start3A_56 = arith.constant 0 : i32
        %dma_start3A_57 = tpu.memref_slice %arg11[%dma_start3A_55, %dma_start3A_56] : memref<10240x128xf32, #tpu.memory_space<vmem_shared>> -> memref<10240x128xf32, #tpu.memory_space<vmem_shared>>
        tpu.enqueue_indirect_dma source(%arg10 : memref<128x128xf32, #tpu.memory_space<vmem>>) target(%dma_start3A_57 : memref<10240x128xf32, #tpu.memory_space<vmem_shared>>) offsets(%dma_start3A_54 : memref<128xi32, #tpu.memory_space<vmem>>) semaphore(%run_scoped3A_51 : memref<!tpu.dma_semaphore, #tpu.memory_space<semaphore_mem>>) {add = true}
        %dma_wait3A_58 = arith.constant 0 : i32
        %dma_wait3A_59 = tpu.memref_slice %arg8[%run_scoped3A_50, %dma_wait3A_58] : memref<40x128xi32, #tpu.memory_space<vmem>> -> memref<1x128xi32, #tpu.memory_space<vmem>>
        %dma_wait3A_60 = tpu.memref_squeeze %dma_wait3A_59 : memref<1x128xi32, #tpu.memory_space<vmem>> -> memref<128xi32, #tpu.memory_space<vmem>>
        %dma_wait3A_61 = arith.constant 0 : i32
        %dma_wait3A_62 = arith.constant 0 : i32
        %dma_wait3A_63 = tpu.memref_slice %arg11[%dma_wait3A_61, %dma_wait3A_62] : memref<10240x128xf32, #tpu.memory_space<vmem_shared>> -> memref<10240x128xf32, #tpu.memory_space<vmem_shared>>
        tpu.wait_indirect_dma semaphore(%run_scoped3A_51 : memref<!tpu.dma_semaphore, #tpu.memory_space<semaphore_mem>>) src(%arg10 : memref<128x128xf32, #tpu.memory_space<vmem>>) dst(%dma_wait3A_63 : memref<10240x128xf32, #tpu.memory_space<vmem_shared>>)
        tpu.yield
      }) : () -> ()
    }
    %scan3A_9 = arith.constant 2 : i32
    %barrier3A_10 = arith.constant 0 : index
    tpu.barrier barrier_id(%barrier3A_10)
    "tpu.region"() ({
      %run_scoped3A = tpu.sem_alloc : memref<!tpu.dma_semaphore, #tpu.memory_space<semaphore_mem>>
      %dma_start3A = arith.constant 0 : i32
      %dma_start3A_11 = arith.constant 0 : i32
      %dma_start3A_12 = tpu.memref_slice %arg6[%arg0, %dma_start3A, %dma_start3A_11] : memref<2x10240x128xf32, #tpu.memory_space<hbm>> -> memref<1x10240x128xf32, #tpu.memory_space<hbm>>
      %dma_start3A_13 = tpu.memref_squeeze %dma_start3A_12 : memref<1x10240x128xf32, #tpu.memory_space<hbm>> -> memref<10240x128xf32, #tpu.memory_space<hbm>>
      %dma_start3A_14 = arith.constant 0 : i32
      %dma_start3A_15 = tpu.memref_slice %dma_start3A_13[%mul3A_0, %dma_start3A_14] : memref<10240x128xf32, #tpu.memory_space<hbm>> -> memref<640x128xf32, #tpu.memory_space<hbm>>
      %dma_start3A_16 = arith.constant 0 : i32
      %dma_start3A_17 = tpu.memref_slice %arg11[%mul3A_0, %dma_start3A_16] : memref<10240x128xf32, #tpu.memory_space<vmem_shared>> -> memref<640x128xf32, #tpu.memory_space<vmem_shared>>
      tpu.enqueue_dma source(%dma_start3A_17 : memref<640x128xf32, #tpu.memory_space<vmem_shared>>) target(%dma_start3A_15 : memref<640x128xf32, #tpu.memory_space<hbm>>) target_semaphore(%run_scoped3A : memref<!tpu.dma_semaphore, #tpu.memory_space<semaphore_mem>>)
      %dma_wait3A = arith.constant 0 : i32
      %dma_wait3A_18 = arith.constant 0 : i32
      %dma_wait3A_19 = tpu.memref_slice %arg6[%arg0, %dma_wait3A, %dma_wait3A_18] : memref<2x10240x128xf32, #tpu.memory_space<hbm>> -> memref<1x10240x128xf32, #tpu.memory_space<hbm>>
      %dma_wait3A_20 = tpu.memref_squeeze %dma_wait3A_19 : memref<1x10240x128xf32, #tpu.memory_space<hbm>> -> memref<10240x128xf32, #tpu.memory_space<hbm>>
      %dma_wait3A_21 = arith.constant 0 : i32
      %dma_wait3A_22 = tpu.memref_slice %dma_wait3A_20[%mul3A_0, %dma_wait3A_21] : memref<10240x128xf32, #tpu.memory_space<hbm>> -> memref<640x128xf32, #tpu.memory_space<hbm>>
      %dma_wait3A_23 = arith.constant 0 : i32
      %dma_wait3A_24 = tpu.memref_slice %arg11[%mul3A_0, %dma_wait3A_23] : memref<10240x128xf32, #tpu.memory_space<vmem_shared>> -> memref<640x128xf32, #tpu.memory_space<vmem_shared>>
      tpu.wait_dma2 semaphore(%run_scoped3A : memref<!tpu.dma_semaphore, #tpu.memory_space<semaphore_mem>>) src(%dma_wait3A_24 : memref<640x128xf32, #tpu.memory_space<vmem_shared>>) dst(%dma_wait3A_22 : memref<640x128xf32, #tpu.memory_space<hbm>>)
      tpu.yield
    }) : () -> ()
    return
  }
}

#map = affine_map<(d0, d1) -> (0, 0)>
#map1 = affine_map<(d0, d1) -> (0, 0, 0, 0)>
#map2 = affine_map<(d0, d1) -> (0, 0, 0)>
module attributes {stable_mosaic.version = 14 : i64} {
  func.func @_sc_agg_body(%arg0: i32, %arg1: i32, %arg2: memref<10000x128xf32, #tpu.memory_space<hbm>>, %arg3: memref<2x16x80x128xi32, #tpu.memory_space<hbm>>, %arg4: memref<2x16x80x128xi32, #tpu.memory_space<hbm>>, %arg5: memref<64x128xf32, #tpu.memory_space<hbm>>, %arg6: memref<2x10240x128xf32, #tpu.memory_space<hbm>>, %arg7: memref<40x128xi32, #tpu.memory_space<vmem>>, %arg8: memref<40x128xi32, #tpu.memory_space<vmem>>, %arg9: memref<128x128xf32, #tpu.memory_space<vmem>>, %arg10: memref<128x128xf32, #tpu.memory_space<vmem>>, %arg11: memref<10240x128xf32, #tpu.memory_space<vmem_shared>>, %arg12: memref<!tpu.dma_semaphore, #tpu.memory_space<semaphore_mem>>, %arg13: memref<!tpu.dma_semaphore, #tpu.memory_space<semaphore_mem>>) attributes {dimension_semantics = [#tpu.dimension_semantics<core_parallel>, #tpu.dimension_semantics<subcore_parallel>], iteration_bounds = array<i64: 2, 16>, scalar_prefetch = 0 : i64, scratch_operands = 7 : i64, tpu.core_type = #tpu.core_type<sc_vector_subcore>, window_params = [{transform_indices = #map}, {transform_indices = #map1}, {transform_indices = #map1}, {transform_indices = #map}, {transform_indices = #map2}]} {
    %mul3A = arith.constant 640 : i32
    %mul3A_0 = arith.muli %arg1, %mul3A : i32
    "tpu.region"() ({
      %run_scoped3A = tpu.sem_alloc : memref<!tpu.dma_semaphore, #tpu.memory_space<semaphore_mem>>
      %dma_start3A = arith.constant 0 : i32
      %dma_start3A_11 = arith.constant 0 : i32
      %dma_start3A_12 = tpu.memref_slice %arg9[%dma_start3A, %dma_start3A_11] : memref<128x128xf32, #tpu.memory_space<vmem>> -> memref<64x128xf32, #tpu.memory_space<vmem>>
      %dma_start3A_13 = arith.constant 0 : i32
      %dma_start3A_14 = arith.constant 0 : i32
      %dma_start3A_15 = tpu.memref_slice %arg9[%dma_start3A_13, %dma_start3A_14] : memref<128x128xf32, #tpu.memory_space<vmem>> -> memref<64x128xf32, #tpu.memory_space<vmem>>
      tpu.enqueue_dma source(%arg5 : memref<64x128xf32, #tpu.memory_space<hbm>>) target(%dma_start3A_15 : memref<64x128xf32, #tpu.memory_space<vmem>>) target_semaphore(%run_scoped3A : memref<!tpu.dma_semaphore, #tpu.memory_space<semaphore_mem>>)
      %dma_wait3A = arith.constant 0 : i32
      %dma_wait3A_16 = arith.constant 0 : i32
      %dma_wait3A_17 = tpu.memref_slice %arg9[%dma_wait3A, %dma_wait3A_16] : memref<128x128xf32, #tpu.memory_space<vmem>> -> memref<64x128xf32, #tpu.memory_space<vmem>>
      %dma_wait3A_18 = arith.constant 0 : i32
      %dma_wait3A_19 = arith.constant 0 : i32
      %dma_wait3A_20 = tpu.memref_slice %arg9[%dma_wait3A_18, %dma_wait3A_19] : memref<128x128xf32, #tpu.memory_space<vmem>> -> memref<64x128xf32, #tpu.memory_space<vmem>>
      tpu.wait_dma2 semaphore(%run_scoped3A : memref<!tpu.dma_semaphore, #tpu.memory_space<semaphore_mem>>) src(%arg5 : memref<64x128xf32, #tpu.memory_space<hbm>>) dst(%dma_wait3A_20 : memref<64x128xf32, #tpu.memory_space<vmem>>)
      tpu.yield
    }) : () -> ()
    %scan3A = arith.constant 0 : i32
    %scan3A_1 = arith.constant 10 : i32
    %scan3A_2 = arith.addi %scan3A, %scan3A_1 : i32
    %scan3A_3 = arith.constant 1 : i32
    scf.for %scan3A_11 = %scan3A to %scan3A_2 step %scan3A_3  : i32 {
      %mul3A_12 = arith.constant 1 : i32
      %mul3A_13 = arith.muli %scan3A_11, %mul3A_12 : i32
      %add3A = arith.constant 0 : i32
      %add3A_14 = arith.addi %add3A, %mul3A_13 : i32
      %mul3A_15 = arith.constant 64 : i32
      %mul3A_16 = arith.muli %add3A_14, %mul3A_15 : i32
      %add3A_17 = arith.addi %mul3A_0, %mul3A_16 : i32
      "tpu.region"() ({
        %run_scoped3A = tpu.sem_alloc : memref<!tpu.dma_semaphore, #tpu.memory_space<semaphore_mem>>
        %dma_start3A = arith.constant 0 : i32
        %dma_start3A_18 = arith.constant 0 : i32
        %dma_start3A_19 = tpu.memref_slice %arg9[%dma_start3A, %dma_start3A_18] : memref<128x128xf32, #tpu.memory_space<vmem>> -> memref<64x128xf32, #tpu.memory_space<vmem>>
        %dma_start3A_20 = arith.constant 0 : i32
        %dma_start3A_21 = tpu.memref_slice %arg11[%add3A_17, %dma_start3A_20] : memref<10240x128xf32, #tpu.memory_space<vmem_shared>> -> memref<64x128xf32, #tpu.memory_space<vmem_shared>>
        %dma_start3A_22 = arith.constant 0 : i32
        %dma_start3A_23 = tpu.memref_slice %arg11[%add3A_17, %dma_start3A_22] : memref<10240x128xf32, #tpu.memory_space<vmem_shared>> -> memref<64x128xf32, #tpu.memory_space<vmem_shared>>
        %dma_start3A_24 = arith.constant 0 : i32
        %dma_start3A_25 = arith.constant 0 : i32
        %dma_start3A_26 = tpu.memref_slice %arg9[%dma_start3A_24, %dma_start3A_25] : memref<128x128xf32, #tpu.memory_space<vmem>> -> memref<64x128xf32, #tpu.memory_space<vmem>>
        tpu.enqueue_dma source(%dma_start3A_26 : memref<64x128xf32, #tpu.memory_space<vmem>>) target(%dma_start3A_23 : memref<64x128xf32, #tpu.memory_space<vmem_shared>>) target_semaphore(%run_scoped3A : memref<!tpu.dma_semaphore, #tpu.memory_space<semaphore_mem>>)
        %dma_wait3A = arith.constant 0 : i32
        %dma_wait3A_27 = arith.constant 0 : i32
        %dma_wait3A_28 = tpu.memref_slice %arg9[%dma_wait3A, %dma_wait3A_27] : memref<128x128xf32, #tpu.memory_space<vmem>> -> memref<64x128xf32, #tpu.memory_space<vmem>>
        %dma_wait3A_29 = arith.constant 0 : i32
        %dma_wait3A_30 = tpu.memref_slice %arg11[%add3A_17, %dma_wait3A_29] : memref<10240x128xf32, #tpu.memory_space<vmem_shared>> -> memref<64x128xf32, #tpu.memory_space<vmem_shared>>
        %dma_wait3A_31 = arith.constant 0 : i32
        %dma_wait3A_32 = tpu.memref_slice %arg11[%add3A_17, %dma_wait3A_31] : memref<10240x128xf32, #tpu.memory_space<vmem_shared>> -> memref<64x128xf32, #tpu.memory_space<vmem_shared>>
        %dma_wait3A_33 = arith.constant 0 : i32
        %dma_wait3A_34 = arith.constant 0 : i32
        %dma_wait3A_35 = tpu.memref_slice %arg9[%dma_wait3A_33, %dma_wait3A_34] : memref<128x128xf32, #tpu.memory_space<vmem>> -> memref<64x128xf32, #tpu.memory_space<vmem>>
        tpu.wait_dma2 semaphore(%run_scoped3A : memref<!tpu.dma_semaphore, #tpu.memory_space<semaphore_mem>>) src(%dma_wait3A_35 : memref<64x128xf32, #tpu.memory_space<vmem>>) dst(%dma_wait3A_32 : memref<64x128xf32, #tpu.memory_space<vmem_shared>>)
        tpu.yield
      }) : () -> ()
    }
    %scan3A_4 = arith.constant 10 : i32
    %barrier3A = arith.constant 0 : index
    tpu.barrier barrier_id(%barrier3A)
    %scan3A_5 = arith.constant 0 : i32
    %scan3A_6 = arith.constant 2 : i32
    %scan3A_7 = arith.addi %scan3A_5, %scan3A_6 : i32
    %scan3A_8 = arith.constant 1 : i32
    scf.for %scan3A_11 = %scan3A_5 to %scan3A_7 step %scan3A_8  : i32 {
      %mul3A_12 = arith.constant 1 : i32
      %mul3A_13 = arith.muli %scan3A_11, %mul3A_12 : i32
      %add3A = arith.constant 0 : i32
      %add3A_14 = arith.addi %add3A, %mul3A_13 : i32
      %mul3A_15 = arith.constant 40 : i32
      %mul3A_16 = arith.muli %add3A_14, %mul3A_15 : i32
      "tpu.region"() ({
        %run_scoped3A_51 = tpu.sem_alloc : memref<!tpu.dma_semaphore, #tpu.memory_space<semaphore_mem>>
        %dma_start3A_52 = arith.constant 0 : i32
        %dma_start3A_53 = arith.constant 0 : i32
        %dma_start3A_54 = arith.constant 0 : i32
        %dma_start3A_55 = tpu.memref_slice %arg3[%arg0, %dma_start3A_52, %dma_start3A_53, %dma_start3A_54] : memref<2x16x80x128xi32, #tpu.memory_space<hbm>> -> memref<1x16x80x128xi32, #tpu.memory_space<hbm>>
        %dma_start3A_56 = tpu.memref_squeeze %dma_start3A_55 : memref<1x16x80x128xi32, #tpu.memory_space<hbm>> -> memref<16x80x128xi32, #tpu.memory_space<hbm>>
        %dma_start3A_57 = arith.constant 0 : i32
        %dma_start3A_58 = arith.constant 0 : i32
        %dma_start3A_59 = tpu.memref_slice %dma_start3A_56[%arg1, %dma_start3A_57, %dma_start3A_58] : memref<16x80x128xi32, #tpu.memory_space<hbm>> -> memref<1x80x128xi32, #tpu.memory_space<hbm>>
        %dma_start3A_60 = tpu.memref_squeeze %dma_start3A_59 : memref<1x80x128xi32, #tpu.memory_space<hbm>> -> memref<80x128xi32, #tpu.memory_space<hbm>>
        %dma_start3A_61 = arith.constant 0 : i32
        %dma_start3A_62 = tpu.memref_slice %dma_start3A_60[%mul3A_16, %dma_start3A_61] : memref<80x128xi32, #tpu.memory_space<hbm>> -> memref<40x128xi32, #tpu.memory_space<hbm>>
        %dma_start3A_63 = arith.constant 0 : i32
        %dma_start3A_64 = arith.constant 0 : i32
        %dma_start3A_65 = arith.constant 0 : i32
        %dma_start3A_66 = tpu.memref_slice %arg3[%arg0, %dma_start3A_63, %dma_start3A_64, %dma_start3A_65] : memref<2x16x80x128xi32, #tpu.memory_space<hbm>> -> memref<1x16x80x128xi32, #tpu.memory_space<hbm>>
        %dma_start3A_67 = tpu.memref_squeeze %dma_start3A_66 : memref<1x16x80x128xi32, #tpu.memory_space<hbm>> -> memref<16x80x128xi32, #tpu.memory_space<hbm>>
        %dma_start3A_68 = arith.constant 0 : i32
        %dma_start3A_69 = arith.constant 0 : i32
        %dma_start3A_70 = tpu.memref_slice %dma_start3A_67[%arg1, %dma_start3A_68, %dma_start3A_69] : memref<16x80x128xi32, #tpu.memory_space<hbm>> -> memref<1x80x128xi32, #tpu.memory_space<hbm>>
        %dma_start3A_71 = tpu.memref_squeeze %dma_start3A_70 : memref<1x80x128xi32, #tpu.memory_space<hbm>> -> memref<80x128xi32, #tpu.memory_space<hbm>>
        %dma_start3A_72 = arith.constant 0 : i32
        %dma_start3A_73 = tpu.memref_slice %dma_start3A_71[%mul3A_16, %dma_start3A_72] : memref<80x128xi32, #tpu.memory_space<hbm>> -> memref<40x128xi32, #tpu.memory_space<hbm>>
        tpu.enqueue_dma source(%dma_start3A_73 : memref<40x128xi32, #tpu.memory_space<hbm>>) target(%arg7 : memref<40x128xi32, #tpu.memory_space<vmem>>) target_semaphore(%run_scoped3A_51 : memref<!tpu.dma_semaphore, #tpu.memory_space<semaphore_mem>>)
        %dma_wait3A_74 = arith.constant 0 : i32
        %dma_wait3A_75 = arith.constant 0 : i32
        %dma_wait3A_76 = arith.constant 0 : i32
        %dma_wait3A_77 = tpu.memref_slice %arg3[%arg0, %dma_wait3A_74, %dma_wait3A_75, %dma_wait3A_76] : memref<2x16x80x128xi32, #tpu.memory_space<hbm>> -> memref<1x16x80x128xi32, #tpu.memory_space<hbm>>
        %dma_wait3A_78 = tpu.memref_squeeze %dma_wait3A_77 : memref<1x16x80x128xi32, #tpu.memory_space<hbm>> -> memref<16x80x128xi32, #tpu.memory_space<hbm>>
        %dma_wait3A_79 = arith.constant 0 : i32
        %dma_wait3A_80 = arith.constant 0 : i32
        %dma_wait3A_81 = tpu.memref_slice %dma_wait3A_78[%arg1, %dma_wait3A_79, %dma_wait3A_80] : memref<16x80x128xi32, #tpu.memory_space<hbm>> -> memref<1x80x128xi32, #tpu.memory_space<hbm>>
        %dma_wait3A_82 = tpu.memref_squeeze %dma_wait3A_81 : memref<1x80x128xi32, #tpu.memory_space<hbm>> -> memref<80x128xi32, #tpu.memory_space<hbm>>
        %dma_wait3A_83 = arith.constant 0 : i32
        %dma_wait3A_84 = tpu.memref_slice %dma_wait3A_82[%mul3A_16, %dma_wait3A_83] : memref<80x128xi32, #tpu.memory_space<hbm>> -> memref<40x128xi32, #tpu.memory_space<hbm>>
        %dma_wait3A_85 = arith.constant 0 : i32
        %dma_wait3A_86 = arith.constant 0 : i32
        %dma_wait3A_87 = arith.constant 0 : i32
        %dma_wait3A_88 = tpu.memref_slice %arg3[%arg0, %dma_wait3A_85, %dma_wait3A_86, %dma_wait3A_87] : memref<2x16x80x128xi32, #tpu.memory_space<hbm>> -> memref<1x16x80x128xi32, #tpu.memory_space<hbm>>
        %dma_wait3A_89 = tpu.memref_squeeze %dma_wait3A_88 : memref<1x16x80x128xi32, #tpu.memory_space<hbm>> -> memref<16x80x128xi32, #tpu.memory_space<hbm>>
        %dma_wait3A_90 = arith.constant 0 : i32
        %dma_wait3A_91 = arith.constant 0 : i32
        %dma_wait3A_92 = tpu.memref_slice %dma_wait3A_89[%arg1, %dma_wait3A_90, %dma_wait3A_91] : memref<16x80x128xi32, #tpu.memory_space<hbm>> -> memref<1x80x128xi32, #tpu.memory_space<hbm>>
        %dma_wait3A_93 = tpu.memref_squeeze %dma_wait3A_92 : memref<1x80x128xi32, #tpu.memory_space<hbm>> -> memref<80x128xi32, #tpu.memory_space<hbm>>
        %dma_wait3A_94 = arith.constant 0 : i32
        %dma_wait3A_95 = tpu.memref_slice %dma_wait3A_93[%mul3A_16, %dma_wait3A_94] : memref<80x128xi32, #tpu.memory_space<hbm>> -> memref<40x128xi32, #tpu.memory_space<hbm>>
        tpu.wait_dma2 semaphore(%run_scoped3A_51 : memref<!tpu.dma_semaphore, #tpu.memory_space<semaphore_mem>>) src(%dma_wait3A_95 : memref<40x128xi32, #tpu.memory_space<hbm>>) dst(%arg7 : memref<40x128xi32, #tpu.memory_space<vmem>>)
        tpu.yield
      }) : () -> ()
      %mul3A_17 = arith.constant 40 : i32
      %mul3A_18 = arith.muli %add3A_14, %mul3A_17 : i32
      "tpu.region"() ({
        %run_scoped3A_51 = tpu.sem_alloc : memref<!tpu.dma_semaphore, #tpu.memory_space<semaphore_mem>>
        %dma_start3A_52 = arith.constant 0 : i32
        %dma_start3A_53 = arith.constant 0 : i32
        %dma_start3A_54 = arith.constant 0 : i32
        %dma_start3A_55 = tpu.memref_slice %arg4[%arg0, %dma_start3A_52, %dma_start3A_53, %dma_start3A_54] : memref<2x16x80x128xi32, #tpu.memory_space<hbm>> -> memref<1x16x80x128xi32, #tpu.memory_space<hbm>>
        %dma_start3A_56 = tpu.memref_squeeze %dma_start3A_55 : memref<1x16x80x128xi32, #tpu.memory_space<hbm>> -> memref<16x80x128xi32, #tpu.memory_space<hbm>>
        %dma_start3A_57 = arith.constant 0 : i32
        %dma_start3A_58 = arith.constant 0 : i32
        %dma_start3A_59 = tpu.memref_slice %dma_start3A_56[%arg1, %dma_start3A_57, %dma_start3A_58] : memref<16x80x128xi32, #tpu.memory_space<hbm>> -> memref<1x80x128xi32, #tpu.memory_space<hbm>>
        %dma_start3A_60 = tpu.memref_squeeze %dma_start3A_59 : memref<1x80x128xi32, #tpu.memory_space<hbm>> -> memref<80x128xi32, #tpu.memory_space<hbm>>
        %dma_start3A_61 = arith.constant 0 : i32
        %dma_start3A_62 = tpu.memref_slice %dma_start3A_60[%mul3A_18, %dma_start3A_61] : memref<80x128xi32, #tpu.memory_space<hbm>> -> memref<40x128xi32, #tpu.memory_space<hbm>>
        %dma_start3A_63 = arith.constant 0 : i32
        %dma_start3A_64 = arith.constant 0 : i32
        %dma_start3A_65 = arith.constant 0 : i32
        %dma_start3A_66 = tpu.memref_slice %arg4[%arg0, %dma_start3A_63, %dma_start3A_64, %dma_start3A_65] : memref<2x16x80x128xi32, #tpu.memory_space<hbm>> -> memref<1x16x80x128xi32, #tpu.memory_space<hbm>>
        %dma_start3A_67 = tpu.memref_squeeze %dma_start3A_66 : memref<1x16x80x128xi32, #tpu.memory_space<hbm>> -> memref<16x80x128xi32, #tpu.memory_space<hbm>>
        %dma_start3A_68 = arith.constant 0 : i32
        %dma_start3A_69 = arith.constant 0 : i32
        %dma_start3A_70 = tpu.memref_slice %dma_start3A_67[%arg1, %dma_start3A_68, %dma_start3A_69] : memref<16x80x128xi32, #tpu.memory_space<hbm>> -> memref<1x80x128xi32, #tpu.memory_space<hbm>>
        %dma_start3A_71 = tpu.memref_squeeze %dma_start3A_70 : memref<1x80x128xi32, #tpu.memory_space<hbm>> -> memref<80x128xi32, #tpu.memory_space<hbm>>
        %dma_start3A_72 = arith.constant 0 : i32
        %dma_start3A_73 = tpu.memref_slice %dma_start3A_71[%mul3A_18, %dma_start3A_72] : memref<80x128xi32, #tpu.memory_space<hbm>> -> memref<40x128xi32, #tpu.memory_space<hbm>>
        tpu.enqueue_dma source(%dma_start3A_73 : memref<40x128xi32, #tpu.memory_space<hbm>>) target(%arg8 : memref<40x128xi32, #tpu.memory_space<vmem>>) target_semaphore(%run_scoped3A_51 : memref<!tpu.dma_semaphore, #tpu.memory_space<semaphore_mem>>)
        %dma_wait3A_74 = arith.constant 0 : i32
        %dma_wait3A_75 = arith.constant 0 : i32
        %dma_wait3A_76 = arith.constant 0 : i32
        %dma_wait3A_77 = tpu.memref_slice %arg4[%arg0, %dma_wait3A_74, %dma_wait3A_75, %dma_wait3A_76] : memref<2x16x80x128xi32, #tpu.memory_space<hbm>> -> memref<1x16x80x128xi32, #tpu.memory_space<hbm>>
        %dma_wait3A_78 = tpu.memref_squeeze %dma_wait3A_77 : memref<1x16x80x128xi32, #tpu.memory_space<hbm>> -> memref<16x80x128xi32, #tpu.memory_space<hbm>>
        %dma_wait3A_79 = arith.constant 0 : i32
        %dma_wait3A_80 = arith.constant 0 : i32
        %dma_wait3A_81 = tpu.memref_slice %dma_wait3A_78[%arg1, %dma_wait3A_79, %dma_wait3A_80] : memref<16x80x128xi32, #tpu.memory_space<hbm>> -> memref<1x80x128xi32, #tpu.memory_space<hbm>>
        %dma_wait3A_82 = tpu.memref_squeeze %dma_wait3A_81 : memref<1x80x128xi32, #tpu.memory_space<hbm>> -> memref<80x128xi32, #tpu.memory_space<hbm>>
        %dma_wait3A_83 = arith.constant 0 : i32
        %dma_wait3A_84 = tpu.memref_slice %dma_wait3A_82[%mul3A_18, %dma_wait3A_83] : memref<80x128xi32, #tpu.memory_space<hbm>> -> memref<40x128xi32, #tpu.memory_space<hbm>>
        %dma_wait3A_85 = arith.constant 0 : i32
        %dma_wait3A_86 = arith.constant 0 : i32
        %dma_wait3A_87 = arith.constant 0 : i32
        %dma_wait3A_88 = tpu.memref_slice %arg4[%arg0, %dma_wait3A_85, %dma_wait3A_86, %dma_wait3A_87] : memref<2x16x80x128xi32, #tpu.memory_space<hbm>> -> memref<1x16x80x128xi32, #tpu.memory_space<hbm>>
        %dma_wait3A_89 = tpu.memref_squeeze %dma_wait3A_88 : memref<1x16x80x128xi32, #tpu.memory_space<hbm>> -> memref<16x80x128xi32, #tpu.memory_space<hbm>>
        %dma_wait3A_90 = arith.constant 0 : i32
        %dma_wait3A_91 = arith.constant 0 : i32
        %dma_wait3A_92 = tpu.memref_slice %dma_wait3A_89[%arg1, %dma_wait3A_90, %dma_wait3A_91] : memref<16x80x128xi32, #tpu.memory_space<hbm>> -> memref<1x80x128xi32, #tpu.memory_space<hbm>>
        %dma_wait3A_93 = tpu.memref_squeeze %dma_wait3A_92 : memref<1x80x128xi32, #tpu.memory_space<hbm>> -> memref<80x128xi32, #tpu.memory_space<hbm>>
        %dma_wait3A_94 = arith.constant 0 : i32
        %dma_wait3A_95 = tpu.memref_slice %dma_wait3A_93[%mul3A_18, %dma_wait3A_94] : memref<80x128xi32, #tpu.memory_space<hbm>> -> memref<40x128xi32, #tpu.memory_space<hbm>>
        tpu.wait_dma2 semaphore(%run_scoped3A_51 : memref<!tpu.dma_semaphore, #tpu.memory_space<semaphore_mem>>) src(%dma_wait3A_95 : memref<40x128xi32, #tpu.memory_space<hbm>>) dst(%arg8 : memref<40x128xi32, #tpu.memory_space<vmem>>)
        tpu.yield
      }) : () -> ()
      %dma_start3A = arith.constant 0 : i32
      %dma_start3A_19 = arith.constant 0 : i32
      %dma_start3A_20 = tpu.memref_slice %arg7[%dma_start3A, %dma_start3A_19] : memref<40x128xi32, #tpu.memory_space<vmem>> -> memref<1x128xi32, #tpu.memory_space<vmem>>
      %dma_start3A_21 = tpu.memref_squeeze %dma_start3A_20 : memref<1x128xi32, #tpu.memory_space<vmem>> -> memref<128xi32, #tpu.memory_space<vmem>>
      %dma_start3A_22 = arith.constant 0 : i32
      %dma_start3A_23 = arith.constant 0 : i32
      %dma_start3A_24 = tpu.memref_slice %arg2[%dma_start3A_22, %dma_start3A_23] : memref<10000x128xf32, #tpu.memory_space<hbm>> -> memref<10000x128xf32, #tpu.memory_space<hbm>>
      tpu.enqueue_indirect_dma source(%dma_start3A_24 : memref<10000x128xf32, #tpu.memory_space<hbm>>) target(%arg9 : memref<128x128xf32, #tpu.memory_space<vmem>>) offsets(%dma_start3A_21 : memref<128xi32, #tpu.memory_space<vmem>>) semaphore(%arg12 : memref<!tpu.dma_semaphore, #tpu.memory_space<semaphore_mem>>)
      %dma_start3A_25 = arith.constant 1 : i32
      %dma_start3A_26 = arith.constant 0 : i32
      %dma_start3A_27 = tpu.memref_slice %arg7[%dma_start3A_25, %dma_start3A_26] : memref<40x128xi32, #tpu.memory_space<vmem>> -> memref<1x128xi32, #tpu.memory_space<vmem>>
      %dma_start3A_28 = tpu.memref_squeeze %dma_start3A_27 : memref<1x128xi32, #tpu.memory_space<vmem>> -> memref<128xi32, #tpu.memory_space<vmem>>
      %dma_start3A_29 = arith.constant 0 : i32
      %dma_start3A_30 = arith.constant 0 : i32
      %dma_start3A_31 = tpu.memref_slice %arg2[%dma_start3A_29, %dma_start3A_30] : memref<10000x128xf32, #tpu.memory_space<hbm>> -> memref<10000x128xf32, #tpu.memory_space<hbm>>
      tpu.enqueue_indirect_dma source(%dma_start3A_31 : memref<10000x128xf32, #tpu.memory_space<hbm>>) target(%arg10 : memref<128x128xf32, #tpu.memory_space<vmem>>) offsets(%dma_start3A_28 : memref<128xi32, #tpu.memory_space<vmem>>) semaphore(%arg13 : memref<!tpu.dma_semaphore, #tpu.memory_space<semaphore_mem>>)
      %scan3A_32 = arith.constant 0 : i32
      %scan3A_33 = arith.constant 19 : i32
      %scan3A_34 = arith.addi %scan3A_32, %scan3A_33 : i32
      %scan3A_35 = arith.constant 1 : i32
      scf.for %scan3A_51 = %scan3A_32 to %scan3A_34 step %scan3A_35  : i32 {
        %mul3A_52 = arith.constant 2 : i32
        %mul3A_53 = arith.muli %scan3A_51, %mul3A_52 : i32
        %add3A_54 = arith.constant 0 : i32
        %add3A_55 = arith.addi %add3A_54, %mul3A_53 : i32
        %add3A_56 = arith.constant 0 : i32
        %add3A_57 = arith.addi %add3A_55, %add3A_56 : i32
        %dma_wait3A_58 = arith.constant 0 : i32
        %dma_wait3A_59 = tpu.memref_slice %arg7[%add3A_57, %dma_wait3A_58] : memref<40x128xi32, #tpu.memory_space<vmem>> -> memref<1x128xi32, #tpu.memory_space<vmem>>
        %dma_wait3A_60 = tpu.memref_squeeze %dma_wait3A_59 : memref<1x128xi32, #tpu.memory_space<vmem>> -> memref<128xi32, #tpu.memory_space<vmem>>
        %dma_wait3A_61 = arith.constant 0 : i32
        %dma_wait3A_62 = arith.constant 0 : i32
        %dma_wait3A_63 = tpu.memref_slice %arg2[%dma_wait3A_61, %dma_wait3A_62] : memref<10000x128xf32, #tpu.memory_space<hbm>> -> memref<10000x128xf32, #tpu.memory_space<hbm>>
        tpu.wait_indirect_dma semaphore(%arg12 : memref<!tpu.dma_semaphore, #tpu.memory_space<semaphore_mem>>) src(%dma_wait3A_63 : memref<10000x128xf32, #tpu.memory_space<hbm>>) dst(%arg9 : memref<128x128xf32, #tpu.memory_space<vmem>>)
        %add3A_64 = arith.constant 0 : i32
        %add3A_65 = arith.addi %add3A_55, %add3A_64 : i32
        "tpu.region"() ({
          %run_scoped3A_96 = tpu.sem_alloc : memref<!tpu.dma_semaphore, #tpu.memory_space<semaphore_mem>>
          %dma_start3A_97 = arith.constant 0 : i32
          %dma_start3A_98 = tpu.memref_slice %arg8[%add3A_65, %dma_start3A_97] : memref<40x128xi32, #tpu.memory_space<vmem>> -> memref<1x128xi32, #tpu.memory_space<vmem>>
          %dma_start3A_99 = tpu.memref_squeeze %dma_start3A_98 : memref<1x128xi32, #tpu.memory_space<vmem>> -> memref<128xi32, #tpu.memory_space<vmem>>
          %dma_start3A_100 = arith.constant 0 : i32
          %dma_start3A_101 = arith.constant 0 : i32
          %dma_start3A_102 = tpu.memref_slice %arg11[%dma_start3A_100, %dma_start3A_101] : memref<10240x128xf32, #tpu.memory_space<vmem_shared>> -> memref<10240x128xf32, #tpu.memory_space<vmem_shared>>
          tpu.enqueue_indirect_dma source(%arg9 : memref<128x128xf32, #tpu.memory_space<vmem>>) target(%dma_start3A_102 : memref<10240x128xf32, #tpu.memory_space<vmem_shared>>) offsets(%dma_start3A_99 : memref<128xi32, #tpu.memory_space<vmem>>) semaphore(%run_scoped3A_96 : memref<!tpu.dma_semaphore, #tpu.memory_space<semaphore_mem>>) {add = true}
          %dma_wait3A_103 = arith.constant 0 : i32
          %dma_wait3A_104 = tpu.memref_slice %arg8[%add3A_65, %dma_wait3A_103] : memref<40x128xi32, #tpu.memory_space<vmem>> -> memref<1x128xi32, #tpu.memory_space<vmem>>
          %dma_wait3A_105 = tpu.memref_squeeze %dma_wait3A_104 : memref<1x128xi32, #tpu.memory_space<vmem>> -> memref<128xi32, #tpu.memory_space<vmem>>
          %dma_wait3A_106 = arith.constant 0 : i32
          %dma_wait3A_107 = arith.constant 0 : i32
          %dma_wait3A_108 = tpu.memref_slice %arg11[%dma_wait3A_106, %dma_wait3A_107] : memref<10240x128xf32, #tpu.memory_space<vmem_shared>> -> memref<10240x128xf32, #tpu.memory_space<vmem_shared>>
          tpu.wait_indirect_dma semaphore(%run_scoped3A_96 : memref<!tpu.dma_semaphore, #tpu.memory_space<semaphore_mem>>) src(%arg9 : memref<128x128xf32, #tpu.memory_space<vmem>>) dst(%dma_wait3A_108 : memref<10240x128xf32, #tpu.memory_space<vmem_shared>>)
          tpu.yield
        }) : () -> ()
        %add3A_66 = arith.constant 0 : i32
        %add3A_67 = arith.addi %add3A_55, %add3A_66 : i32
        %add3A_68 = arith.constant 2 : i32
        %add3A_69 = arith.addi %add3A_67, %add3A_68 : i32
        %dma_start3A_70 = arith.constant 0 : i32
        %dma_start3A_71 = tpu.memref_slice %arg7[%add3A_69, %dma_start3A_70] : memref<40x128xi32, #tpu.memory_space<vmem>> -> memref<1x128xi32, #tpu.memory_space<vmem>>
        %dma_start3A_72 = tpu.memref_squeeze %dma_start3A_71 : memref<1x128xi32, #tpu.memory_space<vmem>> -> memref<128xi32, #tpu.memory_space<vmem>>
        %dma_start3A_73 = arith.constant 0 : i32
        %dma_start3A_74 = arith.constant 0 : i32
        %dma_start3A_75 = tpu.memref_slice %arg2[%dma_start3A_73, %dma_start3A_74] : memref<10000x128xf32, #tpu.memory_space<hbm>> -> memref<10000x128xf32, #tpu.memory_space<hbm>>
        tpu.enqueue_indirect_dma source(%dma_start3A_75 : memref<10000x128xf32, #tpu.memory_space<hbm>>) target(%arg9 : memref<128x128xf32, #tpu.memory_space<vmem>>) offsets(%dma_start3A_72 : memref<128xi32, #tpu.memory_space<vmem>>) semaphore(%arg12 : memref<!tpu.dma_semaphore, #tpu.memory_space<semaphore_mem>>)
        %add3A_76 = arith.constant 1 : i32
        %add3A_77 = arith.addi %add3A_55, %add3A_76 : i32
        %dma_wait3A_78 = arith.constant 0 : i32
        %dma_wait3A_79 = tpu.memref_slice %arg7[%add3A_77, %dma_wait3A_78] : memref<40x128xi32, #tpu.memory_space<vmem>> -> memref<1x128xi32, #tpu.memory_space<vmem>>
        %dma_wait3A_80 = tpu.memref_squeeze %dma_wait3A_79 : memref<1x128xi32, #tpu.memory_space<vmem>> -> memref<128xi32, #tpu.memory_space<vmem>>
        %dma_wait3A_81 = arith.constant 0 : i32
        %dma_wait3A_82 = arith.constant 0 : i32
        %dma_wait3A_83 = tpu.memref_slice %arg2[%dma_wait3A_81, %dma_wait3A_82] : memref<10000x128xf32, #tpu.memory_space<hbm>> -> memref<10000x128xf32, #tpu.memory_space<hbm>>
        tpu.wait_indirect_dma semaphore(%arg13 : memref<!tpu.dma_semaphore, #tpu.memory_space<semaphore_mem>>) src(%dma_wait3A_83 : memref<10000x128xf32, #tpu.memory_space<hbm>>) dst(%arg10 : memref<128x128xf32, #tpu.memory_space<vmem>>)
        %add3A_84 = arith.constant 1 : i32
        %add3A_85 = arith.addi %add3A_55, %add3A_84 : i32
        "tpu.region"() ({
          %run_scoped3A_96 = tpu.sem_alloc : memref<!tpu.dma_semaphore, #tpu.memory_space<semaphore_mem>>
          %dma_start3A_97 = arith.constant 0 : i32
          %dma_start3A_98 = tpu.memref_slice %arg8[%add3A_85, %dma_start3A_97] : memref<40x128xi32, #tpu.memory_space<vmem>> -> memref<1x128xi32, #tpu.memory_space<vmem>>
          %dma_start3A_99 = tpu.memref_squeeze %dma_start3A_98 : memref<1x128xi32, #tpu.memory_space<vmem>> -> memref<128xi32, #tpu.memory_space<vmem>>
          %dma_start3A_100 = arith.constant 0 : i32
          %dma_start3A_101 = arith.constant 0 : i32
          %dma_start3A_102 = tpu.memref_slice %arg11[%dma_start3A_100, %dma_start3A_101] : memref<10240x128xf32, #tpu.memory_space<vmem_shared>> -> memref<10240x128xf32, #tpu.memory_space<vmem_shared>>
          tpu.enqueue_indirect_dma source(%arg10 : memref<128x128xf32, #tpu.memory_space<vmem>>) target(%dma_start3A_102 : memref<10240x128xf32, #tpu.memory_space<vmem_shared>>) offsets(%dma_start3A_99 : memref<128xi32, #tpu.memory_space<vmem>>) semaphore(%run_scoped3A_96 : memref<!tpu.dma_semaphore, #tpu.memory_space<semaphore_mem>>) {add = true}
          %dma_wait3A_103 = arith.constant 0 : i32
          %dma_wait3A_104 = tpu.memref_slice %arg8[%add3A_85, %dma_wait3A_103] : memref<40x128xi32, #tpu.memory_space<vmem>> -> memref<1x128xi32, #tpu.memory_space<vmem>>
          %dma_wait3A_105 = tpu.memref_squeeze %dma_wait3A_104 : memref<1x128xi32, #tpu.memory_space<vmem>> -> memref<128xi32, #tpu.memory_space<vmem>>
          %dma_wait3A_106 = arith.constant 0 : i32
          %dma_wait3A_107 = arith.constant 0 : i32
          %dma_wait3A_108 = tpu.memref_slice %arg11[%dma_wait3A_106, %dma_wait3A_107] : memref<10240x128xf32, #tpu.memory_space<vmem_shared>> -> memref<10240x128xf32, #tpu.memory_space<vmem_shared>>
          tpu.wait_indirect_dma semaphore(%run_scoped3A_96 : memref<!tpu.dma_semaphore, #tpu.memory_space<semaphore_mem>>) src(%arg10 : memref<128x128xf32, #tpu.memory_space<vmem>>) dst(%dma_wait3A_108 : memref<10240x128xf32, #tpu.memory_space<vmem_shared>>)
          tpu.yield
        }) : () -> ()
        %add3A_86 = arith.constant 1 : i32
        %add3A_87 = arith.addi %add3A_55, %add3A_86 : i32
        %add3A_88 = arith.constant 2 : i32
        %add3A_89 = arith.addi %add3A_87, %add3A_88 : i32
        %dma_start3A_90 = arith.constant 0 : i32
        %dma_start3A_91 = tpu.memref_slice %arg7[%add3A_89, %dma_start3A_90] : memref<40x128xi32, #tpu.memory_space<vmem>> -> memref<1x128xi32, #tpu.memory_space<vmem>>
        %dma_start3A_92 = tpu.memref_squeeze %dma_start3A_91 : memref<1x128xi32, #tpu.memory_space<vmem>> -> memref<128xi32, #tpu.memory_space<vmem>>
        %dma_start3A_93 = arith.constant 0 : i32
        %dma_start3A_94 = arith.constant 0 : i32
        %dma_start3A_95 = tpu.memref_slice %arg2[%dma_start3A_93, %dma_start3A_94] : memref<10000x128xf32, #tpu.memory_space<hbm>> -> memref<10000x128xf32, #tpu.memory_space<hbm>>
        tpu.enqueue_indirect_dma source(%dma_start3A_95 : memref<10000x128xf32, #tpu.memory_space<hbm>>) target(%arg10 : memref<128x128xf32, #tpu.memory_space<vmem>>) offsets(%dma_start3A_92 : memref<128xi32, #tpu.memory_space<vmem>>) semaphore(%arg13 : memref<!tpu.dma_semaphore, #tpu.memory_space<semaphore_mem>>)
      }
      %scan3A_36 = arith.constant 19 : i32
      %dma_wait3A = arith.constant 38 : i32
      %dma_wait3A_37 = arith.constant 0 : i32
      %dma_wait3A_38 = tpu.memref_slice %arg7[%dma_wait3A, %dma_wait3A_37] : memref<40x128xi32, #tpu.memory_space<vmem>> -> memref<1x128xi32, #tpu.memory_space<vmem>>
      %dma_wait3A_39 = tpu.memref_squeeze %dma_wait3A_38 : memref<1x128xi32, #tpu.memory_space<vmem>> -> memref<128xi32, #tpu.memory_space<vmem>>
      %dma_wait3A_40 = arith.constant 0 : i32
      %dma_wait3A_41 = arith.constant 0 : i32
      %dma_wait3A_42 = tpu.memref_slice %arg2[%dma_wait3A_40, %dma_wait3A_41] : memref<10000x128xf32, #tpu.memory_space<hbm>> -> memref<10000x128xf32, #tpu.memory_space<hbm>>
      tpu.wait_indirect_dma semaphore(%arg12 : memref<!tpu.dma_semaphore, #tpu.memory_space<semaphore_mem>>) src(%dma_wait3A_42 : memref<10000x128xf32, #tpu.memory_space<hbm>>) dst(%arg9 : memref<128x128xf32, #tpu.memory_space<vmem>>)
      %run_scoped3A = arith.constant 38 : i32
      "tpu.region"() ({
        %run_scoped3A_51 = tpu.sem_alloc : memref<!tpu.dma_semaphore, #tpu.memory_space<semaphore_mem>>
        %dma_start3A_52 = arith.constant 0 : i32
        %dma_start3A_53 = tpu.memref_slice %arg8[%run_scoped3A, %dma_start3A_52] : memref<40x128xi32, #tpu.memory_space<vmem>> -> memref<1x128xi32, #tpu.memory_space<vmem>>
        %dma_start3A_54 = tpu.memref_squeeze %dma_start3A_53 : memref<1x128xi32, #tpu.memory_space<vmem>> -> memref<128xi32, #tpu.memory_space<vmem>>
        %dma_start3A_55 = arith.constant 0 : i32
        %dma_start3A_56 = arith.constant 0 : i32
        %dma_start3A_57 = tpu.memref_slice %arg11[%dma_start3A_55, %dma_start3A_56] : memref<10240x128xf32, #tpu.memory_space<vmem_shared>> -> memref<10240x128xf32, #tpu.memory_space<vmem_shared>>
        tpu.enqueue_indirect_dma source(%arg9 : memref<128x128xf32, #tpu.memory_space<vmem>>) target(%dma_start3A_57 : memref<10240x128xf32, #tpu.memory_space<vmem_shared>>) offsets(%dma_start3A_54 : memref<128xi32, #tpu.memory_space<vmem>>) semaphore(%run_scoped3A_51 : memref<!tpu.dma_semaphore, #tpu.memory_space<semaphore_mem>>) {add = true}
        %dma_wait3A_58 = arith.constant 0 : i32
        %dma_wait3A_59 = tpu.memref_slice %arg8[%run_scoped3A, %dma_wait3A_58] : memref<40x128xi32, #tpu.memory_space<vmem>> -> memref<1x128xi32, #tpu.memory_space<vmem>>
        %dma_wait3A_60 = tpu.memref_squeeze %dma_wait3A_59 : memref<1x128xi32, #tpu.memory_space<vmem>> -> memref<128xi32, #tpu.memory_space<vmem>>
        %dma_wait3A_61 = arith.constant 0 : i32
        %dma_wait3A_62 = arith.constant 0 : i32
        %dma_wait3A_63 = tpu.memref_slice %arg11[%dma_wait3A_61, %dma_wait3A_62] : memref<10240x128xf32, #tpu.memory_space<vmem_shared>> -> memref<10240x128xf32, #tpu.memory_space<vmem_shared>>
        tpu.wait_indirect_dma semaphore(%run_scoped3A_51 : memref<!tpu.dma_semaphore, #tpu.memory_space<semaphore_mem>>) src(%arg9 : memref<128x128xf32, #tpu.memory_space<vmem>>) dst(%dma_wait3A_63 : memref<10240x128xf32, #tpu.memory_space<vmem_shared>>)
        tpu.yield
      }) : () -> ()
      %dma_wait3A_43 = arith.constant 39 : i32
      %dma_wait3A_44 = arith.constant 0 : i32
      %dma_wait3A_45 = tpu.memref_slice %arg7[%dma_wait3A_43, %dma_wait3A_44] : memref<40x128xi32, #tpu.memory_space<vmem>> -> memref<1x128xi32, #tpu.memory_space<vmem>>
      %dma_wait3A_46 = tpu.memref_squeeze %dma_wait3A_45 : memref<1x128xi32, #tpu.memory_space<vmem>> -> memref<128xi32, #tpu.memory_space<vmem>>
      %dma_wait3A_47 = arith.constant 0 : i32
      %dma_wait3A_48 = arith.constant 0 : i32
      %dma_wait3A_49 = tpu.memref_slice %arg2[%dma_wait3A_47, %dma_wait3A_48] : memref<10000x128xf32, #tpu.memory_space<hbm>> -> memref<10000x128xf32, #tpu.memory_space<hbm>>
      tpu.wait_indirect_dma semaphore(%arg13 : memref<!tpu.dma_semaphore, #tpu.memory_space<semaphore_mem>>) src(%dma_wait3A_49 : memref<10000x128xf32, #tpu.memory_space<hbm>>) dst(%arg10 : memref<128x128xf32, #tpu.memory_space<vmem>>)
      %run_scoped3A_50 = arith.constant 39 : i32
      "tpu.region"() ({
        %run_scoped3A_51 = tpu.sem_alloc : memref<!tpu.dma_semaphore, #tpu.memory_space<semaphore_mem>>
        %dma_start3A_52 = arith.constant 0 : i32
        %dma_start3A_53 = tpu.memref_slice %arg8[%run_scoped3A_50, %dma_start3A_52] : memref<40x128xi32, #tpu.memory_space<vmem>> -> memref<1x128xi32, #tpu.memory_space<vmem>>
        %dma_start3A_54 = tpu.memref_squeeze %dma_start3A_53 : memref<1x128xi32, #tpu.memory_space<vmem>> -> memref<128xi32, #tpu.memory_space<vmem>>
        %dma_start3A_55 = arith.constant 0 : i32
        %dma_start3A_56 = arith.constant 0 : i32
        %dma_start3A_57 = tpu.memref_slice %arg11[%dma_start3A_55, %dma_start3A_56] : memref<10240x128xf32, #tpu.memory_space<vmem_shared>> -> memref<10240x128xf32, #tpu.memory_space<vmem_shared>>
        tpu.enqueue_indirect_dma source(%arg10 : memref<128x128xf32, #tpu.memory_space<vmem>>) target(%dma_start3A_57 : memref<10240x128xf32, #tpu.memory_space<vmem_shared>>) offsets(%dma_start3A_54 : memref<128xi32, #tpu.memory_space<vmem>>) semaphore(%run_scoped3A_51 : memref<!tpu.dma_semaphore, #tpu.memory_space<semaphore_mem>>) {add = true}
        %dma_wait3A_58 = arith.constant 0 : i32
        %dma_wait3A_59 = tpu.memref_slice %arg8[%run_scoped3A_50, %dma_wait3A_58] : memref<40x128xi32, #tpu.memory_space<vmem>> -> memref<1x128xi32, #tpu.memory_space<vmem>>
        %dma_wait3A_60 = tpu.memref_squeeze %dma_wait3A_59 : memref<1x128xi32, #tpu.memory_space<vmem>> -> memref<128xi32, #tpu.memory_space<vmem>>
        %dma_wait3A_61 = arith.constant 0 : i32
        %dma_wait3A_62 = arith.constant 0 : i32
        %dma_wait3A_63 = tpu.memref_slice %arg11[%dma_wait3A_61, %dma_wait3A_62] : memref<10240x128xf32, #tpu.memory_space<vmem_shared>> -> memref<10240x128xf32, #tpu.memory_space<vmem_shared>>
        tpu.wait_indirect_dma semaphore(%run_scoped3A_51 : memref<!tpu.dma_semaphore, #tpu.memory_space<semaphore_mem>>) src(%arg10 : memref<128x128xf32, #tpu.memory_space<vmem>>) dst(%dma_wait3A_63 : memref<10240x128xf32, #tpu.memory_space<vmem_shared>>)
        tpu.yield
      }) : () -> ()
    }
    %scan3A_9 = arith.constant 2 : i32
    %barrier3A_10 = arith.constant 0 : index
    tpu.barrier barrier_id(%barrier3A_10)
    "tpu.region"() ({
      %run_scoped3A = tpu.sem_alloc : memref<!tpu.dma_semaphore, #tpu.memory_space<semaphore_mem>>
      %dma_start3A = arith.constant 0 : i32
      %dma_start3A_11 = arith.constant 0 : i32
      %dma_start3A_12 = tpu.memref_slice %arg6[%arg0, %dma_start3A, %dma_start3A_11] : memref<2x10240x128xf32, #tpu.memory_space<hbm>> -> memref<1x10240x128xf32, #tpu.memory_space<hbm>>
      %dma_start3A_13 = tpu.memref_squeeze %dma_start3A_12 : memref<1x10240x128xf32, #tpu.memory_space<hbm>> -> memref<10240x128xf32, #tpu.memory_space<hbm>>
      %dma_start3A_14 = arith.constant 0 : i32
      %dma_start3A_15 = tpu.memref_slice %dma_start3A_13[%mul3A_0, %dma_start3A_14] : memref<10240x128xf32, #tpu.memory_space<hbm>> -> memref<640x128xf32, #tpu.memory_space<hbm>>
      %dma_start3A_16 = arith.constant 0 : i32
      %dma_start3A_17 = tpu.memref_slice %arg11[%mul3A_0, %dma_start3A_16] : memref<10240x128xf32, #tpu.memory_space<vmem_shared>> -> memref<640x128xf32, #tpu.memory_space<vmem_shared>>
      tpu.enqueue_dma source(%dma_start3A_17 : memref<640x128xf32, #tpu.memory_space<vmem_shared>>) target(%dma_start3A_15 : memref<640x128xf32, #tpu.memory_space<hbm>>) target_semaphore(%run_scoped3A : memref<!tpu.dma_semaphore, #tpu.memory_space<semaphore_mem>>)
      %dma_wait3A = arith.constant 0 : i32
      %dma_wait3A_18 = arith.constant 0 : i32
      %dma_wait3A_19 = tpu.memref_slice %arg6[%arg0, %dma_wait3A, %dma_wait3A_18] : memref<2x10240x128xf32, #tpu.memory_space<hbm>> -> memref<1x10240x128xf32, #tpu.memory_space<hbm>>
      %dma_wait3A_20 = tpu.memref_squeeze %dma_wait3A_19 : memref<1x10240x128xf32, #tpu.memory_space<hbm>> -> memref<10240x128xf32, #tpu.memory_space<hbm>>
      %dma_wait3A_21 = arith.constant 0 : i32
      %dma_wait3A_22 = tpu.memref_slice %dma_wait3A_20[%mul3A_0, %dma_wait3A_21] : memref<10240x128xf32, #tpu.memory_space<hbm>> -> memref<640x128xf32, #tpu.memory_space<hbm>>
      %dma_wait3A_23 = arith.constant 0 : i32
      %dma_wait3A_24 = tpu.memref_slice %arg11[%mul3A_0, %dma_wait3A_23] : memref<10240x128xf32, #tpu.memory_space<vmem_shared>> -> memref<640x128xf32, #tpu.memory_space<vmem_shared>>
      tpu.wait_dma2 semaphore(%run_scoped3A : memref<!tpu.dma_semaphore, #tpu.memory_space<semaphore_mem>>) src(%dma_wait3A_24 : memref<640x128xf32, #tpu.memory_space<vmem_shared>>) dst(%dma_wait3A_22 : memref<640x128xf32, #tpu.memory_space<hbm>>)
      tpu.yield
    }) : () -> ()
    return
  }
}

#map = affine_map<(d0, d1) -> (0, 0)>
#map1 = affine_map<(d0, d1) -> (0, 0, 0, 0)>
#map2 = affine_map<(d0, d1) -> (0, 0, 0)>
module attributes {stable_mosaic.version = 14 : i64} {
  func.func @_sc_agg_body(%arg0: i32, %arg1: i32, %arg2: memref<10000x128xf32, #tpu.memory_space<hbm>>, %arg3: memref<2x16x80x128xi32, #tpu.memory_space<hbm>>, %arg4: memref<2x16x80x128xi32, #tpu.memory_space<hbm>>, %arg5: memref<64x128xf32, #tpu.memory_space<hbm>>, %arg6: memref<2x10240x128xf32, #tpu.memory_space<hbm>>, %arg7: memref<40x128xi32, #tpu.memory_space<vmem>>, %arg8: memref<40x128xi32, #tpu.memory_space<vmem>>, %arg9: memref<128x128xf32, #tpu.memory_space<vmem>>, %arg10: memref<128x128xf32, #tpu.memory_space<vmem>>, %arg11: memref<10240x128xf32, #tpu.memory_space<vmem_shared>>, %arg12: memref<!tpu.dma_semaphore, #tpu.memory_space<semaphore_mem>>, %arg13: memref<!tpu.dma_semaphore, #tpu.memory_space<semaphore_mem>>) attributes {dimension_semantics = [#tpu.dimension_semantics<core_parallel>, #tpu.dimension_semantics<subcore_parallel>], iteration_bounds = array<i64: 2, 16>, scalar_prefetch = 0 : i64, scratch_operands = 7 : i64, tpu.core_type = #tpu.core_type<sc_vector_subcore>, window_params = [{transform_indices = #map}, {transform_indices = #map1}, {transform_indices = #map1}, {transform_indices = #map}, {transform_indices = #map2}]} {
    %mul3A = arith.constant 640 : i32
    %mul3A_0 = arith.muli %arg1, %mul3A : i32
    "tpu.region"() ({
      %run_scoped3A = tpu.sem_alloc : memref<!tpu.dma_semaphore, #tpu.memory_space<semaphore_mem>>
      %dma_start3A = arith.constant 0 : i32
      %dma_start3A_11 = arith.constant 0 : i32
      %dma_start3A_12 = tpu.memref_slice %arg9[%dma_start3A, %dma_start3A_11] : memref<128x128xf32, #tpu.memory_space<vmem>> -> memref<64x128xf32, #tpu.memory_space<vmem>>
      %dma_start3A_13 = arith.constant 0 : i32
      %dma_start3A_14 = arith.constant 0 : i32
      %dma_start3A_15 = tpu.memref_slice %arg9[%dma_start3A_13, %dma_start3A_14] : memref<128x128xf32, #tpu.memory_space<vmem>> -> memref<64x128xf32, #tpu.memory_space<vmem>>
      tpu.enqueue_dma source(%arg5 : memref<64x128xf32, #tpu.memory_space<hbm>>) target(%dma_start3A_15 : memref<64x128xf32, #tpu.memory_space<vmem>>) target_semaphore(%run_scoped3A : memref<!tpu.dma_semaphore, #tpu.memory_space<semaphore_mem>>)
      %dma_wait3A = arith.constant 0 : i32
      %dma_wait3A_16 = arith.constant 0 : i32
      %dma_wait3A_17 = tpu.memref_slice %arg9[%dma_wait3A, %dma_wait3A_16] : memref<128x128xf32, #tpu.memory_space<vmem>> -> memref<64x128xf32, #tpu.memory_space<vmem>>
      %dma_wait3A_18 = arith.constant 0 : i32
      %dma_wait3A_19 = arith.constant 0 : i32
      %dma_wait3A_20 = tpu.memref_slice %arg9[%dma_wait3A_18, %dma_wait3A_19] : memref<128x128xf32, #tpu.memory_space<vmem>> -> memref<64x128xf32, #tpu.memory_space<vmem>>
      tpu.wait_dma2 semaphore(%run_scoped3A : memref<!tpu.dma_semaphore, #tpu.memory_space<semaphore_mem>>) src(%arg5 : memref<64x128xf32, #tpu.memory_space<hbm>>) dst(%dma_wait3A_20 : memref<64x128xf32, #tpu.memory_space<vmem>>)
      tpu.yield
    }) : () -> ()
    %scan3A = arith.constant 0 : i32
    %scan3A_1 = arith.constant 10 : i32
    %scan3A_2 = arith.addi %scan3A, %scan3A_1 : i32
    %scan3A_3 = arith.constant 1 : i32
    scf.for %scan3A_11 = %scan3A to %scan3A_2 step %scan3A_3  : i32 {
      %mul3A_12 = arith.constant 1 : i32
      %mul3A_13 = arith.muli %scan3A_11, %mul3A_12 : i32
      %add3A = arith.constant 0 : i32
      %add3A_14 = arith.addi %add3A, %mul3A_13 : i32
      %mul3A_15 = arith.constant 64 : i32
      %mul3A_16 = arith.muli %add3A_14, %mul3A_15 : i32
      %add3A_17 = arith.addi %mul3A_0, %mul3A_16 : i32
      "tpu.region"() ({
        %run_scoped3A = tpu.sem_alloc : memref<!tpu.dma_semaphore, #tpu.memory_space<semaphore_mem>>
        %dma_start3A = arith.constant 0 : i32
        %dma_start3A_18 = arith.constant 0 : i32
        %dma_start3A_19 = tpu.memref_slice %arg9[%dma_start3A, %dma_start3A_18] : memref<128x128xf32, #tpu.memory_space<vmem>> -> memref<64x128xf32, #tpu.memory_space<vmem>>
        %dma_start3A_20 = arith.constant 0 : i32
        %dma_start3A_21 = tpu.memref_slice %arg11[%add3A_17, %dma_start3A_20] : memref<10240x128xf32, #tpu.memory_space<vmem_shared>> -> memref<64x128xf32, #tpu.memory_space<vmem_shared>>
        %dma_start3A_22 = arith.constant 0 : i32
        %dma_start3A_23 = tpu.memref_slice %arg11[%add3A_17, %dma_start3A_22] : memref<10240x128xf32, #tpu.memory_space<vmem_shared>> -> memref<64x128xf32, #tpu.memory_space<vmem_shared>>
        %dma_start3A_24 = arith.constant 0 : i32
        %dma_start3A_25 = arith.constant 0 : i32
        %dma_start3A_26 = tpu.memref_slice %arg9[%dma_start3A_24, %dma_start3A_25] : memref<128x128xf32, #tpu.memory_space<vmem>> -> memref<64x128xf32, #tpu.memory_space<vmem>>
        tpu.enqueue_dma source(%dma_start3A_26 : memref<64x128xf32, #tpu.memory_space<vmem>>) target(%dma_start3A_23 : memref<64x128xf32, #tpu.memory_space<vmem_shared>>) target_semaphore(%run_scoped3A : memref<!tpu.dma_semaphore, #tpu.memory_space<semaphore_mem>>)
        %dma_wait3A = arith.constant 0 : i32
        %dma_wait3A_27 = arith.constant 0 : i32
        %dma_wait3A_28 = tpu.memref_slice %arg9[%dma_wait3A, %dma_wait3A_27] : memref<128x128xf32, #tpu.memory_space<vmem>> -> memref<64x128xf32, #tpu.memory_space<vmem>>
        %dma_wait3A_29 = arith.constant 0 : i32
        %dma_wait3A_30 = tpu.memref_slice %arg11[%add3A_17, %dma_wait3A_29] : memref<10240x128xf32, #tpu.memory_space<vmem_shared>> -> memref<64x128xf32, #tpu.memory_space<vmem_shared>>
        %dma_wait3A_31 = arith.constant 0 : i32
        %dma_wait3A_32 = tpu.memref_slice %arg11[%add3A_17, %dma_wait3A_31] : memref<10240x128xf32, #tpu.memory_space<vmem_shared>> -> memref<64x128xf32, #tpu.memory_space<vmem_shared>>
        %dma_wait3A_33 = arith.constant 0 : i32
        %dma_wait3A_34 = arith.constant 0 : i32
        %dma_wait3A_35 = tpu.memref_slice %arg9[%dma_wait3A_33, %dma_wait3A_34] : memref<128x128xf32, #tpu.memory_space<vmem>> -> memref<64x128xf32, #tpu.memory_space<vmem>>
        tpu.wait_dma2 semaphore(%run_scoped3A : memref<!tpu.dma_semaphore, #tpu.memory_space<semaphore_mem>>) src(%dma_wait3A_35 : memref<64x128xf32, #tpu.memory_space<vmem>>) dst(%dma_wait3A_32 : memref<64x128xf32, #tpu.memory_space<vmem_shared>>)
        tpu.yield
      }) : () -> ()
    }
    %scan3A_4 = arith.constant 10 : i32
    %barrier3A = arith.constant 0 : index
    tpu.barrier barrier_id(%barrier3A)
    %scan3A_5 = arith.constant 0 : i32
    %scan3A_6 = arith.constant 2 : i32
    %scan3A_7 = arith.addi %scan3A_5, %scan3A_6 : i32
    %scan3A_8 = arith.constant 1 : i32
    scf.for %scan3A_11 = %scan3A_5 to %scan3A_7 step %scan3A_8  : i32 {
      %mul3A_12 = arith.constant 1 : i32
      %mul3A_13 = arith.muli %scan3A_11, %mul3A_12 : i32
      %add3A = arith.constant 0 : i32
      %add3A_14 = arith.addi %add3A, %mul3A_13 : i32
      %mul3A_15 = arith.constant 40 : i32
      %mul3A_16 = arith.muli %add3A_14, %mul3A_15 : i32
      "tpu.region"() ({
        %run_scoped3A_51 = tpu.sem_alloc : memref<!tpu.dma_semaphore, #tpu.memory_space<semaphore_mem>>
        %dma_start3A_52 = arith.constant 0 : i32
        %dma_start3A_53 = arith.constant 0 : i32
        %dma_start3A_54 = arith.constant 0 : i32
        %dma_start3A_55 = tpu.memref_slice %arg3[%arg0, %dma_start3A_52, %dma_start3A_53, %dma_start3A_54] : memref<2x16x80x128xi32, #tpu.memory_space<hbm>> -> memref<1x16x80x128xi32, #tpu.memory_space<hbm>>
        %dma_start3A_56 = tpu.memref_squeeze %dma_start3A_55 : memref<1x16x80x128xi32, #tpu.memory_space<hbm>> -> memref<16x80x128xi32, #tpu.memory_space<hbm>>
        %dma_start3A_57 = arith.constant 0 : i32
        %dma_start3A_58 = arith.constant 0 : i32
        %dma_start3A_59 = tpu.memref_slice %dma_start3A_56[%arg1, %dma_start3A_57, %dma_start3A_58] : memref<16x80x128xi32, #tpu.memory_space<hbm>> -> memref<1x80x128xi32, #tpu.memory_space<hbm>>
        %dma_start3A_60 = tpu.memref_squeeze %dma_start3A_59 : memref<1x80x128xi32, #tpu.memory_space<hbm>> -> memref<80x128xi32, #tpu.memory_space<hbm>>
        %dma_start3A_61 = arith.constant 0 : i32
        %dma_start3A_62 = tpu.memref_slice %dma_start3A_60[%mul3A_16, %dma_start3A_61] : memref<80x128xi32, #tpu.memory_space<hbm>> -> memref<40x128xi32, #tpu.memory_space<hbm>>
        %dma_start3A_63 = arith.constant 0 : i32
        %dma_start3A_64 = arith.constant 0 : i32
        %dma_start3A_65 = arith.constant 0 : i32
        %dma_start3A_66 = tpu.memref_slice %arg3[%arg0, %dma_start3A_63, %dma_start3A_64, %dma_start3A_65] : memref<2x16x80x128xi32, #tpu.memory_space<hbm>> -> memref<1x16x80x128xi32, #tpu.memory_space<hbm>>
        %dma_start3A_67 = tpu.memref_squeeze %dma_start3A_66 : memref<1x16x80x128xi32, #tpu.memory_space<hbm>> -> memref<16x80x128xi32, #tpu.memory_space<hbm>>
        %dma_start3A_68 = arith.constant 0 : i32
        %dma_start3A_69 = arith.constant 0 : i32
        %dma_start3A_70 = tpu.memref_slice %dma_start3A_67[%arg1, %dma_start3A_68, %dma_start3A_69] : memref<16x80x128xi32, #tpu.memory_space<hbm>> -> memref<1x80x128xi32, #tpu.memory_space<hbm>>
        %dma_start3A_71 = tpu.memref_squeeze %dma_start3A_70 : memref<1x80x128xi32, #tpu.memory_space<hbm>> -> memref<80x128xi32, #tpu.memory_space<hbm>>
        %dma_start3A_72 = arith.constant 0 : i32
        %dma_start3A_73 = tpu.memref_slice %dma_start3A_71[%mul3A_16, %dma_start3A_72] : memref<80x128xi32, #tpu.memory_space<hbm>> -> memref<40x128xi32, #tpu.memory_space<hbm>>
        tpu.enqueue_dma source(%dma_start3A_73 : memref<40x128xi32, #tpu.memory_space<hbm>>) target(%arg7 : memref<40x128xi32, #tpu.memory_space<vmem>>) target_semaphore(%run_scoped3A_51 : memref<!tpu.dma_semaphore, #tpu.memory_space<semaphore_mem>>)
        %dma_wait3A_74 = arith.constant 0 : i32
        %dma_wait3A_75 = arith.constant 0 : i32
        %dma_wait3A_76 = arith.constant 0 : i32
        %dma_wait3A_77 = tpu.memref_slice %arg3[%arg0, %dma_wait3A_74, %dma_wait3A_75, %dma_wait3A_76] : memref<2x16x80x128xi32, #tpu.memory_space<hbm>> -> memref<1x16x80x128xi32, #tpu.memory_space<hbm>>
        %dma_wait3A_78 = tpu.memref_squeeze %dma_wait3A_77 : memref<1x16x80x128xi32, #tpu.memory_space<hbm>> -> memref<16x80x128xi32, #tpu.memory_space<hbm>>
        %dma_wait3A_79 = arith.constant 0 : i32
        %dma_wait3A_80 = arith.constant 0 : i32
        %dma_wait3A_81 = tpu.memref_slice %dma_wait3A_78[%arg1, %dma_wait3A_79, %dma_wait3A_80] : memref<16x80x128xi32, #tpu.memory_space<hbm>> -> memref<1x80x128xi32, #tpu.memory_space<hbm>>
        %dma_wait3A_82 = tpu.memref_squeeze %dma_wait3A_81 : memref<1x80x128xi32, #tpu.memory_space<hbm>> -> memref<80x128xi32, #tpu.memory_space<hbm>>
        %dma_wait3A_83 = arith.constant 0 : i32
        %dma_wait3A_84 = tpu.memref_slice %dma_wait3A_82[%mul3A_16, %dma_wait3A_83] : memref<80x128xi32, #tpu.memory_space<hbm>> -> memref<40x128xi32, #tpu.memory_space<hbm>>
        %dma_wait3A_85 = arith.constant 0 : i32
        %dma_wait3A_86 = arith.constant 0 : i32
        %dma_wait3A_87 = arith.constant 0 : i32
        %dma_wait3A_88 = tpu.memref_slice %arg3[%arg0, %dma_wait3A_85, %dma_wait3A_86, %dma_wait3A_87] : memref<2x16x80x128xi32, #tpu.memory_space<hbm>> -> memref<1x16x80x128xi32, #tpu.memory_space<hbm>>
        %dma_wait3A_89 = tpu.memref_squeeze %dma_wait3A_88 : memref<1x16x80x128xi32, #tpu.memory_space<hbm>> -> memref<16x80x128xi32, #tpu.memory_space<hbm>>
        %dma_wait3A_90 = arith.constant 0 : i32
        %dma_wait3A_91 = arith.constant 0 : i32
        %dma_wait3A_92 = tpu.memref_slice %dma_wait3A_89[%arg1, %dma_wait3A_90, %dma_wait3A_91] : memref<16x80x128xi32, #tpu.memory_space<hbm>> -> memref<1x80x128xi32, #tpu.memory_space<hbm>>
        %dma_wait3A_93 = tpu.memref_squeeze %dma_wait3A_92 : memref<1x80x128xi32, #tpu.memory_space<hbm>> -> memref<80x128xi32, #tpu.memory_space<hbm>>
        %dma_wait3A_94 = arith.constant 0 : i32
        %dma_wait3A_95 = tpu.memref_slice %dma_wait3A_93[%mul3A_16, %dma_wait3A_94] : memref<80x128xi32, #tpu.memory_space<hbm>> -> memref<40x128xi32, #tpu.memory_space<hbm>>
        tpu.wait_dma2 semaphore(%run_scoped3A_51 : memref<!tpu.dma_semaphore, #tpu.memory_space<semaphore_mem>>) src(%dma_wait3A_95 : memref<40x128xi32, #tpu.memory_space<hbm>>) dst(%arg7 : memref<40x128xi32, #tpu.memory_space<vmem>>)
        tpu.yield
      }) : () -> ()
      %mul3A_17 = arith.constant 40 : i32
      %mul3A_18 = arith.muli %add3A_14, %mul3A_17 : i32
      "tpu.region"() ({
        %run_scoped3A_51 = tpu.sem_alloc : memref<!tpu.dma_semaphore, #tpu.memory_space<semaphore_mem>>
        %dma_start3A_52 = arith.constant 0 : i32
        %dma_start3A_53 = arith.constant 0 : i32
        %dma_start3A_54 = arith.constant 0 : i32
        %dma_start3A_55 = tpu.memref_slice %arg4[%arg0, %dma_start3A_52, %dma_start3A_53, %dma_start3A_54] : memref<2x16x80x128xi32, #tpu.memory_space<hbm>> -> memref<1x16x80x128xi32, #tpu.memory_space<hbm>>
        %dma_start3A_56 = tpu.memref_squeeze %dma_start3A_55 : memref<1x16x80x128xi32, #tpu.memory_space<hbm>> -> memref<16x80x128xi32, #tpu.memory_space<hbm>>
        %dma_start3A_57 = arith.constant 0 : i32
        %dma_start3A_58 = arith.constant 0 : i32
        %dma_start3A_59 = tpu.memref_slice %dma_start3A_56[%arg1, %dma_start3A_57, %dma_start3A_58] : memref<16x80x128xi32, #tpu.memory_space<hbm>> -> memref<1x80x128xi32, #tpu.memory_space<hbm>>
        %dma_start3A_60 = tpu.memref_squeeze %dma_start3A_59 : memref<1x80x128xi32, #tpu.memory_space<hbm>> -> memref<80x128xi32, #tpu.memory_space<hbm>>
        %dma_start3A_61 = arith.constant 0 : i32
        %dma_start3A_62 = tpu.memref_slice %dma_start3A_60[%mul3A_18, %dma_start3A_61] : memref<80x128xi32, #tpu.memory_space<hbm>> -> memref<40x128xi32, #tpu.memory_space<hbm>>
        %dma_start3A_63 = arith.constant 0 : i32
        %dma_start3A_64 = arith.constant 0 : i32
        %dma_start3A_65 = arith.constant 0 : i32
        %dma_start3A_66 = tpu.memref_slice %arg4[%arg0, %dma_start3A_63, %dma_start3A_64, %dma_start3A_65] : memref<2x16x80x128xi32, #tpu.memory_space<hbm>> -> memref<1x16x80x128xi32, #tpu.memory_space<hbm>>
        %dma_start3A_67 = tpu.memref_squeeze %dma_start3A_66 : memref<1x16x80x128xi32, #tpu.memory_space<hbm>> -> memref<16x80x128xi32, #tpu.memory_space<hbm>>
        %dma_start3A_68 = arith.constant 0 : i32
        %dma_start3A_69 = arith.constant 0 : i32
        %dma_start3A_70 = tpu.memref_slice %dma_start3A_67[%arg1, %dma_start3A_68, %dma_start3A_69] : memref<16x80x128xi32, #tpu.memory_space<hbm>> -> memref<1x80x128xi32, #tpu.memory_space<hbm>>
        %dma_start3A_71 = tpu.memref_squeeze %dma_start3A_70 : memref<1x80x128xi32, #tpu.memory_space<hbm>> -> memref<80x128xi32, #tpu.memory_space<hbm>>
        %dma_start3A_72 = arith.constant 0 : i32
        %dma_start3A_73 = tpu.memref_slice %dma_start3A_71[%mul3A_18, %dma_start3A_72] : memref<80x128xi32, #tpu.memory_space<hbm>> -> memref<40x128xi32, #tpu.memory_space<hbm>>
        tpu.enqueue_dma source(%dma_start3A_73 : memref<40x128xi32, #tpu.memory_space<hbm>>) target(%arg8 : memref<40x128xi32, #tpu.memory_space<vmem>>) target_semaphore(%run_scoped3A_51 : memref<!tpu.dma_semaphore, #tpu.memory_space<semaphore_mem>>)
        %dma_wait3A_74 = arith.constant 0 : i32
        %dma_wait3A_75 = arith.constant 0 : i32
        %dma_wait3A_76 = arith.constant 0 : i32
        %dma_wait3A_77 = tpu.memref_slice %arg4[%arg0, %dma_wait3A_74, %dma_wait3A_75, %dma_wait3A_76] : memref<2x16x80x128xi32, #tpu.memory_space<hbm>> -> memref<1x16x80x128xi32, #tpu.memory_space<hbm>>
        %dma_wait3A_78 = tpu.memref_squeeze %dma_wait3A_77 : memref<1x16x80x128xi32, #tpu.memory_space<hbm>> -> memref<16x80x128xi32, #tpu.memory_space<hbm>>
        %dma_wait3A_79 = arith.constant 0 : i32
        %dma_wait3A_80 = arith.constant 0 : i32
        %dma_wait3A_81 = tpu.memref_slice %dma_wait3A_78[%arg1, %dma_wait3A_79, %dma_wait3A_80] : memref<16x80x128xi32, #tpu.memory_space<hbm>> -> memref<1x80x128xi32, #tpu.memory_space<hbm>>
        %dma_wait3A_82 = tpu.memref_squeeze %dma_wait3A_81 : memref<1x80x128xi32, #tpu.memory_space<hbm>> -> memref<80x128xi32, #tpu.memory_space<hbm>>
        %dma_wait3A_83 = arith.constant 0 : i32
        %dma_wait3A_84 = tpu.memref_slice %dma_wait3A_82[%mul3A_18, %dma_wait3A_83] : memref<80x128xi32, #tpu.memory_space<hbm>> -> memref<40x128xi32, #tpu.memory_space<hbm>>
        %dma_wait3A_85 = arith.constant 0 : i32
        %dma_wait3A_86 = arith.constant 0 : i32
        %dma_wait3A_87 = arith.constant 0 : i32
        %dma_wait3A_88 = tpu.memref_slice %arg4[%arg0, %dma_wait3A_85, %dma_wait3A_86, %dma_wait3A_87] : memref<2x16x80x128xi32, #tpu.memory_space<hbm>> -> memref<1x16x80x128xi32, #tpu.memory_space<hbm>>
        %dma_wait3A_89 = tpu.memref_squeeze %dma_wait3A_88 : memref<1x16x80x128xi32, #tpu.memory_space<hbm>> -> memref<16x80x128xi32, #tpu.memory_space<hbm>>
        %dma_wait3A_90 = arith.constant 0 : i32
        %dma_wait3A_91 = arith.constant 0 : i32
        %dma_wait3A_92 = tpu.memref_slice %dma_wait3A_89[%arg1, %dma_wait3A_90, %dma_wait3A_91] : memref<16x80x128xi32, #tpu.memory_space<hbm>> -> memref<1x80x128xi32, #tpu.memory_space<hbm>>
        %dma_wait3A_93 = tpu.memref_squeeze %dma_wait3A_92 : memref<1x80x128xi32, #tpu.memory_space<hbm>> -> memref<80x128xi32, #tpu.memory_space<hbm>>
        %dma_wait3A_94 = arith.constant 0 : i32
        %dma_wait3A_95 = tpu.memref_slice %dma_wait3A_93[%mul3A_18, %dma_wait3A_94] : memref<80x128xi32, #tpu.memory_space<hbm>> -> memref<40x128xi32, #tpu.memory_space<hbm>>
        tpu.wait_dma2 semaphore(%run_scoped3A_51 : memref<!tpu.dma_semaphore, #tpu.memory_space<semaphore_mem>>) src(%dma_wait3A_95 : memref<40x128xi32, #tpu.memory_space<hbm>>) dst(%arg8 : memref<40x128xi32, #tpu.memory_space<vmem>>)
        tpu.yield
      }) : () -> ()
      %dma_start3A = arith.constant 0 : i32
      %dma_start3A_19 = arith.constant 0 : i32
      %dma_start3A_20 = tpu.memref_slice %arg7[%dma_start3A, %dma_start3A_19] : memref<40x128xi32, #tpu.memory_space<vmem>> -> memref<1x128xi32, #tpu.memory_space<vmem>>
      %dma_start3A_21 = tpu.memref_squeeze %dma_start3A_20 : memref<1x128xi32, #tpu.memory_space<vmem>> -> memref<128xi32, #tpu.memory_space<vmem>>
      %dma_start3A_22 = arith.constant 0 : i32
      %dma_start3A_23 = arith.constant 0 : i32
      %dma_start3A_24 = tpu.memref_slice %arg2[%dma_start3A_22, %dma_start3A_23] : memref<10000x128xf32, #tpu.memory_space<hbm>> -> memref<10000x128xf32, #tpu.memory_space<hbm>>
      tpu.enqueue_indirect_dma source(%dma_start3A_24 : memref<10000x128xf32, #tpu.memory_space<hbm>>) target(%arg9 : memref<128x128xf32, #tpu.memory_space<vmem>>) offsets(%dma_start3A_21 : memref<128xi32, #tpu.memory_space<vmem>>) semaphore(%arg12 : memref<!tpu.dma_semaphore, #tpu.memory_space<semaphore_mem>>)
      %dma_start3A_25 = arith.constant 1 : i32
      %dma_start3A_26 = arith.constant 0 : i32
      %dma_start3A_27 = tpu.memref_slice %arg7[%dma_start3A_25, %dma_start3A_26] : memref<40x128xi32, #tpu.memory_space<vmem>> -> memref<1x128xi32, #tpu.memory_space<vmem>>
      %dma_start3A_28 = tpu.memref_squeeze %dma_start3A_27 : memref<1x128xi32, #tpu.memory_space<vmem>> -> memref<128xi32, #tpu.memory_space<vmem>>
      %dma_start3A_29 = arith.constant 0 : i32
      %dma_start3A_30 = arith.constant 0 : i32
      %dma_start3A_31 = tpu.memref_slice %arg2[%dma_start3A_29, %dma_start3A_30] : memref<10000x128xf32, #tpu.memory_space<hbm>> -> memref<10000x128xf32, #tpu.memory_space<hbm>>
      tpu.enqueue_indirect_dma source(%dma_start3A_31 : memref<10000x128xf32, #tpu.memory_space<hbm>>) target(%arg10 : memref<128x128xf32, #tpu.memory_space<vmem>>) offsets(%dma_start3A_28 : memref<128xi32, #tpu.memory_space<vmem>>) semaphore(%arg13 : memref<!tpu.dma_semaphore, #tpu.memory_space<semaphore_mem>>)
      %scan3A_32 = arith.constant 0 : i32
      %scan3A_33 = arith.constant 19 : i32
      %scan3A_34 = arith.addi %scan3A_32, %scan3A_33 : i32
      %scan3A_35 = arith.constant 1 : i32
      scf.for %scan3A_51 = %scan3A_32 to %scan3A_34 step %scan3A_35  : i32 {
        %mul3A_52 = arith.constant 2 : i32
        %mul3A_53 = arith.muli %scan3A_51, %mul3A_52 : i32
        %add3A_54 = arith.constant 0 : i32
        %add3A_55 = arith.addi %add3A_54, %mul3A_53 : i32
        %add3A_56 = arith.constant 0 : i32
        %add3A_57 = arith.addi %add3A_55, %add3A_56 : i32
        %dma_wait3A_58 = arith.constant 0 : i32
        %dma_wait3A_59 = tpu.memref_slice %arg7[%add3A_57, %dma_wait3A_58] : memref<40x128xi32, #tpu.memory_space<vmem>> -> memref<1x128xi32, #tpu.memory_space<vmem>>
        %dma_wait3A_60 = tpu.memref_squeeze %dma_wait3A_59 : memref<1x128xi32, #tpu.memory_space<vmem>> -> memref<128xi32, #tpu.memory_space<vmem>>
        %dma_wait3A_61 = arith.constant 0 : i32
        %dma_wait3A_62 = arith.constant 0 : i32
        %dma_wait3A_63 = tpu.memref_slice %arg2[%dma_wait3A_61, %dma_wait3A_62] : memref<10000x128xf32, #tpu.memory_space<hbm>> -> memref<10000x128xf32, #tpu.memory_space<hbm>>
        tpu.wait_indirect_dma semaphore(%arg12 : memref<!tpu.dma_semaphore, #tpu.memory_space<semaphore_mem>>) src(%dma_wait3A_63 : memref<10000x128xf32, #tpu.memory_space<hbm>>) dst(%arg9 : memref<128x128xf32, #tpu.memory_space<vmem>>)
        %add3A_64 = arith.constant 0 : i32
        %add3A_65 = arith.addi %add3A_55, %add3A_64 : i32
        "tpu.region"() ({
          %run_scoped3A_96 = tpu.sem_alloc : memref<!tpu.dma_semaphore, #tpu.memory_space<semaphore_mem>>
          %dma_start3A_97 = arith.constant 0 : i32
          %dma_start3A_98 = tpu.memref_slice %arg8[%add3A_65, %dma_start3A_97] : memref<40x128xi32, #tpu.memory_space<vmem>> -> memref<1x128xi32, #tpu.memory_space<vmem>>
          %dma_start3A_99 = tpu.memref_squeeze %dma_start3A_98 : memref<1x128xi32, #tpu.memory_space<vmem>> -> memref<128xi32, #tpu.memory_space<vmem>>
          %dma_start3A_100 = arith.constant 0 : i32
          %dma_start3A_101 = arith.constant 0 : i32
          %dma_start3A_102 = tpu.memref_slice %arg11[%dma_start3A_100, %dma_start3A_101] : memref<10240x128xf32, #tpu.memory_space<vmem_shared>> -> memref<10240x128xf32, #tpu.memory_space<vmem_shared>>
          tpu.enqueue_indirect_dma source(%arg9 : memref<128x128xf32, #tpu.memory_space<vmem>>) target(%dma_start3A_102 : memref<10240x128xf32, #tpu.memory_space<vmem_shared>>) offsets(%dma_start3A_99 : memref<128xi32, #tpu.memory_space<vmem>>) semaphore(%run_scoped3A_96 : memref<!tpu.dma_semaphore, #tpu.memory_space<semaphore_mem>>) {add = true}
          %dma_wait3A_103 = arith.constant 0 : i32
          %dma_wait3A_104 = tpu.memref_slice %arg8[%add3A_65, %dma_wait3A_103] : memref<40x128xi32, #tpu.memory_space<vmem>> -> memref<1x128xi32, #tpu.memory_space<vmem>>
          %dma_wait3A_105 = tpu.memref_squeeze %dma_wait3A_104 : memref<1x128xi32, #tpu.memory_space<vmem>> -> memref<128xi32, #tpu.memory_space<vmem>>
          %dma_wait3A_106 = arith.constant 0 : i32
          %dma_wait3A_107 = arith.constant 0 : i32
          %dma_wait3A_108 = tpu.memref_slice %arg11[%dma_wait3A_106, %dma_wait3A_107] : memref<10240x128xf32, #tpu.memory_space<vmem_shared>> -> memref<10240x128xf32, #tpu.memory_space<vmem_shared>>
          tpu.wait_indirect_dma semaphore(%run_scoped3A_96 : memref<!tpu.dma_semaphore, #tpu.memory_space<semaphore_mem>>) src(%arg9 : memref<128x128xf32, #tpu.memory_space<vmem>>) dst(%dma_wait3A_108 : memref<10240x128xf32, #tpu.memory_space<vmem_shared>>)
          tpu.yield
        }) : () -> ()
        %add3A_66 = arith.constant 0 : i32
        %add3A_67 = arith.addi %add3A_55, %add3A_66 : i32
        %add3A_68 = arith.constant 2 : i32
        %add3A_69 = arith.addi %add3A_67, %add3A_68 : i32
        %dma_start3A_70 = arith.constant 0 : i32
        %dma_start3A_71 = tpu.memref_slice %arg7[%add3A_69, %dma_start3A_70] : memref<40x128xi32, #tpu.memory_space<vmem>> -> memref<1x128xi32, #tpu.memory_space<vmem>>
        %dma_start3A_72 = tpu.memref_squeeze %dma_start3A_71 : memref<1x128xi32, #tpu.memory_space<vmem>> -> memref<128xi32, #tpu.memory_space<vmem>>
        %dma_start3A_73 = arith.constant 0 : i32
        %dma_start3A_74 = arith.constant 0 : i32
        %dma_start3A_75 = tpu.memref_slice %arg2[%dma_start3A_73, %dma_start3A_74] : memref<10000x128xf32, #tpu.memory_space<hbm>> -> memref<10000x128xf32, #tpu.memory_space<hbm>>
        tpu.enqueue_indirect_dma source(%dma_start3A_75 : memref<10000x128xf32, #tpu.memory_space<hbm>>) target(%arg9 : memref<128x128xf32, #tpu.memory_space<vmem>>) offsets(%dma_start3A_72 : memref<128xi32, #tpu.memory_space<vmem>>) semaphore(%arg12 : memref<!tpu.dma_semaphore, #tpu.memory_space<semaphore_mem>>)
        %add3A_76 = arith.constant 1 : i32
        %add3A_77 = arith.addi %add3A_55, %add3A_76 : i32
        %dma_wait3A_78 = arith.constant 0 : i32
        %dma_wait3A_79 = tpu.memref_slice %arg7[%add3A_77, %dma_wait3A_78] : memref<40x128xi32, #tpu.memory_space<vmem>> -> memref<1x128xi32, #tpu.memory_space<vmem>>
        %dma_wait3A_80 = tpu.memref_squeeze %dma_wait3A_79 : memref<1x128xi32, #tpu.memory_space<vmem>> -> memref<128xi32, #tpu.memory_space<vmem>>
        %dma_wait3A_81 = arith.constant 0 : i32
        %dma_wait3A_82 = arith.constant 0 : i32
        %dma_wait3A_83 = tpu.memref_slice %arg2[%dma_wait3A_81, %dma_wait3A_82] : memref<10000x128xf32, #tpu.memory_space<hbm>> -> memref<10000x128xf32, #tpu.memory_space<hbm>>
        tpu.wait_indirect_dma semaphore(%arg13 : memref<!tpu.dma_semaphore, #tpu.memory_space<semaphore_mem>>) src(%dma_wait3A_83 : memref<10000x128xf32, #tpu.memory_space<hbm>>) dst(%arg10 : memref<128x128xf32, #tpu.memory_space<vmem>>)
        %add3A_84 = arith.constant 1 : i32
        %add3A_85 = arith.addi %add3A_55, %add3A_84 : i32
        "tpu.region"() ({
          %run_scoped3A_96 = tpu.sem_alloc : memref<!tpu.dma_semaphore, #tpu.memory_space<semaphore_mem>>
          %dma_start3A_97 = arith.constant 0 : i32
          %dma_start3A_98 = tpu.memref_slice %arg8[%add3A_85, %dma_start3A_97] : memref<40x128xi32, #tpu.memory_space<vmem>> -> memref<1x128xi32, #tpu.memory_space<vmem>>
          %dma_start3A_99 = tpu.memref_squeeze %dma_start3A_98 : memref<1x128xi32, #tpu.memory_space<vmem>> -> memref<128xi32, #tpu.memory_space<vmem>>
          %dma_start3A_100 = arith.constant 0 : i32
          %dma_start3A_101 = arith.constant 0 : i32
          %dma_start3A_102 = tpu.memref_slice %arg11[%dma_start3A_100, %dma_start3A_101] : memref<10240x128xf32, #tpu.memory_space<vmem_shared>> -> memref<10240x128xf32, #tpu.memory_space<vmem_shared>>
          tpu.enqueue_indirect_dma source(%arg10 : memref<128x128xf32, #tpu.memory_space<vmem>>) target(%dma_start3A_102 : memref<10240x128xf32, #tpu.memory_space<vmem_shared>>) offsets(%dma_start3A_99 : memref<128xi32, #tpu.memory_space<vmem>>) semaphore(%run_scoped3A_96 : memref<!tpu.dma_semaphore, #tpu.memory_space<semaphore_mem>>) {add = true}
          %dma_wait3A_103 = arith.constant 0 : i32
          %dma_wait3A_104 = tpu.memref_slice %arg8[%add3A_85, %dma_wait3A_103] : memref<40x128xi32, #tpu.memory_space<vmem>> -> memref<1x128xi32, #tpu.memory_space<vmem>>
          %dma_wait3A_105 = tpu.memref_squeeze %dma_wait3A_104 : memref<1x128xi32, #tpu.memory_space<vmem>> -> memref<128xi32, #tpu.memory_space<vmem>>
          %dma_wait3A_106 = arith.constant 0 : i32
          %dma_wait3A_107 = arith.constant 0 : i32
          %dma_wait3A_108 = tpu.memref_slice %arg11[%dma_wait3A_106, %dma_wait3A_107] : memref<10240x128xf32, #tpu.memory_space<vmem_shared>> -> memref<10240x128xf32, #tpu.memory_space<vmem_shared>>
          tpu.wait_indirect_dma semaphore(%run_scoped3A_96 : memref<!tpu.dma_semaphore, #tpu.memory_space<semaphore_mem>>) src(%arg10 : memref<128x128xf32, #tpu.memory_space<vmem>>) dst(%dma_wait3A_108 : memref<10240x128xf32, #tpu.memory_space<vmem_shared>>)
          tpu.yield
        }) : () -> ()
        %add3A_86 = arith.constant 1 : i32
        %add3A_87 = arith.addi %add3A_55, %add3A_86 : i32
        %add3A_88 = arith.constant 2 : i32
        %add3A_89 = arith.addi %add3A_87, %add3A_88 : i32
        %dma_start3A_90 = arith.constant 0 : i32
        %dma_start3A_91 = tpu.memref_slice %arg7[%add3A_89, %dma_start3A_90] : memref<40x128xi32, #tpu.memory_space<vmem>> -> memref<1x128xi32, #tpu.memory_space<vmem>>
        %dma_start3A_92 = tpu.memref_squeeze %dma_start3A_91 : memref<1x128xi32, #tpu.memory_space<vmem>> -> memref<128xi32, #tpu.memory_space<vmem>>
        %dma_start3A_93 = arith.constant 0 : i32
        %dma_start3A_94 = arith.constant 0 : i32
        %dma_start3A_95 = tpu.memref_slice %arg2[%dma_start3A_93, %dma_start3A_94] : memref<10000x128xf32, #tpu.memory_space<hbm>> -> memref<10000x128xf32, #tpu.memory_space<hbm>>
        tpu.enqueue_indirect_dma source(%dma_start3A_95 : memref<10000x128xf32, #tpu.memory_space<hbm>>) target(%arg10 : memref<128x128xf32, #tpu.memory_space<vmem>>) offsets(%dma_start3A_92 : memref<128xi32, #tpu.memory_space<vmem>>) semaphore(%arg13 : memref<!tpu.dma_semaphore, #tpu.memory_space<semaphore_mem>>)
      }
      %scan3A_36 = arith.constant 19 : i32
      %dma_wait3A = arith.constant 38 : i32
      %dma_wait3A_37 = arith.constant 0 : i32
      %dma_wait3A_38 = tpu.memref_slice %arg7[%dma_wait3A, %dma_wait3A_37] : memref<40x128xi32, #tpu.memory_space<vmem>> -> memref<1x128xi32, #tpu.memory_space<vmem>>
      %dma_wait3A_39 = tpu.memref_squeeze %dma_wait3A_38 : memref<1x128xi32, #tpu.memory_space<vmem>> -> memref<128xi32, #tpu.memory_space<vmem>>
      %dma_wait3A_40 = arith.constant 0 : i32
      %dma_wait3A_41 = arith.constant 0 : i32
      %dma_wait3A_42 = tpu.memref_slice %arg2[%dma_wait3A_40, %dma_wait3A_41] : memref<10000x128xf32, #tpu.memory_space<hbm>> -> memref<10000x128xf32, #tpu.memory_space<hbm>>
      tpu.wait_indirect_dma semaphore(%arg12 : memref<!tpu.dma_semaphore, #tpu.memory_space<semaphore_mem>>) src(%dma_wait3A_42 : memref<10000x128xf32, #tpu.memory_space<hbm>>) dst(%arg9 : memref<128x128xf32, #tpu.memory_space<vmem>>)
      %run_scoped3A = arith.constant 38 : i32
      "tpu.region"() ({
        %run_scoped3A_51 = tpu.sem_alloc : memref<!tpu.dma_semaphore, #tpu.memory_space<semaphore_mem>>
        %dma_start3A_52 = arith.constant 0 : i32
        %dma_start3A_53 = tpu.memref_slice %arg8[%run_scoped3A, %dma_start3A_52] : memref<40x128xi32, #tpu.memory_space<vmem>> -> memref<1x128xi32, #tpu.memory_space<vmem>>
        %dma_start3A_54 = tpu.memref_squeeze %dma_start3A_53 : memref<1x128xi32, #tpu.memory_space<vmem>> -> memref<128xi32, #tpu.memory_space<vmem>>
        %dma_start3A_55 = arith.constant 0 : i32
        %dma_start3A_56 = arith.constant 0 : i32
        %dma_start3A_57 = tpu.memref_slice %arg11[%dma_start3A_55, %dma_start3A_56] : memref<10240x128xf32, #tpu.memory_space<vmem_shared>> -> memref<10240x128xf32, #tpu.memory_space<vmem_shared>>
        tpu.enqueue_indirect_dma source(%arg9 : memref<128x128xf32, #tpu.memory_space<vmem>>) target(%dma_start3A_57 : memref<10240x128xf32, #tpu.memory_space<vmem_shared>>) offsets(%dma_start3A_54 : memref<128xi32, #tpu.memory_space<vmem>>) semaphore(%run_scoped3A_51 : memref<!tpu.dma_semaphore, #tpu.memory_space<semaphore_mem>>) {add = true}
        %dma_wait3A_58 = arith.constant 0 : i32
        %dma_wait3A_59 = tpu.memref_slice %arg8[%run_scoped3A, %dma_wait3A_58] : memref<40x128xi32, #tpu.memory_space<vmem>> -> memref<1x128xi32, #tpu.memory_space<vmem>>
        %dma_wait3A_60 = tpu.memref_squeeze %dma_wait3A_59 : memref<1x128xi32, #tpu.memory_space<vmem>> -> memref<128xi32, #tpu.memory_space<vmem>>
        %dma_wait3A_61 = arith.constant 0 : i32
        %dma_wait3A_62 = arith.constant 0 : i32
        %dma_wait3A_63 = tpu.memref_slice %arg11[%dma_wait3A_61, %dma_wait3A_62] : memref<10240x128xf32, #tpu.memory_space<vmem_shared>> -> memref<10240x128xf32, #tpu.memory_space<vmem_shared>>
        tpu.wait_indirect_dma semaphore(%run_scoped3A_51 : memref<!tpu.dma_semaphore, #tpu.memory_space<semaphore_mem>>) src(%arg9 : memref<128x128xf32, #tpu.memory_space<vmem>>) dst(%dma_wait3A_63 : memref<10240x128xf32, #tpu.memory_space<vmem_shared>>)
        tpu.yield
      }) : () -> ()
      %dma_wait3A_43 = arith.constant 39 : i32
      %dma_wait3A_44 = arith.constant 0 : i32
      %dma_wait3A_45 = tpu.memref_slice %arg7[%dma_wait3A_43, %dma_wait3A_44] : memref<40x128xi32, #tpu.memory_space<vmem>> -> memref<1x128xi32, #tpu.memory_space<vmem>>
      %dma_wait3A_46 = tpu.memref_squeeze %dma_wait3A_45 : memref<1x128xi32, #tpu.memory_space<vmem>> -> memref<128xi32, #tpu.memory_space<vmem>>
      %dma_wait3A_47 = arith.constant 0 : i32
      %dma_wait3A_48 = arith.constant 0 : i32
      %dma_wait3A_49 = tpu.memref_slice %arg2[%dma_wait3A_47, %dma_wait3A_48] : memref<10000x128xf32, #tpu.memory_space<hbm>> -> memref<10000x128xf32, #tpu.memory_space<hbm>>
      tpu.wait_indirect_dma semaphore(%arg13 : memref<!tpu.dma_semaphore, #tpu.memory_space<semaphore_mem>>) src(%dma_wait3A_49 : memref<10000x128xf32, #tpu.memory_space<hbm>>) dst(%arg10 : memref<128x128xf32, #tpu.memory_space<vmem>>)
      %run_scoped3A_50 = arith.constant 39 : i32
      "tpu.region"() ({
        %run_scoped3A_51 = tpu.sem_alloc : memref<!tpu.dma_semaphore, #tpu.memory_space<semaphore_mem>>
        %dma_start3A_52 = arith.constant 0 : i32
        %dma_start3A_53 = tpu.memref_slice %arg8[%run_scoped3A_50, %dma_start3A_52] : memref<40x128xi32, #tpu.memory_space<vmem>> -> memref<1x128xi32, #tpu.memory_space<vmem>>
        %dma_start3A_54 = tpu.memref_squeeze %dma_start3A_53 : memref<1x128xi32, #tpu.memory_space<vmem>> -> memref<128xi32, #tpu.memory_space<vmem>>
        %dma_start3A_55 = arith.constant 0 : i32
        %dma_start3A_56 = arith.constant 0 : i32
        %dma_start3A_57 = tpu.memref_slice %arg11[%dma_start3A_55, %dma_start3A_56] : memref<10240x128xf32, #tpu.memory_space<vmem_shared>> -> memref<10240x128xf32, #tpu.memory_space<vmem_shared>>
        tpu.enqueue_indirect_dma source(%arg10 : memref<128x128xf32, #tpu.memory_space<vmem>>) target(%dma_start3A_57 : memref<10240x128xf32, #tpu.memory_space<vmem_shared>>) offsets(%dma_start3A_54 : memref<128xi32, #tpu.memory_space<vmem>>) semaphore(%run_scoped3A_51 : memref<!tpu.dma_semaphore, #tpu.memory_space<semaphore_mem>>) {add = true}
        %dma_wait3A_58 = arith.constant 0 : i32
        %dma_wait3A_59 = tpu.memref_slice %arg8[%run_scoped3A_50, %dma_wait3A_58] : memref<40x128xi32, #tpu.memory_space<vmem>> -> memref<1x128xi32, #tpu.memory_space<vmem>>
        %dma_wait3A_60 = tpu.memref_squeeze %dma_wait3A_59 : memref<1x128xi32, #tpu.memory_space<vmem>> -> memref<128xi32, #tpu.memory_space<vmem>>
        %dma_wait3A_61 = arith.constant 0 : i32
        %dma_wait3A_62 = arith.constant 0 : i32
        %dma_wait3A_63 = tpu.memref_slice %arg11[%dma_wait3A_61, %dma_wait3A_62] : memref<10240x128xf32, #tpu.memory_space<vmem_shared>> -> memref<10240x128xf32, #tpu.memory_space<vmem_shared>>
        tpu.wait_indirect_dma semaphore(%run_scoped3A_51 : memref<!tpu.dma_semaphore, #tpu.memory_space<semaphore_mem>>) src(%arg10 : memref<128x128xf32, #tpu.memory_space<vmem>>) dst(%dma_wait3A_63 : memref<10240x128xf32, #tpu.memory_space<vmem_shared>>)
        tpu.yield
      }) : () -> ()
    }
    %scan3A_9 = arith.constant 2 : i32
    %barrier3A_10 = arith.constant 0 : index
    tpu.barrier barrier_id(%barrier3A_10)
    "tpu.region"() ({
      %run_scoped3A = tpu.sem_alloc : memref<!tpu.dma_semaphore, #tpu.memory_space<semaphore_mem>>
      %dma_start3A = arith.constant 0 : i32
      %dma_start3A_11 = arith.constant 0 : i32
      %dma_start3A_12 = tpu.memref_slice %arg6[%arg0, %dma_start3A, %dma_start3A_11] : memref<2x10240x128xf32, #tpu.memory_space<hbm>> -> memref<1x10240x128xf32, #tpu.memory_space<hbm>>
      %dma_start3A_13 = tpu.memref_squeeze %dma_start3A_12 : memref<1x10240x128xf32, #tpu.memory_space<hbm>> -> memref<10240x128xf32, #tpu.memory_space<hbm>>
      %dma_start3A_14 = arith.constant 0 : i32
      %dma_start3A_15 = tpu.memref_slice %dma_start3A_13[%mul3A_0, %dma_start3A_14] : memref<10240x128xf32, #tpu.memory_space<hbm>> -> memref<640x128xf32, #tpu.memory_space<hbm>>
      %dma_start3A_16 = arith.constant 0 : i32
      %dma_start3A_17 = tpu.memref_slice %arg11[%mul3A_0, %dma_start3A_16] : memref<10240x128xf32, #tpu.memory_space<vmem_shared>> -> memref<640x128xf32, #tpu.memory_space<vmem_shared>>
      tpu.enqueue_dma source(%dma_start3A_17 : memref<640x128xf32, #tpu.memory_space<vmem_shared>>) target(%dma_start3A_15 : memref<640x128xf32, #tpu.memory_space<hbm>>) target_semaphore(%run_scoped3A : memref<!tpu.dma_semaphore, #tpu.memory_space<semaphore_mem>>)
      %dma_wait3A = arith.constant 0 : i32
      %dma_wait3A_18 = arith.constant 0 : i32
      %dma_wait3A_19 = tpu.memref_slice %arg6[%arg0, %dma_wait3A, %dma_wait3A_18] : memref<2x10240x128xf32, #tpu.memory_space<hbm>> -> memref<1x10240x128xf32, #tpu.memory_space<hbm>>
      %dma_wait3A_20 = tpu.memref_squeeze %dma_wait3A_19 : memref<1x10240x128xf32, #tpu.memory_space<hbm>> -> memref<10240x128xf32, #tpu.memory_space<hbm>>
      %dma_wait3A_21 = arith.constant 0 : i32
      %dma_wait3A_22 = tpu.memref_slice %dma_wait3A_20[%mul3A_0, %dma_wait3A_21] : memref<10240x128xf32, #tpu.memory_space<hbm>> -> memref<640x128xf32, #tpu.memory_space<hbm>>
      %dma_wait3A_23 = arith.constant 0 : i32
      %dma_wait3A_24 = tpu.memref_slice %arg11[%mul3A_0, %dma_wait3A_23] : memref<10240x128xf32, #tpu.memory_space<vmem_shared>> -> memref<640x128xf32, #tpu.memory_space<vmem_shared>>
      tpu.wait_dma2 semaphore(%run_scoped3A : memref<!tpu.dma_semaphore, #tpu.memory_space<semaphore_mem>>) src(%dma_wait3A_24 : memref<640x128xf32, #tpu.memory_space<vmem_shared>>) dst(%dma_wait3A_22 : memref<640x128xf32, #tpu.memory_space<hbm>>)
      tpu.yield
    }) : () -> ()
    return
  }
}

module attributes {stable_mosaic.version = 14 : i64} {
  func.func @_dinv_body(%arg0: i32, %arg1: memref<2x1000x128xf32, #tpu.memory_space<vmem>>, %arg2: memref<1000x128xf32, #tpu.memory_space<vmem>>, %arg3: memref<1000x128xf32, #tpu.memory_space<vmem>>, %arg4: memref<1000x128xf32, #tpu.memory_space<vmem>>) attributes {dimension_semantics = [#tpu.dimension_semantics<arbitrary>], iteration_bounds = array<i64: 10>, scalar_prefetch = 0 : i64, scratch_operands = 0 : i64, tpu.core_type = #tpu.core_type<tc>, window_params = [{transform_indices = @transform_0, window_bounds = array<i64: 2, 1000, 128>}, {transform_indices = @transform_1, window_bounds = array<i64: 1000, 128>}, {transform_indices = @transform_2, window_bounds = array<i64: 1000, 128>}, {transform_indices = @transform_3, window_bounds = array<i64: 1000, 128>}]} {
    %get3A = arith.constant 0 : index
    %get3A_0 = arith.constant 0 : index
    %get3A_1 = arith.constant 0 : index
    %get3A_2 = vector.load %arg1[%get3A, %get3A_0, %get3A_1] : memref<2x1000x128xf32, #tpu.memory_space<vmem>>, vector<1x1000x1xf32>
    %get3A_3 = vector.shape_cast %get3A_2 : vector<1x1000x1xf32> to vector<1000x1xf32>
    %get3A_4 = arith.constant 1 : index
    %get3A_5 = arith.constant 0 : index
    %get3A_6 = arith.constant 0 : index
    %get3A_7 = vector.load %arg1[%get3A_4, %get3A_5, %get3A_6] : memref<2x1000x128xf32, #tpu.memory_space<vmem>>, vector<1x1000x1xf32>
    %get3A_8 = vector.shape_cast %get3A_7 : vector<1x1000x1xf32> to vector<1000x1xf32>
    %add3A = arith.addf %get3A_3, %get3A_8 : vector<1000x1xf32>
    %add3A_9 = arith.constant 1.000000e+00 : f32
    %add3A_10 = vector.broadcast %add3A_9 : f32 to vector<1000x1xf32>
    %add3A_11 = arith.addf %add3A, %add3A_10 : vector<1000x1xf32>
    %rsqrt3A = math.rsqrt %add3A_11 : vector<1000x1xf32>
    %broadcast_in_dim3A = vector.shape_cast %rsqrt3A : vector<1000x1xf32> to vector<1000x1xf32>
    %broadcast_in_dim3A_12 = vector.broadcast %broadcast_in_dim3A : vector<1000x1xf32> to vector<1000x128xf32>
    %swap3A = arith.constant 0 : index
    %swap3A_13 = arith.constant 0 : index
    %swap3A_14 = vector.load %arg3[%swap3A, %swap3A_13] : memref<1000x128xf32, #tpu.memory_space<vmem>>, vector<1000x128xf32>
    tpu.vector_store %arg3[%swap3A, %swap3A_13], %broadcast_in_dim3A_12 {strides = array<i32>} : memref<1000x128xf32, #tpu.memory_space<vmem>>, vector<1000x128xf32>,
    %get3A_15 = arith.constant 0 : index
    %get3A_16 = arith.constant 0 : index
    %get3A_17 = vector.load %arg2[%get3A_15, %get3A_16] : memref<1000x128xf32, #tpu.memory_space<vmem>>, vector<1000x128xf32>
    %mul3A = arith.mulf %broadcast_in_dim3A_12, %get3A_17 : vector<1000x128xf32>
    %swap3A_18 = arith.constant 0 : index
    %swap3A_19 = arith.constant 0 : index
    %swap3A_20 = vector.load %arg4[%swap3A_18, %swap3A_19] : memref<1000x128xf32, #tpu.memory_space<vmem>>, vector<1000x128xf32>
    tpu.vector_store %arg4[%swap3A_18, %swap3A_19], %mul3A {strides = array<i32>} : memref<1000x128xf32, #tpu.memory_space<vmem>>, vector<1000x128xf32>,
    return
  }
  func.func @transform_0(%arg0: i32) -> (i32, i32, i32) {
    %c0_i32 = arith.constant 0 : i32
    %c0_i32_0 = arith.constant 0 : i32
    %c0_i32_1 = arith.constant 0 : i32
    return %c0_i32, %arg0, %c0_i32_0 : i32, i32, i32
  }
  func.func @transform_1(%arg0: i32) -> (i32, i32) {
    %c0_i32 = arith.constant 0 : i32
    %c0_i32_0 = arith.constant 0 : i32
    return %arg0, %c0_i32 : i32, i32
  }
  func.func @transform_2(%arg0: i32) -> (i32, i32) {
    %c0_i32 = arith.constant 0 : i32
    %c0_i32_0 = arith.constant 0 : i32
    return %arg0, %c0_i32 : i32, i32
  }
  func.func @transform_3(%arg0: i32) -> (i32, i32) {
    %c0_i32 = arith.constant 0 : i32
    %c0_i32_0 = arith.constant 0 : i32
    return %arg0, %c0_i32 : i32, i32
  }
}

module attributes {stable_mosaic.version = 14 : i64} {
  func.func @_head_body(%arg0: i32, %arg1: memref<1000x128xf32, #tpu.memory_space<vmem>>, %arg2: memref<128x128xf32, #tpu.memory_space<vmem>>, %arg3: memref<128x128xf32, #tpu.memory_space<vmem>>, %arg4: memref<1000x128xf32, #tpu.memory_space<vmem>>, %arg5: memref<1000x128xf32, #tpu.memory_space<vmem>>) attributes {dimension_semantics = [#tpu.dimension_semantics<arbitrary>], iteration_bounds = array<i64: 10>, scalar_prefetch = 0 : i64, scratch_operands = 0 : i64, tpu.core_type = #tpu.core_type<tc>, window_params = [{transform_indices = @transform_0, window_bounds = array<i64: 1000, 128>}, {pipeline_mode = #tpu.pipeline_mode<synchronous>, transform_indices = @transform_1, window_bounds = array<i64: 128, 128>}, {pipeline_mode = #tpu.pipeline_mode<synchronous>, transform_indices = @transform_2, window_bounds = array<i64: 128, 128>}, {transform_indices = @transform_3, window_bounds = array<i64: 1000, 128>}, {transform_indices = @transform_4, window_bounds = array<i64: 1000, 128>}]} {
    %get3A = arith.constant 0 : index
    %get3A_0 = arith.constant 0 : index
    %get3A_1 = vector.load %arg1[%get3A, %get3A_0] : memref<1000x128xf32, #tpu.memory_space<vmem>>, vector<1000x128xf32>
    %get3A_2 = arith.constant 0 : index
    %get3A_3 = arith.constant 0 : index
    %get3A_4 = vector.load %arg2[%get3A_2, %get3A_3] : memref<128x128xf32, #tpu.memory_space<vmem>>, vector<128x128xf32>
    %dot_general3A = arith.constant dense<0.000000e+00> : vector<1000x128xf32>
    %dot_general3A_5 = tpu.matmul %get3A_1, %get3A_4, %dot_general3A {dimension_numbers = #tpu.dot_dimension_numbers<[1], [0], [0], [1], [0, 0, 1, 1], [], []>, precision = #tpu.contract_precision<fp32>, transpose_lhs_hint = false} : vector<1000x128xf32>, vector<128x128xf32>, vector<1000x128xf32> -> vector<1000x128xf32>
    %swap3A = arith.constant 0 : index
    %swap3A_6 = arith.constant 0 : index
    %swap3A_7 = vector.load %arg4[%swap3A, %swap3A_6] : memref<1000x128xf32, #tpu.memory_space<vmem>>, vector<1000x128xf32>
    tpu.vector_store %arg4[%swap3A, %swap3A_6], %dot_general3A_5 {strides = array<i32>} : memref<1000x128xf32, #tpu.memory_space<vmem>>, vector<1000x128xf32>,
    %max3A = arith.constant 0.000000e+00 : f32
    %max3A_8 = vector.broadcast %max3A : f32 to vector<1000x128xf32>
    %max3A_9 = arith.maximumf %get3A_1, %max3A_8 : vector<1000x128xf32>
    %get3A_10 = arith.constant 0 : index
    %get3A_11 = arith.constant 0 : index
    %get3A_12 = vector.load %arg3[%get3A_10, %get3A_11] : memref<128x128xf32, #tpu.memory_space<vmem>>, vector<128x128xf32>
    %dot_general3A_13 = arith.constant dense<0.000000e+00> : vector<1000x128xf32>
    %dot_general3A_14 = tpu.matmul %max3A_9, %get3A_12, %dot_general3A_13 {dimension_numbers = #tpu.dot_dimension_numbers<[1], [0], [0], [1], [0, 0, 1, 1], [], []>, precision = #tpu.contract_precision<fp32>, transpose_lhs_hint = false} : vector<1000x128xf32>, vector<128x128xf32>, vector<1000x128xf32> -> vector<1000x128xf32>
    %swap3A_15 = arith.constant 0 : index
    %swap3A_16 = arith.constant 0 : index
    %swap3A_17 = vector.load %arg5[%swap3A_15, %swap3A_16] : memref<1000x128xf32, #tpu.memory_space<vmem>>, vector<1000x128xf32>
    tpu.vector_store %arg5[%swap3A_15, %swap3A_16], %dot_general3A_14 {strides = array<i32>} : memref<1000x128xf32, #tpu.memory_space<vmem>>, vector<1000x128xf32>,
    return
  }
  func.func @transform_0(%arg0: i32) -> (i32, i32) {
    %c0_i32 = arith.constant 0 : i32
    %c0_i32_0 = arith.constant 0 : i32
    return %arg0, %c0_i32 : i32, i32
  }
  func.func @transform_1(%arg0: i32) -> (i32, i32) {
    %c0_i32 = arith.constant 0 : i32
    %c0_i32_0 = arith.constant 0 : i32
    %c0_i32_1 = arith.constant 0 : i32
    return %c0_i32, %c0_i32_0 : i32, i32
  }
  func.func @transform_2(%arg0: i32) -> (i32, i32) {
    %c0_i32 = arith.constant 0 : i32
    %c0_i32_0 = arith.constant 0 : i32
    %c0_i32_1 = arith.constant 0 : i32
    return %c0_i32, %c0_i32_0 : i32, i32
  }
  func.func @transform_3(%arg0: i32) -> (i32, i32) {
    %c0_i32 = arith.constant 0 : i32
    %c0_i32_0 = arith.constant 0 : i32
    return %arg0, %c0_i32 : i32, i32
  }
  func.func @transform_4(%arg0: i32) -> (i32, i32) {
    %c0_i32 = arith.constant 0 : i32
    %c0_i32_0 = arith.constant 0 : i32
    return %arg0, %c0_i32 : i32, i32
  }
}

module attributes {stable_mosaic.version = 14 : i64} {
  func.func @_mid_body(%arg0: i32, %arg1: memref<2x1000x128xf32, #tpu.memory_space<vmem>>, %arg2: memref<1000x128xf32, #tpu.memory_space<vmem>>, %arg3: memref<1000x128xf32, #tpu.memory_space<vmem>>, %arg4: memref<1x128xf32, #tpu.memory_space<vmem>>, %arg5: memref<128x128xf32, #tpu.memory_space<vmem>>, %arg6: memref<1000x128xf32, #tpu.memory_space<vmem>>) attributes {dimension_semantics = [#tpu.dimension_semantics<arbitrary>], iteration_bounds = array<i64: 10>, scalar_prefetch = 0 : i64, scratch_operands = 0 : i64, tpu.core_type = #tpu.core_type<tc>, window_params = [{transform_indices = @transform_0, window_bounds = array<i64: 2, 1000, 128>}, {transform_indices = @transform_1, window_bounds = array<i64: 1000, 128>}, {transform_indices = @transform_2, window_bounds = array<i64: 1000, 128>}, {pipeline_mode = #tpu.pipeline_mode<synchronous>, transform_indices = @transform_3, window_bounds = array<i64: 1, 128>}, {pipeline_mode = #tpu.pipeline_mode<synchronous>, transform_indices = @transform_4, window_bounds = array<i64: 128, 128>}, {transform_indices = @transform_5, window_bounds = array<i64: 1000, 128>}]} {
    %get3A = arith.constant 0 : index
    %get3A_0 = arith.constant 0 : index
    %get3A_1 = vector.load %arg2[%get3A, %get3A_0] : memref<1000x128xf32, #tpu.memory_space<vmem>>, vector<1000x128xf32>
    %get3A_2 = arith.constant 0 : index
    %get3A_3 = arith.constant 0 : index
    %get3A_4 = arith.constant 0 : index
    %get3A_5 = vector.load %arg1[%get3A_2, %get3A_3, %get3A_4] : memref<2x1000x128xf32, #tpu.memory_space<vmem>>, vector<1x1000x128xf32>
    %get3A_6 = vector.shape_cast %get3A_5 : vector<1x1000x128xf32> to vector<1000x128xf32>
    %add3A = arith.addf %get3A_1, %get3A_6 : vector<1000x128xf32>
    %get3A_7 = arith.constant 1 : index
    %get3A_8 = arith.constant 0 : index
    %get3A_9 = arith.constant 0 : index
    %get3A_10 = vector.load %arg1[%get3A_7, %get3A_8, %get3A_9] : memref<2x1000x128xf32, #tpu.memory_space<vmem>>, vector<1x1000x128xf32>
    %get3A_11 = vector.shape_cast %get3A_10 : vector<1x1000x128xf32> to vector<1000x128xf32>
    %add3A_12 = arith.addf %add3A, %get3A_11 : vector<1000x128xf32>
    %get3A_13 = arith.constant 0 : index
    %get3A_14 = arith.constant 0 : index
    %get3A_15 = vector.load %arg3[%get3A_13, %get3A_14] : memref<1000x128xf32, #tpu.memory_space<vmem>>, vector<1000x128xf32>
    %mul3A = arith.mulf %get3A_15, %add3A_12 : vector<1000x128xf32>
    %get3A_16 = arith.constant 0 : index
    %get3A_17 = arith.constant 0 : index
    %get3A_18 = vector.load %arg4[%get3A_16, %get3A_17] : memref<1x128xf32, #tpu.memory_space<vmem>>, vector<1x128xf32>
    %add3A_19 = vector.broadcast %get3A_18 : vector<1x128xf32> to vector<1000x128xf32>
    %add3A_20 = arith.addf %mul3A, %add3A_19 : vector<1000x128xf32>
    %max3A = arith.constant 0.000000e+00 : f32
    %max3A_21 = vector.broadcast %max3A : f32 to vector<1000x128xf32>
    %max3A_22 = arith.maximumf %add3A_20, %max3A_21 : vector<1000x128xf32>
    %get3A_23 = arith.constant 0 : index
    %get3A_24 = arith.constant 0 : index
    %get3A_25 = vector.load %arg3[%get3A_23, %get3A_24] : memref<1000x128xf32, #tpu.memory_space<vmem>>, vector<1000x128xf32>
    %get3A_26 = arith.constant 0 : index
    %get3A_27 = arith.constant 0 : index
    %get3A_28 = vector.load %arg5[%get3A_26, %get3A_27] : memref<128x128xf32, #tpu.memory_space<vmem>>, vector<128x128xf32>
    %dot_general3A = arith.constant dense<0.000000e+00> : vector<1000x128xf32>
    %dot_general3A_29 = tpu.matmul %max3A_22, %get3A_28, %dot_general3A {dimension_numbers = #tpu.dot_dimension_numbers<[1], [0], [0], [1], [0, 0, 1, 1], [], []>, precision = #tpu.contract_precision<fp32>, transpose_lhs_hint = false} : vector<1000x128xf32>, vector<128x128xf32>, vector<1000x128xf32> -> vector<1000x128xf32>
    %mul3A_30 = arith.mulf %get3A_25, %dot_general3A_29 : vector<1000x128xf32>
    %swap3A = arith.constant 0 : index
    %swap3A_31 = arith.constant 0 : index
    %swap3A_32 = vector.load %arg6[%swap3A, %swap3A_31] : memref<1000x128xf32, #tpu.memory_space<vmem>>, vector<1000x128xf32>
    tpu.vector_store %arg6[%swap3A, %swap3A_31], %mul3A_30 {strides = array<i32>} : memref<1000x128xf32, #tpu.memory_space<vmem>>, vector<1000x128xf32>,
    return
  }
  func.func @transform_0(%arg0: i32) -> (i32, i32, i32) {
    %c0_i32 = arith.constant 0 : i32
    %c0_i32_0 = arith.constant 0 : i32
    %c0_i32_1 = arith.constant 0 : i32
    return %c0_i32, %arg0, %c0_i32_0 : i32, i32, i32
  }
  func.func @transform_1(%arg0: i32) -> (i32, i32) {
    %c0_i32 = arith.constant 0 : i32
    %c0_i32_0 = arith.constant 0 : i32
    return %arg0, %c0_i32 : i32, i32
  }
  func.func @transform_2(%arg0: i32) -> (i32, i32) {
    %c0_i32 = arith.constant 0 : i32
    %c0_i32_0 = arith.constant 0 : i32
    return %arg0, %c0_i32 : i32, i32
  }
  func.func @transform_3(%arg0: i32) -> (i32, i32) {
    %c0_i32 = arith.constant 0 : i32
    %c0_i32_0 = arith.constant 0 : i32
    %c0_i32_1 = arith.constant 0 : i32
    return %c0_i32, %c0_i32_0 : i32, i32
  }
  func.func @transform_4(%arg0: i32) -> (i32, i32) {
    %c0_i32 = arith.constant 0 : i32
    %c0_i32_0 = arith.constant 0 : i32
    %c0_i32_1 = arith.constant 0 : i32
    return %c0_i32, %c0_i32_0 : i32, i32
  }
  func.func @transform_5(%arg0: i32) -> (i32, i32) {
    %c0_i32 = arith.constant 0 : i32
    %c0_i32_0 = arith.constant 0 : i32
    return %arg0, %c0_i32 : i32, i32
  }
}

module attributes {stable_mosaic.version = 14 : i64} {
  func.func @_cat_body(%arg0: i32, %arg1: memref<2x1000x128xf32, #tpu.memory_space<vmem>>, %arg2: memref<1000x128xf32, #tpu.memory_space<vmem>>, %arg3: memref<1000x128xf32, #tpu.memory_space<vmem>>, %arg4: memref<1x128xf32, #tpu.memory_space<vmem>>, %arg5: memref<128x128xf32, #tpu.memory_space<vmem>>, %arg6: memref<1000x128xf32, #tpu.memory_space<vmem>>, %arg7: memref<1000x128xf32, #tpu.memory_space<vmem>>) attributes {dimension_semantics = [#tpu.dimension_semantics<arbitrary>], iteration_bounds = array<i64: 10>, scalar_prefetch = 0 : i64, scratch_operands = 0 : i64, tpu.core_type = #tpu.core_type<tc>, window_params = [{transform_indices = @transform_0, window_bounds = array<i64: 2, 1000, 128>}, {transform_indices = @transform_1, window_bounds = array<i64: 1000, 128>}, {transform_indices = @transform_2, window_bounds = array<i64: 1000, 128>}, {pipeline_mode = #tpu.pipeline_mode<synchronous>, transform_indices = @transform_3, window_bounds = array<i64: 1, 128>}, {pipeline_mode = #tpu.pipeline_mode<synchronous>, transform_indices = @transform_4, window_bounds = array<i64: 128, 128>}, {transform_indices = @transform_5, window_bounds = array<i64: 1000, 128>}, {transform_indices = @transform_6, window_bounds = array<i64: 1000, 128>}]} {
    %get3A = arith.constant 0 : index
    %get3A_0 = arith.constant 0 : index
    %get3A_1 = vector.load %arg2[%get3A, %get3A_0] : memref<1000x128xf32, #tpu.memory_space<vmem>>, vector<1000x128xf32>
    %get3A_2 = arith.constant 0 : index
    %get3A_3 = arith.constant 0 : index
    %get3A_4 = arith.constant 0 : index
    %get3A_5 = vector.load %arg1[%get3A_2, %get3A_3, %get3A_4] : memref<2x1000x128xf32, #tpu.memory_space<vmem>>, vector<1x1000x128xf32>
    %get3A_6 = vector.shape_cast %get3A_5 : vector<1x1000x128xf32> to vector<1000x128xf32>
    %add3A = arith.addf %get3A_1, %get3A_6 : vector<1000x128xf32>
    %get3A_7 = arith.constant 1 : index
    %get3A_8 = arith.constant 0 : index
    %get3A_9 = arith.constant 0 : index
    %get3A_10 = vector.load %arg1[%get3A_7, %get3A_8, %get3A_9] : memref<2x1000x128xf32, #tpu.memory_space<vmem>>, vector<1x1000x128xf32>
    %get3A_11 = vector.shape_cast %get3A_10 : vector<1x1000x128xf32> to vector<1000x128xf32>
    %add3A_12 = arith.addf %add3A, %get3A_11 : vector<1000x128xf32>
    %get3A_13 = arith.constant 0 : index
    %get3A_14 = arith.constant 0 : index
    %get3A_15 = vector.load %arg3[%get3A_13, %get3A_14] : memref<1000x128xf32, #tpu.memory_space<vmem>>, vector<1000x128xf32>
    %mul3A = arith.mulf %get3A_15, %add3A_12 : vector<1000x128xf32>
    %get3A_16 = arith.constant 0 : index
    %get3A_17 = arith.constant 0 : index
    %get3A_18 = vector.load %arg4[%get3A_16, %get3A_17] : memref<1x128xf32, #tpu.memory_space<vmem>>, vector<1x128xf32>
    %add3A_19 = vector.broadcast %get3A_18 : vector<1x128xf32> to vector<1000x128xf32>
    %add3A_20 = arith.addf %mul3A, %add3A_19 : vector<1000x128xf32>
    %max3A = arith.constant 0.000000e+00 : f32
    %max3A_21 = vector.broadcast %max3A : f32 to vector<1000x128xf32>
    %max3A_22 = arith.maximumf %add3A_20, %max3A_21 : vector<1000x128xf32>
    %get3A_23 = arith.constant 0 : index
    %get3A_24 = arith.constant 0 : index
    %get3A_25 = vector.load %arg3[%get3A_23, %get3A_24] : memref<1000x128xf32, #tpu.memory_space<vmem>>, vector<1000x128xf32>
    %get3A_26 = arith.constant 0 : index
    %get3A_27 = arith.constant 0 : index
    %get3A_28 = vector.load %arg5[%get3A_26, %get3A_27] : memref<128x128xf32, #tpu.memory_space<vmem>>, vector<128x128xf32>
    %dot_general3A = arith.constant dense<0.000000e+00> : vector<1000x128xf32>
    %dot_general3A_29 = tpu.matmul %max3A_22, %get3A_28, %dot_general3A {dimension_numbers = #tpu.dot_dimension_numbers<[1], [0], [0], [1], [0, 0, 1, 1], [], []>, precision = #tpu.contract_precision<fp32>, transpose_lhs_hint = false} : vector<1000x128xf32>, vector<128x128xf32>, vector<1000x128xf32> -> vector<1000x128xf32>
    %get3A_30 = arith.constant 0 : index
    %get3A_31 = arith.constant 0 : index
    %get3A_32 = vector.load %arg6[%get3A_30, %get3A_31] : memref<1000x128xf32, #tpu.memory_space<vmem>>, vector<1000x128xf32>
    %add3A_33 = arith.addf %dot_general3A_29, %get3A_32 : vector<1000x128xf32>
    %mul3A_34 = arith.mulf %get3A_25, %add3A_33 : vector<1000x128xf32>
    %swap3A = arith.constant 0 : index
    %swap3A_35 = arith.constant 0 : index
    %swap3A_36 = vector.load %arg7[%swap3A, %swap3A_35] : memref<1000x128xf32, #tpu.memory_space<vmem>>, vector<1000x128xf32>
    tpu.vector_store %arg7[%swap3A, %swap3A_35], %mul3A_34 {strides = array<i32>} : memref<1000x128xf32, #tpu.memory_space<vmem>>, vector<1000x128xf32>,
    return
  }
  func.func @transform_0(%arg0: i32) -> (i32, i32, i32) {
    %c0_i32 = arith.constant 0 : i32
    %c0_i32_0 = arith.constant 0 : i32
    %c0_i32_1 = arith.constant 0 : i32
    return %c0_i32, %arg0, %c0_i32_0 : i32, i32, i32
  }
  func.func @transform_1(%arg0: i32) -> (i32, i32) {
    %c0_i32 = arith.constant 0 : i32
    %c0_i32_0 = arith.constant 0 : i32
    return %arg0, %c0_i32 : i32, i32
  }
  func.func @transform_2(%arg0: i32) -> (i32, i32) {
    %c0_i32 = arith.constant 0 : i32
    %c0_i32_0 = arith.constant 0 : i32
    return %arg0, %c0_i32 : i32, i32
  }
  func.func @transform_3(%arg0: i32) -> (i32, i32) {
    %c0_i32 = arith.constant 0 : i32
    %c0_i32_0 = arith.constant 0 : i32
    %c0_i32_1 = arith.constant 0 : i32
    return %c0_i32, %c0_i32_0 : i32, i32
  }
  func.func @transform_4(%arg0: i32) -> (i32, i32) {
    %c0_i32 = arith.constant 0 : i32
    %c0_i32_0 = arith.constant 0 : i32
    %c0_i32_1 = arith.constant 0 : i32
    return %c0_i32, %c0_i32_0 : i32, i32
  }
  func.func @transform_5(%arg0: i32) -> (i32, i32) {
    %c0_i32 = arith.constant 0 : i32
    %c0_i32_0 = arith.constant 0 : i32
    return %arg0, %c0_i32 : i32, i32
  }
  func.func @transform_6(%arg0: i32) -> (i32, i32) {
    %c0_i32 = arith.constant 0 : i32
    %c0_i32_0 = arith.constant 0 : i32
    return %arg0, %c0_i32 : i32, i32
  }
}

module attributes {stable_mosaic.version = 14 : i64} {
  func.func @_fin_body(%arg0: i32, %arg1: memref<2x1000x128xf32, #tpu.memory_space<vmem>>, %arg2: memref<1000x128xf32, #tpu.memory_space<vmem>>, %arg3: memref<1000x128xf32, #tpu.memory_space<vmem>>, %arg4: memref<1x128xf32, #tpu.memory_space<vmem>>, %arg5: memref<1x128xf32, #tpu.memory_space<vmem>>) attributes {dimension_semantics = [#tpu.dimension_semantics<arbitrary>], iteration_bounds = array<i64: 10>, scalar_prefetch = 0 : i64, scratch_operands = 0 : i64, tpu.core_type = #tpu.core_type<tc>, window_params = [{transform_indices = @transform_0, window_bounds = array<i64: 2, 1000, 128>}, {transform_indices = @transform_1, window_bounds = array<i64: 1000, 128>}, {transform_indices = @transform_2, window_bounds = array<i64: 1000, 128>}, {pipeline_mode = #tpu.pipeline_mode<synchronous>, transform_indices = @transform_3, window_bounds = array<i64: 1, 128>}, {pipeline_mode = #tpu.pipeline_mode<synchronous>, transform_indices = @transform_4, window_bounds = array<i64: 1, 128>}]} {
    %get3A = arith.constant 0 : index
    %get3A_0 = arith.constant 0 : index
    %get3A_1 = vector.load %arg2[%get3A, %get3A_0] : memref<1000x128xf32, #tpu.memory_space<vmem>>, vector<1000x128xf32>
    %get3A_2 = arith.constant 0 : index
    %get3A_3 = arith.constant 0 : index
    %get3A_4 = arith.constant 0 : index
    %get3A_5 = vector.load %arg1[%get3A_2, %get3A_3, %get3A_4] : memref<2x1000x128xf32, #tpu.memory_space<vmem>>, vector<1x1000x128xf32>
    %get3A_6 = vector.shape_cast %get3A_5 : vector<1x1000x128xf32> to vector<1000x128xf32>
    %add3A = arith.addf %get3A_1, %get3A_6 : vector<1000x128xf32>
    %get3A_7 = arith.constant 1 : index
    %get3A_8 = arith.constant 0 : index
    %get3A_9 = arith.constant 0 : index
    %get3A_10 = vector.load %arg1[%get3A_7, %get3A_8, %get3A_9] : memref<2x1000x128xf32, #tpu.memory_space<vmem>>, vector<1x1000x128xf32>
    %get3A_11 = vector.shape_cast %get3A_10 : vector<1x1000x128xf32> to vector<1000x128xf32>
    %add3A_12 = arith.addf %add3A, %get3A_11 : vector<1000x128xf32>
    %get3A_13 = arith.constant 0 : index
    %get3A_14 = arith.constant 0 : index
    %get3A_15 = vector.load %arg3[%get3A_13, %get3A_14] : memref<1000x128xf32, #tpu.memory_space<vmem>>, vector<1000x128xf32>
    %mul3A = arith.mulf %get3A_15, %add3A_12 : vector<1000x128xf32>
    %get3A_16 = arith.constant 0 : index
    %get3A_17 = arith.constant 0 : index
    %get3A_18 = vector.load %arg4[%get3A_16, %get3A_17] : memref<1x128xf32, #tpu.memory_space<vmem>>, vector<1x128xf32>
    %add3A_19 = vector.broadcast %get3A_18 : vector<1x128xf32> to vector<1000x128xf32>
    %add3A_20 = arith.addf %mul3A, %add3A_19 : vector<1000x128xf32>
    %max3A = arith.constant 0.000000e+00 : f32
    %max3A_21 = vector.broadcast %max3A : f32 to vector<1000x128xf32>
    %max3A_22 = arith.maximumf %add3A_20, %max3A_21 : vector<1000x128xf32>
    %eq3A = arith.constant 0 : i32
    %eq3A_23 = arith.cmpi eq, %arg0, %eq3A : i32
    %convert_element_type3A = arith.extui %eq3A_23 : i1 to i32
    %cond3A = arith.constant 0 : i32
    %cond3A_24 = arith.cmpi ne, %convert_element_type3A, %cond3A : i32
    scf.if %cond3A_24 {
      %broadcast_in_dim3A_37 = arith.constant 0.000000e+00 : f32
      %broadcast_in_dim3A_38 = vector.broadcast %broadcast_in_dim3A_37 : f32 to vector<1x128xf32>
      %swap3A_39 = arith.constant 0 : index
      %swap3A_40 = arith.constant 0 : index
      %swap3A_41 = vector.load %arg5[%swap3A_39, %swap3A_40] : memref<1x128xf32, #tpu.memory_space<vmem>>, vector<1x128xf32>
      tpu.vector_store %arg5[%swap3A_39, %swap3A_40], %broadcast_in_dim3A_38 {strides = array<i32>} : memref<1x128xf32, #tpu.memory_space<vmem>>, vector<1x128xf32>,
    } else {
    }
    %get3A_25 = arith.constant 0 : index
    %get3A_26 = arith.constant 0 : index
    %get3A_27 = vector.load %arg5[%get3A_25, %get3A_26] : memref<1x128xf32, #tpu.memory_space<vmem>>, vector<1x128xf32>
    %reduce_sum3A = arith.constant dense<0.000000e+00> : vector<128xf32>
    %reduce_sum3A_28 = vector.multi_reduction <add>, %max3A_22, %reduce_sum3A [0] : vector<1000x128xf32> to vector<128xf32>
    %broadcast_in_dim3A = vector.shape_cast %reduce_sum3A_28 : vector<128xf32> to vector<1x128xf32>
    %add3A_29 = arith.addf %get3A_27, %broadcast_in_dim3A : vector<1x128xf32>
    %swap3A = arith.constant 0 : index
    %swap3A_30 = arith.constant 0 : index
    %swap3A_31 = vector.load %arg5[%swap3A, %swap3A_30] : memref<1x128xf32, #tpu.memory_space<vmem>>, vector<1x128xf32>
    tpu.vector_store %arg5[%swap3A, %swap3A_30], %add3A_29 {strides = array<i32>} : memref<1x128xf32, #tpu.memory_space<vmem>>, vector<1x128xf32>,
    %eq3A_32 = arith.constant 9 : i32
    %eq3A_33 = arith.cmpi eq, %arg0, %eq3A_32 : i32
    %convert_element_type3A_34 = arith.extui %eq3A_33 : i1 to i32
    %cond3A_35 = arith.constant 0 : i32
    %cond3A_36 = arith.cmpi ne, %convert_element_type3A_34, %cond3A_35 : i32
    scf.if %cond3A_36 {
      %get3A_37 = arith.constant 0 : index
      %get3A_38 = arith.constant 0 : index
      %get3A_39 = vector.load %arg5[%get3A_37, %get3A_38] : memref<1x128xf32, #tpu.memory_space<vmem>>, vector<1x128xf32>
      %div3A = arith.constant 1.000000e+04 : f32
      %div3A_40 = vector.broadcast %div3A : f32 to vector<1x128xf32>
      %div3A_41 = arith.divf %get3A_39, %div3A_40 : vector<1x128xf32>
      %swap3A_42 = arith.constant 0 : index
      %swap3A_43 = arith.constant 0 : index
      %swap3A_44 = vector.load %arg5[%swap3A_42, %swap3A_43] : memref<1x128xf32, #tpu.memory_space<vmem>>, vector<1x128xf32>
      tpu.vector_store %arg5[%swap3A_42, %swap3A_43], %div3A_41 {strides = array<i32>} : memref<1x128xf32, #tpu.memory_space<vmem>>, vector<1x128xf32>,
    } else {
    }
    return
  }
  func.func @transform_0(%arg0: i32) -> (i32, i32, i32) {
    %c0_i32 = arith.constant 0 : i32
    %c0_i32_0 = arith.constant 0 : i32
    %c0_i32_1 = arith.constant 0 : i32
    return %c0_i32, %arg0, %c0_i32_0 : i32, i32, i32
  }
  func.func @transform_1(%arg0: i32) -> (i32, i32) {
    %c0_i32 = arith.constant 0 : i32
    %c0_i32_0 = arith.constant 0 : i32
    return %arg0, %c0_i32 : i32, i32
  }
  func.func @transform_2(%arg0: i32) -> (i32, i32) {
    %c0_i32 = arith.constant 0 : i32
    %c0_i32_0 = arith.constant 0 : i32
    return %arg0, %c0_i32 : i32, i32
  }
  func.func @transform_3(%arg0: i32) -> (i32, i32) {
    %c0_i32 = arith.constant 0 : i32
    %c0_i32_0 = arith.constant 0 : i32
    %c0_i32_1 = arith.constant 0 : i32
    return %c0_i32, %c0_i32_0 : i32, i32
  }
  func.func @transform_4(%arg0: i32) -> (i32, i32) {
    %c0_i32 = arith.constant 0 : i32
    %c0_i32_0 = arith.constant 0 : i32
    %c0_i32_1 = arith.constant 0 : i32
    return %c0_i32, %c0_i32_0 : i32, i32
  }
}

</mosaic_0001>

<sc_bundles>
// kernel: kernel.19.cloned.1.call-start
scs
__scs_entry_jumppad:
0x0: {  	(pc) =	sbr.rel $0x88, $3  }
0x1: {  	(tag) =	ssettag $0x0;
	lr =	simm.s32 $0x1  }
0x2: {  	[smem:$0x3F91] =	sst lr;
	_ =	strace $0xD0000000  }
0x3: {  	_ = 	snop  }
0x4: {  	_ = 	snop  }
0x5: {  	_ = 	snop  }
0x6: {  	_ = 	snop  }
0x7: {  	_ = 	snop  }
__scs_overlays_trampoline_lowered:
0x8: {  	[smem:$0x3FA0] =	sst s0  }
0x9: {  	[smem:$0x3FA1] =	sst s1  }
0xa: {  	[smem:$0x3FA2] =	sst s2  }
0xb: {  	[smem:$0x3FA3] =	sst s3  }
0xc: {  	[smem:$0x3FA4] =	sst s4  }
0xd: {  	[smem:$0x3FA5] =	sst s5  }
0xe: {  	[smem:$0x3FA6] =	sst s6  }
0xf: {  	[smem:$0x3FA7] =	sst s7  }
0x10: {  	[smem:$0x3FA8] =	sst s8  }
0x11: {  	[smem:$0x3FA9] =	sst s9;
	s0 =	simm.s32 @!p0 $0x0  }
0x12: {  	s1 =	sld [smem:$0x3F8F];
	s0 =	simm.s32 @p0 $0x1  }
0x13: {  	[smem:$0x3FAA] =	sst s0;
	s0 =	simm.s32 @!p1 $0x0  }
0x14: {  	s2 =	sld [smem:$0x3F8E];
	s0 =	simm.s32 @p1 $0x1  }
0x15: {  	[smem:$0x3FAB] =	sst s0;
	s0 =	simm.s32 @!p2 $0x0  }
0x16: {  	s3 =	sld [smem:$0x3FDB];
	s0 =	simm.s32 @p2 $0x1  }
0x17: {  	s4 =	simm.s32 $0x1BF5;
	[smem:$0x3FAD] =	sst s0  }
0x18: {  	s0 =	sld [smem:$0x3F90];
	_ =	swait.ge [sflag:s4], $0x0  }
0x19: {  	s7 =	sld [smem:$0x3F91]  }
0x1a: {  	s8 =	sadd.s32 $0xFFFFE003, lr  }
0x1b: {  	s9 =	sadd.s32 $0xFFFFFEF7, lr;
	s5 =	simm.s32 $0xFFFFFFFF;
	p2 =	slt.u32 s8, $0xFFFFF086  }
0x1c: {  	p1 =	slt.u32 s9, $0xF7A;
	s5 =	simm.s32 @!p2 $0x0  }
0x1d: {  	s5 =	simm.s32 @p1 $0x1;
	p0 =	seq.s32 s7, s2  }
0x1e: {  	s7 =	smul.u32 @!p0 $0xF7A, s2;
	p2 =	seq.s32 @!p0 s5, $0x0  }
0x1f: {  	s9 =	smul.u32 $0xF7A, s1;
	s8 =	simm.s32 @!p0 $0x1BF5;
	p2 =	por !p2, p0  }
0x20: {  	[sflag:s8] =	ssyncset.s32 @!p0 $0xFFFFF086;
	s6 =	sadd.s32 @!p0 s3, s7;
	s7 =	simm.s32 @!p0 $0x108  }
0x21: {  	s3 =	sadd.s32 s3, s9;
	s6 =	sadd.s32 @!p0 $0x88, s6;
	s7 =	simm.s32 @p2 $0x1082  }
0x22: {  	[simem:s7], [sflag:s8] =	dma.local @!p0 [hbm:s6], $0xF7A  }
0x23: {  	s9 =	sor.u32 $0xD0000000, s2;
	s6 =	simm.s32 $0x108;
	_ =	swait.ge @!p0 [sflag:s8], $0x0  }
0x24: {  	s3 =	sadd.s32 $0x88, s3;
	s6 =	simm.s32 @!p1 $0x1082;
	[sflag:s4] =	ssyncset.s32 $0xFFFFF086  }
0x25: {  	[simem:s6], [sflag:s4] =	dma.local [hbm:s3], $0xF7A  }
0x26: {  	[smem:$0x3F91] =	sst s1;
	(tag) =	ssettag s2;
	_ =	strace s9  }
0x27: {  	s1 =	sld [smem:$0x3FA1]  }
0x28: {  	s2 =	sld [smem:$0x3FA2]  }
0x29: {  	s4 =	sld [smem:$0x3FA4]  }
0x2a: {  	p0 =	seq.s32 s5, $0x0;
	s5 =	sld [smem:$0x3FA5]  }
0x2b: {  	s6 =	sld [smem:$0x3FA6]  }
0x2c: {  	s7 =	sld [smem:$0x3FA7]  }
0x2d: {  	s3 =	simm.s32 $0x108;
	s8 =	sld [smem:$0x3FA8]  }
0x2e: {  	s3 =	simm.s32 @!p0 $0x1082;
	s9 =	sld [smem:$0x3FA9]  }
0x2f: {  	lr =	sadd.s32 s0, s3;
	s0 =	sld [smem:$0x3FA0]  }
0x30: {  	s3 =	sld [smem:$0x3FA3]  }
0x31: {  	[smem:$0x3FAC] =	sst s10  }
0x32: {  	s10 =	sld [smem:$0x3FAA];
	_ =	sdelay $0x3  }
0x33: {  	p0 =	seq.s32 s10, $0x1;
	s10 =	sld [smem:$0x3FAC];
	_ =	sdelay $0x3  }
0x34: {  	[smem:$0x3FAC] =	sst s10  }
0x35: {  	s10 =	sld [smem:$0x3FAB];
	_ =	sdelay $0x3  }
0x36: {  	p1 =	seq.s32 s10, $0x1;
	s10 =	sld [smem:$0x3FAC];
	_ =	sdelay $0x3  }
0x37: {  	[smem:$0x3FAC] =	sst s10  }
0x38: {  	s10 =	sld [smem:$0x3FAD]  }
0x39: {  	_ = 	snop;
	(pc) =	sbr.ind lr, $3  }
0x3a: {  	_ = 	snop  }
0x3b: {  	_ = 	snop  }
0x3c: {  	p2 =	seq.s32 s10, $0x1;
	s10 =	sld [smem:$0x3FAC]  }
0x3d: {  	_ =	shalt  }
0x3e: {  	_ =	shalt  }
0x3f: {  	_ =	shalt  }
0x40: {  	_ =	shalt  }
0x41: {  	_ =	shalt  }
0x42: {  	_ =	shalt  }
0x43: {  	_ =	shalt  }
0x44: {  	_ =	shalt  }
0x45: {  	_ =	shalt  }
0x46: {  	_ =	shalt  }
0x47: {  	_ =	shalt  }
0x48: {  	_ =	shalt  }
0x49: {  	_ =	shalt  }
0x4a: {  	_ =	shalt  }
0x4b: {  	_ =	shalt  }
0x4c: {  	_ =	shalt  }
0x4d: {  	_ =	shalt  }
0x4e: {  	_ =	shalt  }
0x4f: {  	_ =	shalt  }
0x50: {  	_ =	shalt  }
0x51: {  	_ =	shalt  }
0x52: {  	_ =	shalt  }
0x53: {  	_ =	shalt  }
0x54: {  	_ =	shalt  }
0x55: {  	_ =	shalt  }
0x56: {  	_ =	shalt  }
0x57: {  	_ =	shalt  }
0x58: {  	_ =	shalt  }
0x59: {  	_ =	shalt  }
0x5a: {  	_ =	shalt  }
0x5b: {  	_ =	shalt  }
0x5c: {  	_ =	shalt  }
0x5d: {  	_ =	shalt  }
0x5e: {  	_ =	shalt  }
0x5f: {  	_ =	shalt  }
0x60: {  	_ =	shalt  }
0x61: {  	_ =	shalt  }
0x62: {  	_ =	shalt  }
0x63: {  	_ =	shalt  }
0x64: {  	_ =	shalt  }
0x65: {  	_ =	shalt  }
0x66: {  	_ =	shalt  }
0x67: {  	_ =	shalt  }
0x68: {  	_ =	shalt  }
0x69: {  	_ =	shalt  }
0x6a: {  	_ =	shalt  }
0x6b: {  	_ =	shalt  }
0x6c: {  	_ =	shalt  }
0x6d: {  	_ =	shalt  }
0x6e: {  	_ =	shalt  }
0x6f: {  	_ =	shalt  }
0x70: {  	_ =	shalt  }
0x71: {  	_ =	shalt  }
0x72: {  	_ =	shalt  }
0x73: {  	_ =	shalt  }
0x74: {  	_ =	shalt  }
0x75: {  	_ =	shalt  }
0x76: {  	_ =	shalt  }
0x77: {  	_ =	shalt  }
0x78: {  	_ =	shalt  }
0x79: {  	_ =	shalt  }
0x7a: {  	_ =	shalt  }
0x7b: {  	_ =	shalt  }
0x7c: {  	_ =	shalt  }
0x7d: {  	_ =	shalt  }
0x7e: {  	_ =	shalt  }
0x7f: {  	_ =	shalt  }
0x80: {  	_ =	shalt  }
0x81: {  	_ =	shalt  }
0x82: {  	_ =	shalt  }
0x83: {  	_ =	shalt  }
0x84: {  	_ =	shalt  }
0x85: {  	_ =	shalt  }
0x86: {  	_ =	shalt  }
0x87: {  	_ =	shalt  }
.Lfunc_end0:
.L_simem_size_0:
called_computation_lowered:
.L_overlay_start_0:
0x88: {  	s2 =	sld [smem:$0x3FD9]  }
0x89: {  	s3 =	sld [smem:$0x3FFE];
	_ =	sdelay $0x1  }
0x8a: {  	s1 =	srdreg.scid  }
0x8b: {  	s0 =	sand.u32 $0x1, s1  }
0x8c: {  	s16 =	sshll.u32 s0, $0xA;
	s2 =	sadd.s32 s3, s2  }
0x8d: {  	s2 =	sadd.s32 s2, s16  }
0x8e: {  	[smem:$0x3FB8] =	sst s2  }
0x8f: {  	_ = 	snop  }
0x90: {  	(tm) =	ssettm $0x1  }
0x91: {  	s17 =	sld [smem:$0x3FFB];
	_ =	sdelay $0x3  }
0x92: {  	_ =	strace s17  }
0x93: {  	s2 =	sld [smem:$0x3FFC];
	_ =	sdelay $0x3  }
0x94: {  	_ =	strace s2  }
0x95: {  	s2 =	sld [smem:$0x3FFD];
	_ =	sdelay $0x3  }
0x96: {  	_ =	strace s2  }
0x97: {  	_ =	strace $0x8FFFFFFF  }
0x98: {  	s18 =	sld [smem:$0x3FDB];
	_ =	sdelay $0x1  }
0x99: {  	s19 =	simm.s32 $_scs_section_size  }
0x9a: {  	s4 =	simm.s32 $_size__tile_overlayer_lowered;
	s5 =	simm.s32 $_tile_overlayer_lowered  }
0x9b: {  	s22 =	simm.s32 $0x1BFF;
	s21 =	sshll.u32 s5, $0x1;
	s2 =	sadd.s32 s19, s18  }
0x9c: {  	s6 =	simm.s32 $0x0;
	s20 =	sshll.u32 s4, $0x1;
	s4 =	sadd.s32 s21, s2  }
0x9d: {  	[timem:s6], [sflag:s22] =	dma.local [hbm:s4], s20  }
0x9e: {  	_ =	swait.ge [sflag:s22], s20  }
0x9f: {  	s3 =	ssub.s32 $0x0, s20;
	[sflag:s22] =	ssyncset.done $0x0  }
0xa0: {  	[sflag:s22] =	ssyncadd.s32 s3;
	_ =	sdelay $0x1  }
0xa1: {  	s23 =	simm.s32 $0x1B8B  }
0xa2: {  	_ =	swait.ge [sflag:s23], $0x1  }
0xa3: {  	[sflag:s23] =	ssyncset.done $0x0  }
0xa4: {  	s25 =	simm.s32 $0x1B8E;
	s24 =	sld [smem:$0x3FFE];
	[sflag:s23] =	ssyncadd.s32 $0xFFFFFFFF  }
0xa5: {  	s26 =	simm.s32 $execute0_lowered;
	[smem:$0x3FD2] =	sst s25  }
0xa6: {  	s4 =	sshll.u32 s26, $0x1;
	_ =	strace $0x80000046;
	[dreg:$0x1] =	wrdreg $0xFFFFFFFF  }
0xa7: {  	s28 =	simm.s32 $_size_execute0_lowered;
	s2 =	sadd.s32 s2, s4;
	[dreg:$0x0] =	wrdreg $0x0  }
0xa8: {  	s4 =	sshll.u32 s28, $0x1;
	[dreg:$0x2] =	wrdreg s2  }
0xa9: {  	[dreg:$0x3] =	wrdreg s4  }
0xaa: {  	[dreg:$0x4] =	wrdreg $0xC0  }
0xab: {  	_ =	task [dreg:s6], $0x5FFFF  }
0xac: {  	[dreg:$0x1] =	wrdreg $0xFFFFFFFF  }
0xad: {  	[dreg:$0x0] =	wrdreg $0x60  }
0xae: {  	[dreg:$0x2] =	wrdreg s24  }
0xaf: {  	[dreg:$0x3] =	wrdreg $0x88000  }
0xb0: {  	[dreg:$0x4] =	wrdreg $0x9  }
0xb1: {  	_ =	task.clear_ibuf [dreg:s6], $0x5FFFF;
	_ =	strace $0x90000046  }
0xb2: {  	s29 =	simm.s32 $0x9;
	_ =	strace $0x80000048  }
0xb3: {  	_ =	swait.ge [sflag:s29], $0x1  }
0xb4: {  	[sflag:s29] =	ssyncadd.s32 $0xFFFFFFFF  }
0xb5: {  	_ =	strace $0x90000048  }
0xb6: {  	_ =	sfence  }
0xb7: {  	s30 =	sld [smem:$0x0];
	_ =	sdelay $0x2  }
0xb8: {  	s31 =	sshll.u32 s1, $0xD;
	s1 =	sshrl.u32 s1, $0x2  }
0xb9: {  	s3 =	sand.u32 $0x4000, s31;
	s1 =	sadd.s32 s1, s30  }
0xba: {  	s0 =	sor.u32 s3, s0;
	s1 =	sshll.u32 s1, $0x11  }
0xbb: {  	s0 =	sor.u32 s1, s0  }
0xbc: {  	s0 =	sadd.s32 $0x8F2B, s0  }
0xbd: {  	[sflag:s0] =	ssyncadd.remote.s32 $0x1  }
0xbe: {  	_ =	sfence.sel $0xFFFF  }
0xbf: {  	[dreg:$0x0] =	wrdreg $0xFFFFFFFF;
	(pc) =	sbr.abs _section_cstart, $3  }
0xc0: {  	[dreg:$0x1] =	wrdreg $0xFFFFFFFF  }
0xc1: {  	_ =	task.clear_ibuf [dreg:s6], $0x2FFFF;
	_ =	strace $0x9FFFFFFF  }
0xc2: {  	(tm) =	ssettm $0x7FFFFFFF  }
0xc3: {  	_ =	shalt  }
tec
execute0_lowered:
.L_overlay_start_1:
0x0: {  	(tag) =	ssettag $0x1  }
0x1: {  	s6 =	rddreg [dreg:$0x0]  }
0x2: {  	s1 =	rddreg [dreg:$0x1]  }
0x3: {  	s3 =	srdreg.scid;
	s0 =	rddreg [dreg:$0x2]  }
0x4: {  	s2 =	simm.s32 $0x0;
	s18 =	simm.s32 $0x2;
	s5 =	sand.u32 $0x1, s3  }
0x5: {  	s19 =	simm.s32 $0x2800;
	s20 =	simm.s32 $0x6800;
	s4 =	smul.u32 $0x5000, s5  }
0x6: {  	s21 =	simm.s32 $0x80;
	s3 =	stileid.u32;
	s7 =	smul.u32 $0x28000, s5  }
0x7: {  	s22 =	simm.s32 $0x1;
	[smem:$0x7FF] =	sst s2;
	s9 =	smul.u32 $0x500, s3  }
0x8: {  	s26 =	simm.s32 $0x0;
	_ =	strace $0x80000047;
	s11 =	smul.u32 $0x50000, s3  }
0x9: {  	s10 =	ssub.s32 $0x2, s5;
	s5 =	sadd.s32 $0x10000, s6;
	s24 =	smul.u32 $0x2800, s3  }
0xa: {  	s31 =	sshll.u32 s3, $0x6;
	s28 =	sshrl.u32 s10, $0x1;
	s8 =	sadd.s32 s4, s6  }
0xb: {  	s4 =	sadd.s32 $0x10400, s6;
	s12 =	sadd.s32 s7, s6;
	s30 =	sshrl.u32 s11, $0x2  }
0xc: {  	s10 =	ssub.s32 s10, s28;
	s29 =	sadd.s32 s9, s8;
	s7 =	sadd.s32 s30, s1  }
0xd: {  	s23 =	sadd.s32 $0x10C00, s12;
	s8 =	smax.u32 s10, $0x1;
	s6 =	sadd.s32 $0x6000, s29  }
0xe: {  	s9 =	sadd.s32 $0x2000, s7;
	s10 =	sadd.s32 $0x4000, s7;
	s11 =	sadd.s32 $0x6000, s7  }
0xf: {  	s12 =	sadd.s32 $0x8000, s7;
	s13 =	sadd.s32 $0xA000, s7;
	s14 =	sadd.s32 $0xC000, s7  }
0x10: {  	s15 =	sadd.s32 $0xE000, s7;
	s16 =	sadd.s32 $0x10000, s7;
	s17 =	sadd.s32 $0x12000, s7  }
0x11: {  	s23 =	sadd.s32 s24, s23;
	s24 =	sor.u32 $0x1C02, s31;
	s25 =	sshrl.u32 s7, $0x3  }
.LBB2_1:
0x12: {  	[tilespmem:s2], [sflag:$0x2] =	stream.linear.gather [hbm4b:s6+s2], $0x2800, $0x38;
	[tilespmem:$0x1C800] =	vst v63  }
0x13: {  	_ =	swait.ge [sflag:s18], $0x2800  }
0x14: {  	[sflag:s18] =	ssyncset.done $0x0  }
0x15: {  	[sflag:s18] =	ssyncadd.s32 $0xFFFFD800  }
0x16: {  	[tilespmem:s19], [sflag:$0x2] =	stream.linear.gather [hbm4b:s4+s2], $0x4000, $0x38;
	[tilespmem:$0x1C800] =	vst v63  }
0x17: {  	_ =	swait.ge [sflag:s18], $0x4000  }
0x18: {  	[sflag:s18] =	ssyncset.done $0x0  }
0x19: {  	[sflag:s18] =	ssyncadd.s32 $0xFFFFC000  }
0x1a: {  	[tilespmem:s20], [sflag:$0x2] =	stream.linear.gather [hbm4b:s5+s2], $0x2000, $0x38;
	[tilespmem:$0x1C800] =	vst v63  }
0x1b: {  	_ =	swait.ge [sflag:s18], $0x2000  }
0x1c: {  	[sflag:s18] =	ssyncset.done $0x0  }
0x1d: {  	[sflag:s18] =	ssyncadd.s32 $0xFFFFE000  }
0x1e: {  	[spmem:s7] =	stream.linear.scatter [tilespmem:s20], [sflag:$0x2], $0x2000, $0x38;
	[tilespmem:$0x1C800] =	vst v63  }
0x1f: {  	_ =	swait.ge [sflag:s18], $0x2000  }
0x20: {  	[sflag:s18] =	ssyncset.done $0x0  }
0x21: {  	[sflag:s18] =	ssyncadd.s32 $0xFFFFE000  }
0x22: {  	[spmem:s9] =	stream.linear.scatter [tilespmem:s20], [sflag:$0x2], $0x2000, $0x38;
	[tilespmem:$0x1C800] =	vst v63  }
0x23: {  	_ =	swait.ge [sflag:s18], $0x2000  }
0x24: {  	[sflag:s18] =	ssyncset.done $0x0  }
0x25: {  	[sflag:s18] =	ssyncadd.s32 $0xFFFFE000  }
0x26: {  	[spmem:s10] =	stream.linear.scatter [tilespmem:s20], [sflag:$0x2], $0x2000, $0x38;
	[tilespmem:$0x1C800] =	vst v63  }
0x27: {  	_ =	swait.ge [sflag:s18], $0x2000  }
0x28: {  	[sflag:s18] =	ssyncset.done $0x0  }
0x29: {  	[sflag:s18] =	ssyncadd.s32 $0xFFFFE000  }
0x2a: {  	[spmem:s11] =	stream.linear.scatter [tilespmem:s20], [sflag:$0x2], $0x2000, $0x38;
	[tilespmem:$0x1C800] =	vst v63  }
0x2b: {  	_ =	swait.ge [sflag:s18], $0x2000  }
0x2c: {  	[sflag:s18] =	ssyncset.done $0x0  }
0x2d: {  	[sflag:s18] =	ssyncadd.s32 $0xFFFFE000  }
0x2e: {  	[spmem:s12] =	stream.linear.scatter [tilespmem:s20], [sflag:$0x2], $0x2000, $0x38;
	[tilespmem:$0x1C800] =	vst v63  }
0x2f: {  	_ =	swait.ge [sflag:s18], $0x2000  }
0x30: {  	[sflag:s18] =	ssyncset.done $0x0  }
0x31: {  	[sflag:s18] =	ssyncadd.s32 $0xFFFFE000  }
0x32: {  	[spmem:s13] =	stream.linear.scatter [tilespmem:s20], [sflag:$0x2], $0x2000, $0x38;
	[tilespmem:$0x1C800] =	vst v63  }
0x33: {  	_ =	swait.ge [sflag:s18], $0x2000  }
0x34: {  	[sflag:s18] =	ssyncset.done $0x0  }
0x35: {  	[sflag:s18] =	ssyncadd.s32 $0xFFFFE000  }
0x36: {  	[spmem:s14] =	stream.linear.scatter [tilespmem:s20], [sflag:$0x2], $0x2000, $0x38;
	[tilespmem:$0x1C800] =	vst v63  }
0x37: {  	_ =	swait.ge [sflag:s18], $0x2000  }
0x38: {  	[sflag:s18] =	ssyncset.done $0x0  }
0x39: {  	[sflag:s18] =	ssyncadd.s32 $0xFFFFE000  }
0x3a: {  	[spmem:s15] =	stream.linear.scatter [tilespmem:s20], [sflag:$0x2], $0x2000, $0x38;
	[tilespmem:$0x1C800] =	vst v63  }
0x3b: {  	_ =	swait.ge [sflag:s18], $0x2000  }
0x3c: {  	[sflag:s18] =	ssyncset.done $0x0  }
0x3d: {  	[sflag:s18] =	ssyncadd.s32 $0xFFFFE000  }
0x3e: {  	[spmem:s16] =	stream.linear.scatter [tilespmem:s20], [sflag:$0x2], $0x2000, $0x38;
	[tilespmem:$0x1C800] =	vst v63  }
0x3f: {  	_ =	swait.ge [sflag:s18], $0x2000  }
0x40: {  	[sflag:s18] =	ssyncset.done $0x0  }
0x41: {  	[sflag:s18] =	ssyncadd.s32 $0xFFFFE000  }
0x42: {  	[spmem:s17] =	stream.linear.scatter [tilespmem:s20], [sflag:$0x2], $0x2000, $0x38;
	[tilespmem:$0x1C800] =	vst v63  }
0x43: {  	_ =	swait.ge [sflag:s18], $0x2000  }
0x44: {  	[sflag:s18] =	ssyncset.done $0x0  }
0x45: {  	[sflag:s18] =	ssyncadd.s32 $0xFFFFE000  }
0x46: {  	s28 =	simm.s32 $0x0;
	[bflag:$0x0] =	sbarrier.arrive $0xFFFF  }
.LBB2_2:
0x47: {  	p0 =	sne.s32 s28, $0x9E00  }
.Ltmp0:
0x48: {  	_ = 	snop;
	(pc) =	sbr.rel @p0 .LBB2_2-.Ltmp0, $3  }
0x49: {  	_ =	sdelay $0x1  }
0x4a: {  	s29 =	sshra.s32 s28, $0x2;
	s28 =	sadd.s32 $0x200, s28  }
0x4b: {  	[spmem:s1] =	stream.indirect.scatter.add.f32 [tilespmem:s19], [sflag:$0x1], $0x80, s29, s21, $0xb8;
	[tilespmem:$0x1C800] =	vst v63  }
0x4c: {  	_ =	swait.ge [sflag:s22], $0x4000  }
0x4d: {  	s28 =	simm.s32 $0x4F;
	[sflag:s22] =	ssyncset.done $0x0  }
.LBB2_4:
0x4e: {  	p0 =	sne.s32 s28, $0x1;
	s28 =	sadd.s32 $0xFFFFFFFF, s28;
	[sflag:s22] =	ssyncadd.s32 $0xFFFFC000  }
.Ltmp1:
0x4f: {  	(pc) =	sbr.rel @p0 .LBB2_4-.Ltmp1, $3  }
0x50: {  	_ =	sdelay $0x1  }
0x51: {  	_ =	swait.ge [sflag:s22], $0x4000  }
0x52: {  	[sflag:s22] =	ssyncset.done $0x0  }
0x53: {  	s26 =	sadd.s32 $0x1, s26  }
0x54: {  	[sflag:s22] =	ssyncadd.s32 $0xFFFFC000;
	p0 =	sne.s32 s26, s8  }
.Ltmp2:
0x55: {  	[bflag:$0x0] =	sbarrier.arrive $0xFFFF;
	(pc) =	sbr.rel @p0 .LBB2_1-.Ltmp2, $4  }
0x56: {  	[hbm:s23], [sflag:s24] =	dma.local [spmem:s25], $0x2800  }
0x57: {  	_ =	swait.ge [sflag:s18], $0x2800  }
0x58: {  	[sflag:s18] =	ssyncset.done $0x0  }
0x59: {  	[sflag:s18] =	ssyncadd.s32 $0xFFFFD800  }
0x5a: {  	_ =	sfence.sel $0x180000  }
0x5b: {  	[bflag:$0x0] =	sbarrier.arrive $0xFFFF  }
0x5c: {  	p0 =	sne.s32 s3, $0x0;
	_ =	strace $0x90000047  }
0x5d: {  	s0 =	sadd.s32 @!p0 $0x100000, s0;
	[bflag:$0x2] =	sbarrier.arrive $0xFFFF  }
0x5e: {  	[sflag:s0] =	ssyncadd.tile.s32 @!p0 $0x1;
	_ =	shalt  }
.Lfunc_end2:
_tile_overlayer_lowered:
.L_overlay_start_2:
0x5f: {  	(tag) =	ssettag $0x2  }
0x60: {  	s0 =	rddreg [dreg:$0x0];
	s2 =	stileid.u32  }
0x61: {  	s1 =	rddreg [dreg:$0x1];
	p0 =	sne.s32 s2, $0x0  }
0x62: {  	s3 =	rddreg [dreg:$0x2];
	[bflag:$0x3] =	sbarrier.arrive $0xFFFF;
	s2 =	simm.s32 @!p0 $0x1C02  }
0x63: {  	[timem:s3], [sflag:s2] =	dma.local @!p0 [hbm:s0], s1  }
0x64: {  	s0 =	simm.s32 @!p0 $0x2  }
0x65: {  	_ =	swait.ge @!p0 [sflag:s0], s1  }
0x66: {  	s1 =	ssub.s32 @!p0 $0x0, s1;
	[sflag:s0] =	ssyncset.done @!p0 $0x0  }
0x67: {  	[sflag:s0] =	ssyncadd.s32 @!p0 s1  }
0x68: {  	[bflag:$0x3] =	sbarrier.arrive $0xFFFF  }
0x69: {  	_ =	shalt  }

// kernel: kernel.22.cloned.1.call-start
scs
__scs_entry_jumppad:
0x0: {  	(pc) =	sbr.rel $0x88, $3  }
0x1: {  	(tag) =	ssettag $0x0;
	lr =	simm.s32 $0x1  }
0x2: {  	[smem:$0x3F91] =	sst lr;
	_ =	strace $0xD0000000  }
0x3: {  	_ = 	snop  }
0x4: {  	_ = 	snop  }
0x5: {  	_ = 	snop  }
0x6: {  	_ = 	snop  }
0x7: {  	_ = 	snop  }
__scs_overlays_trampoline_lowered:
0x8: {  	[smem:$0x3FA0] =	sst s0  }
0x9: {  	[smem:$0x3FA1] =	sst s1  }
0xa: {  	[smem:$0x3FA2] =	sst s2  }
0xb: {  	[smem:$0x3FA3] =	sst s3  }
0xc: {  	[smem:$0x3FA4] =	sst s4  }
0xd: {  	[smem:$0x3FA5] =	sst s5  }
0xe: {  	[smem:$0x3FA6] =	sst s6  }
0xf: {  	[smem:$0x3FA7] =	sst s7  }
0x10: {  	[smem:$0x3FA8] =	sst s8  }
0x11: {  	[smem:$0x3FA9] =	sst s9;
	s0 =	simm.s32 @!p0 $0x0  }
0x12: {  	s1 =	sld [smem:$0x3F8F];
	s0 =	simm.s32 @p0 $0x1  }
0x13: {  	[smem:$0x3FAA] =	sst s0;
	s0 =	simm.s32 @!p1 $0x0  }
0x14: {  	s2 =	sld [smem:$0x3F8E];
	s0 =	simm.s32 @p1 $0x1  }
0x15: {  	[smem:$0x3FAB] =	sst s0;
	s0 =	simm.s32 @!p2 $0x0  }
0x16: {  	s3 =	sld [smem:$0x3FDB];
	s0 =	simm.s32 @p2 $0x1  }
0x17: {  	s4 =	simm.s32 $0x1BF5;
	[smem:$0x3FAD] =	sst s0  }
0x18: {  	s0 =	sld [smem:$0x3F90];
	_ =	swait.ge [sflag:s4], $0x0  }
0x19: {  	s7 =	sld [smem:$0x3F91]  }
0x1a: {  	s8 =	sadd.s32 $0xFFFFE003, lr  }
0x1b: {  	s9 =	sadd.s32 $0xFFFFFEF7, lr;
	s5 =	simm.s32 $0xFFFFFFFF;
	p2 =	slt.u32 s8, $0xFFFFF086  }
0x1c: {  	p1 =	slt.u32 s9, $0xF7A;
	s5 =	simm.s32 @!p2 $0x0  }
0x1d: {  	s5 =	simm.s32 @p1 $0x1;
	p0 =	seq.s32 s7, s2  }
0x1e: {  	s7 =	smul.u32 @!p0 $0xF7A, s2;
	p2 =	seq.s32 @!p0 s5, $0x0  }
0x1f: {  	s9 =	smul.u32 $0xF7A, s1;
	s8 =	simm.s32 @!p0 $0x1BF5;
	p2 =	por !p2, p0  }
0x20: {  	[sflag:s8] =	ssyncset.s32 @!p0 $0xFFFFF086;
	s6 =	sadd.s32 @!p0 s3, s7;
	s7 =	simm.s32 @!p0 $0x108  }
0x21: {  	s3 =	sadd.s32 s3, s9;
	s6 =	sadd.s32 @!p0 $0x88, s6;
	s7 =	simm.s32 @p2 $0x1082  }
0x22: {  	[simem:s7], [sflag:s8] =	dma.local @!p0 [hbm:s6], $0xF7A  }
0x23: {  	s9 =	sor.u32 $0xD0000000, s2;
	s6 =	simm.s32 $0x108;
	_ =	swait.ge @!p0 [sflag:s8], $0x0  }
0x24: {  	s3 =	sadd.s32 $0x88, s3;
	s6 =	simm.s32 @!p1 $0x1082;
	[sflag:s4] =	ssyncset.s32 $0xFFFFF086  }
0x25: {  	[simem:s6], [sflag:s4] =	dma.local [hbm:s3], $0xF7A  }
0x26: {  	[smem:$0x3F91] =	sst s1;
	(tag) =	ssettag s2;
	_ =	strace s9  }
0x27: {  	s1 =	sld [smem:$0x3FA1]  }
0x28: {  	s2 =	sld [smem:$0x3FA2]  }
0x29: {  	s4 =	sld [smem:$0x3FA4]  }
0x2a: {  	p0 =	seq.s32 s5, $0x0;
	s5 =	sld [smem:$0x3FA5]  }
0x2b: {  	s6 =	sld [smem:$0x3FA6]  }
0x2c: {  	s7 =	sld [smem:$0x3FA7]  }
0x2d: {  	s3 =	simm.s32 $0x108;
	s8 =	sld [smem:$0x3FA8]  }
0x2e: {  	s3 =	simm.s32 @!p0 $0x1082;
	s9 =	sld [smem:$0x3FA9]  }
0x2f: {  	lr =	sadd.s32 s0, s3;
	s0 =	sld [smem:$0x3FA0]  }
0x30: {  	s3 =	sld [smem:$0x3FA3]  }
0x31: {  	[smem:$0x3FAC] =	sst s10  }
0x32: {  	s10 =	sld [smem:$0x3FAA];
	_ =	sdelay $0x3  }
0x33: {  	p0 =	seq.s32 s10, $0x1;
	s10 =	sld [smem:$0x3FAC];
	_ =	sdelay $0x3  }
0x34: {  	[smem:$0x3FAC] =	sst s10  }
0x35: {  	s10 =	sld [smem:$0x3FAB];
	_ =	sdelay $0x3  }
0x36: {  	p1 =	seq.s32 s10, $0x1;
	s10 =	sld [smem:$0x3FAC];
	_ =	sdelay $0x3  }
0x37: {  	[smem:$0x3FAC] =	sst s10  }
0x38: {  	s10 =	sld [smem:$0x3FAD]  }
0x39: {  	_ = 	snop;
	(pc) =	sbr.ind lr, $3  }
0x3a: {  	_ = 	snop  }
0x3b: {  	_ = 	snop  }
0x3c: {  	p2 =	seq.s32 s10, $0x1;
	s10 =	sld [smem:$0x3FAC]  }
0x3d: {  	_ =	shalt  }
0x3e: {  	_ =	shalt  }
0x3f: {  	_ =	shalt  }
0x40: {  	_ =	shalt  }
0x41: {  	_ =	shalt  }
0x42: {  	_ =	shalt  }
0x43: {  	_ =	shalt  }
0x44: {  	_ =	shalt  }
0x45: {  	_ =	shalt  }
0x46: {  	_ =	shalt  }
0x47: {  	_ =	shalt  }
0x48: {  	_ =	shalt  }
0x49: {  	_ =	shalt  }
0x4a: {  	_ =	shalt  }
0x4b: {  	_ =	shalt  }
0x4c: {  	_ =	shalt  }
0x4d: {  	_ =	shalt  }
0x4e: {  	_ =	shalt  }
0x4f: {  	_ =	shalt  }
0x50: {  	_ =	shalt  }
0x51: {  	_ =	shalt  }
0x52: {  	_ =	shalt  }
0x53: {  	_ =	shalt  }
0x54: {  	_ =	shalt  }
0x55: {  	_ =	shalt  }
0x56: {  	_ =	shalt  }
0x57: {  	_ =	shalt  }
0x58: {  	_ =	shalt  }
0x59: {  	_ =	shalt  }
0x5a: {  	_ =	shalt  }
0x5b: {  	_ =	shalt  }
0x5c: {  	_ =	shalt  }
0x5d: {  	_ =	shalt  }
0x5e: {  	_ =	shalt  }
0x5f: {  	_ =	shalt  }
0x60: {  	_ =	shalt  }
0x61: {  	_ =	shalt  }
0x62: {  	_ =	shalt  }
0x63: {  	_ =	shalt  }
0x64: {  	_ =	shalt  }
0x65: {  	_ =	shalt  }
0x66: {  	_ =	shalt  }
0x67: {  	_ =	shalt  }
0x68: {  	_ =	shalt  }
0x69: {  	_ =	shalt  }
0x6a: {  	_ =	shalt  }
0x6b: {  	_ =	shalt  }
0x6c: {  	_ =	shalt  }
0x6d: {  	_ =	shalt  }
0x6e: {  	_ =	shalt  }
0x6f: {  	_ =	shalt  }
0x70: {  	_ =	shalt  }
0x71: {  	_ =	shalt  }
0x72: {  	_ =	shalt  }
0x73: {  	_ =	shalt  }
0x74: {  	_ =	shalt  }
0x75: {  	_ =	shalt  }
0x76: {  	_ =	shalt  }
0x77: {  	_ =	shalt  }
0x78: {  	_ =	shalt  }
0x79: {  	_ =	shalt  }
0x7a: {  	_ =	shalt  }
0x7b: {  	_ =	shalt  }
0x7c: {  	_ =	shalt  }
0x7d: {  	_ =	shalt  }
0x7e: {  	_ =	shalt  }
0x7f: {  	_ =	shalt  }
0x80: {  	_ =	shalt  }
0x81: {  	_ =	shalt  }
0x82: {  	_ =	shalt  }
0x83: {  	_ =	shalt  }
0x84: {  	_ =	shalt  }
0x85: {  	_ =	shalt  }
0x86: {  	_ =	shalt  }
0x87: {  	_ =	shalt  }
.Lfunc_end0:
.L_simem_size_0:
called_computation.1_lowered:
.L_overlay_start_0:
0x88: {  	s2 =	sld [smem:$0x3FD9]  }
0x89: {  	s3 =	sld [smem:$0x3FFE];
	_ =	sdelay $0x1  }
0x8a: {  	s1 =	srdreg.scid  }
0x8b: {  	s0 =	sand.u32 $0x1, s1  }
0x8c: {  	s16 =	sshll.u32 s0, $0xA;
	s2 =	sadd.s32 s3, s2  }
0x8d: {  	s2 =	sadd.s32 s2, s16  }
0x8e: {  	[smem:$0x3FB8] =	sst s2  }
0x8f: {  	_ = 	snop  }
0x90: {  	(tm) =	ssettm $0x1  }
0x91: {  	s17 =	sld [smem:$0x3FFB];
	_ =	sdelay $0x3  }
0x92: {  	_ =	strace s17  }
0x93: {  	s2 =	sld [smem:$0x3FFC];
	_ =	sdelay $0x3  }
0x94: {  	_ =	strace s2  }
0x95: {  	s2 =	sld [smem:$0x3FFD];
	_ =	sdelay $0x3  }
0x96: {  	_ =	strace s2  }
0x97: {  	_ =	strace $0x8FFFFFFF  }
0x98: {  	s18 =	sld [smem:$0x3FDB];
	_ =	sdelay $0x1  }
0x99: {  	s19 =	simm.s32 $_scs_section_size  }
0x9a: {  	s4 =	simm.s32 $_size__tile_overlayer_lowered;
	s5 =	simm.s32 $_tile_overlayer_lowered  }
0x9b: {  	s22 =	simm.s32 $0x1BFF;
	s21 =	sshll.u32 s5, $0x1;
	s2 =	sadd.s32 s19, s18  }
0x9c: {  	s6 =	simm.s32 $0x0;
	s20 =	sshll.u32 s4, $0x1;
	s4 =	sadd.s32 s21, s2  }
0x9d: {  	[timem:s6], [sflag:s22] =	dma.local [hbm:s4], s20  }
0x9e: {  	_ =	swait.ge [sflag:s22], s20  }
0x9f: {  	s3 =	ssub.s32 $0x0, s20;
	[sflag:s22] =	ssyncset.done $0x0  }
0xa0: {  	[sflag:s22] =	ssyncadd.s32 s3;
	_ =	sdelay $0x1  }
0xa1: {  	s23 =	simm.s32 $0x1B8B  }
0xa2: {  	_ =	swait.ge [sflag:s23], $0x1  }
0xa3: {  	[sflag:s23] =	ssyncset.done $0x0  }
0xa4: {  	s25 =	simm.s32 $0x1B8E;
	s24 =	sld [smem:$0x3FFE];
	[sflag:s23] =	ssyncadd.s32 $0xFFFFFFFF  }
0xa5: {  	s26 =	simm.s32 $execute0_lowered;
	[smem:$0x3FD2] =	sst s25  }
0xa6: {  	s4 =	sshll.u32 s26, $0x1;
	_ =	strace $0x80000049;
	[dreg:$0x1] =	wrdreg $0xFFFFFFFF  }
0xa7: {  	s28 =	simm.s32 $_size_execute0_lowered;
	s2 =	sadd.s32 s2, s4;
	[dreg:$0x0] =	wrdreg $0x0  }
0xa8: {  	s4 =	sshll.u32 s28, $0x1;
	[dreg:$0x2] =	wrdreg s2  }
0xa9: {  	[dreg:$0x3] =	wrdreg s4  }
0xaa: {  	[dreg:$0x4] =	wrdreg $0xC0  }
0xab: {  	_ =	task [dreg:s6], $0x5FFFF  }
0xac: {  	[dreg:$0x1] =	wrdreg $0xFFFFFFFF  }
0xad: {  	[dreg:$0x0] =	wrdreg $0x60  }
0xae: {  	[dreg:$0x2] =	wrdreg s24  }
0xaf: {  	[dreg:$0x3] =	wrdreg $0xA8000  }
0xb0: {  	[dreg:$0x4] =	wrdreg $0x9  }
0xb1: {  	_ =	task.clear_ibuf [dreg:s6], $0x5FFFF;
	_ =	strace $0x90000049  }
0xb2: {  	s29 =	simm.s32 $0x9;
	_ =	strace $0x8000004B  }
0xb3: {  	_ =	swait.ge [sflag:s29], $0x1  }
0xb4: {  	[sflag:s29] =	ssyncadd.s32 $0xFFFFFFFF  }
0xb5: {  	_ =	strace $0x9000004B  }
0xb6: {  	_ =	sfence  }
0xb7: {  	s30 =	sld [smem:$0x0];
	_ =	sdelay $0x2  }
0xb8: {  	s31 =	sshll.u32 s1, $0xD;
	s1 =	sshrl.u32 s1, $0x2  }
0xb9: {  	s3 =	sand.u32 $0x4000, s31;
	s1 =	sadd.s32 s1, s30  }
0xba: {  	s0 =	sor.u32 s3, s0;
	s1 =	sshll.u32 s1, $0x11  }
0xbb: {  	s0 =	sor.u32 s1, s0  }
0xbc: {  	s0 =	sadd.s32 $0x8F2B, s0  }
0xbd: {  	[sflag:s0] =	ssyncadd.remote.s32 $0x1  }
0xbe: {  	_ =	sfence.sel $0xFFFF  }
0xbf: {  	[dreg:$0x0] =	wrdreg $0xFFFFFFFF;
	(pc) =	sbr.abs _section_cstart, $3  }
0xc0: {  	[dreg:$0x1] =	wrdreg $0xFFFFFFFF  }
0xc1: {  	_ =	task.clear_ibuf [dreg:s6], $0x2FFFF;
	_ =	strace $0x9FFFFFFF  }
0xc2: {  	(tm) =	ssettm $0x7FFFFFFF  }
0xc3: {  	_ =	shalt  }
tec
execute0_lowered:
.L_overlay_start_1:
0x0: {  	(tag) =	ssettag $0x1  }
0x1: {  	s0 =	rddreg [dreg:$0x0]  }
0x2: {  	s1 =	rddreg [dreg:$0x1];
	s3 =	srdreg.scid  }
0x3: {  	s2 =	simm.s32 $0x0;
	s26 =	stileid.u32;
	s17 =	simm.s32 $0x2800  }
0x4: {  	s18 =	simm.s32 $0x3;
	s22 =	simm.s32 $0x80;
	s23 =	simm.s32 $0x6800  }
0x5: {  	s25 =	simm.s32 $0x1;
	s28 =	simm.s32 $0x2700;
	s8 =	smul.u32 $0x50000, s26  }
0x6: {  	s29 =	simm.s32 $0x2780;
	s30 =	simm.s32 $0x0;
	s20 =	smul.u32 $0x500, s26  }
0x7: {  	s6 =	sand.u32 $0x1, s3;
	[smem:$0x7FF] =	sst s2;
	s24 =	smul.u32 $0x2800, s26  }
0x8: {  	s4 =	sadd.s32 $0x10400, s0;
	s26 =	simm.s32 $0x2;
	s5 =	smul.u32 $0x5000, s6  }
0x9: {  	s7 =	smul.u32 $0x28000, s6;
	_ =	strace $0x8000004A;
	s6 =	ssub.s32 $0x2, s6  }
0xa: {  	s31 =	sshrl.u32 s6, $0x1;
	s8 =	sshrl.u32 s8, $0x2;
	s9 =	sadd.s32 s5, s0  }
0xb: {  	s5 =	sadd.s32 $0x10000, s0;
	s0 =	sadd.s32 s7, s0;
	s7 =	ssub.s32 s6, s31  }
0xc: {  	s6 =	sadd.s32 s8, s1;
	s19 =	sadd.s32 $0x60C00, s9;
	s21 =	sadd.s32 $0x6000, s9  }
0xd: {  	s0 =	sadd.s32 $0x6AC00, s0;
	s7 =	smax.u32 s7, $0x1;
	s8 =	sadd.s32 $0x2000, s6  }
0xe: {  	s9 =	sadd.s32 $0x4000, s6;
	s10 =	sadd.s32 $0x6000, s6;
	s11 =	sadd.s32 $0x8000, s6  }
0xf: {  	s12 =	sadd.s32 $0xA000, s6;
	s13 =	sadd.s32 $0xC000, s6;
	s14 =	sadd.s32 $0xE000, s6  }
0x10: {  	s15 =	sadd.s32 $0x10000, s6;
	s16 =	sadd.s32 $0x12000, s6;
	s19 =	sadd.s32 s20, s19  }
0x11: {  	s20 =	sadd.s32 s20, s21;
	s21 =	simm.s32 $0x1400;
	s24 =	sadd.s32 s24, s0  }
.LBB2_1:
0x12: {  	[tilespmem:s17], [sflag:$0x3] =	stream.linear.gather [hbm4b:s5+s2], $0x2000, $0x38;
	[tilespmem:$0x1E800] =	vst v63  }
0x13: {  	_ =	swait.ge [sflag:s18], $0x2000  }
0x14: {  	[sflag:s18] =	ssyncset.done $0x0  }
0x15: {  	[sflag:s18] =	ssyncadd.s32 $0xFFFFE000  }
0x16: {  	[spmem:s6] =	stream.linear.scatter [tilespmem:s17], [sflag:$0x3], $0x2000, $0x38;
	[tilespmem:$0x1E800] =	vst v63  }
0x17: {  	_ =	swait.ge [sflag:s18], $0x2000  }
0x18: {  	[sflag:s18] =	ssyncset.done $0x0  }
0x19: {  	[sflag:s18] =	ssyncadd.s32 $0xFFFFE000  }
0x1a: {  	[spmem:s8] =	stream.linear.scatter [tilespmem:s17], [sflag:$0x3], $0x2000, $0x38;
	[tilespmem:$0x1E800] =	vst v63  }
0x1b: {  	_ =	swait.ge [sflag:s18], $0x2000  }
0x1c: {  	[sflag:s18] =	ssyncset.done $0x0  }
0x1d: {  	[sflag:s18] =	ssyncadd.s32 $0xFFFFE000  }
0x1e: {  	[spmem:s9] =	stream.linear.scatter [tilespmem:s17], [sflag:$0x3], $0x2000, $0x38;
	[tilespmem:$0x1E800] =	vst v63  }
0x1f: {  	_ =	swait.ge [sflag:s18], $0x2000  }
0x20: {  	[sflag:s18] =	ssyncset.done $0x0  }
0x21: {  	[sflag:s18] =	ssyncadd.s32 $0xFFFFE000  }
0x22: {  	[spmem:s10] =	stream.linear.scatter [tilespmem:s17], [sflag:$0x3], $0x2000, $0x38;
	[tilespmem:$0x1E800] =	vst v63  }
0x23: {  	_ =	swait.ge [sflag:s18], $0x2000  }
0x24: {  	[sflag:s18] =	ssyncset.done $0x0  }
0x25: {  	[sflag:s18] =	ssyncadd.s32 $0xFFFFE000  }
0x26: {  	[spmem:s11] =	stream.linear.scatter [tilespmem:s17], [sflag:$0x3], $0x2000, $0x38;
	[tilespmem:$0x1E800] =	vst v63  }
0x27: {  	_ =	swait.ge [sflag:s18], $0x2000  }
0x28: {  	[sflag:s18] =	ssyncset.done $0x0  }
0x29: {  	[sflag:s18] =	ssyncadd.s32 $0xFFFFE000  }
0x2a: {  	[spmem:s12] =	stream.linear.scatter [tilespmem:s17], [sflag:$0x3], $0x2000, $0x38;
	[tilespmem:$0x1E800] =	vst v63  }
0x2b: {  	_ =	swait.ge [sflag:s18], $0x2000  }
0x2c: {  	[sflag:s18] =	ssyncset.done $0x0  }
0x2d: {  	[sflag:s18] =	ssyncadd.s32 $0xFFFFE000  }
0x2e: {  	[spmem:s13] =	stream.linear.scatter [tilespmem:s17], [sflag:$0x3], $0x2000, $0x38;
	[tilespmem:$0x1E800] =	vst v63  }
0x2f: {  	_ =	swait.ge [sflag:s18], $0x2000  }
0x30: {  	[sflag:s18] =	ssyncset.done $0x0  }
0x31: {  	[sflag:s18] =	ssyncadd.s32 $0xFFFFE000  }
0x32: {  	[spmem:s14] =	stream.linear.scatter [tilespmem:s17], [sflag:$0x3], $0x2000, $0x38;
	[tilespmem:$0x1E800] =	vst v63  }
0x33: {  	_ =	swait.ge [sflag:s18], $0x2000  }
0x34: {  	[sflag:s18] =	ssyncset.done $0x0  }
0x35: {  	[sflag:s18] =	ssyncadd.s32 $0xFFFFE000  }
0x36: {  	[spmem:s15] =	stream.linear.scatter [tilespmem:s17], [sflag:$0x3], $0x2000, $0x38;
	[tilespmem:$0x1E800] =	vst v63  }
0x37: {  	_ =	swait.ge [sflag:s18], $0x2000  }
0x38: {  	[sflag:s18] =	ssyncset.done $0x0  }
0x39: {  	[sflag:s18] =	ssyncadd.s32 $0xFFFFE000  }
0x3a: {  	[spmem:s16] =	stream.linear.scatter [tilespmem:s17], [sflag:$0x3], $0x2000, $0x38;
	[tilespmem:$0x1E800] =	vst v63  }
0x3b: {  	_ =	swait.ge [sflag:s18], $0x2000  }
0x3c: {  	[sflag:s18] =	ssyncset.done $0x0  }
0x3d: {  	[sflag:s18] =	ssyncadd.s32 $0xFFFFE000  }
0x3e: {  	[bflag:$0x0] =	sbarrier.arrive $0xFFFF  }
0x3f: {  	[tilespmem:s2], [sflag:$0x3] =	stream.linear.gather [hbm4b:s19+s2], $0x1400, $0x38;
	[tilespmem:$0x1E800] =	vst v63  }
0x40: {  	_ =	swait.ge [sflag:s18], $0x1400  }
0x41: {  	[sflag:s18] =	ssyncset.done $0x0  }
0x42: {  	[sflag:s18] =	ssyncadd.s32 $0xFFFFEC00  }
0x43: {  	[tilespmem:s21], [sflag:$0x3] =	stream.linear.gather [hbm4b:s20+s2], $0x1400, $0x38;
	[tilespmem:$0x1E800] =	vst v63  }
0x44: {  	_ =	swait.ge [sflag:s18], $0x1400  }
0x45: {  	[sflag:s18] =	ssyncset.done $0x0  }
0x46: {  	[sflag:s18] =	ssyncadd.s32 $0xFFFFEC00  }
0x47: {  	[tilespmem:s17], [sflag:$0x1] =	stream.indirect.gather [hbm4b:s4+s22], $0x80, s2, s22, $0xb8;
	[tilespmem:$0x1E800] =	vst v63  }
0x48: {  	_ = 	snop  }
0x49: {  	[tilespmem:s23], [sflag:$0x2] =	stream.indirect.gather [hbm4b:s4+s22], $0x80, s22, s22, $0xb8;
	[tilespmem:$0x1E800] =	vst v63  }
0x4a: {  	_ =	swait.ge [sflag:s25], $0x4000  }
0x4b: {  	[sflag:s25] =	ssyncset.done $0x0  }
0x4c: {  	s0 =	simm.s32 $0x1400;
	[sflag:s25] =	ssyncadd.s32 $0xFFFFC000  }
0x4d: {  	[spmem:s1] =	stream.indirect.scatter.add.f32 [tilespmem:s17], [sflag:$0x3], $0x80, s0, s22, $0xb8;
	[tilespmem:$0x1E800] =	vst v63  }
0x4e: {  	_ =	swait.ge [sflag:s18], $0x4000  }
0x4f: {  	[sflag:s18] =	ssyncset.done $0x0  }
0x50: {  	s3 =	simm.s32 $0x100;
	[sflag:s18] =	ssyncadd.s32 $0xFFFFC000  }
0x51: {  	[tilespmem:s17], [sflag:$0x1] =	stream.indirect.gather [hbm4b:s4+s22], $0x80, s3, s22, $0xb8;
	[tilespmem:$0x1E800] =	vst v63  }
0x52: {  	_ =	swait.ge [sflag:s26], $0x4000  }
0x53: {  	[sflag:s26] =	ssyncset.done $0x0  }
0x54: {  	s3 =	simm.s32 $0x1480;
	[sflag:s26] =	ssyncadd.s32 $0xFFFFC000  }
0x55: {  	[spmem:s1] =	stream.indirect.scatter.add.f32 [tilespmem:s23], [sflag:$0x3], $0x80, s3, s22, $0xb8;
	[tilespmem:$0x1E800] =	vst v63  }
0x56: {  	_ =	swait.ge [sflag:s18], $0x4000  }
0x57: {  	[sflag:s18] =	ssyncset.done $0x0  }
0x58: {  	s31 =	simm.s32 $0x400;
	s0 =	simm.s32 $0x180;
	[sflag:s18] =	ssyncadd.s32 $0xFFFFC000  }
.LBB2_2:
0x59: {  	[tilespmem:s23], [sflag:$0x2] =	stream.indirect.gather [hbm4b:s4+s22], $0x80, s0, s22, $0xb8;
	[tilespmem:$0x1E800] =	vst v63  }
0x5a: {  	s0 =	smov.u32 s31  }
0x5b: {  	p0 =	sne.s32 s31, $0x4800;
	s31 =	sadd.s32 $0x400, s31;
	_ =	swait.ge [sflag:s25], $0x4000  }
0x5c: {  	s0 =	sshra.s32 s0, $0x2;
	[sflag:s25] =	ssyncset.done $0x0  }
0x5d: {  	s3 =	sadd.s32 $0x1400, s0;
	[sflag:s25] =	ssyncadd.s32 $0xFFFFC000  }
0x5e: {  	[spmem:s1] =	stream.indirect.scatter.add.f32 [tilespmem:s17], [sflag:$0x3], $0x80, s3, s22, $0xb8;
	[tilespmem:$0x1E800] =	vst v63  }
0x5f: {  	_ =	swait.ge [sflag:s18], $0x4000  }
0x60: {  	[sflag:s18] =	ssyncset.done $0x0  }
0x61: {  	s3 =	sadd.s32 $0x100, s0;
	[sflag:s18] =	ssyncadd.s32 $0xFFFFC000  }
0x62: {  	[tilespmem:s17], [sflag:$0x1] =	stream.indirect.gather [hbm4b:s4+s22], $0x80, s3, s22, $0xb8;
	[tilespmem:$0x1E800] =	vst v63  }
0x63: {  	_ =	swait.ge [sflag:s26], $0x4000  }
0x64: {  	[sflag:s26] =	ssyncset.done $0x0  }
.Ltmp0:
0x65: {  	s3 =	sadd.s32 $0x1480, s0;
	[sflag:s26] =	ssyncadd.s32 $0xFFFFC000;
	(pc) =	sbr.rel @p0 .LBB2_2-.Ltmp0, $4  }
0x66: {  	[spmem:s1] =	stream.indirect.scatter.add.f32 [tilespmem:s23], [sflag:$0x3], $0x80, s3, s22, $0xb8;
	[tilespmem:$0x1E800] =	vst v63  }
0x67: {  	_ =	swait.ge [sflag:s18], $0x4000  }
0x68: {  	[sflag:s18] =	ssyncset.done $0x0  }
0x69: {  	s0 =	sadd.s32 $0x180, s0;
	[sflag:s18] =	ssyncadd.s32 $0xFFFFC000  }
0x6a: {  	[tilespmem:s23], [sflag:$0x2] =	stream.indirect.gather [hbm4b:s4+s22], $0x80, s0, s22, $0xb8;
	[tilespmem:$0x1E800] =	vst v63  }
0x6b: {  	_ =	swait.ge [sflag:s25], $0x4000  }
0x6c: {  	[sflag:s25] =	ssyncset.done $0x0  }
0x6d: {  	[sflag:s25] =	ssyncadd.s32 $0xFFFFC000  }
0x6e: {  	[spmem:s1] =	stream.indirect.scatter.add.f32 [tilespmem:s17], [sflag:$0x3], $0x80, s28, s22, $0xb8;
	[tilespmem:$0x1E800] =	vst v63  }
0x6f: {  	_ =	swait.ge [sflag:s18], $0x4000  }
0x70: {  	[sflag:s18] =	ssyncset.done $0x0  }
0x71: {  	[sflag:s18] =	ssyncadd.s32 $0xFFFFC000  }
0x72: {  	_ =	swait.ge [sflag:s26], $0x4000  }
0x73: {  	[sflag:s26] =	ssyncset.done $0x0  }
0x74: {  	[sflag:s26] =	ssyncadd.s32 $0xFFFFC000  }
0x75: {  	[spmem:s1] =	stream.indirect.scatter.add.f32 [tilespmem:s23], [sflag:$0x3], $0x80, s29, s22, $0xb8;
	[tilespmem:$0x1E800] =	vst v63  }
0x76: {  	_ =	swait.ge [sflag:s18], $0x4000  }
0x77: {  	[sflag:s18] =	ssyncset.done $0x0  }
0x78: {  	s0 =	sadd.s32 $0x280, s19;
	s3 =	simm.s32 $0x0;
	[sflag:s18] =	ssyncadd.s32 $0xFFFFC000  }
0x79: {  	[tilespmem:s3], [sflag:$0x3] =	stream.linear.gather [hbm4b:s0+s3], $0x1400, $0x38;
	[tilespmem:$0x1E800] =	vst v63  }
0x7a: {  	_ =	swait.ge [sflag:s18], $0x1400  }
0x7b: {  	[sflag:s18] =	ssyncset.done $0x0  }
0x7c: {  	s0 =	sadd.s32 $0x280, s20;
	[sflag:s18] =	ssyncadd.s32 $0xFFFFEC00  }
0x7d: {  	[tilespmem:s21], [sflag:$0x3] =	stream.linear.gather [hbm4b:s0+s3], $0x1400, $0x38;
	[tilespmem:$0x1E800] =	vst v63  }
0x7e: {  	_ =	swait.ge [sflag:s18], $0x1400  }
0x7f: {  	[sflag:s18] =	ssyncset.done $0x0  }
0x80: {  	[sflag:s18] =	ssyncadd.s32 $0xFFFFEC00  }
0x81: {  	[tilespmem:s17], [sflag:$0x1] =	stream.indirect.gather [hbm4b:s4+s22], $0x80, s3, s22, $0xb8;
	[tilespmem:$0x1E800] =	vst v63  }
0x82: {  	_ = 	snop  }
0x83: {  	[tilespmem:s23], [sflag:$0x2] =	stream.indirect.gather [hbm4b:s4+s22], $0x80, s22, s22, $0xb8;
	[tilespmem:$0x1E800] =	vst v63  }
0x84: {  	_ =	swait.ge [sflag:s25], $0x4000  }
0x85: {  	[sflag:s25] =	ssyncset.done $0x0  }
0x86: {  	s3 =	simm.s32 $0x1400;
	[sflag:s25] =	ssyncadd.s32 $0xFFFFC000  }
0x87: {  	[spmem:s1] =	stream.indirect.scatter.add.f32 [tilespmem:s17], [sflag:$0x3], $0x80, s3, s22, $0xb8;
	[tilespmem:$0x1E800] =	vst v63  }
0x88: {  	_ =	swait.ge [sflag:s18], $0x4000  }
0x89: {  	[sflag:s18] =	ssyncset.done $0x0  }
0x8a: {  	s3 =	simm.s32 $0x100;
	[sflag:s18] =	ssyncadd.s32 $0xFFFFC000  }
0x8b: {  	[tilespmem:s17], [sflag:$0x1] =	stream.indirect.gather [hbm4b:s4+s22], $0x80, s3, s22, $0xb8;
	[tilespmem:$0x1E800] =	vst v63  }
0x8c: {  	_ =	swait.ge [sflag:s26], $0x4000  }
0x8d: {  	[sflag:s26] =	ssyncset.done $0x0  }
0x8e: {  	s3 =	simm.s32 $0x1480;
	[sflag:s26] =	ssyncadd.s32 $0xFFFFC000  }
0x8f: {  	[spmem:s1] =	stream.indirect.scatter.add.f32 [tilespmem:s23], [sflag:$0x3], $0x80, s3, s22, $0xb8;
	[tilespmem:$0x1E800] =	vst v63  }
0x90: {  	_ =	swait.ge [sflag:s18], $0x4000  }
0x91: {  	[sflag:s18] =	ssyncset.done $0x0  }
0x92: {  	s31 =	simm.s32 $0x400;
	s0 =	simm.s32 $0x180;
	[sflag:s18] =	ssyncadd.s32 $0xFFFFC000  }
.LBB2_4:
0x93: {  	[tilespmem:s23], [sflag:$0x2] =	stream.indirect.gather [hbm4b:s4+s22], $0x80, s0, s22, $0xb8;
	[tilespmem:$0x1E800] =	vst v63  }
0x94: {  	s0 =	smov.u32 s31  }
0x95: {  	p0 =	sne.s32 s31, $0x4800;
	s31 =	sadd.s32 $0x400, s31;
	_ =	swait.ge [sflag:s25], $0x4000  }
0x96: {  	s0 =	sshra.s32 s0, $0x2;
	[sflag:s25] =	ssyncset.done $0x0  }
0x97: {  	s3 =	sadd.s32 $0x1400, s0;
	[sflag:s25] =	ssyncadd.s32 $0xFFFFC000  }
0x98: {  	[spmem:s1] =	stream.indirect.scatter.add.f32 [tilespmem:s17], [sflag:$0x3], $0x80, s3, s22, $0xb8;
	[tilespmem:$0x1E800] =	vst v63  }
0x99: {  	_ =	swait.ge [sflag:s18], $0x4000  }
0x9a: {  	[sflag:s18] =	ssyncset.done $0x0  }
0x9b: {  	s3 =	sadd.s32 $0x100, s0;
	[sflag:s18] =	ssyncadd.s32 $0xFFFFC000  }
0x9c: {  	[tilespmem:s17], [sflag:$0x1] =	stream.indirect.gather [hbm4b:s4+s22], $0x80, s3, s22, $0xb8;
	[tilespmem:$0x1E800] =	vst v63  }
0x9d: {  	_ =	swait.ge [sflag:s26], $0x4000  }
0x9e: {  	[sflag:s26] =	ssyncset.done $0x0  }
.Ltmp1:
0x9f: {  	s3 =	sadd.s32 $0x1480, s0;
	[sflag:s26] =	ssyncadd.s32 $0xFFFFC000;
	(pc) =	sbr.rel @p0 .LBB2_4-.Ltmp1, $4  }
0xa0: {  	[spmem:s1] =	stream.indirect.scatter.add.f32 [tilespmem:s23], [sflag:$0x3], $0x80, s3, s22, $0xb8;
	[tilespmem:$0x1E800] =	vst v63  }
0xa1: {  	_ =	swait.ge [sflag:s18], $0x4000  }
0xa2: {  	[sflag:s18] =	ssyncset.done $0x0  }
0xa3: {  	s0 =	sadd.s32 $0x180, s0;
	[sflag:s18] =	ssyncadd.s32 $0xFFFFC000  }
0xa4: {  	[tilespmem:s23], [sflag:$0x2] =	stream.indirect.gather [hbm4b:s4+s22], $0x80, s0, s22, $0xb8;
	[tilespmem:$0x1E800] =	vst v63  }
0xa5: {  	_ =	swait.ge [sflag:s25], $0x4000  }
0xa6: {  	[sflag:s25] =	ssyncset.done $0x0  }
0xa7: {  	[sflag:s25] =	ssyncadd.s32 $0xFFFFC000  }
0xa8: {  	[spmem:s1] =	stream.indirect.scatter.add.f32 [tilespmem:s17], [sflag:$0x3], $0x80, s28, s22, $0xb8;
	[tilespmem:$0x1E800] =	vst v63  }
0xa9: {  	_ =	swait.ge [sflag:s18], $0x4000  }
0xaa: {  	[sflag:s18] =	ssyncset.done $0x0  }
0xab: {  	[sflag:s18] =	ssyncadd.s32 $0xFFFFC000  }
0xac: {  	_ =	swait.ge [sflag:s26], $0x4000  }
0xad: {  	[sflag:s26] =	ssyncset.done $0x0  }
0xae: {  	[sflag:s26] =	ssyncadd.s32 $0xFFFFC000  }
0xaf: {  	[spmem:s1] =	stream.indirect.scatter.add.f32 [tilespmem:s23], [sflag:$0x3], $0x80, s29, s22, $0xb8;
	[tilespmem:$0x1E800] =	vst v63  }
0xb0: {  	s31 =	stileid.u32;
	_ =	swait.ge [sflag:s18], $0x4000  }
0xb1: {  	s3 =	sshrl.u32 s6, $0x3;
	s30 =	sadd.s32 $0x1, s30;
	[sflag:s18] =	ssyncset.done $0x0  }
0xb2: {  	s0 =	sshll.u32 s31, $0x6;
	p0 =	sne.s32 s30, s7;
	[sflag:s18] =	ssyncadd.s32 $0xFFFFC000  }
.Ltmp2:
0xb3: {  	s0 =	sor.u32 $0x1C03, s0;
	[bflag:$0x0] =	sbarrier.arrive $0xFFFF;
	(pc) =	sbr.rel @p0 .LBB2_1-.Ltmp2, $4  }
0xb4: {  	[hbm:s24], [sflag:s0] =	dma.local [spmem:s3], $0x2800  }
0xb5: {  	_ =	swait.ge [sflag:s18], $0x2800  }
0xb6: {  	[sflag:s18] =	ssyncset.done $0x0  }
0xb7: {  	[sflag:s18] =	ssyncadd.s32 $0xFFFFD800  }
0xb8: {  	_ =	sfence.sel $0x180000  }
0xb9: {  	[bflag:$0x0] =	sbarrier.arrive $0xFFFF  }
0xba: {  	_ =	strace $0x9000004A  }
0xbb: {  	s0 =	stileid.u32;
	[bflag:$0x2] =	sbarrier.arrive $0xFFFF  }
0xbc: {  	p0 =	sne.s32 s0, $0x0;
	s0 =	rddreg [dreg:$0x2]  }
0xbd: {  	s0 =	sadd.s32 @!p0 $0x100000, s0  }
0xbe: {  	[sflag:s0] =	ssyncadd.tile.s32 @!p0 $0x1;
	_ =	shalt  }
.Lfunc_end2:
_tile_overlayer_lowered:
.L_overlay_start_2:
0xbf: {  	(tag) =	ssettag $0x2  }
0xc0: {  	s0 =	rddreg [dreg:$0x0];
	s2 =	stileid.u32  }
0xc1: {  	s1 =	rddreg [dreg:$0x1];
	p0 =	sne.s32 s2, $0x0  }
0xc2: {  	s3 =	rddreg [dreg:$0x2];
	[bflag:$0x3] =	sbarrier.arrive $0xFFFF;
	s2 =	simm.s32 @!p0 $0x1C03  }
0xc3: {  	[timem:s3], [sflag:s2] =	dma.local @!p0 [hbm:s0], s1  }
0xc4: {  	s0 =	simm.s32 @!p0 $0x3  }
0xc5: {  	_ =	swait.ge @!p0 [sflag:s0], s1  }
0xc6: {  	s1 =	ssub.s32 @!p0 $0x0, s1;
	[sflag:s0] =	ssyncset.done @!p0 $0x0  }
0xc7: {  	[sflag:s0] =	ssyncadd.s32 @!p0 s1  }
0xc8: {  	[bflag:$0x3] =	sbarrier.arrive $0xFFFF  }
0xc9: {  	_ =	shalt  }

// kernel: kernel.25.cloned.1.call-start
scs
__scs_entry_jumppad:
0x0: {  	(pc) =	sbr.rel $0x88, $3  }
0x1: {  	(tag) =	ssettag $0x0;
	lr =	simm.s32 $0x1  }
0x2: {  	[smem:$0x3F91] =	sst lr;
	_ =	strace $0xD0000000  }
0x3: {  	_ = 	snop  }
0x4: {  	_ = 	snop  }
0x5: {  	_ = 	snop  }
0x6: {  	_ = 	snop  }
0x7: {  	_ = 	snop  }
__scs_overlays_trampoline_lowered:
0x8: {  	[smem:$0x3FA0] =	sst s0  }
0x9: {  	[smem:$0x3FA1] =	sst s1  }
0xa: {  	[smem:$0x3FA2] =	sst s2  }
0xb: {  	[smem:$0x3FA3] =	sst s3  }
0xc: {  	[smem:$0x3FA4] =	sst s4  }
0xd: {  	[smem:$0x3FA5] =	sst s5  }
0xe: {  	[smem:$0x3FA6] =	sst s6  }
0xf: {  	[smem:$0x3FA7] =	sst s7  }
0x10: {  	[smem:$0x3FA8] =	sst s8  }
0x11: {  	[smem:$0x3FA9] =	sst s9;
	s0 =	simm.s32 @!p0 $0x0  }
0x12: {  	s1 =	sld [smem:$0x3F8F];
	s0 =	simm.s32 @p0 $0x1  }
0x13: {  	[smem:$0x3FAA] =	sst s0;
	s0 =	simm.s32 @!p1 $0x0  }
0x14: {  	s2 =	sld [smem:$0x3F8E];
	s0 =	simm.s32 @p1 $0x1  }
0x15: {  	[smem:$0x3FAB] =	sst s0;
	s0 =	simm.s32 @!p2 $0x0  }
0x16: {  	s3 =	sld [smem:$0x3FDB];
	s0 =	simm.s32 @p2 $0x1  }
0x17: {  	s4 =	simm.s32 $0x1BF5;
	[smem:$0x3FAD] =	sst s0  }
0x18: {  	s0 =	sld [smem:$0x3F90];
	_ =	swait.ge [sflag:s4], $0x0  }
0x19: {  	s7 =	sld [smem:$0x3F91]  }
0x1a: {  	s8 =	sadd.s32 $0xFFFFE003, lr  }
0x1b: {  	s9 =	sadd.s32 $0xFFFFFEF7, lr;
	s5 =	simm.s32 $0xFFFFFFFF;
	p2 =	slt.u32 s8, $0xFFFFF086  }
0x1c: {  	p1 =	slt.u32 s9, $0xF7A;
	s5 =	simm.s32 @!p2 $0x0  }
0x1d: {  	s5 =	simm.s32 @p1 $0x1;
	p0 =	seq.s32 s7, s2  }
0x1e: {  	s7 =	smul.u32 @!p0 $0xF7A, s2;
	p2 =	seq.s32 @!p0 s5, $0x0  }
0x1f: {  	s9 =	smul.u32 $0xF7A, s1;
	s8 =	simm.s32 @!p0 $0x1BF5;
	p2 =	por !p2, p0  }
0x20: {  	[sflag:s8] =	ssyncset.s32 @!p0 $0xFFFFF086;
	s6 =	sadd.s32 @!p0 s3, s7;
	s7 =	simm.s32 @!p0 $0x108  }
0x21: {  	s3 =	sadd.s32 s3, s9;
	s6 =	sadd.s32 @!p0 $0x88, s6;
	s7 =	simm.s32 @p2 $0x1082  }
0x22: {  	[simem:s7], [sflag:s8] =	dma.local @!p0 [hbm:s6], $0xF7A  }
0x23: {  	s9 =	sor.u32 $0xD0000000, s2;
	s6 =	simm.s32 $0x108;
	_ =	swait.ge @!p0 [sflag:s8], $0x0  }
0x24: {  	s3 =	sadd.s32 $0x88, s3;
	s6 =	simm.s32 @!p1 $0x1082;
	[sflag:s4] =	ssyncset.s32 $0xFFFFF086  }
0x25: {  	[simem:s6], [sflag:s4] =	dma.local [hbm:s3], $0xF7A  }
0x26: {  	[smem:$0x3F91] =	sst s1;
	(tag) =	ssettag s2;
	_ =	strace s9  }
0x27: {  	s1 =	sld [smem:$0x3FA1]  }
0x28: {  	s2 =	sld [smem:$0x3FA2]  }
0x29: {  	s4 =	sld [smem:$0x3FA4]  }
0x2a: {  	p0 =	seq.s32 s5, $0x0;
	s5 =	sld [smem:$0x3FA5]  }
0x2b: {  	s6 =	sld [smem:$0x3FA6]  }
0x2c: {  	s7 =	sld [smem:$0x3FA7]  }
0x2d: {  	s3 =	simm.s32 $0x108;
	s8 =	sld [smem:$0x3FA8]  }
0x2e: {  	s3 =	simm.s32 @!p0 $0x1082;
	s9 =	sld [smem:$0x3FA9]  }
0x2f: {  	lr =	sadd.s32 s0, s3;
	s0 =	sld [smem:$0x3FA0]  }
0x30: {  	s3 =	sld [smem:$0x3FA3]  }
0x31: {  	[smem:$0x3FAC] =	sst s10  }
0x32: {  	s10 =	sld [smem:$0x3FAA];
	_ =	sdelay $0x3  }
0x33: {  	p0 =	seq.s32 s10, $0x1;
	s10 =	sld [smem:$0x3FAC];
	_ =	sdelay $0x3  }
0x34: {  	[smem:$0x3FAC] =	sst s10  }
0x35: {  	s10 =	sld [smem:$0x3FAB];
	_ =	sdelay $0x3  }
0x36: {  	p1 =	seq.s32 s10, $0x1;
	s10 =	sld [smem:$0x3FAC];
	_ =	sdelay $0x3  }
0x37: {  	[smem:$0x3FAC] =	sst s10  }
0x38: {  	s10 =	sld [smem:$0x3FAD]  }
0x39: {  	_ = 	snop;
	(pc) =	sbr.ind lr, $3  }
0x3a: {  	_ = 	snop  }
0x3b: {  	_ = 	snop  }
0x3c: {  	p2 =	seq.s32 s10, $0x1;
	s10 =	sld [smem:$0x3FAC]  }
0x3d: {  	_ =	shalt  }
0x3e: {  	_ =	shalt  }
0x3f: {  	_ =	shalt  }
0x40: {  	_ =	shalt  }
0x41: {  	_ =	shalt  }
0x42: {  	_ =	shalt  }
0x43: {  	_ =	shalt  }
0x44: {  	_ =	shalt  }
0x45: {  	_ =	shalt  }
0x46: {  	_ =	shalt  }
0x47: {  	_ =	shalt  }
0x48: {  	_ =	shalt  }
0x49: {  	_ =	shalt  }
0x4a: {  	_ =	shalt  }
0x4b: {  	_ =	shalt  }
0x4c: {  	_ =	shalt  }
0x4d: {  	_ =	shalt  }
0x4e: {  	_ =	shalt  }
0x4f: {  	_ =	shalt  }
0x50: {  	_ =	shalt  }
0x51: {  	_ =	shalt  }
0x52: {  	_ =	shalt  }
0x53: {  	_ =	shalt  }
0x54: {  	_ =	shalt  }
0x55: {  	_ =	shalt  }
0x56: {  	_ =	shalt  }
0x57: {  	_ =	shalt  }
0x58: {  	_ =	shalt  }
0x59: {  	_ =	shalt  }
0x5a: {  	_ =	shalt  }
0x5b: {  	_ =	shalt  }
0x5c: {  	_ =	shalt  }
0x5d: {  	_ =	shalt  }
0x5e: {  	_ =	shalt  }
0x5f: {  	_ =	shalt  }
0x60: {  	_ =	shalt  }
0x61: {  	_ =	shalt  }
0x62: {  	_ =	shalt  }
0x63: {  	_ =	shalt  }
0x64: {  	_ =	shalt  }
0x65: {  	_ =	shalt  }
0x66: {  	_ =	shalt  }
0x67: {  	_ =	shalt  }
0x68: {  	_ =	shalt  }
0x69: {  	_ =	shalt  }
0x6a: {  	_ =	shalt  }
0x6b: {  	_ =	shalt  }
0x6c: {  	_ =	shalt  }
0x6d: {  	_ =	shalt  }
0x6e: {  	_ =	shalt  }
0x6f: {  	_ =	shalt  }
0x70: {  	_ =	shalt  }
0x71: {  	_ =	shalt  }
0x72: {  	_ =	shalt  }
0x73: {  	_ =	shalt  }
0x74: {  	_ =	shalt  }
0x75: {  	_ =	shalt  }
0x76: {  	_ =	shalt  }
0x77: {  	_ =	shalt  }
0x78: {  	_ =	shalt  }
0x79: {  	_ =	shalt  }
0x7a: {  	_ =	shalt  }
0x7b: {  	_ =	shalt  }
0x7c: {  	_ =	shalt  }
0x7d: {  	_ =	shalt  }
0x7e: {  	_ =	shalt  }
0x7f: {  	_ =	shalt  }
0x80: {  	_ =	shalt  }
0x81: {  	_ =	shalt  }
0x82: {  	_ =	shalt  }
0x83: {  	_ =	shalt  }
0x84: {  	_ =	shalt  }
0x85: {  	_ =	shalt  }
0x86: {  	_ =	shalt  }
0x87: {  	_ =	shalt  }
.Lfunc_end0:
.L_simem_size_0:
called_computation.2_lowered:
.L_overlay_start_0:
0x88: {  	s2 =	sld [smem:$0x3FD9]  }
0x89: {  	s3 =	sld [smem:$0x3FFE];
	_ =	sdelay $0x1  }
0x8a: {  	s1 =	srdreg.scid  }
0x8b: {  	s0 =	sand.u32 $0x1, s1  }
0x8c: {  	s16 =	sshll.u32 s0, $0xA;
	s2 =	sadd.s32 s3, s2  }
0x8d: {  	s2 =	sadd.s32 s2, s16  }
0x8e: {  	[smem:$0x3FB8] =	sst s2  }
0x8f: {  	_ = 	snop  }
0x90: {  	(tm) =	ssettm $0x1  }
0x91: {  	s17 =	sld [smem:$0x3FFB];
	_ =	sdelay $0x3  }
0x92: {  	_ =	strace s17  }
0x93: {  	s2 =	sld [smem:$0x3FFC];
	_ =	sdelay $0x3  }
0x94: {  	_ =	strace s2  }
0x95: {  	s2 =	sld [smem:$0x3FFD];
	_ =	sdelay $0x3  }
0x96: {  	_ =	strace s2  }
0x97: {  	_ =	strace $0x8FFFFFFF  }
0x98: {  	s18 =	sld [smem:$0x3FDB];
	_ =	sdelay $0x1  }
0x99: {  	s19 =	simm.s32 $_scs_section_size  }
0x9a: {  	s4 =	simm.s32 $_size__tile_overlayer_lowered;
	s5 =	simm.s32 $_tile_overlayer_lowered  }
0x9b: {  	s22 =	simm.s32 $0x1BFF;
	s21 =	sshll.u32 s5, $0x1;
	s2 =	sadd.s32 s19, s18  }
0x9c: {  	s6 =	simm.s32 $0x0;
	s20 =	sshll.u32 s4, $0x1;
	s4 =	sadd.s32 s21, s2  }
0x9d: {  	[timem:s6], [sflag:s22] =	dma.local [hbm:s4], s20  }
0x9e: {  	_ =	swait.ge [sflag:s22], s20  }
0x9f: {  	s3 =	ssub.s32 $0x0, s20;
	[sflag:s22] =	ssyncset.done $0x0  }
0xa0: {  	[sflag:s22] =	ssyncadd.s32 s3;
	_ =	sdelay $0x1  }
0xa1: {  	s23 =	simm.s32 $0x1B8B  }
0xa2: {  	_ =	swait.ge [sflag:s23], $0x1  }
0xa3: {  	[sflag:s23] =	ssyncset.done $0x0  }
0xa4: {  	s25 =	simm.s32 $0x1B8E;
	s24 =	sld [smem:$0x3FFE];
	[sflag:s23] =	ssyncadd.s32 $0xFFFFFFFF  }
0xa5: {  	s26 =	simm.s32 $execute0_lowered;
	[smem:$0x3FD2] =	sst s25  }
0xa6: {  	s4 =	sshll.u32 s26, $0x1;
	_ =	strace $0x8000004C;
	[dreg:$0x1] =	wrdreg $0xFFFFFFFF  }
0xa7: {  	s28 =	simm.s32 $_size_execute0_lowered;
	s2 =	sadd.s32 s2, s4;
	[dreg:$0x0] =	wrdreg $0x0  }
0xa8: {  	s4 =	sshll.u32 s28, $0x1;
	[dreg:$0x2] =	wrdreg s2  }
0xa9: {  	[dreg:$0x3] =	wrdreg s4  }
0xaa: {  	[dreg:$0x4] =	wrdreg $0xC0  }
0xab: {  	_ =	task [dreg:s6], $0x5FFFF  }
0xac: {  	[dreg:$0x1] =	wrdreg $0xFFFFFFFF  }
0xad: {  	[dreg:$0x0] =	wrdreg $0x60  }
0xae: {  	[dreg:$0x2] =	wrdreg s24  }
0xaf: {  	[dreg:$0x3] =	wrdreg $0xA8000  }
0xb0: {  	[dreg:$0x4] =	wrdreg $0x9  }
0xb1: {  	_ =	task.clear_ibuf [dreg:s6], $0x5FFFF;
	_ =	strace $0x9000004C  }
0xb2: {  	s29 =	simm.s32 $0x9;
	_ =	strace $0x8000004E  }
0xb3: {  	_ =	swait.ge [sflag:s29], $0x1  }
0xb4: {  	[sflag:s29] =	ssyncadd.s32 $0xFFFFFFFF  }
0xb5: {  	_ =	strace $0x9000004E  }
0xb6: {  	_ =	sfence  }
0xb7: {  	s30 =	sld [smem:$0x0];
	_ =	sdelay $0x2  }
0xb8: {  	s31 =	sshll.u32 s1, $0xD;
	s1 =	sshrl.u32 s1, $0x2  }
0xb9: {  	s3 =	sand.u32 $0x4000, s31;
	s1 =	sadd.s32 s1, s30  }
0xba: {  	s0 =	sor.u32 s3, s0;
	s1 =	sshll.u32 s1, $0x11  }
0xbb: {  	s0 =	sor.u32 s1, s0  }
0xbc: {  	s0 =	sadd.s32 $0x8F2B, s0  }
0xbd: {  	[sflag:s0] =	ssyncadd.remote.s32 $0x1  }
0xbe: {  	_ =	sfence.sel $0xFFFF  }
0xbf: {  	[dreg:$0x0] =	wrdreg $0xFFFFFFFF;
	(pc) =	sbr.abs _section_cstart, $3  }
0xc0: {  	[dreg:$0x1] =	wrdreg $0xFFFFFFFF  }
0xc1: {  	_ =	task.clear_ibuf [dreg:s6], $0x2FFFF;
	_ =	strace $0x9FFFFFFF  }
0xc2: {  	(tm) =	ssettm $0x7FFFFFFF  }
0xc3: {  	_ =	shalt  }
tec
execute0_lowered:
.L_overlay_start_1:
0x0: {  	(tag) =	ssettag $0x1  }
0x1: {  	s0 =	rddreg [dreg:$0x0]  }
0x2: {  	s1 =	rddreg [dreg:$0x1];
	s3 =	srdreg.scid  }
0x3: {  	s2 =	simm.s32 $0x0;
	s26 =	stileid.u32;
	s17 =	simm.s32 $0x2800  }
0x4: {  	s18 =	simm.s32 $0x3;
	s22 =	simm.s32 $0x80;
	s23 =	simm.s32 $0x6800  }
0x5: {  	s25 =	simm.s32 $0x1;
	s28 =	simm.s32 $0x2700;
	s8 =	smul.u32 $0x50000, s26  }
0x6: {  	s29 =	simm.s32 $0x2780;
	s30 =	simm.s32 $0x0;
	s20 =	smul.u32 $0x500, s26  }
0x7: {  	s6 =	sand.u32 $0x1, s3;
	[smem:$0x7FF] =	sst s2;
	s24 =	smul.u32 $0x2800, s26  }
0x8: {  	s4 =	sadd.s32 $0x10400, s0;
	s26 =	simm.s32 $0x2;
	s5 =	smul.u32 $0x5000, s6  }
0x9: {  	s7 =	smul.u32 $0x28000, s6;
	_ =	strace $0x8000004D;
	s6 =	ssub.s32 $0x2, s6  }
0xa: {  	s31 =	sshrl.u32 s6, $0x1;
	s8 =	sshrl.u32 s8, $0x2;
	s9 =	sadd.s32 s5, s0  }
0xb: {  	s5 =	sadd.s32 $0x10000, s0;
	s0 =	sadd.s32 s7, s0;
	s7 =	ssub.s32 s6, s31  }
0xc: {  	s6 =	sadd.s32 s8, s1;
	s19 =	sadd.s32 $0x60C00, s9;
	s21 =	sadd.s32 $0x6000, s9  }
0xd: {  	s0 =	sadd.s32 $0x6AC00, s0;
	s7 =	smax.u32 s7, $0x1;
	s8 =	sadd.s32 $0x2000, s6  }
0xe: {  	s9 =	sadd.s32 $0x4000, s6;
	s10 =	sadd.s32 $0x6000, s6;
	s11 =	sadd.s32 $0x8000, s6  }
0xf: {  	s12 =	sadd.s32 $0xA000, s6;
	s13 =	sadd.s32 $0xC000, s6;
	s14 =	sadd.s32 $0xE000, s6  }
0x10: {  	s15 =	sadd.s32 $0x10000, s6;
	s16 =	sadd.s32 $0x12000, s6;
	s19 =	sadd.s32 s20, s19  }
0x11: {  	s20 =	sadd.s32 s20, s21;
	s21 =	simm.s32 $0x1400;
	s24 =	sadd.s32 s24, s0  }
.LBB2_1:
0x12: {  	[tilespmem:s17], [sflag:$0x3] =	stream.linear.gather [hbm4b:s5+s2], $0x2000, $0x38;
	[tilespmem:$0x1E800] =	vst v63  }
0x13: {  	_ =	swait.ge [sflag:s18], $0x2000  }
0x14: {  	[sflag:s18] =	ssyncset.done $0x0  }
0x15: {  	[sflag:s18] =	ssyncadd.s32 $0xFFFFE000  }
0x16: {  	[spmem:s6] =	stream.linear.scatter [tilespmem:s17], [sflag:$0x3], $0x2000, $0x38;
	[tilespmem:$0x1E800] =	vst v63  }
0x17: {  	_ =	swait.ge [sflag:s18], $0x2000  }
0x18: {  	[sflag:s18] =	ssyncset.done $0x0  }
0x19: {  	[sflag:s18] =	ssyncadd.s32 $0xFFFFE000  }
0x1a: {  	[spmem:s8] =	stream.linear.scatter [tilespmem:s17], [sflag:$0x3], $0x2000, $0x38;
	[tilespmem:$0x1E800] =	vst v63  }
0x1b: {  	_ =	swait.ge [sflag:s18], $0x2000  }
0x1c: {  	[sflag:s18] =	ssyncset.done $0x0  }
0x1d: {  	[sflag:s18] =	ssyncadd.s32 $0xFFFFE000  }
0x1e: {  	[spmem:s9] =	stream.linear.scatter [tilespmem:s17], [sflag:$0x3], $0x2000, $0x38;
	[tilespmem:$0x1E800] =	vst v63  }
0x1f: {  	_ =	swait.ge [sflag:s18], $0x2000  }
0x20: {  	[sflag:s18] =	ssyncset.done $0x0  }
0x21: {  	[sflag:s18] =	ssyncadd.s32 $0xFFFFE000  }
0x22: {  	[spmem:s10] =	stream.linear.scatter [tilespmem:s17], [sflag:$0x3], $0x2000, $0x38;
	[tilespmem:$0x1E800] =	vst v63  }
0x23: {  	_ =	swait.ge [sflag:s18], $0x2000  }
0x24: {  	[sflag:s18] =	ssyncset.done $0x0  }
0x25: {  	[sflag:s18] =	ssyncadd.s32 $0xFFFFE000  }
0x26: {  	[spmem:s11] =	stream.linear.scatter [tilespmem:s17], [sflag:$0x3], $0x2000, $0x38;
	[tilespmem:$0x1E800] =	vst v63  }
0x27: {  	_ =	swait.ge [sflag:s18], $0x2000  }
0x28: {  	[sflag:s18] =	ssyncset.done $0x0  }
0x29: {  	[sflag:s18] =	ssyncadd.s32 $0xFFFFE000  }
0x2a: {  	[spmem:s12] =	stream.linear.scatter [tilespmem:s17], [sflag:$0x3], $0x2000, $0x38;
	[tilespmem:$0x1E800] =	vst v63  }
0x2b: {  	_ =	swait.ge [sflag:s18], $0x2000  }
0x2c: {  	[sflag:s18] =	ssyncset.done $0x0  }
0x2d: {  	[sflag:s18] =	ssyncadd.s32 $0xFFFFE000  }
0x2e: {  	[spmem:s13] =	stream.linear.scatter [tilespmem:s17], [sflag:$0x3], $0x2000, $0x38;
	[tilespmem:$0x1E800] =	vst v63  }
0x2f: {  	_ =	swait.ge [sflag:s18], $0x2000  }
0x30: {  	[sflag:s18] =	ssyncset.done $0x0  }
0x31: {  	[sflag:s18] =	ssyncadd.s32 $0xFFFFE000  }
0x32: {  	[spmem:s14] =	stream.linear.scatter [tilespmem:s17], [sflag:$0x3], $0x2000, $0x38;
	[tilespmem:$0x1E800] =	vst v63  }
0x33: {  	_ =	swait.ge [sflag:s18], $0x2000  }
0x34: {  	[sflag:s18] =	ssyncset.done $0x0  }
0x35: {  	[sflag:s18] =	ssyncadd.s32 $0xFFFFE000  }
0x36: {  	[spmem:s15] =	stream.linear.scatter [tilespmem:s17], [sflag:$0x3], $0x2000, $0x38;
	[tilespmem:$0x1E800] =	vst v63  }
0x37: {  	_ =	swait.ge [sflag:s18], $0x2000  }
0x38: {  	[sflag:s18] =	ssyncset.done $0x0  }
0x39: {  	[sflag:s18] =	ssyncadd.s32 $0xFFFFE000  }
0x3a: {  	[spmem:s16] =	stream.linear.scatter [tilespmem:s17], [sflag:$0x3], $0x2000, $0x38;
	[tilespmem:$0x1E800] =	vst v63  }
0x3b: {  	_ =	swait.ge [sflag:s18], $0x2000  }
0x3c: {  	[sflag:s18] =	ssyncset.done $0x0  }
0x3d: {  	[sflag:s18] =	ssyncadd.s32 $0xFFFFE000  }
0x3e: {  	[bflag:$0x0] =	sbarrier.arrive $0xFFFF  }
0x3f: {  	[tilespmem:s2], [sflag:$0x3] =	stream.linear.gather [hbm4b:s19+s2], $0x1400, $0x38;
	[tilespmem:$0x1E800] =	vst v63  }
0x40: {  	_ =	swait.ge [sflag:s18], $0x1400  }
0x41: {  	[sflag:s18] =	ssyncset.done $0x0  }
0x42: {  	[sflag:s18] =	ssyncadd.s32 $0xFFFFEC00  }
0x43: {  	[tilespmem:s21], [sflag:$0x3] =	stream.linear.gather [hbm4b:s20+s2], $0x1400, $0x38;
	[tilespmem:$0x1E800] =	vst v63  }
0x44: {  	_ =	swait.ge [sflag:s18], $0x1400  }
0x45: {  	[sflag:s18] =	ssyncset.done $0x0  }
0x46: {  	[sflag:s18] =	ssyncadd.s32 $0xFFFFEC00  }
0x47: {  	[tilespmem:s17], [sflag:$0x1] =	stream.indirect.gather [hbm4b:s4+s22], $0x80, s2, s22, $0xb8;
	[tilespmem:$0x1E800] =	vst v63  }
0x48: {  	_ = 	snop  }
0x49: {  	[tilespmem:s23], [sflag:$0x2] =	stream.indirect.gather [hbm4b:s4+s22], $0x80, s22, s22, $0xb8;
	[tilespmem:$0x1E800] =	vst v63  }
0x4a: {  	_ =	swait.ge [sflag:s25], $0x4000  }
0x4b: {  	[sflag:s25] =	ssyncset.done $0x0  }
0x4c: {  	s0 =	simm.s32 $0x1400;
	[sflag:s25] =	ssyncadd.s32 $0xFFFFC000  }
0x4d: {  	[spmem:s1] =	stream.indirect.scatter.add.f32 [tilespmem:s17], [sflag:$0x3], $0x80, s0, s22, $0xb8;
	[tilespmem:$0x1E800] =	vst v63  }
0x4e: {  	_ =	swait.ge [sflag:s18], $0x4000  }
0x4f: {  	[sflag:s18] =	ssyncset.done $0x0  }
0x50: {  	s3 =	simm.s32 $0x100;
	[sflag:s18] =	ssyncadd.s32 $0xFFFFC000  }
0x51: {  	[tilespmem:s17], [sflag:$0x1] =	stream.indirect.gather [hbm4b:s4+s22], $0x80, s3, s22, $0xb8;
	[tilespmem:$0x1E800] =	vst v63  }
0x52: {  	_ =	swait.ge [sflag:s26], $0x4000  }
0x53: {  	[sflag:s26] =	ssyncset.done $0x0  }
0x54: {  	s3 =	simm.s32 $0x1480;
	[sflag:s26] =	ssyncadd.s32 $0xFFFFC000  }
0x55: {  	[spmem:s1] =	stream.indirect.scatter.add.f32 [tilespmem:s23], [sflag:$0x3], $0x80, s3, s22, $0xb8;
	[tilespmem:$0x1E800] =	vst v63  }
0x56: {  	_ =	swait.ge [sflag:s18], $0x4000  }
0x57: {  	[sflag:s18] =	ssyncset.done $0x0  }
0x58: {  	s31 =	simm.s32 $0x400;
	s0 =	simm.s32 $0x180;
	[sflag:s18] =	ssyncadd.s32 $0xFFFFC000  }
.LBB2_2:
0x59: {  	[tilespmem:s23], [sflag:$0x2] =	stream.indirect.gather [hbm4b:s4+s22], $0x80, s0, s22, $0xb8;
	[tilespmem:$0x1E800] =	vst v63  }
0x5a: {  	s0 =	smov.u32 s31  }
0x5b: {  	p0 =	sne.s32 s31, $0x4800;
	s31 =	sadd.s32 $0x400, s31;
	_ =	swait.ge [sflag:s25], $0x4000  }
0x5c: {  	s0 =	sshra.s32 s0, $0x2;
	[sflag:s25] =	ssyncset.done $0x0  }
0x5d: {  	s3 =	sadd.s32 $0x1400, s0;
	[sflag:s25] =	ssyncadd.s32 $0xFFFFC000  }
0x5e: {  	[spmem:s1] =	stream.indirect.scatter.add.f32 [tilespmem:s17], [sflag:$0x3], $0x80, s3, s22, $0xb8;
	[tilespmem:$0x1E800] =	vst v63  }
0x5f: {  	_ =	swait.ge [sflag:s18], $0x4000  }
0x60: {  	[sflag:s18] =	ssyncset.done $0x0  }
0x61: {  	s3 =	sadd.s32 $0x100, s0;
	[sflag:s18] =	ssyncadd.s32 $0xFFFFC000  }
0x62: {  	[tilespmem:s17], [sflag:$0x1] =	stream.indirect.gather [hbm4b:s4+s22], $0x80, s3, s22, $0xb8;
	[tilespmem:$0x1E800] =	vst v63  }
0x63: {  	_ =	swait.ge [sflag:s26], $0x4000  }
0x64: {  	[sflag:s26] =	ssyncset.done $0x0  }
.Ltmp0:
0x65: {  	s3 =	sadd.s32 $0x1480, s0;
	[sflag:s26] =	ssyncadd.s32 $0xFFFFC000;
	(pc) =	sbr.rel @p0 .LBB2_2-.Ltmp0, $4  }
0x66: {  	[spmem:s1] =	stream.indirect.scatter.add.f32 [tilespmem:s23], [sflag:$0x3], $0x80, s3, s22, $0xb8;
	[tilespmem:$0x1E800] =	vst v63  }
0x67: {  	_ =	swait.ge [sflag:s18], $0x4000  }
0x68: {  	[sflag:s18] =	ssyncset.done $0x0  }
0x69: {  	s0 =	sadd.s32 $0x180, s0;
	[sflag:s18] =	ssyncadd.s32 $0xFFFFC000  }
0x6a: {  	[tilespmem:s23], [sflag:$0x2] =	stream.indirect.gather [hbm4b:s4+s22], $0x80, s0, s22, $0xb8;
	[tilespmem:$0x1E800] =	vst v63  }
0x6b: {  	_ =	swait.ge [sflag:s25], $0x4000  }
0x6c: {  	[sflag:s25] =	ssyncset.done $0x0  }
0x6d: {  	[sflag:s25] =	ssyncadd.s32 $0xFFFFC000  }
0x6e: {  	[spmem:s1] =	stream.indirect.scatter.add.f32 [tilespmem:s17], [sflag:$0x3], $0x80, s28, s22, $0xb8;
	[tilespmem:$0x1E800] =	vst v63  }
0x6f: {  	_ =	swait.ge [sflag:s18], $0x4000  }
0x70: {  	[sflag:s18] =	ssyncset.done $0x0  }
0x71: {  	[sflag:s18] =	ssyncadd.s32 $0xFFFFC000  }
0x72: {  	_ =	swait.ge [sflag:s26], $0x4000  }
0x73: {  	[sflag:s26] =	ssyncset.done $0x0  }
0x74: {  	[sflag:s26] =	ssyncadd.s32 $0xFFFFC000  }
0x75: {  	[spmem:s1] =	stream.indirect.scatter.add.f32 [tilespmem:s23], [sflag:$0x3], $0x80, s29, s22, $0xb8;
	[tilespmem:$0x1E800] =	vst v63  }
0x76: {  	_ =	swait.ge [sflag:s18], $0x4000  }
0x77: {  	[sflag:s18] =	ssyncset.done $0x0  }
0x78: {  	s0 =	sadd.s32 $0x280, s19;
	s3 =	simm.s32 $0x0;
	[sflag:s18] =	ssyncadd.s32 $0xFFFFC000  }
0x79: {  	[tilespmem:s3], [sflag:$0x3] =	stream.linear.gather [hbm4b:s0+s3], $0x1400, $0x38;
	[tilespmem:$0x1E800] =	vst v63  }
0x7a: {  	_ =	swait.ge [sflag:s18], $0x1400  }
0x7b: {  	[sflag:s18] =	ssyncset.done $0x0  }
0x7c: {  	s0 =	sadd.s32 $0x280, s20;
	[sflag:s18] =	ssyncadd.s32 $0xFFFFEC00  }
0x7d: {  	[tilespmem:s21], [sflag:$0x3] =	stream.linear.gather [hbm4b:s0+s3], $0x1400, $0x38;
	[tilespmem:$0x1E800] =	vst v63  }
0x7e: {  	_ =	swait.ge [sflag:s18], $0x1400  }
0x7f: {  	[sflag:s18] =	ssyncset.done $0x0  }
0x80: {  	[sflag:s18] =	ssyncadd.s32 $0xFFFFEC00  }
0x81: {  	[tilespmem:s17], [sflag:$0x1] =	stream.indirect.gather [hbm4b:s4+s22], $0x80, s3, s22, $0xb8;
	[tilespmem:$0x1E800] =	vst v63  }
0x82: {  	_ = 	snop  }
0x83: {  	[tilespmem:s23], [sflag:$0x2] =	stream.indirect.gather [hbm4b:s4+s22], $0x80, s22, s22, $0xb8;
	[tilespmem:$0x1E800] =	vst v63  }
0x84: {  	_ =	swait.ge [sflag:s25], $0x4000  }
0x85: {  	[sflag:s25] =	ssyncset.done $0x0  }
0x86: {  	s3 =	simm.s32 $0x1400;
	[sflag:s25] =	ssyncadd.s32 $0xFFFFC000  }
0x87: {  	[spmem:s1] =	stream.indirect.scatter.add.f32 [tilespmem:s17], [sflag:$0x3], $0x80, s3, s22, $0xb8;
	[tilespmem:$0x1E800] =	vst v63  }
0x88: {  	_ =	swait.ge [sflag:s18], $0x4000  }
0x89: {  	[sflag:s18] =	ssyncset.done $0x0  }
0x8a: {  	s3 =	simm.s32 $0x100;
	[sflag:s18] =	ssyncadd.s32 $0xFFFFC000  }
0x8b: {  	[tilespmem:s17], [sflag:$0x1] =	stream.indirect.gather [hbm4b:s4+s22], $0x80, s3, s22, $0xb8;
	[tilespmem:$0x1E800] =	vst v63  }
0x8c: {  	_ =	swait.ge [sflag:s26], $0x4000  }
0x8d: {  	[sflag:s26] =	ssyncset.done $0x0  }
0x8e: {  	s3 =	simm.s32 $0x1480;
	[sflag:s26] =	ssyncadd.s32 $0xFFFFC000  }
0x8f: {  	[spmem:s1] =	stream.indirect.scatter.add.f32 [tilespmem:s23], [sflag:$0x3], $0x80, s3, s22, $0xb8;
	[tilespmem:$0x1E800] =	vst v63  }
0x90: {  	_ =	swait.ge [sflag:s18], $0x4000  }
0x91: {  	[sflag:s18] =	ssyncset.done $0x0  }
0x92: {  	s31 =	simm.s32 $0x400;
	s0 =	simm.s32 $0x180;
	[sflag:s18] =	ssyncadd.s32 $0xFFFFC000  }
.LBB2_4:
0x93: {  	[tilespmem:s23], [sflag:$0x2] =	stream.indirect.gather [hbm4b:s4+s22], $0x80, s0, s22, $0xb8;
	[tilespmem:$0x1E800] =	vst v63  }
0x94: {  	s0 =	smov.u32 s31  }
0x95: {  	p0 =	sne.s32 s31, $0x4800;
	s31 =	sadd.s32 $0x400, s31;
	_ =	swait.ge [sflag:s25], $0x4000  }
0x96: {  	s0 =	sshra.s32 s0, $0x2;
	[sflag:s25] =	ssyncset.done $0x0  }
0x97: {  	s3 =	sadd.s32 $0x1400, s0;
	[sflag:s25] =	ssyncadd.s32 $0xFFFFC000  }
0x98: {  	[spmem:s1] =	stream.indirect.scatter.add.f32 [tilespmem:s17], [sflag:$0x3], $0x80, s3, s22, $0xb8;
	[tilespmem:$0x1E800] =	vst v63  }
0x99: {  	_ =	swait.ge [sflag:s18], $0x4000  }
0x9a: {  	[sflag:s18] =	ssyncset.done $0x0  }
0x9b: {  	s3 =	sadd.s32 $0x100, s0;
	[sflag:s18] =	ssyncadd.s32 $0xFFFFC000  }
0x9c: {  	[tilespmem:s17], [sflag:$0x1] =	stream.indirect.gather [hbm4b:s4+s22], $0x80, s3, s22, $0xb8;
	[tilespmem:$0x1E800] =	vst v63  }
0x9d: {  	_ =	swait.ge [sflag:s26], $0x4000  }
0x9e: {  	[sflag:s26] =	ssyncset.done $0x0  }
.Ltmp1:
0x9f: {  	s3 =	sadd.s32 $0x1480, s0;
	[sflag:s26] =	ssyncadd.s32 $0xFFFFC000;
	(pc) =	sbr.rel @p0 .LBB2_4-.Ltmp1, $4  }
0xa0: {  	[spmem:s1] =	stream.indirect.scatter.add.f32 [tilespmem:s23], [sflag:$0x3], $0x80, s3, s22, $0xb8;
	[tilespmem:$0x1E800] =	vst v63  }
0xa1: {  	_ =	swait.ge [sflag:s18], $0x4000  }
0xa2: {  	[sflag:s18] =	ssyncset.done $0x0  }
0xa3: {  	s0 =	sadd.s32 $0x180, s0;
	[sflag:s18] =	ssyncadd.s32 $0xFFFFC000  }
0xa4: {  	[tilespmem:s23], [sflag:$0x2] =	stream.indirect.gather [hbm4b:s4+s22], $0x80, s0, s22, $0xb8;
	[tilespmem:$0x1E800] =	vst v63  }
0xa5: {  	_ =	swait.ge [sflag:s25], $0x4000  }
0xa6: {  	[sflag:s25] =	ssyncset.done $0x0  }
0xa7: {  	[sflag:s25] =	ssyncadd.s32 $0xFFFFC000  }
0xa8: {  	[spmem:s1] =	stream.indirect.scatter.add.f32 [tilespmem:s17], [sflag:$0x3], $0x80, s28, s22, $0xb8;
	[tilespmem:$0x1E800] =	vst v63  }
0xa9: {  	_ =	swait.ge [sflag:s18], $0x4000  }
0xaa: {  	[sflag:s18] =	ssyncset.done $0x0  }
0xab: {  	[sflag:s18] =	ssyncadd.s32 $0xFFFFC000  }
0xac: {  	_ =	swait.ge [sflag:s26], $0x4000  }
0xad: {  	[sflag:s26] =	ssyncset.done $0x0  }
0xae: {  	[sflag:s26] =	ssyncadd.s32 $0xFFFFC000  }
0xaf: {  	[spmem:s1] =	stream.indirect.scatter.add.f32 [tilespmem:s23], [sflag:$0x3], $0x80, s29, s22, $0xb8;
	[tilespmem:$0x1E800] =	vst v63  }
0xb0: {  	s31 =	stileid.u32;
	_ =	swait.ge [sflag:s18], $0x4000  }
0xb1: {  	s3 =	sshrl.u32 s6, $0x3;
	s30 =	sadd.s32 $0x1, s30;
	[sflag:s18] =	ssyncset.done $0x0  }
0xb2: {  	s0 =	sshll.u32 s31, $0x6;
	p0 =	sne.s32 s30, s7;
	[sflag:s18] =	ssyncadd.s32 $0xFFFFC000  }
.Ltmp2:
0xb3: {  	s0 =	sor.u32 $0x1C03, s0;
	[bflag:$0x0] =	sbarrier.arrive $0xFFFF;
	(pc) =	sbr.rel @p0 .LBB2_1-.Ltmp2, $4  }
0xb4: {  	[hbm:s24], [sflag:s0] =	dma.local [spmem:s3], $0x2800  }
0xb5: {  	_ =	swait.ge [sflag:s18], $0x2800  }
0xb6: {  	[sflag:s18] =	ssyncset.done $0x0  }
0xb7: {  	[sflag:s18] =	ssyncadd.s32 $0xFFFFD800  }
0xb8: {  	_ =	sfence.sel $0x180000  }
0xb9: {  	[bflag:$0x0] =	sbarrier.arrive $0xFFFF  }
0xba: {  	_ =	strace $0x9000004D  }
0xbb: {  	s0 =	stileid.u32;
	[bflag:$0x2] =	sbarrier.arrive $0xFFFF  }
0xbc: {  	p0 =	sne.s32 s0, $0x0;
	s0 =	rddreg [dreg:$0x2]  }
0xbd: {  	s0 =	sadd.s32 @!p0 $0x100000, s0  }
0xbe: {  	[sflag:s0] =	ssyncadd.tile.s32 @!p0 $0x1;
	_ =	shalt  }
.Lfunc_end2:
_tile_overlayer_lowered:
.L_overlay_start_2:
0xbf: {  	(tag) =	ssettag $0x2  }
0xc0: {  	s0 =	rddreg [dreg:$0x0];
	s2 =	stileid.u32  }
0xc1: {  	s1 =	rddreg [dreg:$0x1];
	p0 =	sne.s32 s2, $0x0  }
0xc2: {  	s3 =	rddreg [dreg:$0x2];
	[bflag:$0x3] =	sbarrier.arrive $0xFFFF;
	s2 =	simm.s32 @!p0 $0x1C03  }
0xc3: {  	[timem:s3], [sflag:s2] =	dma.local @!p0 [hbm:s0], s1  }
0xc4: {  	s0 =	simm.s32 @!p0 $0x3  }
0xc5: {  	_ =	swait.ge @!p0 [sflag:s0], s1  }
0xc6: {  	s1 =	ssub.s32 @!p0 $0x0, s1;
	[sflag:s0] =	ssyncset.done @!p0 $0x0  }
0xc7: {  	[sflag:s0] =	ssyncadd.s32 @!p0 s1  }
0xc8: {  	[bflag:$0x3] =	sbarrier.arrive $0xFFFF  }
0xc9: {  	_ =	shalt  }

// kernel: kernel.28.cloned.1.call-start
scs
__scs_entry_jumppad:
0x0: {  	(pc) =	sbr.rel $0x88, $3  }
0x1: {  	(tag) =	ssettag $0x0;
	lr =	simm.s32 $0x1  }
0x2: {  	[smem:$0x3F91] =	sst lr;
	_ =	strace $0xD0000000  }
0x3: {  	_ = 	snop  }
0x4: {  	_ = 	snop  }
0x5: {  	_ = 	snop  }
0x6: {  	_ = 	snop  }
0x7: {  	_ = 	snop  }
__scs_overlays_trampoline_lowered:
0x8: {  	[smem:$0x3FA0] =	sst s0  }
0x9: {  	[smem:$0x3FA1] =	sst s1  }
0xa: {  	[smem:$0x3FA2] =	sst s2  }
0xb: {  	[smem:$0x3FA3] =	sst s3  }
0xc: {  	[smem:$0x3FA4] =	sst s4  }
0xd: {  	[smem:$0x3FA5] =	sst s5  }
0xe: {  	[smem:$0x3FA6] =	sst s6  }
0xf: {  	[smem:$0x3FA7] =	sst s7  }
0x10: {  	[smem:$0x3FA8] =	sst s8  }
0x11: {  	[smem:$0x3FA9] =	sst s9;
	s0 =	simm.s32 @!p0 $0x0  }
0x12: {  	s1 =	sld [smem:$0x3F8F];
	s0 =	simm.s32 @p0 $0x1  }
0x13: {  	[smem:$0x3FAA] =	sst s0;
	s0 =	simm.s32 @!p1 $0x0  }
0x14: {  	s2 =	sld [smem:$0x3F8E];
	s0 =	simm.s32 @p1 $0x1  }
0x15: {  	[smem:$0x3FAB] =	sst s0;
	s0 =	simm.s32 @!p2 $0x0  }
0x16: {  	s3 =	sld [smem:$0x3FDB];
	s0 =	simm.s32 @p2 $0x1  }
0x17: {  	s4 =	simm.s32 $0x1BF5;
	[smem:$0x3FAD] =	sst s0  }
0x18: {  	s0 =	sld [smem:$0x3F90];
	_ =	swait.ge [sflag:s4], $0x0  }
0x19: {  	s7 =	sld [smem:$0x3F91]  }
0x1a: {  	s8 =	sadd.s32 $0xFFFFE003, lr  }
0x1b: {  	s9 =	sadd.s32 $0xFFFFFEF7, lr;
	s5 =	simm.s32 $0xFFFFFFFF;
	p2 =	slt.u32 s8, $0xFFFFF086  }
0x1c: {  	p1 =	slt.u32 s9, $0xF7A;
	s5 =	simm.s32 @!p2 $0x0  }
0x1d: {  	s5 =	simm.s32 @p1 $0x1;
	p0 =	seq.s32 s7, s2  }
0x1e: {  	s7 =	smul.u32 @!p0 $0xF7A, s2;
	p2 =	seq.s32 @!p0 s5, $0x0  }
0x1f: {  	s9 =	smul.u32 $0xF7A, s1;
	s8 =	simm.s32 @!p0 $0x1BF5;
	p2 =	por !p2, p0  }
0x20: {  	[sflag:s8] =	ssyncset.s32 @!p0 $0xFFFFF086;
	s6 =	sadd.s32 @!p0 s3, s7;
	s7 =	simm.s32 @!p0 $0x108  }
0x21: {  	s3 =	sadd.s32 s3, s9;
	s6 =	sadd.s32 @!p0 $0x88, s6;
	s7 =	simm.s32 @p2 $0x1082  }
0x22: {  	[simem:s7], [sflag:s8] =	dma.local @!p0 [hbm:s6], $0xF7A  }
0x23: {  	s9 =	sor.u32 $0xD0000000, s2;
	s6 =	simm.s32 $0x108;
	_ =	swait.ge @!p0 [sflag:s8], $0x0  }
0x24: {  	s3 =	sadd.s32 $0x88, s3;
	s6 =	simm.s32 @!p1 $0x1082;
	[sflag:s4] =	ssyncset.s32 $0xFFFFF086  }
0x25: {  	[simem:s6], [sflag:s4] =	dma.local [hbm:s3], $0xF7A  }
0x26: {  	[smem:$0x3F91] =	sst s1;
	(tag) =	ssettag s2;
	_ =	strace s9  }
0x27: {  	s1 =	sld [smem:$0x3FA1]  }
0x28: {  	s2 =	sld [smem:$0x3FA2]  }
0x29: {  	s4 =	sld [smem:$0x3FA4]  }
0x2a: {  	p0 =	seq.s32 s5, $0x0;
	s5 =	sld [smem:$0x3FA5]  }
0x2b: {  	s6 =	sld [smem:$0x3FA6]  }
0x2c: {  	s7 =	sld [smem:$0x3FA7]  }
0x2d: {  	s3 =	simm.s32 $0x108;
	s8 =	sld [smem:$0x3FA8]  }
0x2e: {  	s3 =	simm.s32 @!p0 $0x1082;
	s9 =	sld [smem:$0x3FA9]  }
0x2f: {  	lr =	sadd.s32 s0, s3;
	s0 =	sld [smem:$0x3FA0]  }
0x30: {  	s3 =	sld [smem:$0x3FA3]  }
0x31: {  	[smem:$0x3FAC] =	sst s10  }
0x32: {  	s10 =	sld [smem:$0x3FAA];
	_ =	sdelay $0x3  }
0x33: {  	p0 =	seq.s32 s10, $0x1;
	s10 =	sld [smem:$0x3FAC];
	_ =	sdelay $0x3  }
0x34: {  	[smem:$0x3FAC] =	sst s10  }
0x35: {  	s10 =	sld [smem:$0x3FAB];
	_ =	sdelay $0x3  }
0x36: {  	p1 =	seq.s32 s10, $0x1;
	s10 =	sld [smem:$0x3FAC];
	_ =	sdelay $0x3  }
0x37: {  	[smem:$0x3FAC] =	sst s10  }
0x38: {  	s10 =	sld [smem:$0x3FAD]  }
0x39: {  	_ = 	snop;
	(pc) =	sbr.ind lr, $3  }
0x3a: {  	_ = 	snop  }
0x3b: {  	_ = 	snop  }
0x3c: {  	p2 =	seq.s32 s10, $0x1;
	s10 =	sld [smem:$0x3FAC]  }
0x3d: {  	_ =	shalt  }
0x3e: {  	_ =	shalt  }
0x3f: {  	_ =	shalt  }
0x40: {  	_ =	shalt  }
0x41: {  	_ =	shalt  }
0x42: {  	_ =	shalt  }
0x43: {  	_ =	shalt  }
0x44: {  	_ =	shalt  }
0x45: {  	_ =	shalt  }
0x46: {  	_ =	shalt  }
0x47: {  	_ =	shalt  }
0x48: {  	_ =	shalt  }
0x49: {  	_ =	shalt  }
0x4a: {  	_ =	shalt  }
0x4b: {  	_ =	shalt  }
0x4c: {  	_ =	shalt  }
0x4d: {  	_ =	shalt  }
0x4e: {  	_ =	shalt  }
0x4f: {  	_ =	shalt  }
0x50: {  	_ =	shalt  }
0x51: {  	_ =	shalt  }
0x52: {  	_ =	shalt  }
0x53: {  	_ =	shalt  }
0x54: {  	_ =	shalt  }
0x55: {  	_ =	shalt  }
0x56: {  	_ =	shalt  }
0x57: {  	_ =	shalt  }
0x58: {  	_ =	shalt  }
0x59: {  	_ =	shalt  }
0x5a: {  	_ =	shalt  }
0x5b: {  	_ =	shalt  }
0x5c: {  	_ =	shalt  }
0x5d: {  	_ =	shalt  }
0x5e: {  	_ =	shalt  }
0x5f: {  	_ =	shalt  }
0x60: {  	_ =	shalt  }
0x61: {  	_ =	shalt  }
0x62: {  	_ =	shalt  }
0x63: {  	_ =	shalt  }
0x64: {  	_ =	shalt  }
0x65: {  	_ =	shalt  }
0x66: {  	_ =	shalt  }
0x67: {  	_ =	shalt  }
0x68: {  	_ =	shalt  }
0x69: {  	_ =	shalt  }
0x6a: {  	_ =	shalt  }
0x6b: {  	_ =	shalt  }
0x6c: {  	_ =	shalt  }
0x6d: {  	_ =	shalt  }
0x6e: {  	_ =	shalt  }
0x6f: {  	_ =	shalt  }
0x70: {  	_ =	shalt  }
0x71: {  	_ =	shalt  }
0x72: {  	_ =	shalt  }
0x73: {  	_ =	shalt  }
0x74: {  	_ =	shalt  }
0x75: {  	_ =	shalt  }
0x76: {  	_ =	shalt  }
0x77: {  	_ =	shalt  }
0x78: {  	_ =	shalt  }
0x79: {  	_ =	shalt  }
0x7a: {  	_ =	shalt  }
0x7b: {  	_ =	shalt  }
0x7c: {  	_ =	shalt  }
0x7d: {  	_ =	shalt  }
0x7e: {  	_ =	shalt  }
0x7f: {  	_ =	shalt  }
0x80: {  	_ =	shalt  }
0x81: {  	_ =	shalt  }
0x82: {  	_ =	shalt  }
0x83: {  	_ =	shalt  }
0x84: {  	_ =	shalt  }
0x85: {  	_ =	shalt  }
0x86: {  	_ =	shalt  }
0x87: {  	_ =	shalt  }
.Lfunc_end0:
.L_simem_size_0:
called_computation.3_lowered:
.L_overlay_start_0:
0x88: {  	s2 =	sld [smem:$0x3FD9]  }
0x89: {  	s3 =	sld [smem:$0x3FFE];
	_ =	sdelay $0x1  }
0x8a: {  	s1 =	srdreg.scid  }
0x8b: {  	s0 =	sand.u32 $0x1, s1  }
0x8c: {  	s16 =	sshll.u32 s0, $0xA;
	s2 =	sadd.s32 s3, s2  }
0x8d: {  	s2 =	sadd.s32 s2, s16  }
0x8e: {  	[smem:$0x3FB8] =	sst s2  }
0x8f: {  	_ = 	snop  }
0x90: {  	(tm) =	ssettm $0x1  }
0x91: {  	s17 =	sld [smem:$0x3FFB];
	_ =	sdelay $0x3  }
0x92: {  	_ =	strace s17  }
0x93: {  	s2 =	sld [smem:$0x3FFC];
	_ =	sdelay $0x3  }
0x94: {  	_ =	strace s2  }
0x95: {  	s2 =	sld [smem:$0x3FFD];
	_ =	sdelay $0x3  }
0x96: {  	_ =	strace s2  }
0x97: {  	_ =	strace $0x8FFFFFFF  }
0x98: {  	s18 =	sld [smem:$0x3FDB];
	_ =	sdelay $0x1  }
0x99: {  	s19 =	simm.s32 $_scs_section_size  }
0x9a: {  	s4 =	simm.s32 $_size__tile_overlayer_lowered;
	s5 =	simm.s32 $_tile_overlayer_lowered  }
0x9b: {  	s22 =	simm.s32 $0x1BFF;
	s21 =	sshll.u32 s5, $0x1;
	s2 =	sadd.s32 s19, s18  }
0x9c: {  	s6 =	simm.s32 $0x0;
	s20 =	sshll.u32 s4, $0x1;
	s4 =	sadd.s32 s21, s2  }
0x9d: {  	[timem:s6], [sflag:s22] =	dma.local [hbm:s4], s20  }
0x9e: {  	_ =	swait.ge [sflag:s22], s20  }
0x9f: {  	s3 =	ssub.s32 $0x0, s20;
	[sflag:s22] =	ssyncset.done $0x0  }
0xa0: {  	[sflag:s22] =	ssyncadd.s32 s3;
	_ =	sdelay $0x1  }
0xa1: {  	s23 =	simm.s32 $0x1B8B  }
0xa2: {  	_ =	swait.ge [sflag:s23], $0x1  }
0xa3: {  	[sflag:s23] =	ssyncset.done $0x0  }
0xa4: {  	s25 =	simm.s32 $0x1B8E;
	s24 =	sld [smem:$0x3FFE];
	[sflag:s23] =	ssyncadd.s32 $0xFFFFFFFF  }
0xa5: {  	s26 =	simm.s32 $execute0_lowered;
	[smem:$0x3FD2] =	sst s25  }
0xa6: {  	s4 =	sshll.u32 s26, $0x1;
	_ =	strace $0x8000004F;
	[dreg:$0x1] =	wrdreg $0xFFFFFFFF  }
0xa7: {  	s28 =	simm.s32 $_size_execute0_lowered;
	s2 =	sadd.s32 s2, s4;
	[dreg:$0x0] =	wrdreg $0x0  }
0xa8: {  	s4 =	sshll.u32 s28, $0x1;
	[dreg:$0x2] =	wrdreg s2  }
0xa9: {  	[dreg:$0x3] =	wrdreg s4  }
0xaa: {  	[dreg:$0x4] =	wrdreg $0xC0  }
0xab: {  	_ =	task [dreg:s6], $0x5FFFF  }
0xac: {  	[dreg:$0x1] =	wrdreg $0xFFFFFFFF  }
0xad: {  	[dreg:$0x0] =	wrdreg $0x60  }
0xae: {  	[dreg:$0x2] =	wrdreg s24  }
0xaf: {  	[dreg:$0x3] =	wrdreg $0xA8000  }
0xb0: {  	[dreg:$0x4] =	wrdreg $0x9  }
0xb1: {  	_ =	task.clear_ibuf [dreg:s6], $0x5FFFF;
	_ =	strace $0x9000004F  }
0xb2: {  	s29 =	simm.s32 $0x9;
	_ =	strace $0x80000051  }
0xb3: {  	_ =	swait.ge [sflag:s29], $0x1  }
0xb4: {  	[sflag:s29] =	ssyncadd.s32 $0xFFFFFFFF  }
0xb5: {  	_ =	strace $0x90000051  }
0xb6: {  	_ =	sfence  }
0xb7: {  	s30 =	sld [smem:$0x0];
	_ =	sdelay $0x2  }
0xb8: {  	s31 =	sshll.u32 s1, $0xD;
	s1 =	sshrl.u32 s1, $0x2  }
0xb9: {  	s3 =	sand.u32 $0x4000, s31;
	s1 =	sadd.s32 s1, s30  }
0xba: {  	s0 =	sor.u32 s3, s0;
	s1 =	sshll.u32 s1, $0x11  }
0xbb: {  	s0 =	sor.u32 s1, s0  }
0xbc: {  	s0 =	sadd.s32 $0x8F2B, s0  }
0xbd: {  	[sflag:s0] =	ssyncadd.remote.s32 $0x1  }
0xbe: {  	_ =	sfence.sel $0xFFFF  }
0xbf: {  	[dreg:$0x0] =	wrdreg $0xFFFFFFFF;
	(pc) =	sbr.abs _section_cstart, $3  }
0xc0: {  	[dreg:$0x1] =	wrdreg $0xFFFFFFFF  }
0xc1: {  	_ =	task.clear_ibuf [dreg:s6], $0x2FFFF;
	_ =	strace $0x9FFFFFFF  }
0xc2: {  	(tm) =	ssettm $0x7FFFFFFF  }
0xc3: {  	_ =	shalt  }
tec
execute0_lowered:
.L_overlay_start_1:
0x0: {  	(tag) =	ssettag $0x1  }
0x1: {  	s0 =	rddreg [dreg:$0x0]  }
0x2: {  	s1 =	rddreg [dreg:$0x1];
	s3 =	srdreg.scid  }
0x3: {  	s2 =	simm.s32 $0x0;
	s26 =	stileid.u32;
	s17 =	simm.s32 $0x2800  }
0x4: {  	s18 =	simm.s32 $0x3;
	s22 =	simm.s32 $0x80;
	s23 =	simm.s32 $0x6800  }
0x5: {  	s25 =	simm.s32 $0x1;
	s28 =	simm.s32 $0x2700;
	s8 =	smul.u32 $0x50000, s26  }
0x6: {  	s29 =	simm.s32 $0x2780;
	s30 =	simm.s32 $0x0;
	s20 =	smul.u32 $0x500, s26  }
0x7: {  	s6 =	sand.u32 $0x1, s3;
	[smem:$0x7FF] =	sst s2;
	s24 =	smul.u32 $0x2800, s26  }
0x8: {  	s4 =	sadd.s32 $0x10400, s0;
	s26 =	simm.s32 $0x2;
	s5 =	smul.u32 $0x5000, s6  }
0x9: {  	s7 =	smul.u32 $0x28000, s6;
	_ =	strace $0x80000050;
	s6 =	ssub.s32 $0x2, s6  }
0xa: {  	s31 =	sshrl.u32 s6, $0x1;
	s8 =	sshrl.u32 s8, $0x2;
	s9 =	sadd.s32 s5, s0  }
0xb: {  	s5 =	sadd.s32 $0x10000, s0;
	s0 =	sadd.s32 s7, s0;
	s7 =	ssub.s32 s6, s31  }
0xc: {  	s6 =	sadd.s32 s8, s1;
	s19 =	sadd.s32 $0x60C00, s9;
	s21 =	sadd.s32 $0x6000, s9  }
0xd: {  	s0 =	sadd.s32 $0x6AC00, s0;
	s7 =	smax.u32 s7, $0x1;
	s8 =	sadd.s32 $0x2000, s6  }
0xe: {  	s9 =	sadd.s32 $0x4000, s6;
	s10 =	sadd.s32 $0x6000, s6;
	s11 =	sadd.s32 $0x8000, s6  }
0xf: {  	s12 =	sadd.s32 $0xA000, s6;
	s13 =	sadd.s32 $0xC000, s6;
	s14 =	sadd.s32 $0xE000, s6  }
0x10: {  	s15 =	sadd.s32 $0x10000, s6;
	s16 =	sadd.s32 $0x12000, s6;
	s19 =	sadd.s32 s20, s19  }
0x11: {  	s20 =	sadd.s32 s20, s21;
	s21 =	simm.s32 $0x1400;
	s24 =	sadd.s32 s24, s0  }
.LBB2_1:
0x12: {  	[tilespmem:s17], [sflag:$0x3] =	stream.linear.gather [hbm4b:s5+s2], $0x2000, $0x38;
	[tilespmem:$0x1E800] =	vst v63  }
0x13: {  	_ =	swait.ge [sflag:s18], $0x2000  }
0x14: {  	[sflag:s18] =	ssyncset.done $0x0  }
0x15: {  	[sflag:s18] =	ssyncadd.s32 $0xFFFFE000  }
0x16: {  	[spmem:s6] =	stream.linear.scatter [tilespmem:s17], [sflag:$0x3], $0x2000, $0x38;
	[tilespmem:$0x1E800] =	vst v63  }
0x17: {  	_ =	swait.ge [sflag:s18], $0x2000  }
0x18: {  	[sflag:s18] =	ssyncset.done $0x0  }
0x19: {  	[sflag:s18] =	ssyncadd.s32 $0xFFFFE000  }
0x1a: {  	[spmem:s8] =	stream.linear.scatter [tilespmem:s17], [sflag:$0x3], $0x2000, $0x38;
	[tilespmem:$0x1E800] =	vst v63  }
0x1b: {  	_ =	swait.ge [sflag:s18], $0x2000  }
0x1c: {  	[sflag:s18] =	ssyncset.done $0x0  }
0x1d: {  	[sflag:s18] =	ssyncadd.s32 $0xFFFFE000  }
0x1e: {  	[spmem:s9] =	stream.linear.scatter [tilespmem:s17], [sflag:$0x3], $0x2000, $0x38;
	[tilespmem:$0x1E800] =	vst v63  }
0x1f: {  	_ =	swait.ge [sflag:s18], $0x2000  }
0x20: {  	[sflag:s18] =	ssyncset.done $0x0  }
0x21: {  	[sflag:s18] =	ssyncadd.s32 $0xFFFFE000  }
0x22: {  	[spmem:s10] =	stream.linear.scatter [tilespmem:s17], [sflag:$0x3], $0x2000, $0x38;
	[tilespmem:$0x1E800] =	vst v63  }
0x23: {  	_ =	swait.ge [sflag:s18], $0x2000  }
0x24: {  	[sflag:s18] =	ssyncset.done $0x0  }
0x25: {  	[sflag:s18] =	ssyncadd.s32 $0xFFFFE000  }
0x26: {  	[spmem:s11] =	stream.linear.scatter [tilespmem:s17], [sflag:$0x3], $0x2000, $0x38;
	[tilespmem:$0x1E800] =	vst v63  }
0x27: {  	_ =	swait.ge [sflag:s18], $0x2000  }
0x28: {  	[sflag:s18] =	ssyncset.done $0x0  }
0x29: {  	[sflag:s18] =	ssyncadd.s32 $0xFFFFE000  }
0x2a: {  	[spmem:s12] =	stream.linear.scatter [tilespmem:s17], [sflag:$0x3], $0x2000, $0x38;
	[tilespmem:$0x1E800] =	vst v63  }
0x2b: {  	_ =	swait.ge [sflag:s18], $0x2000  }
0x2c: {  	[sflag:s18] =	ssyncset.done $0x0  }
0x2d: {  	[sflag:s18] =	ssyncadd.s32 $0xFFFFE000  }
0x2e: {  	[spmem:s13] =	stream.linear.scatter [tilespmem:s17], [sflag:$0x3], $0x2000, $0x38;
	[tilespmem:$0x1E800] =	vst v63  }
0x2f: {  	_ =	swait.ge [sflag:s18], $0x2000  }
0x30: {  	[sflag:s18] =	ssyncset.done $0x0  }
0x31: {  	[sflag:s18] =	ssyncadd.s32 $0xFFFFE000  }
0x32: {  	[spmem:s14] =	stream.linear.scatter [tilespmem:s17], [sflag:$0x3], $0x2000, $0x38;
	[tilespmem:$0x1E800] =	vst v63  }
0x33: {  	_ =	swait.ge [sflag:s18], $0x2000  }
0x34: {  	[sflag:s18] =	ssyncset.done $0x0  }
0x35: {  	[sflag:s18] =	ssyncadd.s32 $0xFFFFE000  }
0x36: {  	[spmem:s15] =	stream.linear.scatter [tilespmem:s17], [sflag:$0x3], $0x2000, $0x38;
	[tilespmem:$0x1E800] =	vst v63  }
0x37: {  	_ =	swait.ge [sflag:s18], $0x2000  }
0x38: {  	[sflag:s18] =	ssyncset.done $0x0  }
0x39: {  	[sflag:s18] =	ssyncadd.s32 $0xFFFFE000  }
0x3a: {  	[spmem:s16] =	stream.linear.scatter [tilespmem:s17], [sflag:$0x3], $0x2000, $0x38;
	[tilespmem:$0x1E800] =	vst v63  }
0x3b: {  	_ =	swait.ge [sflag:s18], $0x2000  }
0x3c: {  	[sflag:s18] =	ssyncset.done $0x0  }
0x3d: {  	[sflag:s18] =	ssyncadd.s32 $0xFFFFE000  }
0x3e: {  	[bflag:$0x0] =	sbarrier.arrive $0xFFFF  }
0x3f: {  	[tilespmem:s2], [sflag:$0x3] =	stream.linear.gather [hbm4b:s19+s2], $0x1400, $0x38;
	[tilespmem:$0x1E800] =	vst v63  }
0x40: {  	_ =	swait.ge [sflag:s18], $0x1400  }
0x41: {  	[sflag:s18] =	ssyncset.done $0x0  }
0x42: {  	[sflag:s18] =	ssyncadd.s32 $0xFFFFEC00  }
0x43: {  	[tilespmem:s21], [sflag:$0x3] =	stream.linear.gather [hbm4b:s20+s2], $0x1400, $0x38;
	[tilespmem:$0x1E800] =	vst v63  }
0x44: {  	_ =	swait.ge [sflag:s18], $0x1400  }
0x45: {  	[sflag:s18] =	ssyncset.done $0x0  }
0x46: {  	[sflag:s18] =	ssyncadd.s32 $0xFFFFEC00  }
0x47: {  	[tilespmem:s17], [sflag:$0x1] =	stream.indirect.gather [hbm4b:s4+s22], $0x80, s2, s22, $0xb8;
	[tilespmem:$0x1E800] =	vst v63  }
0x48: {  	_ = 	snop  }
0x49: {  	[tilespmem:s23], [sflag:$0x2] =	stream.indirect.gather [hbm4b:s4+s22], $0x80, s22, s22, $0xb8;
	[tilespmem:$0x1E800] =	vst v63  }
0x4a: {  	_ =	swait.ge [sflag:s25], $0x4000  }
0x4b: {  	[sflag:s25] =	ssyncset.done $0x0  }
0x4c: {  	s0 =	simm.s32 $0x1400;
	[sflag:s25] =	ssyncadd.s32 $0xFFFFC000  }
0x4d: {  	[spmem:s1] =	stream.indirect.scatter.add.f32 [tilespmem:s17], [sflag:$0x3], $0x80, s0, s22, $0xb8;
	[tilespmem:$0x1E800] =	vst v63  }
0x4e: {  	_ =	swait.ge [sflag:s18], $0x4000  }
0x4f: {  	[sflag:s18] =	ssyncset.done $0x0  }
0x50: {  	s3 =	simm.s32 $0x100;
	[sflag:s18] =	ssyncadd.s32 $0xFFFFC000  }
0x51: {  	[tilespmem:s17], [sflag:$0x1] =	stream.indirect.gather [hbm4b:s4+s22], $0x80, s3, s22, $0xb8;
	[tilespmem:$0x1E800] =	vst v63  }
0x52: {  	_ =	swait.ge [sflag:s26], $0x4000  }
0x53: {  	[sflag:s26] =	ssyncset.done $0x0  }
0x54: {  	s3 =	simm.s32 $0x1480;
	[sflag:s26] =	ssyncadd.s32 $0xFFFFC000  }
0x55: {  	[spmem:s1] =	stream.indirect.scatter.add.f32 [tilespmem:s23], [sflag:$0x3], $0x80, s3, s22, $0xb8;
	[tilespmem:$0x1E800] =	vst v63  }
0x56: {  	_ =	swait.ge [sflag:s18], $0x4000  }
0x57: {  	[sflag:s18] =	ssyncset.done $0x0  }
0x58: {  	s31 =	simm.s32 $0x400;
	s0 =	simm.s32 $0x180;
	[sflag:s18] =	ssyncadd.s32 $0xFFFFC000  }
.LBB2_2:
0x59: {  	[tilespmem:s23], [sflag:$0x2] =	stream.indirect.gather [hbm4b:s4+s22], $0x80, s0, s22, $0xb8;
	[tilespmem:$0x1E800] =	vst v63  }
0x5a: {  	s0 =	smov.u32 s31  }
0x5b: {  	p0 =	sne.s32 s31, $0x4800;
	s31 =	sadd.s32 $0x400, s31;
	_ =	swait.ge [sflag:s25], $0x4000  }
0x5c: {  	s0 =	sshra.s32 s0, $0x2;
	[sflag:s25] =	ssyncset.done $0x0  }
0x5d: {  	s3 =	sadd.s32 $0x1400, s0;
	[sflag:s25] =	ssyncadd.s32 $0xFFFFC000  }
0x5e: {  	[spmem:s1] =	stream.indirect.scatter.add.f32 [tilespmem:s17], [sflag:$0x3], $0x80, s3, s22, $0xb8;
	[tilespmem:$0x1E800] =	vst v63  }
0x5f: {  	_ =	swait.ge [sflag:s18], $0x4000  }
0x60: {  	[sflag:s18] =	ssyncset.done $0x0  }
0x61: {  	s3 =	sadd.s32 $0x100, s0;
	[sflag:s18] =	ssyncadd.s32 $0xFFFFC000  }
0x62: {  	[tilespmem:s17], [sflag:$0x1] =	stream.indirect.gather [hbm4b:s4+s22], $0x80, s3, s22, $0xb8;
	[tilespmem:$0x1E800] =	vst v63  }
0x63: {  	_ =	swait.ge [sflag:s26], $0x4000  }
0x64: {  	[sflag:s26] =	ssyncset.done $0x0  }
.Ltmp0:
0x65: {  	s3 =	sadd.s32 $0x1480, s0;
	[sflag:s26] =	ssyncadd.s32 $0xFFFFC000;
	(pc) =	sbr.rel @p0 .LBB2_2-.Ltmp0, $4  }
0x66: {  	[spmem:s1] =	stream.indirect.scatter.add.f32 [tilespmem:s23], [sflag:$0x3], $0x80, s3, s22, $0xb8;
	[tilespmem:$0x1E800] =	vst v63  }
0x67: {  	_ =	swait.ge [sflag:s18], $0x4000  }
0x68: {  	[sflag:s18] =	ssyncset.done $0x0  }
0x69: {  	s0 =	sadd.s32 $0x180, s0;
	[sflag:s18] =	ssyncadd.s32 $0xFFFFC000  }
0x6a: {  	[tilespmem:s23], [sflag:$0x2] =	stream.indirect.gather [hbm4b:s4+s22], $0x80, s0, s22, $0xb8;
	[tilespmem:$0x1E800] =	vst v63  }
0x6b: {  	_ =	swait.ge [sflag:s25], $0x4000  }
0x6c: {  	[sflag:s25] =	ssyncset.done $0x0  }
0x6d: {  	[sflag:s25] =	ssyncadd.s32 $0xFFFFC000  }
0x6e: {  	[spmem:s1] =	stream.indirect.scatter.add.f32 [tilespmem:s17], [sflag:$0x3], $0x80, s28, s22, $0xb8;
	[tilespmem:$0x1E800] =	vst v63  }
0x6f: {  	_ =	swait.ge [sflag:s18], $0x4000  }
0x70: {  	[sflag:s18] =	ssyncset.done $0x0  }
0x71: {  	[sflag:s18] =	ssyncadd.s32 $0xFFFFC000  }
0x72: {  	_ =	swait.ge [sflag:s26], $0x4000  }
0x73: {  	[sflag:s26] =	ssyncset.done $0x0  }
0x74: {  	[sflag:s26] =	ssyncadd.s32 $0xFFFFC000  }
0x75: {  	[spmem:s1] =	stream.indirect.scatter.add.f32 [tilespmem:s23], [sflag:$0x3], $0x80, s29, s22, $0xb8;
	[tilespmem:$0x1E800] =	vst v63  }
0x76: {  	_ =	swait.ge [sflag:s18], $0x4000  }
0x77: {  	[sflag:s18] =	ssyncset.done $0x0  }
0x78: {  	s0 =	sadd.s32 $0x280, s19;
	s3 =	simm.s32 $0x0;
	[sflag:s18] =	ssyncadd.s32 $0xFFFFC000  }
0x79: {  	[tilespmem:s3], [sflag:$0x3] =	stream.linear.gather [hbm4b:s0+s3], $0x1400, $0x38;
	[tilespmem:$0x1E800] =	vst v63  }
0x7a: {  	_ =	swait.ge [sflag:s18], $0x1400  }
0x7b: {  	[sflag:s18] =	ssyncset.done $0x0  }
0x7c: {  	s0 =	sadd.s32 $0x280, s20;
	[sflag:s18] =	ssyncadd.s32 $0xFFFFEC00  }
0x7d: {  	[tilespmem:s21], [sflag:$0x3] =	stream.linear.gather [hbm4b:s0+s3], $0x1400, $0x38;
	[tilespmem:$0x1E800] =	vst v63  }
0x7e: {  	_ =	swait.ge [sflag:s18], $0x1400  }
0x7f: {  	[sflag:s18] =	ssyncset.done $0x0  }
0x80: {  	[sflag:s18] =	ssyncadd.s32 $0xFFFFEC00  }
0x81: {  	[tilespmem:s17], [sflag:$0x1] =	stream.indirect.gather [hbm4b:s4+s22], $0x80, s3, s22, $0xb8;
	[tilespmem:$0x1E800] =	vst v63  }
0x82: {  	_ = 	snop  }
0x83: {  	[tilespmem:s23], [sflag:$0x2] =	stream.indirect.gather [hbm4b:s4+s22], $0x80, s22, s22, $0xb8;
	[tilespmem:$0x1E800] =	vst v63  }
0x84: {  	_ =	swait.ge [sflag:s25], $0x4000  }
0x85: {  	[sflag:s25] =	ssyncset.done $0x0  }
0x86: {  	s3 =	simm.s32 $0x1400;
	[sflag:s25] =	ssyncadd.s32 $0xFFFFC000  }
0x87: {  	[spmem:s1] =	stream.indirect.scatter.add.f32 [tilespmem:s17], [sflag:$0x3], $0x80, s3, s22, $0xb8;
	[tilespmem:$0x1E800] =	vst v63  }
0x88: {  	_ =	swait.ge [sflag:s18], $0x4000  }
0x89: {  	[sflag:s18] =	ssyncset.done $0x0  }
0x8a: {  	s3 =	simm.s32 $0x100;
	[sflag:s18] =	ssyncadd.s32 $0xFFFFC000  }
0x8b: {  	[tilespmem:s17], [sflag:$0x1] =	stream.indirect.gather [hbm4b:s4+s22], $0x80, s3, s22, $0xb8;
	[tilespmem:$0x1E800] =	vst v63  }
0x8c: {  	_ =	swait.ge [sflag:s26], $0x4000  }
0x8d: {  	[sflag:s26] =	ssyncset.done $0x0  }
0x8e: {  	s3 =	simm.s32 $0x1480;
	[sflag:s26] =	ssyncadd.s32 $0xFFFFC000  }
0x8f: {  	[spmem:s1] =	stream.indirect.scatter.add.f32 [tilespmem:s23], [sflag:$0x3], $0x80, s3, s22, $0xb8;
	[tilespmem:$0x1E800] =	vst v63  }
0x90: {  	_ =	swait.ge [sflag:s18], $0x4000  }
0x91: {  	[sflag:s18] =	ssyncset.done $0x0  }
0x92: {  	s31 =	simm.s32 $0x400;
	s0 =	simm.s32 $0x180;
	[sflag:s18] =	ssyncadd.s32 $0xFFFFC000  }
.LBB2_4:
0x93: {  	[tilespmem:s23], [sflag:$0x2] =	stream.indirect.gather [hbm4b:s4+s22], $0x80, s0, s22, $0xb8;
	[tilespmem:$0x1E800] =	vst v63  }
0x94: {  	s0 =	smov.u32 s31  }
0x95: {  	p0 =	sne.s32 s31, $0x4800;
	s31 =	sadd.s32 $0x400, s31;
	_ =	swait.ge [sflag:s25], $0x4000  }
0x96: {  	s0 =	sshra.s32 s0, $0x2;
	[sflag:s25] =	ssyncset.done $0x0  }
0x97: {  	s3 =	sadd.s32 $0x1400, s0;
	[sflag:s25] =	ssyncadd.s32 $0xFFFFC000  }
0x98: {  	[spmem:s1] =	stream.indirect.scatter.add.f32 [tilespmem:s17], [sflag:$0x3], $0x80, s3, s22, $0xb8;
	[tilespmem:$0x1E800] =	vst v63  }
0x99: {  	_ =	swait.ge [sflag:s18], $0x4000  }
0x9a: {  	[sflag:s18] =	ssyncset.done $0x0  }
0x9b: {  	s3 =	sadd.s32 $0x100, s0;
	[sflag:s18] =	ssyncadd.s32 $0xFFFFC000  }
0x9c: {  	[tilespmem:s17], [sflag:$0x1] =	stream.indirect.gather [hbm4b:s4+s22], $0x80, s3, s22, $0xb8;
	[tilespmem:$0x1E800] =	vst v63  }
0x9d: {  	_ =	swait.ge [sflag:s26], $0x4000  }
0x9e: {  	[sflag:s26] =	ssyncset.done $0x0  }
.Ltmp1:
0x9f: {  	s3 =	sadd.s32 $0x1480, s0;
	[sflag:s26] =	ssyncadd.s32 $0xFFFFC000;
	(pc) =	sbr.rel @p0 .LBB2_4-.Ltmp1, $4  }
0xa0: {  	[spmem:s1] =	stream.indirect.scatter.add.f32 [tilespmem:s23], [sflag:$0x3], $0x80, s3, s22, $0xb8;
	[tilespmem:$0x1E800] =	vst v63  }
0xa1: {  	_ =	swait.ge [sflag:s18], $0x4000  }
0xa2: {  	[sflag:s18] =	ssyncset.done $0x0  }
0xa3: {  	s0 =	sadd.s32 $0x180, s0;
	[sflag:s18] =	ssyncadd.s32 $0xFFFFC000  }
0xa4: {  	[tilespmem:s23], [sflag:$0x2] =	stream.indirect.gather [hbm4b:s4+s22], $0x80, s0, s22, $0xb8;
	[tilespmem:$0x1E800] =	vst v63  }
0xa5: {  	_ =	swait.ge [sflag:s25], $0x4000  }
0xa6: {  	[sflag:s25] =	ssyncset.done $0x0  }
0xa7: {  	[sflag:s25] =	ssyncadd.s32 $0xFFFFC000  }
0xa8: {  	[spmem:s1] =	stream.indirect.scatter.add.f32 [tilespmem:s17], [sflag:$0x3], $0x80, s28, s22, $0xb8;
	[tilespmem:$0x1E800] =	vst v63  }
0xa9: {  	_ =	swait.ge [sflag:s18], $0x4000  }
0xaa: {  	[sflag:s18] =	ssyncset.done $0x0  }
0xab: {  	[sflag:s18] =	ssyncadd.s32 $0xFFFFC000  }
0xac: {  	_ =	swait.ge [sflag:s26], $0x4000  }
0xad: {  	[sflag:s26] =	ssyncset.done $0x0  }
0xae: {  	[sflag:s26] =	ssyncadd.s32 $0xFFFFC000  }
0xaf: {  	[spmem:s1] =	stream.indirect.scatter.add.f32 [tilespmem:s23], [sflag:$0x3], $0x80, s29, s22, $0xb8;
	[tilespmem:$0x1E800] =	vst v63  }
0xb0: {  	s31 =	stileid.u32;
	_ =	swait.ge [sflag:s18], $0x4000  }
0xb1: {  	s3 =	sshrl.u32 s6, $0x3;
	s30 =	sadd.s32 $0x1, s30;
	[sflag:s18] =	ssyncset.done $0x0  }
0xb2: {  	s0 =	sshll.u32 s31, $0x6;
	p0 =	sne.s32 s30, s7;
	[sflag:s18] =	ssyncadd.s32 $0xFFFFC000  }
.Ltmp2:
0xb3: {  	s0 =	sor.u32 $0x1C03, s0;
	[bflag:$0x0] =	sbarrier.arrive $0xFFFF;
	(pc) =	sbr.rel @p0 .LBB2_1-.Ltmp2, $4  }
0xb4: {  	[hbm:s24], [sflag:s0] =	dma.local [spmem:s3], $0x2800  }
0xb5: {  	_ =	swait.ge [sflag:s18], $0x2800  }
0xb6: {  	[sflag:s18] =	ssyncset.done $0x0  }
0xb7: {  	[sflag:s18] =	ssyncadd.s32 $0xFFFFD800  }
0xb8: {  	_ =	sfence.sel $0x180000  }
0xb9: {  	[bflag:$0x0] =	sbarrier.arrive $0xFFFF  }
0xba: {  	_ =	strace $0x90000050  }
0xbb: {  	s0 =	stileid.u32;
	[bflag:$0x2] =	sbarrier.arrive $0xFFFF  }
0xbc: {  	p0 =	sne.s32 s0, $0x0;
	s0 =	rddreg [dreg:$0x2]  }
0xbd: {  	s0 =	sadd.s32 @!p0 $0x100000, s0  }
0xbe: {  	[sflag:s0] =	ssyncadd.tile.s32 @!p0 $0x1;
	_ =	shalt  }
.Lfunc_end2:
_tile_overlayer_lowered:
.L_overlay_start_2:
0xbf: {  	(tag) =	ssettag $0x2  }
0xc0: {  	s0 =	rddreg [dreg:$0x0];
	s2 =	stileid.u32  }
0xc1: {  	s1 =	rddreg [dreg:$0x1];
	p0 =	sne.s32 s2, $0x0  }
0xc2: {  	s3 =	rddreg [dreg:$0x2];
	[bflag:$0x3] =	sbarrier.arrive $0xFFFF;
	s2 =	simm.s32 @!p0 $0x1C03  }
0xc3: {  	[timem:s3], [sflag:s2] =	dma.local @!p0 [hbm:s0], s1  }
0xc4: {  	s0 =	simm.s32 @!p0 $0x3  }
0xc5: {  	_ =	swait.ge @!p0 [sflag:s0], s1  }
0xc6: {  	s1 =	ssub.s32 @!p0 $0x0, s1;
	[sflag:s0] =	ssyncset.done @!p0 $0x0  }
0xc7: {  	[sflag:s0] =	ssyncadd.s32 @!p0 s1  }
0xc8: {  	[bflag:$0x3] =	sbarrier.arrive $0xFFFF  }
0xc9: {  	_ =	shalt  }

// kernel: kernel.31.cloned.1.call-start
scs
__scs_entry_jumppad:
0x0: {  	(pc) =	sbr.rel $0x88, $3  }
0x1: {  	(tag) =	ssettag $0x0;
	lr =	simm.s32 $0x1  }
0x2: {  	[smem:$0x3F91] =	sst lr;
	_ =	strace $0xD0000000  }
0x3: {  	_ = 	snop  }
0x4: {  	_ = 	snop  }
0x5: {  	_ = 	snop  }
0x6: {  	_ = 	snop  }
0x7: {  	_ = 	snop  }
__scs_overlays_trampoline_lowered:
0x8: {  	[smem:$0x3FA0] =	sst s0  }
0x9: {  	[smem:$0x3FA1] =	sst s1  }
0xa: {  	[smem:$0x3FA2] =	sst s2  }
0xb: {  	[smem:$0x3FA3] =	sst s3  }
0xc: {  	[smem:$0x3FA4] =	sst s4  }
0xd: {  	[smem:$0x3FA5] =	sst s5  }
0xe: {  	[smem:$0x3FA6] =	sst s6  }
0xf: {  	[smem:$0x3FA7] =	sst s7  }
0x10: {  	[smem:$0x3FA8] =	sst s8  }
0x11: {  	[smem:$0x3FA9] =	sst s9;
	s0 =	simm.s32 @!p0 $0x0  }
0x12: {  	s1 =	sld [smem:$0x3F8F];
	s0 =	simm.s32 @p0 $0x1  }
0x13: {  	[smem:$0x3FAA] =	sst s0;
	s0 =	simm.s32 @!p1 $0x0  }
0x14: {  	s2 =	sld [smem:$0x3F8E];
	s0 =	simm.s32 @p1 $0x1  }
0x15: {  	[smem:$0x3FAB] =	sst s0;
	s0 =	simm.s32 @!p2 $0x0  }
0x16: {  	s3 =	sld [smem:$0x3FDB];
	s0 =	simm.s32 @p2 $0x1  }
0x17: {  	s4 =	simm.s32 $0x1BF5;
	[smem:$0x3FAD] =	sst s0  }
0x18: {  	s0 =	sld [smem:$0x3F90];
	_ =	swait.ge [sflag:s4], $0x0  }
0x19: {  	s7 =	sld [smem:$0x3F91]  }
0x1a: {  	s8 =	sadd.s32 $0xFFFFE003, lr  }
0x1b: {  	s9 =	sadd.s32 $0xFFFFFEF7, lr;
	s5 =	simm.s32 $0xFFFFFFFF;
	p2 =	slt.u32 s8, $0xFFFFF086  }
0x1c: {  	p1 =	slt.u32 s9, $0xF7A;
	s5 =	simm.s32 @!p2 $0x0  }
0x1d: {  	s5 =	simm.s32 @p1 $0x1;
	p0 =	seq.s32 s7, s2  }
0x1e: {  	s7 =	smul.u32 @!p0 $0xF7A, s2;
	p2 =	seq.s32 @!p0 s5, $0x0  }
0x1f: {  	s9 =	smul.u32 $0xF7A, s1;
	s8 =	simm.s32 @!p0 $0x1BF5;
	p2 =	por !p2, p0  }
0x20: {  	[sflag:s8] =	ssyncset.s32 @!p0 $0xFFFFF086;
	s6 =	sadd.s32 @!p0 s3, s7;
	s7 =	simm.s32 @!p0 $0x108  }
0x21: {  	s3 =	sadd.s32 s3, s9;
	s6 =	sadd.s32 @!p0 $0x88, s6;
	s7 =	simm.s32 @p2 $0x1082  }
0x22: {  	[simem:s7], [sflag:s8] =	dma.local @!p0 [hbm:s6], $0xF7A  }
0x23: {  	s9 =	sor.u32 $0xD0000000, s2;
	s6 =	simm.s32 $0x108;
	_ =	swait.ge @!p0 [sflag:s8], $0x0  }
0x24: {  	s3 =	sadd.s32 $0x88, s3;
	s6 =	simm.s32 @!p1 $0x1082;
	[sflag:s4] =	ssyncset.s32 $0xFFFFF086  }
0x25: {  	[simem:s6], [sflag:s4] =	dma.local [hbm:s3], $0xF7A  }
0x26: {  	[smem:$0x3F91] =	sst s1;
	(tag) =	ssettag s2;
	_ =	strace s9  }
0x27: {  	s1 =	sld [smem:$0x3FA1]  }
0x28: {  	s2 =	sld [smem:$0x3FA2]  }
0x29: {  	s4 =	sld [smem:$0x3FA4]  }
0x2a: {  	p0 =	seq.s32 s5, $0x0;
	s5 =	sld [smem:$0x3FA5]  }
0x2b: {  	s6 =	sld [smem:$0x3FA6]  }
0x2c: {  	s7 =	sld [smem:$0x3FA7]  }
0x2d: {  	s3 =	simm.s32 $0x108;
	s8 =	sld [smem:$0x3FA8]  }
0x2e: {  	s3 =	simm.s32 @!p0 $0x1082;
	s9 =	sld [smem:$0x3FA9]  }
0x2f: {  	lr =	sadd.s32 s0, s3;
	s0 =	sld [smem:$0x3FA0]  }
0x30: {  	s3 =	sld [smem:$0x3FA3]  }
0x31: {  	[smem:$0x3FAC] =	sst s10  }
0x32: {  	s10 =	sld [smem:$0x3FAA];
	_ =	sdelay $0x3  }
0x33: {  	p0 =	seq.s32 s10, $0x1;
	s10 =	sld [smem:$0x3FAC];
	_ =	sdelay $0x3  }
0x34: {  	[smem:$0x3FAC] =	sst s10  }
0x35: {  	s10 =	sld [smem:$0x3FAB];
	_ =	sdelay $0x3  }
0x36: {  	p1 =	seq.s32 s10, $0x1;
	s10 =	sld [smem:$0x3FAC];
	_ =	sdelay $0x3  }
0x37: {  	[smem:$0x3FAC] =	sst s10  }
0x38: {  	s10 =	sld [smem:$0x3FAD]  }
0x39: {  	_ = 	snop;
	(pc) =	sbr.ind lr, $3  }
0x3a: {  	_ = 	snop  }
0x3b: {  	_ = 	snop  }
0x3c: {  	p2 =	seq.s32 s10, $0x1;
	s10 =	sld [smem:$0x3FAC]  }
0x3d: {  	_ =	shalt  }
0x3e: {  	_ =	shalt  }
0x3f: {  	_ =	shalt  }
0x40: {  	_ =	shalt  }
0x41: {  	_ =	shalt  }
0x42: {  	_ =	shalt  }
0x43: {  	_ =	shalt  }
0x44: {  	_ =	shalt  }
0x45: {  	_ =	shalt  }
0x46: {  	_ =	shalt  }
0x47: {  	_ =	shalt  }
0x48: {  	_ =	shalt  }
0x49: {  	_ =	shalt  }
0x4a: {  	_ =	shalt  }
0x4b: {  	_ =	shalt  }
0x4c: {  	_ =	shalt  }
0x4d: {  	_ =	shalt  }
0x4e: {  	_ =	shalt  }
0x4f: {  	_ =	shalt  }
0x50: {  	_ =	shalt  }
0x51: {  	_ =	shalt  }
0x52: {  	_ =	shalt  }
0x53: {  	_ =	shalt  }
0x54: {  	_ =	shalt  }
0x55: {  	_ =	shalt  }
0x56: {  	_ =	shalt  }
0x57: {  	_ =	shalt  }
0x58: {  	_ =	shalt  }
0x59: {  	_ =	shalt  }
0x5a: {  	_ =	shalt  }
0x5b: {  	_ =	shalt  }
0x5c: {  	_ =	shalt  }
0x5d: {  	_ =	shalt  }
0x5e: {  	_ =	shalt  }
0x5f: {  	_ =	shalt  }
0x60: {  	_ =	shalt  }
0x61: {  	_ =	shalt  }
0x62: {  	_ =	shalt  }
0x63: {  	_ =	shalt  }
0x64: {  	_ =	shalt  }
0x65: {  	_ =	shalt  }
0x66: {  	_ =	shalt  }
0x67: {  	_ =	shalt  }
0x68: {  	_ =	shalt  }
0x69: {  	_ =	shalt  }
0x6a: {  	_ =	shalt  }
0x6b: {  	_ =	shalt  }
0x6c: {  	_ =	shalt  }
0x6d: {  	_ =	shalt  }
0x6e: {  	_ =	shalt  }
0x6f: {  	_ =	shalt  }
0x70: {  	_ =	shalt  }
0x71: {  	_ =	shalt  }
0x72: {  	_ =	shalt  }
0x73: {  	_ =	shalt  }
0x74: {  	_ =	shalt  }
0x75: {  	_ =	shalt  }
0x76: {  	_ =	shalt  }
0x77: {  	_ =	shalt  }
0x78: {  	_ =	shalt  }
0x79: {  	_ =	shalt  }
0x7a: {  	_ =	shalt  }
0x7b: {  	_ =	shalt  }
0x7c: {  	_ =	shalt  }
0x7d: {  	_ =	shalt  }
0x7e: {  	_ =	shalt  }
0x7f: {  	_ =	shalt  }
0x80: {  	_ =	shalt  }
0x81: {  	_ =	shalt  }
0x82: {  	_ =	shalt  }
0x83: {  	_ =	shalt  }
0x84: {  	_ =	shalt  }
0x85: {  	_ =	shalt  }
0x86: {  	_ =	shalt  }
0x87: {  	_ =	shalt  }
.Lfunc_end0:
.L_simem_size_0:
called_computation.4_lowered:
.L_overlay_start_0:
0x88: {  	s2 =	sld [smem:$0x3FD9]  }
0x89: {  	s3 =	sld [smem:$0x3FFE];
	_ =	sdelay $0x1  }
0x8a: {  	s1 =	srdreg.scid  }
0x8b: {  	s0 =	sand.u32 $0x1, s1  }
0x8c: {  	s16 =	sshll.u32 s0, $0xA;
	s2 =	sadd.s32 s3, s2  }
0x8d: {  	s2 =	sadd.s32 s2, s16  }
0x8e: {  	[smem:$0x3FB8] =	sst s2  }
0x8f: {  	_ = 	snop  }
0x90: {  	(tm) =	ssettm $0x1  }
0x91: {  	s17 =	sld [smem:$0x3FFB];
	_ =	sdelay $0x3  }
0x92: {  	_ =	strace s17  }
0x93: {  	s2 =	sld [smem:$0x3FFC];
	_ =	sdelay $0x3  }
0x94: {  	_ =	strace s2  }
0x95: {  	s2 =	sld [smem:$0x3FFD];
	_ =	sdelay $0x3  }
0x96: {  	_ =	strace s2  }
0x97: {  	_ =	strace $0x8FFFFFFF  }
0x98: {  	s18 =	sld [smem:$0x3FDB];
	_ =	sdelay $0x1  }
0x99: {  	s19 =	simm.s32 $_scs_section_size  }
0x9a: {  	s4 =	simm.s32 $_size__tile_overlayer_lowered;
	s5 =	simm.s32 $_tile_overlayer_lowered  }
0x9b: {  	s22 =	simm.s32 $0x1BFF;
	s21 =	sshll.u32 s5, $0x1;
	s2 =	sadd.s32 s19, s18  }
0x9c: {  	s6 =	simm.s32 $0x0;
	s20 =	sshll.u32 s4, $0x1;
	s4 =	sadd.s32 s21, s2  }
0x9d: {  	[timem:s6], [sflag:s22] =	dma.local [hbm:s4], s20  }
0x9e: {  	_ =	swait.ge [sflag:s22], s20  }
0x9f: {  	s3 =	ssub.s32 $0x0, s20;
	[sflag:s22] =	ssyncset.done $0x0  }
0xa0: {  	[sflag:s22] =	ssyncadd.s32 s3;
	_ =	sdelay $0x1  }
0xa1: {  	s23 =	simm.s32 $0x1B8B  }
0xa2: {  	_ =	swait.ge [sflag:s23], $0x1  }
0xa3: {  	[sflag:s23] =	ssyncset.done $0x0  }
0xa4: {  	s25 =	simm.s32 $0x1B8E;
	s24 =	sld [smem:$0x3FFE];
	[sflag:s23] =	ssyncadd.s32 $0xFFFFFFFF  }
0xa5: {  	s26 =	simm.s32 $execute0_lowered;
	[smem:$0x3FD2] =	sst s25  }
0xa6: {  	s4 =	sshll.u32 s26, $0x1;
	_ =	strace $0x80000052;
	[dreg:$0x1] =	wrdreg $0xFFFFFFFF  }
0xa7: {  	s28 =	simm.s32 $_size_execute0_lowered;
	s2 =	sadd.s32 s2, s4;
	[dreg:$0x0] =	wrdreg $0x0  }
0xa8: {  	s4 =	sshll.u32 s28, $0x1;
	[dreg:$0x2] =	wrdreg s2  }
0xa9: {  	[dreg:$0x3] =	wrdreg s4  }
0xaa: {  	[dreg:$0x4] =	wrdreg $0xC0  }
0xab: {  	_ =	task [dreg:s6], $0x5FFFF  }
0xac: {  	[dreg:$0x1] =	wrdreg $0xFFFFFFFF  }
0xad: {  	[dreg:$0x0] =	wrdreg $0x60  }
0xae: {  	[dreg:$0x2] =	wrdreg s24  }
0xaf: {  	[dreg:$0x3] =	wrdreg $0xA8000  }
0xb0: {  	[dreg:$0x4] =	wrdreg $0x9  }
0xb1: {  	_ =	task.clear_ibuf [dreg:s6], $0x5FFFF;
	_ =	strace $0x90000052  }
0xb2: {  	s29 =	simm.s32 $0x9;
	_ =	strace $0x80000054  }
0xb3: {  	_ =	swait.ge [sflag:s29], $0x1  }
0xb4: {  	[sflag:s29] =	ssyncadd.s32 $0xFFFFFFFF  }
0xb5: {  	_ =	strace $0x90000054  }
0xb6: {  	_ =	sfence  }
0xb7: {  	s30 =	sld [smem:$0x0];
	_ =	sdelay $0x2  }
0xb8: {  	s31 =	sshll.u32 s1, $0xD;
	s1 =	sshrl.u32 s1, $0x2  }
0xb9: {  	s3 =	sand.u32 $0x4000, s31;
	s1 =	sadd.s32 s1, s30  }
0xba: {  	s0 =	sor.u32 s3, s0;
	s1 =	sshll.u32 s1, $0x11  }
0xbb: {  	s0 =	sor.u32 s1, s0  }
0xbc: {  	s0 =	sadd.s32 $0x8F2B, s0  }
0xbd: {  	[sflag:s0] =	ssyncadd.remote.s32 $0x1  }
0xbe: {  	_ =	sfence.sel $0xFFFF  }
0xbf: {  	[dreg:$0x0] =	wrdreg $0xFFFFFFFF;
	(pc) =	sbr.abs _section_cstart, $3  }
0xc0: {  	[dreg:$0x1] =	wrdreg $0xFFFFFFFF  }
0xc1: {  	_ =	task.clear_ibuf [dreg:s6], $0x2FFFF;
	_ =	strace $0x9FFFFFFF  }
0xc2: {  	(tm) =	ssettm $0x7FFFFFFF  }
0xc3: {  	_ =	shalt  }
tec
execute0_lowered:
.L_overlay_start_1:
0x0: {  	(tag) =	ssettag $0x1  }
0x1: {  	s0 =	rddreg [dreg:$0x0]  }
0x2: {  	s1 =	rddreg [dreg:$0x1];
	s3 =	srdreg.scid  }
0x3: {  	s2 =	simm.s32 $0x0;
	s26 =	stileid.u32;
	s17 =	simm.s32 $0x2800  }
0x4: {  	s18 =	simm.s32 $0x3;
	s22 =	simm.s32 $0x80;
	s23 =	simm.s32 $0x6800  }
0x5: {  	s25 =	simm.s32 $0x1;
	s28 =	simm.s32 $0x2700;
	s8 =	smul.u32 $0x50000, s26  }
0x6: {  	s29 =	simm.s32 $0x2780;
	s30 =	simm.s32 $0x0;
	s20 =	smul.u32 $0x500, s26  }
0x7: {  	s6 =	sand.u32 $0x1, s3;
	[smem:$0x7FF] =	sst s2;
	s24 =	smul.u32 $0x2800, s26  }
0x8: {  	s4 =	sadd.s32 $0x10400, s0;
	s26 =	simm.s32 $0x2;
	s5 =	smul.u32 $0x5000, s6  }
0x9: {  	s7 =	smul.u32 $0x28000, s6;
	_ =	strace $0x80000053;
	s6 =	ssub.s32 $0x2, s6  }
0xa: {  	s31 =	sshrl.u32 s6, $0x1;
	s8 =	sshrl.u32 s8, $0x2;
	s9 =	sadd.s32 s5, s0  }
0xb: {  	s5 =	sadd.s32 $0x10000, s0;
	s0 =	sadd.s32 s7, s0;
	s7 =	ssub.s32 s6, s31  }
0xc: {  	s6 =	sadd.s32 s8, s1;
	s19 =	sadd.s32 $0x60C00, s9;
	s21 =	sadd.s32 $0x6000, s9  }
0xd: {  	s0 =	sadd.s32 $0x6AC00, s0;
	s7 =	smax.u32 s7, $0x1;
	s8 =	sadd.s32 $0x2000, s6  }
0xe: {  	s9 =	sadd.s32 $0x4000, s6;
	s10 =	sadd.s32 $0x6000, s6;
	s11 =	sadd.s32 $0x8000, s6  }
0xf: {  	s12 =	sadd.s32 $0xA000, s6;
	s13 =	sadd.s32 $0xC000, s6;
	s14 =	sadd.s32 $0xE000, s6  }
0x10: {  	s15 =	sadd.s32 $0x10000, s6;
	s16 =	sadd.s32 $0x12000, s6;
	s19 =	sadd.s32 s20, s19  }
0x11: {  	s20 =	sadd.s32 s20, s21;
	s21 =	simm.s32 $0x1400;
	s24 =	sadd.s32 s24, s0  }
.LBB2_1:
0x12: {  	[tilespmem:s17], [sflag:$0x3] =	stream.linear.gather [hbm4b:s5+s2], $0x2000, $0x38;
	[tilespmem:$0x1E800] =	vst v63  }
0x13: {  	_ =	swait.ge [sflag:s18], $0x2000  }
0x14: {  	[sflag:s18] =	ssyncset.done $0x0  }
0x15: {  	[sflag:s18] =	ssyncadd.s32 $0xFFFFE000  }
0x16: {  	[spmem:s6] =	stream.linear.scatter [tilespmem:s17], [sflag:$0x3], $0x2000, $0x38;
	[tilespmem:$0x1E800] =	vst v63  }
0x17: {  	_ =	swait.ge [sflag:s18], $0x2000  }
0x18: {  	[sflag:s18] =	ssyncset.done $0x0  }
0x19: {  	[sflag:s18] =	ssyncadd.s32 $0xFFFFE000  }
0x1a: {  	[spmem:s8] =	stream.linear.scatter [tilespmem:s17], [sflag:$0x3], $0x2000, $0x38;
	[tilespmem:$0x1E800] =	vst v63  }
0x1b: {  	_ =	swait.ge [sflag:s18], $0x2000  }
0x1c: {  	[sflag:s18] =	ssyncset.done $0x0  }
0x1d: {  	[sflag:s18] =	ssyncadd.s32 $0xFFFFE000  }
0x1e: {  	[spmem:s9] =	stream.linear.scatter [tilespmem:s17], [sflag:$0x3], $0x2000, $0x38;
	[tilespmem:$0x1E800] =	vst v63  }
0x1f: {  	_ =	swait.ge [sflag:s18], $0x2000  }
0x20: {  	[sflag:s18] =	ssyncset.done $0x0  }
0x21: {  	[sflag:s18] =	ssyncadd.s32 $0xFFFFE000  }
0x22: {  	[spmem:s10] =	stream.linear.scatter [tilespmem:s17], [sflag:$0x3], $0x2000, $0x38;
	[tilespmem:$0x1E800] =	vst v63  }
0x23: {  	_ =	swait.ge [sflag:s18], $0x2000  }
0x24: {  	[sflag:s18] =	ssyncset.done $0x0  }
0x25: {  	[sflag:s18] =	ssyncadd.s32 $0xFFFFE000  }
0x26: {  	[spmem:s11] =	stream.linear.scatter [tilespmem:s17], [sflag:$0x3], $0x2000, $0x38;
	[tilespmem:$0x1E800] =	vst v63  }
0x27: {  	_ =	swait.ge [sflag:s18], $0x2000  }
0x28: {  	[sflag:s18] =	ssyncset.done $0x0  }
0x29: {  	[sflag:s18] =	ssyncadd.s32 $0xFFFFE000  }
0x2a: {  	[spmem:s12] =	stream.linear.scatter [tilespmem:s17], [sflag:$0x3], $0x2000, $0x38;
	[tilespmem:$0x1E800] =	vst v63  }
0x2b: {  	_ =	swait.ge [sflag:s18], $0x2000  }
0x2c: {  	[sflag:s18] =	ssyncset.done $0x0  }
0x2d: {  	[sflag:s18] =	ssyncadd.s32 $0xFFFFE000  }
0x2e: {  	[spmem:s13] =	stream.linear.scatter [tilespmem:s17], [sflag:$0x3], $0x2000, $0x38;
	[tilespmem:$0x1E800] =	vst v63  }
0x2f: {  	_ =	swait.ge [sflag:s18], $0x2000  }
0x30: {  	[sflag:s18] =	ssyncset.done $0x0  }
0x31: {  	[sflag:s18] =	ssyncadd.s32 $0xFFFFE000  }
0x32: {  	[spmem:s14] =	stream.linear.scatter [tilespmem:s17], [sflag:$0x3], $0x2000, $0x38;
	[tilespmem:$0x1E800] =	vst v63  }
0x33: {  	_ =	swait.ge [sflag:s18], $0x2000  }
0x34: {  	[sflag:s18] =	ssyncset.done $0x0  }
0x35: {  	[sflag:s18] =	ssyncadd.s32 $0xFFFFE000  }
0x36: {  	[spmem:s15] =	stream.linear.scatter [tilespmem:s17], [sflag:$0x3], $0x2000, $0x38;
	[tilespmem:$0x1E800] =	vst v63  }
0x37: {  	_ =	swait.ge [sflag:s18], $0x2000  }
0x38: {  	[sflag:s18] =	ssyncset.done $0x0  }
0x39: {  	[sflag:s18] =	ssyncadd.s32 $0xFFFFE000  }
0x3a: {  	[spmem:s16] =	stream.linear.scatter [tilespmem:s17], [sflag:$0x3], $0x2000, $0x38;
	[tilespmem:$0x1E800] =	vst v63  }
0x3b: {  	_ =	swait.ge [sflag:s18], $0x2000  }
0x3c: {  	[sflag:s18] =	ssyncset.done $0x0  }
0x3d: {  	[sflag:s18] =	ssyncadd.s32 $0xFFFFE000  }
0x3e: {  	[bflag:$0x0] =	sbarrier.arrive $0xFFFF  }
0x3f: {  	[tilespmem:s2], [sflag:$0x3] =	stream.linear.gather [hbm4b:s19+s2], $0x1400, $0x38;
	[tilespmem:$0x1E800] =	vst v63  }
0x40: {  	_ =	swait.ge [sflag:s18], $0x1400  }
0x41: {  	[sflag:s18] =	ssyncset.done $0x0  }
0x42: {  	[sflag:s18] =	ssyncadd.s32 $0xFFFFEC00  }
0x43: {  	[tilespmem:s21], [sflag:$0x3] =	stream.linear.gather [hbm4b:s20+s2], $0x1400, $0x38;
	[tilespmem:$0x1E800] =	vst v63  }
0x44: {  	_ =	swait.ge [sflag:s18], $0x1400  }
0x45: {  	[sflag:s18] =	ssyncset.done $0x0  }
0x46: {  	[sflag:s18] =	ssyncadd.s32 $0xFFFFEC00  }
0x47: {  	[tilespmem:s17], [sflag:$0x1] =	stream.indirect.gather [hbm4b:s4+s22], $0x80, s2, s22, $0xb8;
	[tilespmem:$0x1E800] =	vst v63  }
0x48: {  	_ = 	snop  }
0x49: {  	[tilespmem:s23], [sflag:$0x2] =	stream.indirect.gather [hbm4b:s4+s22], $0x80, s22, s22, $0xb8;
	[tilespmem:$0x1E800] =	vst v63  }
0x4a: {  	_ =	swait.ge [sflag:s25], $0x4000  }
0x4b: {  	[sflag:s25] =	ssyncset.done $0x0  }
0x4c: {  	s0 =	simm.s32 $0x1400;
	[sflag:s25] =	ssyncadd.s32 $0xFFFFC000  }
0x4d: {  	[spmem:s1] =	stream.indirect.scatter.add.f32 [tilespmem:s17], [sflag:$0x3], $0x80, s0, s22, $0xb8;
	[tilespmem:$0x1E800] =	vst v63  }
0x4e: {  	_ =	swait.ge [sflag:s18], $0x4000  }
0x4f: {  	[sflag:s18] =	ssyncset.done $0x0  }
0x50: {  	s3 =	simm.s32 $0x100;
	[sflag:s18] =	ssyncadd.s32 $0xFFFFC000  }
0x51: {  	[tilespmem:s17], [sflag:$0x1] =	stream.indirect.gather [hbm4b:s4+s22], $0x80, s3, s22, $0xb8;
	[tilespmem:$0x1E800] =	vst v63  }
0x52: {  	_ =	swait.ge [sflag:s26], $0x4000  }
0x53: {  	[sflag:s26] =	ssyncset.done $0x0  }
0x54: {  	s3 =	simm.s32 $0x1480;
	[sflag:s26] =	ssyncadd.s32 $0xFFFFC000  }
0x55: {  	[spmem:s1] =	stream.indirect.scatter.add.f32 [tilespmem:s23], [sflag:$0x3], $0x80, s3, s22, $0xb8;
	[tilespmem:$0x1E800] =	vst v63  }
0x56: {  	_ =	swait.ge [sflag:s18], $0x4000  }
0x57: {  	[sflag:s18] =	ssyncset.done $0x0  }
0x58: {  	s31 =	simm.s32 $0x400;
	s0 =	simm.s32 $0x180;
	[sflag:s18] =	ssyncadd.s32 $0xFFFFC000  }
.LBB2_2:
0x59: {  	[tilespmem:s23], [sflag:$0x2] =	stream.indirect.gather [hbm4b:s4+s22], $0x80, s0, s22, $0xb8;
	[tilespmem:$0x1E800] =	vst v63  }
0x5a: {  	s0 =	smov.u32 s31  }
0x5b: {  	p0 =	sne.s32 s31, $0x4800;
	s31 =	sadd.s32 $0x400, s31;
	_ =	swait.ge [sflag:s25], $0x4000  }
0x5c: {  	s0 =	sshra.s32 s0, $0x2;
	[sflag:s25] =	ssyncset.done $0x0  }
0x5d: {  	s3 =	sadd.s32 $0x1400, s0;
	[sflag:s25] =	ssyncadd.s32 $0xFFFFC000  }
0x5e: {  	[spmem:s1] =	stream.indirect.scatter.add.f32 [tilespmem:s17], [sflag:$0x3], $0x80, s3, s22, $0xb8;
	[tilespmem:$0x1E800] =	vst v63  }
0x5f: {  	_ =	swait.ge [sflag:s18], $0x4000  }
0x60: {  	[sflag:s18] =	ssyncset.done $0x0  }
0x61: {  	s3 =	sadd.s32 $0x100, s0;
	[sflag:s18] =	ssyncadd.s32 $0xFFFFC000  }
0x62: {  	[tilespmem:s17], [sflag:$0x1] =	stream.indirect.gather [hbm4b:s4+s22], $0x80, s3, s22, $0xb8;
	[tilespmem:$0x1E800] =	vst v63  }
0x63: {  	_ =	swait.ge [sflag:s26], $0x4000  }
0x64: {  	[sflag:s26] =	ssyncset.done $0x0  }
.Ltmp0:
0x65: {  	s3 =	sadd.s32 $0x1480, s0;
	[sflag:s26] =	ssyncadd.s32 $0xFFFFC000;
	(pc) =	sbr.rel @p0 .LBB2_2-.Ltmp0, $4  }
0x66: {  	[spmem:s1] =	stream.indirect.scatter.add.f32 [tilespmem:s23], [sflag:$0x3], $0x80, s3, s22, $0xb8;
	[tilespmem:$0x1E800] =	vst v63  }
0x67: {  	_ =	swait.ge [sflag:s18], $0x4000  }
0x68: {  	[sflag:s18] =	ssyncset.done $0x0  }
0x69: {  	s0 =	sadd.s32 $0x180, s0;
	[sflag:s18] =	ssyncadd.s32 $0xFFFFC000  }
0x6a: {  	[tilespmem:s23], [sflag:$0x2] =	stream.indirect.gather [hbm4b:s4+s22], $0x80, s0, s22, $0xb8;
	[tilespmem:$0x1E800] =	vst v63  }
0x6b: {  	_ =	swait.ge [sflag:s25], $0x4000  }
0x6c: {  	[sflag:s25] =	ssyncset.done $0x0  }
0x6d: {  	[sflag:s25] =	ssyncadd.s32 $0xFFFFC000  }
0x6e: {  	[spmem:s1] =	stream.indirect.scatter.add.f32 [tilespmem:s17], [sflag:$0x3], $0x80, s28, s22, $0xb8;
	[tilespmem:$0x1E800] =	vst v63  }
0x6f: {  	_ =	swait.ge [sflag:s18], $0x4000  }
0x70: {  	[sflag:s18] =	ssyncset.done $0x0  }
0x71: {  	[sflag:s18] =	ssyncadd.s32 $0xFFFFC000  }
0x72: {  	_ =	swait.ge [sflag:s26], $0x4000  }
0x73: {  	[sflag:s26] =	ssyncset.done $0x0  }
0x74: {  	[sflag:s26] =	ssyncadd.s32 $0xFFFFC000  }
0x75: {  	[spmem:s1] =	stream.indirect.scatter.add.f32 [tilespmem:s23], [sflag:$0x3], $0x80, s29, s22, $0xb8;
	[tilespmem:$0x1E800] =	vst v63  }
0x76: {  	_ =	swait.ge [sflag:s18], $0x4000  }
0x77: {  	[sflag:s18] =	ssyncset.done $0x0  }
0x78: {  	s0 =	sadd.s32 $0x280, s19;
	s3 =	simm.s32 $0x0;
	[sflag:s18] =	ssyncadd.s32 $0xFFFFC000  }
0x79: {  	[tilespmem:s3], [sflag:$0x3] =	stream.linear.gather [hbm4b:s0+s3], $0x1400, $0x38;
	[tilespmem:$0x1E800] =	vst v63  }
0x7a: {  	_ =	swait.ge [sflag:s18], $0x1400  }
0x7b: {  	[sflag:s18] =	ssyncset.done $0x0  }
0x7c: {  	s0 =	sadd.s32 $0x280, s20;
	[sflag:s18] =	ssyncadd.s32 $0xFFFFEC00  }
0x7d: {  	[tilespmem:s21], [sflag:$0x3] =	stream.linear.gather [hbm4b:s0+s3], $0x1400, $0x38;
	[tilespmem:$0x1E800] =	vst v63  }
0x7e: {  	_ =	swait.ge [sflag:s18], $0x1400  }
0x7f: {  	[sflag:s18] =	ssyncset.done $0x0  }
0x80: {  	[sflag:s18] =	ssyncadd.s32 $0xFFFFEC00  }
0x81: {  	[tilespmem:s17], [sflag:$0x1] =	stream.indirect.gather [hbm4b:s4+s22], $0x80, s3, s22, $0xb8;
	[tilespmem:$0x1E800] =	vst v63  }
0x82: {  	_ = 	snop  }
0x83: {  	[tilespmem:s23], [sflag:$0x2] =	stream.indirect.gather [hbm4b:s4+s22], $0x80, s22, s22, $0xb8;
	[tilespmem:$0x1E800] =	vst v63  }
0x84: {  	_ =	swait.ge [sflag:s25], $0x4000  }
0x85: {  	[sflag:s25] =	ssyncset.done $0x0  }
0x86: {  	s3 =	simm.s32 $0x1400;
	[sflag:s25] =	ssyncadd.s32 $0xFFFFC000  }
0x87: {  	[spmem:s1] =	stream.indirect.scatter.add.f32 [tilespmem:s17], [sflag:$0x3], $0x80, s3, s22, $0xb8;
	[tilespmem:$0x1E800] =	vst v63  }
0x88: {  	_ =	swait.ge [sflag:s18], $0x4000  }
0x89: {  	[sflag:s18] =	ssyncset.done $0x0  }
0x8a: {  	s3 =	simm.s32 $0x100;
	[sflag:s18] =	ssyncadd.s32 $0xFFFFC000  }
0x8b: {  	[tilespmem:s17], [sflag:$0x1] =	stream.indirect.gather [hbm4b:s4+s22], $0x80, s3, s22, $0xb8;
	[tilespmem:$0x1E800] =	vst v63  }
0x8c: {  	_ =	swait.ge [sflag:s26], $0x4000  }
0x8d: {  	[sflag:s26] =	ssyncset.done $0x0  }
0x8e: {  	s3 =	simm.s32 $0x1480;
	[sflag:s26] =	ssyncadd.s32 $0xFFFFC000  }
0x8f: {  	[spmem:s1] =	stream.indirect.scatter.add.f32 [tilespmem:s23], [sflag:$0x3], $0x80, s3, s22, $0xb8;
	[tilespmem:$0x1E800] =	vst v63  }
0x90: {  	_ =	swait.ge [sflag:s18], $0x4000  }
0x91: {  	[sflag:s18] =	ssyncset.done $0x0  }
0x92: {  	s31 =	simm.s32 $0x400;
	s0 =	simm.s32 $0x180;
	[sflag:s18] =	ssyncadd.s32 $0xFFFFC000  }
.LBB2_4:
0x93: {  	[tilespmem:s23], [sflag:$0x2] =	stream.indirect.gather [hbm4b:s4+s22], $0x80, s0, s22, $0xb8;
	[tilespmem:$0x1E800] =	vst v63  }
0x94: {  	s0 =	smov.u32 s31  }
0x95: {  	p0 =	sne.s32 s31, $0x4800;
	s31 =	sadd.s32 $0x400, s31;
	_ =	swait.ge [sflag:s25], $0x4000  }
0x96: {  	s0 =	sshra.s32 s0, $0x2;
	[sflag:s25] =	ssyncset.done $0x0  }
0x97: {  	s3 =	sadd.s32 $0x1400, s0;
	[sflag:s25] =	ssyncadd.s32 $0xFFFFC000  }
0x98: {  	[spmem:s1] =	stream.indirect.scatter.add.f32 [tilespmem:s17], [sflag:$0x3], $0x80, s3, s22, $0xb8;
	[tilespmem:$0x1E800] =	vst v63  }
0x99: {  	_ =	swait.ge [sflag:s18], $0x4000  }
0x9a: {  	[sflag:s18] =	ssyncset.done $0x0  }
0x9b: {  	s3 =	sadd.s32 $0x100, s0;
	[sflag:s18] =	ssyncadd.s32 $0xFFFFC000  }
0x9c: {  	[tilespmem:s17], [sflag:$0x1] =	stream.indirect.gather [hbm4b:s4+s22], $0x80, s3, s22, $0xb8;
	[tilespmem:$0x1E800] =	vst v63  }
0x9d: {  	_ =	swait.ge [sflag:s26], $0x4000  }
0x9e: {  	[sflag:s26] =	ssyncset.done $0x0  }
.Ltmp1:
0x9f: {  	s3 =	sadd.s32 $0x1480, s0;
	[sflag:s26] =	ssyncadd.s32 $0xFFFFC000;
	(pc) =	sbr.rel @p0 .LBB2_4-.Ltmp1, $4  }
0xa0: {  	[spmem:s1] =	stream.indirect.scatter.add.f32 [tilespmem:s23], [sflag:$0x3], $0x80, s3, s22, $0xb8;
	[tilespmem:$0x1E800] =	vst v63  }
0xa1: {  	_ =	swait.ge [sflag:s18], $0x4000  }
0xa2: {  	[sflag:s18] =	ssyncset.done $0x0  }
0xa3: {  	s0 =	sadd.s32 $0x180, s0;
	[sflag:s18] =	ssyncadd.s32 $0xFFFFC000  }
0xa4: {  	[tilespmem:s23], [sflag:$0x2] =	stream.indirect.gather [hbm4b:s4+s22], $0x80, s0, s22, $0xb8;
	[tilespmem:$0x1E800] =	vst v63  }
0xa5: {  	_ =	swait.ge [sflag:s25], $0x4000  }
0xa6: {  	[sflag:s25] =	ssyncset.done $0x0  }
0xa7: {  	[sflag:s25] =	ssyncadd.s32 $0xFFFFC000  }
0xa8: {  	[spmem:s1] =	stream.indirect.scatter.add.f32 [tilespmem:s17], [sflag:$0x3], $0x80, s28, s22, $0xb8;
	[tilespmem:$0x1E800] =	vst v63  }
0xa9: {  	_ =	swait.ge [sflag:s18], $0x4000  }
0xaa: {  	[sflag:s18] =	ssyncset.done $0x0  }
0xab: {  	[sflag:s18] =	ssyncadd.s32 $0xFFFFC000  }
0xac: {  	_ =	swait.ge [sflag:s26], $0x4000  }
0xad: {  	[sflag:s26] =	ssyncset.done $0x0  }
0xae: {  	[sflag:s26] =	ssyncadd.s32 $0xFFFFC000  }
0xaf: {  	[spmem:s1] =	stream.indirect.scatter.add.f32 [tilespmem:s23], [sflag:$0x3], $0x80, s29, s22, $0xb8;
	[tilespmem:$0x1E800] =	vst v63  }
0xb0: {  	s31 =	stileid.u32;
	_ =	swait.ge [sflag:s18], $0x4000  }
0xb1: {  	s3 =	sshrl.u32 s6, $0x3;
	s30 =	sadd.s32 $0x1, s30;
	[sflag:s18] =	ssyncset.done $0x0  }
0xb2: {  	s0 =	sshll.u32 s31, $0x6;
	p0 =	sne.s32 s30, s7;
	[sflag:s18] =	ssyncadd.s32 $0xFFFFC000  }
.Ltmp2:
0xb3: {  	s0 =	sor.u32 $0x1C03, s0;
	[bflag:$0x0] =	sbarrier.arrive $0xFFFF;
	(pc) =	sbr.rel @p0 .LBB2_1-.Ltmp2, $4  }
0xb4: {  	[hbm:s24], [sflag:s0] =	dma.local [spmem:s3], $0x2800  }
0xb5: {  	_ =	swait.ge [sflag:s18], $0x2800  }
0xb6: {  	[sflag:s18] =	ssyncset.done $0x0  }
0xb7: {  	[sflag:s18] =	ssyncadd.s32 $0xFFFFD800  }
0xb8: {  	_ =	sfence.sel $0x180000  }
0xb9: {  	[bflag:$0x0] =	sbarrier.arrive $0xFFFF  }
0xba: {  	_ =	strace $0x90000053  }
0xbb: {  	s0 =	stileid.u32;
	[bflag:$0x2] =	sbarrier.arrive $0xFFFF  }
0xbc: {  	p0 =	sne.s32 s0, $0x0;
	s0 =	rddreg [dreg:$0x2]  }
0xbd: {  	s0 =	sadd.s32 @!p0 $0x100000, s0  }
0xbe: {  	[sflag:s0] =	ssyncadd.tile.s32 @!p0 $0x1;
	_ =	shalt  }
.Lfunc_end2:
_tile_overlayer_lowered:
.L_overlay_start_2:
0xbf: {  	(tag) =	ssettag $0x2  }
0xc0: {  	s0 =	rddreg [dreg:$0x0];
	s2 =	stileid.u32  }
0xc1: {  	s1 =	rddreg [dreg:$0x1];
	p0 =	sne.s32 s2, $0x0  }
0xc2: {  	s3 =	rddreg [dreg:$0x2];
	[bflag:$0x3] =	sbarrier.arrive $0xFFFF;
	s2 =	simm.s32 @!p0 $0x1C03  }
0xc3: {  	[timem:s3], [sflag:s2] =	dma.local @!p0 [hbm:s0], s1  }
0xc4: {  	s0 =	simm.s32 @!p0 $0x3  }
0xc5: {  	_ =	swait.ge @!p0 [sflag:s0], s1  }
0xc6: {  	s1 =	ssub.s32 @!p0 $0x0, s1;
	[sflag:s0] =	ssyncset.done @!p0 $0x0  }
0xc7: {  	[sflag:s0] =	ssyncadd.s32 @!p0 s1  }
0xc8: {  	[bflag:$0x3] =	sbarrier.arrive $0xFFFF  }
0xc9: {  	_ =	shalt  }

// kernel: kernel.34.cloned.1.call-start
scs
__scs_entry_jumppad:
0x0: {  	(pc) =	sbr.rel $0x88, $3  }
0x1: {  	(tag) =	ssettag $0x0;
	lr =	simm.s32 $0x1  }
0x2: {  	[smem:$0x3F91] =	sst lr;
	_ =	strace $0xD0000000  }
0x3: {  	_ = 	snop  }
0x4: {  	_ = 	snop  }
0x5: {  	_ = 	snop  }
0x6: {  	_ = 	snop  }
0x7: {  	_ = 	snop  }
__scs_overlays_trampoline_lowered:
0x8: {  	[smem:$0x3FA0] =	sst s0  }
0x9: {  	[smem:$0x3FA1] =	sst s1  }
0xa: {  	[smem:$0x3FA2] =	sst s2  }
0xb: {  	[smem:$0x3FA3] =	sst s3  }
0xc: {  	[smem:$0x3FA4] =	sst s4  }
0xd: {  	[smem:$0x3FA5] =	sst s5  }
0xe: {  	[smem:$0x3FA6] =	sst s6  }
0xf: {  	[smem:$0x3FA7] =	sst s7  }
0x10: {  	[smem:$0x3FA8] =	sst s8  }
0x11: {  	[smem:$0x3FA9] =	sst s9;
	s0 =	simm.s32 @!p0 $0x0  }
0x12: {  	s1 =	sld [smem:$0x3F8F];
	s0 =	simm.s32 @p0 $0x1  }
0x13: {  	[smem:$0x3FAA] =	sst s0;
	s0 =	simm.s32 @!p1 $0x0  }
0x14: {  	s2 =	sld [smem:$0x3F8E];
	s0 =	simm.s32 @p1 $0x1  }
0x15: {  	[smem:$0x3FAB] =	sst s0;
	s0 =	simm.s32 @!p2 $0x0  }
0x16: {  	s3 =	sld [smem:$0x3FDB];
	s0 =	simm.s32 @p2 $0x1  }
0x17: {  	s4 =	simm.s32 $0x1BF5;
	[smem:$0x3FAD] =	sst s0  }
0x18: {  	s0 =	sld [smem:$0x3F90];
	_ =	swait.ge [sflag:s4], $0x0  }
0x19: {  	s7 =	sld [smem:$0x3F91]  }
0x1a: {  	s8 =	sadd.s32 $0xFFFFE003, lr  }
0x1b: {  	s9 =	sadd.s32 $0xFFFFFEF7, lr;
	s5 =	simm.s32 $0xFFFFFFFF;
	p2 =	slt.u32 s8, $0xFFFFF086  }
0x1c: {  	p1 =	slt.u32 s9, $0xF7A;
	s5 =	simm.s32 @!p2 $0x0  }
0x1d: {  	s5 =	simm.s32 @p1 $0x1;
	p0 =	seq.s32 s7, s2  }
0x1e: {  	s7 =	smul.u32 @!p0 $0xF7A, s2;
	p2 =	seq.s32 @!p0 s5, $0x0  }
0x1f: {  	s9 =	smul.u32 $0xF7A, s1;
	s8 =	simm.s32 @!p0 $0x1BF5;
	p2 =	por !p2, p0  }
0x20: {  	[sflag:s8] =	ssyncset.s32 @!p0 $0xFFFFF086;
	s6 =	sadd.s32 @!p0 s3, s7;
	s7 =	simm.s32 @!p0 $0x108  }
0x21: {  	s3 =	sadd.s32 s3, s9;
	s6 =	sadd.s32 @!p0 $0x88, s6;
	s7 =	simm.s32 @p2 $0x1082  }
0x22: {  	[simem:s7], [sflag:s8] =	dma.local @!p0 [hbm:s6], $0xF7A  }
0x23: {  	s9 =	sor.u32 $0xD0000000, s2;
	s6 =	simm.s32 $0x108;
	_ =	swait.ge @!p0 [sflag:s8], $0x0  }
0x24: {  	s3 =	sadd.s32 $0x88, s3;
	s6 =	simm.s32 @!p1 $0x1082;
	[sflag:s4] =	ssyncset.s32 $0xFFFFF086  }
0x25: {  	[simem:s6], [sflag:s4] =	dma.local [hbm:s3], $0xF7A  }
0x26: {  	[smem:$0x3F91] =	sst s1;
	(tag) =	ssettag s2;
	_ =	strace s9  }
0x27: {  	s1 =	sld [smem:$0x3FA1]  }
0x28: {  	s2 =	sld [smem:$0x3FA2]  }
0x29: {  	s4 =	sld [smem:$0x3FA4]  }
0x2a: {  	p0 =	seq.s32 s5, $0x0;
	s5 =	sld [smem:$0x3FA5]  }
0x2b: {  	s6 =	sld [smem:$0x3FA6]  }
0x2c: {  	s7 =	sld [smem:$0x3FA7]  }
0x2d: {  	s3 =	simm.s32 $0x108;
	s8 =	sld [smem:$0x3FA8]  }
0x2e: {  	s3 =	simm.s32 @!p0 $0x1082;
	s9 =	sld [smem:$0x3FA9]  }
0x2f: {  	lr =	sadd.s32 s0, s3;
	s0 =	sld [smem:$0x3FA0]  }
0x30: {  	s3 =	sld [smem:$0x3FA3]  }
0x31: {  	[smem:$0x3FAC] =	sst s10  }
0x32: {  	s10 =	sld [smem:$0x3FAA];
	_ =	sdelay $0x3  }
0x33: {  	p0 =	seq.s32 s10, $0x1;
	s10 =	sld [smem:$0x3FAC];
	_ =	sdelay $0x3  }
0x34: {  	[smem:$0x3FAC] =	sst s10  }
0x35: {  	s10 =	sld [smem:$0x3FAB];
	_ =	sdelay $0x3  }
0x36: {  	p1 =	seq.s32 s10, $0x1;
	s10 =	sld [smem:$0x3FAC];
	_ =	sdelay $0x3  }
0x37: {  	[smem:$0x3FAC] =	sst s10  }
0x38: {  	s10 =	sld [smem:$0x3FAD]  }
0x39: {  	_ = 	snop;
	(pc) =	sbr.ind lr, $3  }
0x3a: {  	_ = 	snop  }
0x3b: {  	_ = 	snop  }
0x3c: {  	p2 =	seq.s32 s10, $0x1;
	s10 =	sld [smem:$0x3FAC]  }
0x3d: {  	_ =	shalt  }
0x3e: {  	_ =	shalt  }
0x3f: {  	_ =	shalt  }
0x40: {  	_ =	shalt  }
0x41: {  	_ =	shalt  }
0x42: {  	_ =	shalt  }
0x43: {  	_ =	shalt  }
0x44: {  	_ =	shalt  }
0x45: {  	_ =	shalt  }
0x46: {  	_ =	shalt  }
0x47: {  	_ =	shalt  }
0x48: {  	_ =	shalt  }
0x49: {  	_ =	shalt  }
0x4a: {  	_ =	shalt  }
0x4b: {  	_ =	shalt  }
0x4c: {  	_ =	shalt  }
0x4d: {  	_ =	shalt  }
0x4e: {  	_ =	shalt  }
0x4f: {  	_ =	shalt  }
0x50: {  	_ =	shalt  }
0x51: {  	_ =	shalt  }
0x52: {  	_ =	shalt  }
0x53: {  	_ =	shalt  }
0x54: {  	_ =	shalt  }
0x55: {  	_ =	shalt  }
0x56: {  	_ =	shalt  }
0x57: {  	_ =	shalt  }
0x58: {  	_ =	shalt  }
0x59: {  	_ =	shalt  }
0x5a: {  	_ =	shalt  }
0x5b: {  	_ =	shalt  }
0x5c: {  	_ =	shalt  }
0x5d: {  	_ =	shalt  }
0x5e: {  	_ =	shalt  }
0x5f: {  	_ =	shalt  }
0x60: {  	_ =	shalt  }
0x61: {  	_ =	shalt  }
0x62: {  	_ =	shalt  }
0x63: {  	_ =	shalt  }
0x64: {  	_ =	shalt  }
0x65: {  	_ =	shalt  }
0x66: {  	_ =	shalt  }
0x67: {  	_ =	shalt  }
0x68: {  	_ =	shalt  }
0x69: {  	_ =	shalt  }
0x6a: {  	_ =	shalt  }
0x6b: {  	_ =	shalt  }
0x6c: {  	_ =	shalt  }
0x6d: {  	_ =	shalt  }
0x6e: {  	_ =	shalt  }
0x6f: {  	_ =	shalt  }
0x70: {  	_ =	shalt  }
0x71: {  	_ =	shalt  }
0x72: {  	_ =	shalt  }
0x73: {  	_ =	shalt  }
0x74: {  	_ =	shalt  }
0x75: {  	_ =	shalt  }
0x76: {  	_ =	shalt  }
0x77: {  	_ =	shalt  }
0x78: {  	_ =	shalt  }
0x79: {  	_ =	shalt  }
0x7a: {  	_ =	shalt  }
0x7b: {  	_ =	shalt  }
0x7c: {  	_ =	shalt  }
0x7d: {  	_ =	shalt  }
0x7e: {  	_ =	shalt  }
0x7f: {  	_ =	shalt  }
0x80: {  	_ =	shalt  }
0x81: {  	_ =	shalt  }
0x82: {  	_ =	shalt  }
0x83: {  	_ =	shalt  }
0x84: {  	_ =	shalt  }
0x85: {  	_ =	shalt  }
0x86: {  	_ =	shalt  }
0x87: {  	_ =	shalt  }
.Lfunc_end0:
.L_simem_size_0:
called_computation.5_lowered:
.L_overlay_start_0:
0x88: {  	s2 =	sld [smem:$0x3FD9]  }
0x89: {  	s3 =	sld [smem:$0x3FFE];
	_ =	sdelay $0x1  }
0x8a: {  	s1 =	srdreg.scid  }
0x8b: {  	s0 =	sand.u32 $0x1, s1  }
0x8c: {  	s16 =	sshll.u32 s0, $0xA;
	s2 =	sadd.s32 s3, s2  }
0x8d: {  	s2 =	sadd.s32 s2, s16  }
0x8e: {  	[smem:$0x3FB8] =	sst s2  }
0x8f: {  	_ = 	snop  }
0x90: {  	(tm) =	ssettm $0x1  }
0x91: {  	s17 =	sld [smem:$0x3FFB];
	_ =	sdelay $0x3  }
0x92: {  	_ =	strace s17  }
0x93: {  	s2 =	sld [smem:$0x3FFC];
	_ =	sdelay $0x3  }
0x94: {  	_ =	strace s2  }
0x95: {  	s2 =	sld [smem:$0x3FFD];
	_ =	sdelay $0x3  }
0x96: {  	_ =	strace s2  }
0x97: {  	_ =	strace $0x8FFFFFFF  }
0x98: {  	s18 =	sld [smem:$0x3FDB];
	_ =	sdelay $0x1  }
0x99: {  	s19 =	simm.s32 $_scs_section_size  }
0x9a: {  	s4 =	simm.s32 $_size__tile_overlayer_lowered;
	s5 =	simm.s32 $_tile_overlayer_lowered  }
0x9b: {  	s22 =	simm.s32 $0x1BFF;
	s21 =	sshll.u32 s5, $0x1;
	s2 =	sadd.s32 s19, s18  }
0x9c: {  	s6 =	simm.s32 $0x0;
	s20 =	sshll.u32 s4, $0x1;
	s4 =	sadd.s32 s21, s2  }
0x9d: {  	[timem:s6], [sflag:s22] =	dma.local [hbm:s4], s20  }
0x9e: {  	_ =	swait.ge [sflag:s22], s20  }
0x9f: {  	s3 =	ssub.s32 $0x0, s20;
	[sflag:s22] =	ssyncset.done $0x0  }
0xa0: {  	[sflag:s22] =	ssyncadd.s32 s3;
	_ =	sdelay $0x1  }
0xa1: {  	s23 =	simm.s32 $0x1B8B  }
0xa2: {  	_ =	swait.ge [sflag:s23], $0x1  }
0xa3: {  	[sflag:s23] =	ssyncset.done $0x0  }
0xa4: {  	s25 =	simm.s32 $0x1B8E;
	s24 =	sld [smem:$0x3FFE];
	[sflag:s23] =	ssyncadd.s32 $0xFFFFFFFF  }
0xa5: {  	s26 =	simm.s32 $execute0_lowered;
	[smem:$0x3FD2] =	sst s25  }
0xa6: {  	s4 =	sshll.u32 s26, $0x1;
	_ =	strace $0x80000055;
	[dreg:$0x1] =	wrdreg $0xFFFFFFFF  }
0xa7: {  	s28 =	simm.s32 $_size_execute0_lowered;
	s2 =	sadd.s32 s2, s4;
	[dreg:$0x0] =	wrdreg $0x0  }
0xa8: {  	s4 =	sshll.u32 s28, $0x1;
	[dreg:$0x2] =	wrdreg s2  }
0xa9: {  	[dreg:$0x3] =	wrdreg s4  }
0xaa: {  	[dreg:$0x4] =	wrdreg $0xC0  }
0xab: {  	_ =	task [dreg:s6], $0x5FFFF  }
0xac: {  	[dreg:$0x1] =	wrdreg $0xFFFFFFFF  }
0xad: {  	[dreg:$0x0] =	wrdreg $0x60  }
0xae: {  	[dreg:$0x2] =	wrdreg s24  }
0xaf: {  	[dreg:$0x3] =	wrdreg $0xA8000  }
0xb0: {  	[dreg:$0x4] =	wrdreg $0x9  }
0xb1: {  	_ =	task.clear_ibuf [dreg:s6], $0x5FFFF;
	_ =	strace $0x90000055  }
0xb2: {  	s29 =	simm.s32 $0x9;
	_ =	strace $0x80000057  }
0xb3: {  	_ =	swait.ge [sflag:s29], $0x1  }
0xb4: {  	[sflag:s29] =	ssyncadd.s32 $0xFFFFFFFF  }
0xb5: {  	_ =	strace $0x90000057  }
0xb6: {  	_ =	sfence  }
0xb7: {  	s30 =	sld [smem:$0x0];
	_ =	sdelay $0x2  }
0xb8: {  	s31 =	sshll.u32 s1, $0xD;
	s1 =	sshrl.u32 s1, $0x2  }
0xb9: {  	s3 =	sand.u32 $0x4000, s31;
	s1 =	sadd.s32 s1, s30  }
0xba: {  	s0 =	sor.u32 s3, s0;
	s1 =	sshll.u32 s1, $0x11  }
0xbb: {  	s0 =	sor.u32 s1, s0  }
0xbc: {  	s0 =	sadd.s32 $0x8F2B, s0  }
0xbd: {  	[sflag:s0] =	ssyncadd.remote.s32 $0x1  }
0xbe: {  	_ =	sfence.sel $0xFFFF  }
0xbf: {  	[dreg:$0x0] =	wrdreg $0xFFFFFFFF;
	(pc) =	sbr.abs _section_cstart, $3  }
0xc0: {  	[dreg:$0x1] =	wrdreg $0xFFFFFFFF  }
0xc1: {  	_ =	task.clear_ibuf [dreg:s6], $0x2FFFF;
	_ =	strace $0x9FFFFFFF  }
0xc2: {  	(tm) =	ssettm $0x7FFFFFFF  }
0xc3: {  	_ =	shalt  }
tec
execute0_lowered:
.L_overlay_start_1:
0x0: {  	(tag) =	ssettag $0x1  }
0x1: {  	s0 =	rddreg [dreg:$0x0]  }
0x2: {  	s1 =	rddreg [dreg:$0x1];
	s3 =	srdreg.scid  }
0x3: {  	s2 =	simm.s32 $0x0;
	s26 =	stileid.u32;
	s17 =	simm.s32 $0x2800  }
0x4: {  	s18 =	simm.s32 $0x3;
	s22 =	simm.s32 $0x80;
	s23 =	simm.s32 $0x6800  }
0x5: {  	s25 =	simm.s32 $0x1;
	s28 =	simm.s32 $0x2700;
	s8 =	smul.u32 $0x50000, s26  }
0x6: {  	s29 =	simm.s32 $0x2780;
	s30 =	simm.s32 $0x0;
	s20 =	smul.u32 $0x500, s26  }
0x7: {  	s6 =	sand.u32 $0x1, s3;
	[smem:$0x7FF] =	sst s2;
	s24 =	smul.u32 $0x2800, s26  }
0x8: {  	s4 =	sadd.s32 $0x10400, s0;
	s26 =	simm.s32 $0x2;
	s5 =	smul.u32 $0x5000, s6  }
0x9: {  	s7 =	smul.u32 $0x28000, s6;
	_ =	strace $0x80000056;
	s6 =	ssub.s32 $0x2, s6  }
0xa: {  	s31 =	sshrl.u32 s6, $0x1;
	s8 =	sshrl.u32 s8, $0x2;
	s9 =	sadd.s32 s5, s0  }
0xb: {  	s5 =	sadd.s32 $0x10000, s0;
	s0 =	sadd.s32 s7, s0;
	s7 =	ssub.s32 s6, s31  }
0xc: {  	s6 =	sadd.s32 s8, s1;
	s19 =	sadd.s32 $0x60C00, s9;
	s21 =	sadd.s32 $0x6000, s9  }
0xd: {  	s0 =	sadd.s32 $0x6AC00, s0;
	s7 =	smax.u32 s7, $0x1;
	s8 =	sadd.s32 $0x2000, s6  }
0xe: {  	s9 =	sadd.s32 $0x4000, s6;
	s10 =	sadd.s32 $0x6000, s6;
	s11 =	sadd.s32 $0x8000, s6  }
0xf: {  	s12 =	sadd.s32 $0xA000, s6;
	s13 =	sadd.s32 $0xC000, s6;
	s14 =	sadd.s32 $0xE000, s6  }
0x10: {  	s15 =	sadd.s32 $0x10000, s6;
	s16 =	sadd.s32 $0x12000, s6;
	s19 =	sadd.s32 s20, s19  }
0x11: {  	s20 =	sadd.s32 s20, s21;
	s21 =	simm.s32 $0x1400;
	s24 =	sadd.s32 s24, s0  }
.LBB2_1:
0x12: {  	[tilespmem:s17], [sflag:$0x3] =	stream.linear.gather [hbm4b:s5+s2], $0x2000, $0x38;
	[tilespmem:$0x1E800] =	vst v63  }
0x13: {  	_ =	swait.ge [sflag:s18], $0x2000  }
0x14: {  	[sflag:s18] =	ssyncset.done $0x0  }
0x15: {  	[sflag:s18] =	ssyncadd.s32 $0xFFFFE000  }
0x16: {  	[spmem:s6] =	stream.linear.scatter [tilespmem:s17], [sflag:$0x3], $0x2000, $0x38;
	[tilespmem:$0x1E800] =	vst v63  }
0x17: {  	_ =	swait.ge [sflag:s18], $0x2000  }
0x18: {  	[sflag:s18] =	ssyncset.done $0x0  }
0x19: {  	[sflag:s18] =	ssyncadd.s32 $0xFFFFE000  }
0x1a: {  	[spmem:s8] =	stream.linear.scatter [tilespmem:s17], [sflag:$0x3], $0x2000, $0x38;
	[tilespmem:$0x1E800] =	vst v63  }
0x1b: {  	_ =	swait.ge [sflag:s18], $0x2000  }
0x1c: {  	[sflag:s18] =	ssyncset.done $0x0  }
0x1d: {  	[sflag:s18] =	ssyncadd.s32 $0xFFFFE000  }
0x1e: {  	[spmem:s9] =	stream.linear.scatter [tilespmem:s17], [sflag:$0x3], $0x2000, $0x38;
	[tilespmem:$0x1E800] =	vst v63  }
0x1f: {  	_ =	swait.ge [sflag:s18], $0x2000  }
0x20: {  	[sflag:s18] =	ssyncset.done $0x0  }
0x21: {  	[sflag:s18] =	ssyncadd.s32 $0xFFFFE000  }
0x22: {  	[spmem:s10] =	stream.linear.scatter [tilespmem:s17], [sflag:$0x3], $0x2000, $0x38;
	[tilespmem:$0x1E800] =	vst v63  }
0x23: {  	_ =	swait.ge [sflag:s18], $0x2000  }
0x24: {  	[sflag:s18] =	ssyncset.done $0x0  }
0x25: {  	[sflag:s18] =	ssyncadd.s32 $0xFFFFE000  }
0x26: {  	[spmem:s11] =	stream.linear.scatter [tilespmem:s17], [sflag:$0x3], $0x2000, $0x38;
	[tilespmem:$0x1E800] =	vst v63  }
0x27: {  	_ =	swait.ge [sflag:s18], $0x2000  }
0x28: {  	[sflag:s18] =	ssyncset.done $0x0  }
0x29: {  	[sflag:s18] =	ssyncadd.s32 $0xFFFFE000  }
0x2a: {  	[spmem:s12] =	stream.linear.scatter [tilespmem:s17], [sflag:$0x3], $0x2000, $0x38;
	[tilespmem:$0x1E800] =	vst v63  }
0x2b: {  	_ =	swait.ge [sflag:s18], $0x2000  }
0x2c: {  	[sflag:s18] =	ssyncset.done $0x0  }
0x2d: {  	[sflag:s18] =	ssyncadd.s32 $0xFFFFE000  }
0x2e: {  	[spmem:s13] =	stream.linear.scatter [tilespmem:s17], [sflag:$0x3], $0x2000, $0x38;
	[tilespmem:$0x1E800] =	vst v63  }
0x2f: {  	_ =	swait.ge [sflag:s18], $0x2000  }
0x30: {  	[sflag:s18] =	ssyncset.done $0x0  }
0x31: {  	[sflag:s18] =	ssyncadd.s32 $0xFFFFE000  }
0x32: {  	[spmem:s14] =	stream.linear.scatter [tilespmem:s17], [sflag:$0x3], $0x2000, $0x38;
	[tilespmem:$0x1E800] =	vst v63  }
0x33: {  	_ =	swait.ge [sflag:s18], $0x2000  }
0x34: {  	[sflag:s18] =	ssyncset.done $0x0  }
0x35: {  	[sflag:s18] =	ssyncadd.s32 $0xFFFFE000  }
0x36: {  	[spmem:s15] =	stream.linear.scatter [tilespmem:s17], [sflag:$0x3], $0x2000, $0x38;
	[tilespmem:$0x1E800] =	vst v63  }
0x37: {  	_ =	swait.ge [sflag:s18], $0x2000  }
0x38: {  	[sflag:s18] =	ssyncset.done $0x0  }
0x39: {  	[sflag:s18] =	ssyncadd.s32 $0xFFFFE000  }
0x3a: {  	[spmem:s16] =	stream.linear.scatter [tilespmem:s17], [sflag:$0x3], $0x2000, $0x38;
	[tilespmem:$0x1E800] =	vst v63  }
0x3b: {  	_ =	swait.ge [sflag:s18], $0x2000  }
0x3c: {  	[sflag:s18] =	ssyncset.done $0x0  }
0x3d: {  	[sflag:s18] =	ssyncadd.s32 $0xFFFFE000  }
0x3e: {  	[bflag:$0x0] =	sbarrier.arrive $0xFFFF  }
0x3f: {  	[tilespmem:s2], [sflag:$0x3] =	stream.linear.gather [hbm4b:s19+s2], $0x1400, $0x38;
	[tilespmem:$0x1E800] =	vst v63  }
0x40: {  	_ =	swait.ge [sflag:s18], $0x1400  }
0x41: {  	[sflag:s18] =	ssyncset.done $0x0  }
0x42: {  	[sflag:s18] =	ssyncadd.s32 $0xFFFFEC00  }
0x43: {  	[tilespmem:s21], [sflag:$0x3] =	stream.linear.gather [hbm4b:s20+s2], $0x1400, $0x38;
	[tilespmem:$0x1E800] =	vst v63  }
0x44: {  	_ =	swait.ge [sflag:s18], $0x1400  }
0x45: {  	[sflag:s18] =	ssyncset.done $0x0  }
0x46: {  	[sflag:s18] =	ssyncadd.s32 $0xFFFFEC00  }
0x47: {  	[tilespmem:s17], [sflag:$0x1] =	stream.indirect.gather [hbm4b:s4+s22], $0x80, s2, s22, $0xb8;
	[tilespmem:$0x1E800] =	vst v63  }
0x48: {  	_ = 	snop  }
0x49: {  	[tilespmem:s23], [sflag:$0x2] =	stream.indirect.gather [hbm4b:s4+s22], $0x80, s22, s22, $0xb8;
	[tilespmem:$0x1E800] =	vst v63  }
0x4a: {  	_ =	swait.ge [sflag:s25], $0x4000  }
0x4b: {  	[sflag:s25] =	ssyncset.done $0x0  }
0x4c: {  	s0 =	simm.s32 $0x1400;
	[sflag:s25] =	ssyncadd.s32 $0xFFFFC000  }
0x4d: {  	[spmem:s1] =	stream.indirect.scatter.add.f32 [tilespmem:s17], [sflag:$0x3], $0x80, s0, s22, $0xb8;
	[tilespmem:$0x1E800] =	vst v63  }
0x4e: {  	_ =	swait.ge [sflag:s18], $0x4000  }
0x4f: {  	[sflag:s18] =	ssyncset.done $0x0  }
0x50: {  	s3 =	simm.s32 $0x100;
	[sflag:s18] =	ssyncadd.s32 $0xFFFFC000  }
0x51: {  	[tilespmem:s17], [sflag:$0x1] =	stream.indirect.gather [hbm4b:s4+s22], $0x80, s3, s22, $0xb8;
	[tilespmem:$0x1E800] =	vst v63  }
0x52: {  	_ =	swait.ge [sflag:s26], $0x4000  }
0x53: {  	[sflag:s26] =	ssyncset.done $0x0  }
0x54: {  	s3 =	simm.s32 $0x1480;
	[sflag:s26] =	ssyncadd.s32 $0xFFFFC000  }
0x55: {  	[spmem:s1] =	stream.indirect.scatter.add.f32 [tilespmem:s23], [sflag:$0x3], $0x80, s3, s22, $0xb8;
	[tilespmem:$0x1E800] =	vst v63  }
0x56: {  	_ =	swait.ge [sflag:s18], $0x4000  }
0x57: {  	[sflag:s18] =	ssyncset.done $0x0  }
0x58: {  	s31 =	simm.s32 $0x400;
	s0 =	simm.s32 $0x180;
	[sflag:s18] =	ssyncadd.s32 $0xFFFFC000  }
.LBB2_2:
0x59: {  	[tilespmem:s23], [sflag:$0x2] =	stream.indirect.gather [hbm4b:s4+s22], $0x80, s0, s22, $0xb8;
	[tilespmem:$0x1E800] =	vst v63  }
0x5a: {  	s0 =	smov.u32 s31  }
0x5b: {  	p0 =	sne.s32 s31, $0x4800;
	s31 =	sadd.s32 $0x400, s31;
	_ =	swait.ge [sflag:s25], $0x4000  }
0x5c: {  	s0 =	sshra.s32 s0, $0x2;
	[sflag:s25] =	ssyncset.done $0x0  }
0x5d: {  	s3 =	sadd.s32 $0x1400, s0;
	[sflag:s25] =	ssyncadd.s32 $0xFFFFC000  }
0x5e: {  	[spmem:s1] =	stream.indirect.scatter.add.f32 [tilespmem:s17], [sflag:$0x3], $0x80, s3, s22, $0xb8;
	[tilespmem:$0x1E800] =	vst v63  }
0x5f: {  	_ =	swait.ge [sflag:s18], $0x4000  }
0x60: {  	[sflag:s18] =	ssyncset.done $0x0  }
0x61: {  	s3 =	sadd.s32 $0x100, s0;
	[sflag:s18] =	ssyncadd.s32 $0xFFFFC000  }
0x62: {  	[tilespmem:s17], [sflag:$0x1] =	stream.indirect.gather [hbm4b:s4+s22], $0x80, s3, s22, $0xb8;
	[tilespmem:$0x1E800] =	vst v63  }
0x63: {  	_ =	swait.ge [sflag:s26], $0x4000  }
0x64: {  	[sflag:s26] =	ssyncset.done $0x0  }
.Ltmp0:
0x65: {  	s3 =	sadd.s32 $0x1480, s0;
	[sflag:s26] =	ssyncadd.s32 $0xFFFFC000;
	(pc) =	sbr.rel @p0 .LBB2_2-.Ltmp0, $4  }
0x66: {  	[spmem:s1] =	stream.indirect.scatter.add.f32 [tilespmem:s23], [sflag:$0x3], $0x80, s3, s22, $0xb8;
	[tilespmem:$0x1E800] =	vst v63  }
0x67: {  	_ =	swait.ge [sflag:s18], $0x4000  }
0x68: {  	[sflag:s18] =	ssyncset.done $0x0  }
0x69: {  	s0 =	sadd.s32 $0x180, s0;
	[sflag:s18] =	ssyncadd.s32 $0xFFFFC000  }
0x6a: {  	[tilespmem:s23], [sflag:$0x2] =	stream.indirect.gather [hbm4b:s4+s22], $0x80, s0, s22, $0xb8;
	[tilespmem:$0x1E800] =	vst v63  }
0x6b: {  	_ =	swait.ge [sflag:s25], $0x4000  }
0x6c: {  	[sflag:s25] =	ssyncset.done $0x0  }
0x6d: {  	[sflag:s25] =	ssyncadd.s32 $0xFFFFC000  }
0x6e: {  	[spmem:s1] =	stream.indirect.scatter.add.f32 [tilespmem:s17], [sflag:$0x3], $0x80, s28, s22, $0xb8;
	[tilespmem:$0x1E800] =	vst v63  }
0x6f: {  	_ =	swait.ge [sflag:s18], $0x4000  }
0x70: {  	[sflag:s18] =	ssyncset.done $0x0  }
0x71: {  	[sflag:s18] =	ssyncadd.s32 $0xFFFFC000  }
0x72: {  	_ =	swait.ge [sflag:s26], $0x4000  }
0x73: {  	[sflag:s26] =	ssyncset.done $0x0  }
0x74: {  	[sflag:s26] =	ssyncadd.s32 $0xFFFFC000  }
0x75: {  	[spmem:s1] =	stream.indirect.scatter.add.f32 [tilespmem:s23], [sflag:$0x3], $0x80, s29, s22, $0xb8;
	[tilespmem:$0x1E800] =	vst v63  }
0x76: {  	_ =	swait.ge [sflag:s18], $0x4000  }
0x77: {  	[sflag:s18] =	ssyncset.done $0x0  }
0x78: {  	s0 =	sadd.s32 $0x280, s19;
	s3 =	simm.s32 $0x0;
	[sflag:s18] =	ssyncadd.s32 $0xFFFFC000  }
0x79: {  	[tilespmem:s3], [sflag:$0x3] =	stream.linear.gather [hbm4b:s0+s3], $0x1400, $0x38;
	[tilespmem:$0x1E800] =	vst v63  }
0x7a: {  	_ =	swait.ge [sflag:s18], $0x1400  }
0x7b: {  	[sflag:s18] =	ssyncset.done $0x0  }
0x7c: {  	s0 =	sadd.s32 $0x280, s20;
	[sflag:s18] =	ssyncadd.s32 $0xFFFFEC00  }
0x7d: {  	[tilespmem:s21], [sflag:$0x3] =	stream.linear.gather [hbm4b:s0+s3], $0x1400, $0x38;
	[tilespmem:$0x1E800] =	vst v63  }
0x7e: {  	_ =	swait.ge [sflag:s18], $0x1400  }
0x7f: {  	[sflag:s18] =	ssyncset.done $0x0  }
0x80: {  	[sflag:s18] =	ssyncadd.s32 $0xFFFFEC00  }
0x81: {  	[tilespmem:s17], [sflag:$0x1] =	stream.indirect.gather [hbm4b:s4+s22], $0x80, s3, s22, $0xb8;
	[tilespmem:$0x1E800] =	vst v63  }
0x82: {  	_ = 	snop  }
0x83: {  	[tilespmem:s23], [sflag:$0x2] =	stream.indirect.gather [hbm4b:s4+s22], $0x80, s22, s22, $0xb8;
	[tilespmem:$0x1E800] =	vst v63  }
0x84: {  	_ =	swait.ge [sflag:s25], $0x4000  }
0x85: {  	[sflag:s25] =	ssyncset.done $0x0  }
0x86: {  	s3 =	simm.s32 $0x1400;
	[sflag:s25] =	ssyncadd.s32 $0xFFFFC000  }
0x87: {  	[spmem:s1] =	stream.indirect.scatter.add.f32 [tilespmem:s17], [sflag:$0x3], $0x80, s3, s22, $0xb8;
	[tilespmem:$0x1E800] =	vst v63  }
0x88: {  	_ =	swait.ge [sflag:s18], $0x4000  }
0x89: {  	[sflag:s18] =	ssyncset.done $0x0  }
0x8a: {  	s3 =	simm.s32 $0x100;
	[sflag:s18] =	ssyncadd.s32 $0xFFFFC000  }
0x8b: {  	[tilespmem:s17], [sflag:$0x1] =	stream.indirect.gather [hbm4b:s4+s22], $0x80, s3, s22, $0xb8;
	[tilespmem:$0x1E800] =	vst v63  }
0x8c: {  	_ =	swait.ge [sflag:s26], $0x4000  }
0x8d: {  	[sflag:s26] =	ssyncset.done $0x0  }
0x8e: {  	s3 =	simm.s32 $0x1480;
	[sflag:s26] =	ssyncadd.s32 $0xFFFFC000  }
0x8f: {  	[spmem:s1] =	stream.indirect.scatter.add.f32 [tilespmem:s23], [sflag:$0x3], $0x80, s3, s22, $0xb8;
	[tilespmem:$0x1E800] =	vst v63  }
0x90: {  	_ =	swait.ge [sflag:s18], $0x4000  }
0x91: {  	[sflag:s18] =	ssyncset.done $0x0  }
0x92: {  	s31 =	simm.s32 $0x400;
	s0 =	simm.s32 $0x180;
	[sflag:s18] =	ssyncadd.s32 $0xFFFFC000  }
.LBB2_4:
0x93: {  	[tilespmem:s23], [sflag:$0x2] =	stream.indirect.gather [hbm4b:s4+s22], $0x80, s0, s22, $0xb8;
	[tilespmem:$0x1E800] =	vst v63  }
0x94: {  	s0 =	smov.u32 s31  }
0x95: {  	p0 =	sne.s32 s31, $0x4800;
	s31 =	sadd.s32 $0x400, s31;
	_ =	swait.ge [sflag:s25], $0x4000  }
0x96: {  	s0 =	sshra.s32 s0, $0x2;
	[sflag:s25] =	ssyncset.done $0x0  }
0x97: {  	s3 =	sadd.s32 $0x1400, s0;
	[sflag:s25] =	ssyncadd.s32 $0xFFFFC000  }
0x98: {  	[spmem:s1] =	stream.indirect.scatter.add.f32 [tilespmem:s17], [sflag:$0x3], $0x80, s3, s22, $0xb8;
	[tilespmem:$0x1E800] =	vst v63  }
0x99: {  	_ =	swait.ge [sflag:s18], $0x4000  }
0x9a: {  	[sflag:s18] =	ssyncset.done $0x0  }
0x9b: {  	s3 =	sadd.s32 $0x100, s0;
	[sflag:s18] =	ssyncadd.s32 $0xFFFFC000  }
0x9c: {  	[tilespmem:s17], [sflag:$0x1] =	stream.indirect.gather [hbm4b:s4+s22], $0x80, s3, s22, $0xb8;
	[tilespmem:$0x1E800] =	vst v63  }
0x9d: {  	_ =	swait.ge [sflag:s26], $0x4000  }
0x9e: {  	[sflag:s26] =	ssyncset.done $0x0  }
.Ltmp1:
0x9f: {  	s3 =	sadd.s32 $0x1480, s0;
	[sflag:s26] =	ssyncadd.s32 $0xFFFFC000;
	(pc) =	sbr.rel @p0 .LBB2_4-.Ltmp1, $4  }
0xa0: {  	[spmem:s1] =	stream.indirect.scatter.add.f32 [tilespmem:s23], [sflag:$0x3], $0x80, s3, s22, $0xb8;
	[tilespmem:$0x1E800] =	vst v63  }
0xa1: {  	_ =	swait.ge [sflag:s18], $0x4000  }
0xa2: {  	[sflag:s18] =	ssyncset.done $0x0  }
0xa3: {  	s0 =	sadd.s32 $0x180, s0;
	[sflag:s18] =	ssyncadd.s32 $0xFFFFC000  }
0xa4: {  	[tilespmem:s23], [sflag:$0x2] =	stream.indirect.gather [hbm4b:s4+s22], $0x80, s0, s22, $0xb8;
	[tilespmem:$0x1E800] =	vst v63  }
0xa5: {  	_ =	swait.ge [sflag:s25], $0x4000  }
0xa6: {  	[sflag:s25] =	ssyncset.done $0x0  }
0xa7: {  	[sflag:s25] =	ssyncadd.s32 $0xFFFFC000  }
0xa8: {  	[spmem:s1] =	stream.indirect.scatter.add.f32 [tilespmem:s17], [sflag:$0x3], $0x80, s28, s22, $0xb8;
	[tilespmem:$0x1E800] =	vst v63  }
0xa9: {  	_ =	swait.ge [sflag:s18], $0x4000  }
0xaa: {  	[sflag:s18] =	ssyncset.done $0x0  }
0xab: {  	[sflag:s18] =	ssyncadd.s32 $0xFFFFC000  }
0xac: {  	_ =	swait.ge [sflag:s26], $0x4000  }
0xad: {  	[sflag:s26] =	ssyncset.done $0x0  }
0xae: {  	[sflag:s26] =	ssyncadd.s32 $0xFFFFC000  }
0xaf: {  	[spmem:s1] =	stream.indirect.scatter.add.f32 [tilespmem:s23], [sflag:$0x3], $0x80, s29, s22, $0xb8;
	[tilespmem:$0x1E800] =	vst v63  }
0xb0: {  	s31 =	stileid.u32;
	_ =	swait.ge [sflag:s18], $0x4000  }
0xb1: {  	s3 =	sshrl.u32 s6, $0x3;
	s30 =	sadd.s32 $0x1, s30;
	[sflag:s18] =	ssyncset.done $0x0  }
0xb2: {  	s0 =	sshll.u32 s31, $0x6;
	p0 =	sne.s32 s30, s7;
	[sflag:s18] =	ssyncadd.s32 $0xFFFFC000  }
.Ltmp2:
0xb3: {  	s0 =	sor.u32 $0x1C03, s0;
	[bflag:$0x0] =	sbarrier.arrive $0xFFFF;
	(pc) =	sbr.rel @p0 .LBB2_1-.Ltmp2, $4  }
0xb4: {  	[hbm:s24], [sflag:s0] =	dma.local [spmem:s3], $0x2800  }
0xb5: {  	_ =	swait.ge [sflag:s18], $0x2800  }
0xb6: {  	[sflag:s18] =	ssyncset.done $0x0  }
0xb7: {  	[sflag:s18] =	ssyncadd.s32 $0xFFFFD800  }
0xb8: {  	_ =	sfence.sel $0x180000  }
0xb9: {  	[bflag:$0x0] =	sbarrier.arrive $0xFFFF  }
0xba: {  	_ =	strace $0x90000056  }
0xbb: {  	s0 =	stileid.u32;
	[bflag:$0x2] =	sbarrier.arrive $0xFFFF  }
0xbc: {  	p0 =	sne.s32 s0, $0x0;
	s0 =	rddreg [dreg:$0x2]  }
0xbd: {  	s0 =	sadd.s32 @!p0 $0x100000, s0  }
0xbe: {  	[sflag:s0] =	ssyncadd.tile.s32 @!p0 $0x1;
	_ =	shalt  }
.Lfunc_end2:
_tile_overlayer_lowered:
.L_overlay_start_2:
0xbf: {  	(tag) =	ssettag $0x2  }
0xc0: {  	s0 =	rddreg [dreg:$0x0];
	s2 =	stileid.u32  }
0xc1: {  	s1 =	rddreg [dreg:$0x1];
	p0 =	sne.s32 s2, $0x0  }
0xc2: {  	s3 =	rddreg [dreg:$0x2];
	[bflag:$0x3] =	sbarrier.arrive $0xFFFF;
	s2 =	simm.s32 @!p0 $0x1C03  }
0xc3: {  	[timem:s3], [sflag:s2] =	dma.local @!p0 [hbm:s0], s1  }
0xc4: {  	s0 =	simm.s32 @!p0 $0x3  }
0xc5: {  	_ =	swait.ge @!p0 [sflag:s0], s1  }
0xc6: {  	s1 =	ssub.s32 @!p0 $0x0, s1;
	[sflag:s0] =	ssyncset.done @!p0 $0x0  }
0xc7: {  	[sflag:s0] =	ssyncadd.s32 @!p0 s1  }
0xc8: {  	[bflag:$0x3] =	sbarrier.arrive $0xFFFF  }
0xc9: {  	_ =	shalt  }

// kernel: kernel.37.cloned.1.call-start
scs
__scs_entry_jumppad:
0x0: {  	(pc) =	sbr.rel $0x88, $3  }
0x1: {  	(tag) =	ssettag $0x0;
	lr =	simm.s32 $0x1  }
0x2: {  	[smem:$0x3F91] =	sst lr;
	_ =	strace $0xD0000000  }
0x3: {  	_ = 	snop  }
0x4: {  	_ = 	snop  }
0x5: {  	_ = 	snop  }
0x6: {  	_ = 	snop  }
0x7: {  	_ = 	snop  }
__scs_overlays_trampoline_lowered:
0x8: {  	[smem:$0x3FA0] =	sst s0  }
0x9: {  	[smem:$0x3FA1] =	sst s1  }
0xa: {  	[smem:$0x3FA2] =	sst s2  }
0xb: {  	[smem:$0x3FA3] =	sst s3  }
0xc: {  	[smem:$0x3FA4] =	sst s4  }
0xd: {  	[smem:$0x3FA5] =	sst s5  }
0xe: {  	[smem:$0x3FA6] =	sst s6  }
0xf: {  	[smem:$0x3FA7] =	sst s7  }
0x10: {  	[smem:$0x3FA8] =	sst s8  }
0x11: {  	[smem:$0x3FA9] =	sst s9;
	s0 =	simm.s32 @!p0 $0x0  }
0x12: {  	s1 =	sld [smem:$0x3F8F];
	s0 =	simm.s32 @p0 $0x1  }
0x13: {  	[smem:$0x3FAA] =	sst s0;
	s0 =	simm.s32 @!p1 $0x0  }
0x14: {  	s2 =	sld [smem:$0x3F8E];
	s0 =	simm.s32 @p1 $0x1  }
0x15: {  	[smem:$0x3FAB] =	sst s0;
	s0 =	simm.s32 @!p2 $0x0  }
0x16: {  	s3 =	sld [smem:$0x3FDB];
	s0 =	simm.s32 @p2 $0x1  }
0x17: {  	s4 =	simm.s32 $0x1BF5;
	[smem:$0x3FAD] =	sst s0  }
0x18: {  	s0 =	sld [smem:$0x3F90];
	_ =	swait.ge [sflag:s4], $0x0  }
0x19: {  	s7 =	sld [smem:$0x3F91]  }
0x1a: {  	s8 =	sadd.s32 $0xFFFFE003, lr  }
0x1b: {  	s9 =	sadd.s32 $0xFFFFFEF7, lr;
	s5 =	simm.s32 $0xFFFFFFFF;
	p2 =	slt.u32 s8, $0xFFFFF086  }
0x1c: {  	p1 =	slt.u32 s9, $0xF7A;
	s5 =	simm.s32 @!p2 $0x0  }
0x1d: {  	s5 =	simm.s32 @p1 $0x1;
	p0 =	seq.s32 s7, s2  }
0x1e: {  	s7 =	smul.u32 @!p0 $0xF7A, s2;
	p2 =	seq.s32 @!p0 s5, $0x0  }
0x1f: {  	s9 =	smul.u32 $0xF7A, s1;
	s8 =	simm.s32 @!p0 $0x1BF5;
	p2 =	por !p2, p0  }
0x20: {  	[sflag:s8] =	ssyncset.s32 @!p0 $0xFFFFF086;
	s6 =	sadd.s32 @!p0 s3, s7;
	s7 =	simm.s32 @!p0 $0x108  }
0x21: {  	s3 =	sadd.s32 s3, s9;
	s6 =	sadd.s32 @!p0 $0x88, s6;
	s7 =	simm.s32 @p2 $0x1082  }
0x22: {  	[simem:s7], [sflag:s8] =	dma.local @!p0 [hbm:s6], $0xF7A  }
0x23: {  	s9 =	sor.u32 $0xD0000000, s2;
	s6 =	simm.s32 $0x108;
	_ =	swait.ge @!p0 [sflag:s8], $0x0  }
0x24: {  	s3 =	sadd.s32 $0x88, s3;
	s6 =	simm.s32 @!p1 $0x1082;
	[sflag:s4] =	ssyncset.s32 $0xFFFFF086  }
0x25: {  	[simem:s6], [sflag:s4] =	dma.local [hbm:s3], $0xF7A  }
0x26: {  	[smem:$0x3F91] =	sst s1;
	(tag) =	ssettag s2;
	_ =	strace s9  }
0x27: {  	s1 =	sld [smem:$0x3FA1]  }
0x28: {  	s2 =	sld [smem:$0x3FA2]  }
0x29: {  	s4 =	sld [smem:$0x3FA4]  }
0x2a: {  	p0 =	seq.s32 s5, $0x0;
	s5 =	sld [smem:$0x3FA5]  }
0x2b: {  	s6 =	sld [smem:$0x3FA6]  }
0x2c: {  	s7 =	sld [smem:$0x3FA7]  }
0x2d: {  	s3 =	simm.s32 $0x108;
	s8 =	sld [smem:$0x3FA8]  }
0x2e: {  	s3 =	simm.s32 @!p0 $0x1082;
	s9 =	sld [smem:$0x3FA9]  }
0x2f: {  	lr =	sadd.s32 s0, s3;
	s0 =	sld [smem:$0x3FA0]  }
0x30: {  	s3 =	sld [smem:$0x3FA3]  }
0x31: {  	[smem:$0x3FAC] =	sst s10  }
0x32: {  	s10 =	sld [smem:$0x3FAA];
	_ =	sdelay $0x3  }
0x33: {  	p0 =	seq.s32 s10, $0x1;
	s10 =	sld [smem:$0x3FAC];
	_ =	sdelay $0x3  }
0x34: {  	[smem:$0x3FAC] =	sst s10  }
0x35: {  	s10 =	sld [smem:$0x3FAB];
	_ =	sdelay $0x3  }
0x36: {  	p1 =	seq.s32 s10, $0x1;
	s10 =	sld [smem:$0x3FAC];
	_ =	sdelay $0x3  }
0x37: {  	[smem:$0x3FAC] =	sst s10  }
0x38: {  	s10 =	sld [smem:$0x3FAD]  }
0x39: {  	_ = 	snop;
	(pc) =	sbr.ind lr, $3  }
0x3a: {  	_ = 	snop  }
0x3b: {  	_ = 	snop  }
0x3c: {  	p2 =	seq.s32 s10, $0x1;
	s10 =	sld [smem:$0x3FAC]  }
0x3d: {  	_ =	shalt  }
0x3e: {  	_ =	shalt  }
0x3f: {  	_ =	shalt  }
0x40: {  	_ =	shalt  }
0x41: {  	_ =	shalt  }
0x42: {  	_ =	shalt  }
0x43: {  	_ =	shalt  }
0x44: {  	_ =	shalt  }
0x45: {  	_ =	shalt  }
0x46: {  	_ =	shalt  }
0x47: {  	_ =	shalt  }
0x48: {  	_ =	shalt  }
0x49: {  	_ =	shalt  }
0x4a: {  	_ =	shalt  }
0x4b: {  	_ =	shalt  }
0x4c: {  	_ =	shalt  }
0x4d: {  	_ =	shalt  }
0x4e: {  	_ =	shalt  }
0x4f: {  	_ =	shalt  }
0x50: {  	_ =	shalt  }
0x51: {  	_ =	shalt  }
0x52: {  	_ =	shalt  }
0x53: {  	_ =	shalt  }
0x54: {  	_ =	shalt  }
0x55: {  	_ =	shalt  }
0x56: {  	_ =	shalt  }
0x57: {  	_ =	shalt  }
0x58: {  	_ =	shalt  }
0x59: {  	_ =	shalt  }
0x5a: {  	_ =	shalt  }
0x5b: {  	_ =	shalt  }
0x5c: {  	_ =	shalt  }
0x5d: {  	_ =	shalt  }
0x5e: {  	_ =	shalt  }
0x5f: {  	_ =	shalt  }
0x60: {  	_ =	shalt  }
0x61: {  	_ =	shalt  }
0x62: {  	_ =	shalt  }
0x63: {  	_ =	shalt  }
0x64: {  	_ =	shalt  }
0x65: {  	_ =	shalt  }
0x66: {  	_ =	shalt  }
0x67: {  	_ =	shalt  }
0x68: {  	_ =	shalt  }
0x69: {  	_ =	shalt  }
0x6a: {  	_ =	shalt  }
0x6b: {  	_ =	shalt  }
0x6c: {  	_ =	shalt  }
0x6d: {  	_ =	shalt  }
0x6e: {  	_ =	shalt  }
0x6f: {  	_ =	shalt  }
0x70: {  	_ =	shalt  }
0x71: {  	_ =	shalt  }
0x72: {  	_ =	shalt  }
0x73: {  	_ =	shalt  }
0x74: {  	_ =	shalt  }
0x75: {  	_ =	shalt  }
0x76: {  	_ =	shalt  }
0x77: {  	_ =	shalt  }
0x78: {  	_ =	shalt  }
0x79: {  	_ =	shalt  }
0x7a: {  	_ =	shalt  }
0x7b: {  	_ =	shalt  }
0x7c: {  	_ =	shalt  }
0x7d: {  	_ =	shalt  }
0x7e: {  	_ =	shalt  }
0x7f: {  	_ =	shalt  }
0x80: {  	_ =	shalt  }
0x81: {  	_ =	shalt  }
0x82: {  	_ =	shalt  }
0x83: {  	_ =	shalt  }
0x84: {  	_ =	shalt  }
0x85: {  	_ =	shalt  }
0x86: {  	_ =	shalt  }
0x87: {  	_ =	shalt  }
.Lfunc_end0:
.L_simem_size_0:
called_computation.6_lowered:
.L_overlay_start_0:
0x88: {  	s2 =	sld [smem:$0x3FD9]  }
0x89: {  	s3 =	sld [smem:$0x3FFE];
	_ =	sdelay $0x1  }
0x8a: {  	s1 =	srdreg.scid  }
0x8b: {  	s0 =	sand.u32 $0x1, s1  }
0x8c: {  	s16 =	sshll.u32 s0, $0xA;
	s2 =	sadd.s32 s3, s2  }
0x8d: {  	s2 =	sadd.s32 s2, s16  }
0x8e: {  	[smem:$0x3FB8] =	sst s2  }
0x8f: {  	_ = 	snop  }
0x90: {  	(tm) =	ssettm $0x1  }
0x91: {  	s17 =	sld [smem:$0x3FFB];
	_ =	sdelay $0x3  }
0x92: {  	_ =	strace s17  }
0x93: {  	s2 =	sld [smem:$0x3FFC];
	_ =	sdelay $0x3  }
0x94: {  	_ =	strace s2  }
0x95: {  	s2 =	sld [smem:$0x3FFD];
	_ =	sdelay $0x3  }
0x96: {  	_ =	strace s2  }
0x97: {  	_ =	strace $0x8FFFFFFF  }
0x98: {  	s18 =	sld [smem:$0x3FDB];
	_ =	sdelay $0x1  }
0x99: {  	s19 =	simm.s32 $_scs_section_size  }
0x9a: {  	s4 =	simm.s32 $_size__tile_overlayer_lowered;
	s5 =	simm.s32 $_tile_overlayer_lowered  }
0x9b: {  	s22 =	simm.s32 $0x1BFF;
	s21 =	sshll.u32 s5, $0x1;
	s2 =	sadd.s32 s19, s18  }
0x9c: {  	s6 =	simm.s32 $0x0;
	s20 =	sshll.u32 s4, $0x1;
	s4 =	sadd.s32 s21, s2  }
0x9d: {  	[timem:s6], [sflag:s22] =	dma.local [hbm:s4], s20  }
0x9e: {  	_ =	swait.ge [sflag:s22], s20  }
0x9f: {  	s3 =	ssub.s32 $0x0, s20;
	[sflag:s22] =	ssyncset.done $0x0  }
0xa0: {  	[sflag:s22] =	ssyncadd.s32 s3;
	_ =	sdelay $0x1  }
0xa1: {  	s23 =	simm.s32 $0x1B8B  }
0xa2: {  	_ =	swait.ge [sflag:s23], $0x1  }
0xa3: {  	[sflag:s23] =	ssyncset.done $0x0  }
0xa4: {  	s25 =	simm.s32 $0x1B8E;
	s24 =	sld [smem:$0x3FFE];
	[sflag:s23] =	ssyncadd.s32 $0xFFFFFFFF  }
0xa5: {  	s26 =	simm.s32 $execute0_lowered;
	[smem:$0x3FD2] =	sst s25  }
0xa6: {  	s4 =	sshll.u32 s26, $0x1;
	_ =	strace $0x80000058;
	[dreg:$0x1] =	wrdreg $0xFFFFFFFF  }
0xa7: {  	s28 =	simm.s32 $_size_execute0_lowered;
	s2 =	sadd.s32 s2, s4;
	[dreg:$0x0] =	wrdreg $0x0  }
0xa8: {  	s4 =	sshll.u32 s28, $0x1;
	[dreg:$0x2] =	wrdreg s2  }
0xa9: {  	[dreg:$0x3] =	wrdreg s4  }
0xaa: {  	[dreg:$0x4] =	wrdreg $0xC0  }
0xab: {  	_ =	task [dreg:s6], $0x5FFFF  }
0xac: {  	[dreg:$0x1] =	wrdreg $0xFFFFFFFF  }
0xad: {  	[dreg:$0x0] =	wrdreg $0x60  }
0xae: {  	[dreg:$0x2] =	wrdreg s24  }
0xaf: {  	[dreg:$0x3] =	wrdreg $0xA8000  }
0xb0: {  	[dreg:$0x4] =	wrdreg $0x9  }
0xb1: {  	_ =	task.clear_ibuf [dreg:s6], $0x5FFFF;
	_ =	strace $0x90000058  }
0xb2: {  	s29 =	simm.s32 $0x9;
	_ =	strace $0x8000005A  }
0xb3: {  	_ =	swait.ge [sflag:s29], $0x1  }
0xb4: {  	[sflag:s29] =	ssyncadd.s32 $0xFFFFFFFF  }
0xb5: {  	_ =	strace $0x9000005A  }
0xb6: {  	_ =	sfence  }
0xb7: {  	s30 =	sld [smem:$0x0];
	_ =	sdelay $0x2  }
0xb8: {  	s31 =	sshll.u32 s1, $0xD;
	s1 =	sshrl.u32 s1, $0x2  }
0xb9: {  	s3 =	sand.u32 $0x4000, s31;
	s1 =	sadd.s32 s1, s30  }
0xba: {  	s0 =	sor.u32 s3, s0;
	s1 =	sshll.u32 s1, $0x11  }
0xbb: {  	s0 =	sor.u32 s1, s0  }
0xbc: {  	s0 =	sadd.s32 $0x8F2B, s0  }
0xbd: {  	[sflag:s0] =	ssyncadd.remote.s32 $0x1  }
0xbe: {  	_ =	sfence.sel $0xFFFF  }
0xbf: {  	[dreg:$0x0] =	wrdreg $0xFFFFFFFF;
	(pc) =	sbr.abs _section_cstart, $3  }
0xc0: {  	[dreg:$0x1] =	wrdreg $0xFFFFFFFF  }
0xc1: {  	_ =	task.clear_ibuf [dreg:s6], $0x2FFFF;
	_ =	strace $0x9FFFFFFF  }
0xc2: {  	(tm) =	ssettm $0x7FFFFFFF  }
0xc3: {  	_ =	shalt  }
tec
execute0_lowered:
.L_overlay_start_1:
0x0: {  	(tag) =	ssettag $0x1  }
0x1: {  	s0 =	rddreg [dreg:$0x0]  }
0x2: {  	s1 =	rddreg [dreg:$0x1];
	s3 =	srdreg.scid  }
0x3: {  	s2 =	simm.s32 $0x0;
	s26 =	stileid.u32;
	s17 =	simm.s32 $0x2800  }
0x4: {  	s18 =	simm.s32 $0x3;
	s22 =	simm.s32 $0x80;
	s23 =	simm.s32 $0x6800  }
0x5: {  	s25 =	simm.s32 $0x1;
	s28 =	simm.s32 $0x2700;
	s8 =	smul.u32 $0x50000, s26  }
0x6: {  	s29 =	simm.s32 $0x2780;
	s30 =	simm.s32 $0x0;
	s20 =	smul.u32 $0x500, s26  }
0x7: {  	s6 =	sand.u32 $0x1, s3;
	[smem:$0x7FF] =	sst s2;
	s24 =	smul.u32 $0x2800, s26  }
0x8: {  	s4 =	sadd.s32 $0x10400, s0;
	s26 =	simm.s32 $0x2;
	s5 =	smul.u32 $0x5000, s6  }
0x9: {  	s7 =	smul.u32 $0x28000, s6;
	_ =	strace $0x80000059;
	s6 =	ssub.s32 $0x2, s6  }
0xa: {  	s31 =	sshrl.u32 s6, $0x1;
	s8 =	sshrl.u32 s8, $0x2;
	s9 =	sadd.s32 s5, s0  }
0xb: {  	s5 =	sadd.s32 $0x10000, s0;
	s0 =	sadd.s32 s7, s0;
	s7 =	ssub.s32 s6, s31  }
0xc: {  	s6 =	sadd.s32 s8, s1;
	s19 =	sadd.s32 $0x60C00, s9;
	s21 =	sadd.s32 $0x6000, s9  }
0xd: {  	s0 =	sadd.s32 $0x6AC00, s0;
	s7 =	smax.u32 s7, $0x1;
	s8 =	sadd.s32 $0x2000, s6  }
0xe: {  	s9 =	sadd.s32 $0x4000, s6;
	s10 =	sadd.s32 $0x6000, s6;
	s11 =	sadd.s32 $0x8000, s6  }
0xf: {  	s12 =	sadd.s32 $0xA000, s6;
	s13 =	sadd.s32 $0xC000, s6;
	s14 =	sadd.s32 $0xE000, s6  }
0x10: {  	s15 =	sadd.s32 $0x10000, s6;
	s16 =	sadd.s32 $0x12000, s6;
	s19 =	sadd.s32 s20, s19  }
0x11: {  	s20 =	sadd.s32 s20, s21;
	s21 =	simm.s32 $0x1400;
	s24 =	sadd.s32 s24, s0  }
.LBB2_1:
0x12: {  	[tilespmem:s17], [sflag:$0x3] =	stream.linear.gather [hbm4b:s5+s2], $0x2000, $0x38;
	[tilespmem:$0x1E800] =	vst v63  }
0x13: {  	_ =	swait.ge [sflag:s18], $0x2000  }
0x14: {  	[sflag:s18] =	ssyncset.done $0x0  }
0x15: {  	[sflag:s18] =	ssyncadd.s32 $0xFFFFE000  }
0x16: {  	[spmem:s6] =	stream.linear.scatter [tilespmem:s17], [sflag:$0x3], $0x2000, $0x38;
	[tilespmem:$0x1E800] =	vst v63  }
0x17: {  	_ =	swait.ge [sflag:s18], $0x2000  }
0x18: {  	[sflag:s18] =	ssyncset.done $0x0  }
0x19: {  	[sflag:s18] =	ssyncadd.s32 $0xFFFFE000  }
0x1a: {  	[spmem:s8] =	stream.linear.scatter [tilespmem:s17], [sflag:$0x3], $0x2000, $0x38;
	[tilespmem:$0x1E800] =	vst v63  }
0x1b: {  	_ =	swait.ge [sflag:s18], $0x2000  }
0x1c: {  	[sflag:s18] =	ssyncset.done $0x0  }
0x1d: {  	[sflag:s18] =	ssyncadd.s32 $0xFFFFE000  }
0x1e: {  	[spmem:s9] =	stream.linear.scatter [tilespmem:s17], [sflag:$0x3], $0x2000, $0x38;
	[tilespmem:$0x1E800] =	vst v63  }
0x1f: {  	_ =	swait.ge [sflag:s18], $0x2000  }
0x20: {  	[sflag:s18] =	ssyncset.done $0x0  }
0x21: {  	[sflag:s18] =	ssyncadd.s32 $0xFFFFE000  }
0x22: {  	[spmem:s10] =	stream.linear.scatter [tilespmem:s17], [sflag:$0x3], $0x2000, $0x38;
	[tilespmem:$0x1E800] =	vst v63  }
0x23: {  	_ =	swait.ge [sflag:s18], $0x2000  }
0x24: {  	[sflag:s18] =	ssyncset.done $0x0  }
0x25: {  	[sflag:s18] =	ssyncadd.s32 $0xFFFFE000  }
0x26: {  	[spmem:s11] =	stream.linear.scatter [tilespmem:s17], [sflag:$0x3], $0x2000, $0x38;
	[tilespmem:$0x1E800] =	vst v63  }
0x27: {  	_ =	swait.ge [sflag:s18], $0x2000  }
0x28: {  	[sflag:s18] =	ssyncset.done $0x0  }
0x29: {  	[sflag:s18] =	ssyncadd.s32 $0xFFFFE000  }
0x2a: {  	[spmem:s12] =	stream.linear.scatter [tilespmem:s17], [sflag:$0x3], $0x2000, $0x38;
	[tilespmem:$0x1E800] =	vst v63  }
0x2b: {  	_ =	swait.ge [sflag:s18], $0x2000  }
0x2c: {  	[sflag:s18] =	ssyncset.done $0x0  }
0x2d: {  	[sflag:s18] =	ssyncadd.s32 $0xFFFFE000  }
0x2e: {  	[spmem:s13] =	stream.linear.scatter [tilespmem:s17], [sflag:$0x3], $0x2000, $0x38;
	[tilespmem:$0x1E800] =	vst v63  }
0x2f: {  	_ =	swait.ge [sflag:s18], $0x2000  }
0x30: {  	[sflag:s18] =	ssyncset.done $0x0  }
0x31: {  	[sflag:s18] =	ssyncadd.s32 $0xFFFFE000  }
0x32: {  	[spmem:s14] =	stream.linear.scatter [tilespmem:s17], [sflag:$0x3], $0x2000, $0x38;
	[tilespmem:$0x1E800] =	vst v63  }
0x33: {  	_ =	swait.ge [sflag:s18], $0x2000  }
0x34: {  	[sflag:s18] =	ssyncset.done $0x0  }
0x35: {  	[sflag:s18] =	ssyncadd.s32 $0xFFFFE000  }
0x36: {  	[spmem:s15] =	stream.linear.scatter [tilespmem:s17], [sflag:$0x3], $0x2000, $0x38;
	[tilespmem:$0x1E800] =	vst v63  }
0x37: {  	_ =	swait.ge [sflag:s18], $0x2000  }
0x38: {  	[sflag:s18] =	ssyncset.done $0x0  }
0x39: {  	[sflag:s18] =	ssyncadd.s32 $0xFFFFE000  }
0x3a: {  	[spmem:s16] =	stream.linear.scatter [tilespmem:s17], [sflag:$0x3], $0x2000, $0x38;
	[tilespmem:$0x1E800] =	vst v63  }
0x3b: {  	_ =	swait.ge [sflag:s18], $0x2000  }
0x3c: {  	[sflag:s18] =	ssyncset.done $0x0  }
0x3d: {  	[sflag:s18] =	ssyncadd.s32 $0xFFFFE000  }
0x3e: {  	[bflag:$0x0] =	sbarrier.arrive $0xFFFF  }
0x3f: {  	[tilespmem:s2], [sflag:$0x3] =	stream.linear.gather [hbm4b:s19+s2], $0x1400, $0x38;
	[tilespmem:$0x1E800] =	vst v63  }
0x40: {  	_ =	swait.ge [sflag:s18], $0x1400  }
0x41: {  	[sflag:s18] =	ssyncset.done $0x0  }
0x42: {  	[sflag:s18] =	ssyncadd.s32 $0xFFFFEC00  }
0x43: {  	[tilespmem:s21], [sflag:$0x3] =	stream.linear.gather [hbm4b:s20+s2], $0x1400, $0x38;
	[tilespmem:$0x1E800] =	vst v63  }
0x44: {  	_ =	swait.ge [sflag:s18], $0x1400  }
0x45: {  	[sflag:s18] =	ssyncset.done $0x0  }
0x46: {  	[sflag:s18] =	ssyncadd.s32 $0xFFFFEC00  }
0x47: {  	[tilespmem:s17], [sflag:$0x1] =	stream.indirect.gather [hbm4b:s4+s22], $0x80, s2, s22, $0xb8;
	[tilespmem:$0x1E800] =	vst v63  }
0x48: {  	_ = 	snop  }
0x49: {  	[tilespmem:s23], [sflag:$0x2] =	stream.indirect.gather [hbm4b:s4+s22], $0x80, s22, s22, $0xb8;
	[tilespmem:$0x1E800] =	vst v63  }
0x4a: {  	_ =	swait.ge [sflag:s25], $0x4000  }
0x4b: {  	[sflag:s25] =	ssyncset.done $0x0  }
0x4c: {  	s0 =	simm.s32 $0x1400;
	[sflag:s25] =	ssyncadd.s32 $0xFFFFC000  }
0x4d: {  	[spmem:s1] =	stream.indirect.scatter.add.f32 [tilespmem:s17], [sflag:$0x3], $0x80, s0, s22, $0xb8;
	[tilespmem:$0x1E800] =	vst v63  }
0x4e: {  	_ =	swait.ge [sflag:s18], $0x4000  }
0x4f: {  	[sflag:s18] =	ssyncset.done $0x0  }
0x50: {  	s3 =	simm.s32 $0x100;
	[sflag:s18] =	ssyncadd.s32 $0xFFFFC000  }
0x51: {  	[tilespmem:s17], [sflag:$0x1] =	stream.indirect.gather [hbm4b:s4+s22], $0x80, s3, s22, $0xb8;
	[tilespmem:$0x1E800] =	vst v63  }
0x52: {  	_ =	swait.ge [sflag:s26], $0x4000  }
0x53: {  	[sflag:s26] =	ssyncset.done $0x0  }
0x54: {  	s3 =	simm.s32 $0x1480;
	[sflag:s26] =	ssyncadd.s32 $0xFFFFC000  }
0x55: {  	[spmem:s1] =	stream.indirect.scatter.add.f32 [tilespmem:s23], [sflag:$0x3], $0x80, s3, s22, $0xb8;
	[tilespmem:$0x1E800] =	vst v63  }
0x56: {  	_ =	swait.ge [sflag:s18], $0x4000  }
0x57: {  	[sflag:s18] =	ssyncset.done $0x0  }
0x58: {  	s31 =	simm.s32 $0x400;
	s0 =	simm.s32 $0x180;
	[sflag:s18] =	ssyncadd.s32 $0xFFFFC000  }
.LBB2_2:
0x59: {  	[tilespmem:s23], [sflag:$0x2] =	stream.indirect.gather [hbm4b:s4+s22], $0x80, s0, s22, $0xb8;
	[tilespmem:$0x1E800] =	vst v63  }
0x5a: {  	s0 =	smov.u32 s31  }
0x5b: {  	p0 =	sne.s32 s31, $0x4800;
	s31 =	sadd.s32 $0x400, s31;
	_ =	swait.ge [sflag:s25], $0x4000  }
0x5c: {  	s0 =	sshra.s32 s0, $0x2;
	[sflag:s25] =	ssyncset.done $0x0  }
0x5d: {  	s3 =	sadd.s32 $0x1400, s0;
	[sflag:s25] =	ssyncadd.s32 $0xFFFFC000  }
0x5e: {  	[spmem:s1] =	stream.indirect.scatter.add.f32 [tilespmem:s17], [sflag:$0x3], $0x80, s3, s22, $0xb8;
	[tilespmem:$0x1E800] =	vst v63  }
0x5f: {  	_ =	swait.ge [sflag:s18], $0x4000  }
0x60: {  	[sflag:s18] =	ssyncset.done $0x0  }
0x61: {  	s3 =	sadd.s32 $0x100, s0;
	[sflag:s18] =	ssyncadd.s32 $0xFFFFC000  }
0x62: {  	[tilespmem:s17], [sflag:$0x1] =	stream.indirect.gather [hbm4b:s4+s22], $0x80, s3, s22, $0xb8;
	[tilespmem:$0x1E800] =	vst v63  }
0x63: {  	_ =	swait.ge [sflag:s26], $0x4000  }
0x64: {  	[sflag:s26] =	ssyncset.done $0x0  }
.Ltmp0:
0x65: {  	s3 =	sadd.s32 $0x1480, s0;
	[sflag:s26] =	ssyncadd.s32 $0xFFFFC000;
	(pc) =	sbr.rel @p0 .LBB2_2-.Ltmp0, $4  }
0x66: {  	[spmem:s1] =	stream.indirect.scatter.add.f32 [tilespmem:s23], [sflag:$0x3], $0x80, s3, s22, $0xb8;
	[tilespmem:$0x1E800] =	vst v63  }
0x67: {  	_ =	swait.ge [sflag:s18], $0x4000  }
0x68: {  	[sflag:s18] =	ssyncset.done $0x0  }
0x69: {  	s0 =	sadd.s32 $0x180, s0;
	[sflag:s18] =	ssyncadd.s32 $0xFFFFC000  }
0x6a: {  	[tilespmem:s23], [sflag:$0x2] =	stream.indirect.gather [hbm4b:s4+s22], $0x80, s0, s22, $0xb8;
	[tilespmem:$0x1E800] =	vst v63  }
0x6b: {  	_ =	swait.ge [sflag:s25], $0x4000  }
0x6c: {  	[sflag:s25] =	ssyncset.done $0x0  }
0x6d: {  	[sflag:s25] =	ssyncadd.s32 $0xFFFFC000  }
0x6e: {  	[spmem:s1] =	stream.indirect.scatter.add.f32 [tilespmem:s17], [sflag:$0x3], $0x80, s28, s22, $0xb8;
	[tilespmem:$0x1E800] =	vst v63  }
0x6f: {  	_ =	swait.ge [sflag:s18], $0x4000  }
0x70: {  	[sflag:s18] =	ssyncset.done $0x0  }
0x71: {  	[sflag:s18] =	ssyncadd.s32 $0xFFFFC000  }
0x72: {  	_ =	swait.ge [sflag:s26], $0x4000  }
0x73: {  	[sflag:s26] =	ssyncset.done $0x0  }
0x74: {  	[sflag:s26] =	ssyncadd.s32 $0xFFFFC000  }
0x75: {  	[spmem:s1] =	stream.indirect.scatter.add.f32 [tilespmem:s23], [sflag:$0x3], $0x80, s29, s22, $0xb8;
	[tilespmem:$0x1E800] =	vst v63  }
0x76: {  	_ =	swait.ge [sflag:s18], $0x4000  }
0x77: {  	[sflag:s18] =	ssyncset.done $0x0  }
0x78: {  	s0 =	sadd.s32 $0x280, s19;
	s3 =	simm.s32 $0x0;
	[sflag:s18] =	ssyncadd.s32 $0xFFFFC000  }
0x79: {  	[tilespmem:s3], [sflag:$0x3] =	stream.linear.gather [hbm4b:s0+s3], $0x1400, $0x38;
	[tilespmem:$0x1E800] =	vst v63  }
0x7a: {  	_ =	swait.ge [sflag:s18], $0x1400  }
0x7b: {  	[sflag:s18] =	ssyncset.done $0x0  }
0x7c: {  	s0 =	sadd.s32 $0x280, s20;
	[sflag:s18] =	ssyncadd.s32 $0xFFFFEC00  }
0x7d: {  	[tilespmem:s21], [sflag:$0x3] =	stream.linear.gather [hbm4b:s0+s3], $0x1400, $0x38;
	[tilespmem:$0x1E800] =	vst v63  }
0x7e: {  	_ =	swait.ge [sflag:s18], $0x1400  }
0x7f: {  	[sflag:s18] =	ssyncset.done $0x0  }
0x80: {  	[sflag:s18] =	ssyncadd.s32 $0xFFFFEC00  }
0x81: {  	[tilespmem:s17], [sflag:$0x1] =	stream.indirect.gather [hbm4b:s4+s22], $0x80, s3, s22, $0xb8;
	[tilespmem:$0x1E800] =	vst v63  }
0x82: {  	_ = 	snop  }
0x83: {  	[tilespmem:s23], [sflag:$0x2] =	stream.indirect.gather [hbm4b:s4+s22], $0x80, s22, s22, $0xb8;
	[tilespmem:$0x1E800] =	vst v63  }
0x84: {  	_ =	swait.ge [sflag:s25], $0x4000  }
0x85: {  	[sflag:s25] =	ssyncset.done $0x0  }
0x86: {  	s3 =	simm.s32 $0x1400;
	[sflag:s25] =	ssyncadd.s32 $0xFFFFC000  }
0x87: {  	[spmem:s1] =	stream.indirect.scatter.add.f32 [tilespmem:s17], [sflag:$0x3], $0x80, s3, s22, $0xb8;
	[tilespmem:$0x1E800] =	vst v63  }
0x88: {  	_ =	swait.ge [sflag:s18], $0x4000  }
0x89: {  	[sflag:s18] =	ssyncset.done $0x0  }
0x8a: {  	s3 =	simm.s32 $0x100;
	[sflag:s18] =	ssyncadd.s32 $0xFFFFC000  }
0x8b: {  	[tilespmem:s17], [sflag:$0x1] =	stream.indirect.gather [hbm4b:s4+s22], $0x80, s3, s22, $0xb8;
	[tilespmem:$0x1E800] =	vst v63  }
0x8c: {  	_ =	swait.ge [sflag:s26], $0x4000  }
0x8d: {  	[sflag:s26] =	ssyncset.done $0x0  }
0x8e: {  	s3 =	simm.s32 $0x1480;
	[sflag:s26] =	ssyncadd.s32 $0xFFFFC000  }
0x8f: {  	[spmem:s1] =	stream.indirect.scatter.add.f32 [tilespmem:s23], [sflag:$0x3], $0x80, s3, s22, $0xb8;
	[tilespmem:$0x1E800] =	vst v63  }
0x90: {  	_ =	swait.ge [sflag:s18], $0x4000  }
0x91: {  	[sflag:s18] =	ssyncset.done $0x0  }
0x92: {  	s31 =	simm.s32 $0x400;
	s0 =	simm.s32 $0x180;
	[sflag:s18] =	ssyncadd.s32 $0xFFFFC000  }
.LBB2_4:
0x93: {  	[tilespmem:s23], [sflag:$0x2] =	stream.indirect.gather [hbm4b:s4+s22], $0x80, s0, s22, $0xb8;
	[tilespmem:$0x1E800] =	vst v63  }
0x94: {  	s0 =	smov.u32 s31  }
0x95: {  	p0 =	sne.s32 s31, $0x4800;
	s31 =	sadd.s32 $0x400, s31;
	_ =	swait.ge [sflag:s25], $0x4000  }
0x96: {  	s0 =	sshra.s32 s0, $0x2;
	[sflag:s25] =	ssyncset.done $0x0  }
0x97: {  	s3 =	sadd.s32 $0x1400, s0;
	[sflag:s25] =	ssyncadd.s32 $0xFFFFC000  }
0x98: {  	[spmem:s1] =	stream.indirect.scatter.add.f32 [tilespmem:s17], [sflag:$0x3], $0x80, s3, s22, $0xb8;
	[tilespmem:$0x1E800] =	vst v63  }
0x99: {  	_ =	swait.ge [sflag:s18], $0x4000  }
0x9a: {  	[sflag:s18] =	ssyncset.done $0x0  }
0x9b: {  	s3 =	sadd.s32 $0x100, s0;
	[sflag:s18] =	ssyncadd.s32 $0xFFFFC000  }
0x9c: {  	[tilespmem:s17], [sflag:$0x1] =	stream.indirect.gather [hbm4b:s4+s22], $0x80, s3, s22, $0xb8;
	[tilespmem:$0x1E800] =	vst v63  }
0x9d: {  	_ =	swait.ge [sflag:s26], $0x4000  }
0x9e: {  	[sflag:s26] =	ssyncset.done $0x0  }
.Ltmp1:
0x9f: {  	s3 =	sadd.s32 $0x1480, s0;
	[sflag:s26] =	ssyncadd.s32 $0xFFFFC000;
	(pc) =	sbr.rel @p0 .LBB2_4-.Ltmp1, $4  }
0xa0: {  	[spmem:s1] =	stream.indirect.scatter.add.f32 [tilespmem:s23], [sflag:$0x3], $0x80, s3, s22, $0xb8;
	[tilespmem:$0x1E800] =	vst v63  }
0xa1: {  	_ =	swait.ge [sflag:s18], $0x4000  }
0xa2: {  	[sflag:s18] =	ssyncset.done $0x0  }
0xa3: {  	s0 =	sadd.s32 $0x180, s0;
	[sflag:s18] =	ssyncadd.s32 $0xFFFFC000  }
0xa4: {  	[tilespmem:s23], [sflag:$0x2] =	stream.indirect.gather [hbm4b:s4+s22], $0x80, s0, s22, $0xb8;
	[tilespmem:$0x1E800] =	vst v63  }
0xa5: {  	_ =	swait.ge [sflag:s25], $0x4000  }
0xa6: {  	[sflag:s25] =	ssyncset.done $0x0  }
0xa7: {  	[sflag:s25] =	ssyncadd.s32 $0xFFFFC000  }
0xa8: {  	[spmem:s1] =	stream.indirect.scatter.add.f32 [tilespmem:s17], [sflag:$0x3], $0x80, s28, s22, $0xb8;
	[tilespmem:$0x1E800] =	vst v63  }
0xa9: {  	_ =	swait.ge [sflag:s18], $0x4000  }
0xaa: {  	[sflag:s18] =	ssyncset.done $0x0  }
0xab: {  	[sflag:s18] =	ssyncadd.s32 $0xFFFFC000  }
0xac: {  	_ =	swait.ge [sflag:s26], $0x4000  }
0xad: {  	[sflag:s26] =	ssyncset.done $0x0  }
0xae: {  	[sflag:s26] =	ssyncadd.s32 $0xFFFFC000  }
0xaf: {  	[spmem:s1] =	stream.indirect.scatter.add.f32 [tilespmem:s23], [sflag:$0x3], $0x80, s29, s22, $0xb8;
	[tilespmem:$0x1E800] =	vst v63  }
0xb0: {  	s31 =	stileid.u32;
	_ =	swait.ge [sflag:s18], $0x4000  }
0xb1: {  	s3 =	sshrl.u32 s6, $0x3;
	s30 =	sadd.s32 $0x1, s30;
	[sflag:s18] =	ssyncset.done $0x0  }
0xb2: {  	s0 =	sshll.u32 s31, $0x6;
	p0 =	sne.s32 s30, s7;
	[sflag:s18] =	ssyncadd.s32 $0xFFFFC000  }
.Ltmp2:
0xb3: {  	s0 =	sor.u32 $0x1C03, s0;
	[bflag:$0x0] =	sbarrier.arrive $0xFFFF;
	(pc) =	sbr.rel @p0 .LBB2_1-.Ltmp2, $4  }
0xb4: {  	[hbm:s24], [sflag:s0] =	dma.local [spmem:s3], $0x2800  }
0xb5: {  	_ =	swait.ge [sflag:s18], $0x2800  }
0xb6: {  	[sflag:s18] =	ssyncset.done $0x0  }
0xb7: {  	[sflag:s18] =	ssyncadd.s32 $0xFFFFD800  }
0xb8: {  	_ =	sfence.sel $0x180000  }
0xb9: {  	[bflag:$0x0] =	sbarrier.arrive $0xFFFF  }
0xba: {  	_ =	strace $0x90000059  }
0xbb: {  	s0 =	stileid.u32;
	[bflag:$0x2] =	sbarrier.arrive $0xFFFF  }
0xbc: {  	p0 =	sne.s32 s0, $0x0;
	s0 =	rddreg [dreg:$0x2]  }
0xbd: {  	s0 =	sadd.s32 @!p0 $0x100000, s0  }
0xbe: {  	[sflag:s0] =	ssyncadd.tile.s32 @!p0 $0x1;
	_ =	shalt  }
.Lfunc_end2:
_tile_overlayer_lowered:
.L_overlay_start_2:
0xbf: {  	(tag) =	ssettag $0x2  }
0xc0: {  	s0 =	rddreg [dreg:$0x0];
	s2 =	stileid.u32  }
0xc1: {  	s1 =	rddreg [dreg:$0x1];
	p0 =	sne.s32 s2, $0x0  }
0xc2: {  	s3 =	rddreg [dreg:$0x2];
	[bflag:$0x3] =	sbarrier.arrive $0xFFFF;
	s2 =	simm.s32 @!p0 $0x1C03  }
0xc3: {  	[timem:s3], [sflag:s2] =	dma.local @!p0 [hbm:s0], s1  }
0xc4: {  	s0 =	simm.s32 @!p0 $0x3  }
0xc5: {  	_ =	swait.ge @!p0 [sflag:s0], s1  }
0xc6: {  	s1 =	ssub.s32 @!p0 $0x0, s1;
	[sflag:s0] =	ssyncset.done @!p0 $0x0  }
0xc7: {  	[sflag:s0] =	ssyncadd.s32 @!p0 s1  }
0xc8: {  	[bflag:$0x3] =	sbarrier.arrive $0xFFFF  }
0xc9: {  	_ =	shalt  }

// kernel: kernel.40.cloned.1.call-start
scs
__scs_entry_jumppad:
0x0: {  	(pc) =	sbr.rel $0x88, $3  }
0x1: {  	(tag) =	ssettag $0x0;
	lr =	simm.s32 $0x1  }
0x2: {  	[smem:$0x3F91] =	sst lr;
	_ =	strace $0xD0000000  }
0x3: {  	_ = 	snop  }
0x4: {  	_ = 	snop  }
0x5: {  	_ = 	snop  }
0x6: {  	_ = 	snop  }
0x7: {  	_ = 	snop  }
__scs_overlays_trampoline_lowered:
0x8: {  	[smem:$0x3FA0] =	sst s0  }
0x9: {  	[smem:$0x3FA1] =	sst s1  }
0xa: {  	[smem:$0x3FA2] =	sst s2  }
0xb: {  	[smem:$0x3FA3] =	sst s3  }
0xc: {  	[smem:$0x3FA4] =	sst s4  }
0xd: {  	[smem:$0x3FA5] =	sst s5  }
0xe: {  	[smem:$0x3FA6] =	sst s6  }
0xf: {  	[smem:$0x3FA7] =	sst s7  }
0x10: {  	[smem:$0x3FA8] =	sst s8  }
0x11: {  	[smem:$0x3FA9] =	sst s9;
	s0 =	simm.s32 @!p0 $0x0  }
0x12: {  	s1 =	sld [smem:$0x3F8F];
	s0 =	simm.s32 @p0 $0x1  }
0x13: {  	[smem:$0x3FAA] =	sst s0;
	s0 =	simm.s32 @!p1 $0x0  }
0x14: {  	s2 =	sld [smem:$0x3F8E];
	s0 =	simm.s32 @p1 $0x1  }
0x15: {  	[smem:$0x3FAB] =	sst s0;
	s0 =	simm.s32 @!p2 $0x0  }
0x16: {  	s3 =	sld [smem:$0x3FDB];
	s0 =	simm.s32 @p2 $0x1  }
0x17: {  	s4 =	simm.s32 $0x1BF5;
	[smem:$0x3FAD] =	sst s0  }
0x18: {  	s0 =	sld [smem:$0x3F90];
	_ =	swait.ge [sflag:s4], $0x0  }
0x19: {  	s7 =	sld [smem:$0x3F91]  }
0x1a: {  	s8 =	sadd.s32 $0xFFFFE003, lr  }
0x1b: {  	s9 =	sadd.s32 $0xFFFFFEF7, lr;
	s5 =	simm.s32 $0xFFFFFFFF;
	p2 =	slt.u32 s8, $0xFFFFF086  }
0x1c: {  	p1 =	slt.u32 s9, $0xF7A;
	s5 =	simm.s32 @!p2 $0x0  }
0x1d: {  	s5 =	simm.s32 @p1 $0x1;
	p0 =	seq.s32 s7, s2  }
0x1e: {  	s7 =	smul.u32 @!p0 $0xF7A, s2;
	p2 =	seq.s32 @!p0 s5, $0x0  }
0x1f: {  	s9 =	smul.u32 $0xF7A, s1;
	s8 =	simm.s32 @!p0 $0x1BF5;
	p2 =	por !p2, p0  }
0x20: {  	[sflag:s8] =	ssyncset.s32 @!p0 $0xFFFFF086;
	s6 =	sadd.s32 @!p0 s3, s7;
	s7 =	simm.s32 @!p0 $0x108  }
0x21: {  	s3 =	sadd.s32 s3, s9;
	s6 =	sadd.s32 @!p0 $0x88, s6;
	s7 =	simm.s32 @p2 $0x1082  }
0x22: {  	[simem:s7], [sflag:s8] =	dma.local @!p0 [hbm:s6], $0xF7A  }
0x23: {  	s9 =	sor.u32 $0xD0000000, s2;
	s6 =	simm.s32 $0x108;
	_ =	swait.ge @!p0 [sflag:s8], $0x0  }
0x24: {  	s3 =	sadd.s32 $0x88, s3;
	s6 =	simm.s32 @!p1 $0x1082;
	[sflag:s4] =	ssyncset.s32 $0xFFFFF086  }
0x25: {  	[simem:s6], [sflag:s4] =	dma.local [hbm:s3], $0xF7A  }
0x26: {  	[smem:$0x3F91] =	sst s1;
	(tag) =	ssettag s2;
	_ =	strace s9  }
0x27: {  	s1 =	sld [smem:$0x3FA1]  }
0x28: {  	s2 =	sld [smem:$0x3FA2]  }
0x29: {  	s4 =	sld [smem:$0x3FA4]  }
0x2a: {  	p0 =	seq.s32 s5, $0x0;
	s5 =	sld [smem:$0x3FA5]  }
0x2b: {  	s6 =	sld [smem:$0x3FA6]  }
0x2c: {  	s7 =	sld [smem:$0x3FA7]  }
0x2d: {  	s3 =	simm.s32 $0x108;
	s8 =	sld [smem:$0x3FA8]  }
0x2e: {  	s3 =	simm.s32 @!p0 $0x1082;
	s9 =	sld [smem:$0x3FA9]  }
0x2f: {  	lr =	sadd.s32 s0, s3;
	s0 =	sld [smem:$0x3FA0]  }
0x30: {  	s3 =	sld [smem:$0x3FA3]  }
0x31: {  	[smem:$0x3FAC] =	sst s10  }
0x32: {  	s10 =	sld [smem:$0x3FAA];
	_ =	sdelay $0x3  }
0x33: {  	p0 =	seq.s32 s10, $0x1;
	s10 =	sld [smem:$0x3FAC];
	_ =	sdelay $0x3  }
0x34: {  	[smem:$0x3FAC] =	sst s10  }
0x35: {  	s10 =	sld [smem:$0x3FAB];
	_ =	sdelay $0x3  }
0x36: {  	p1 =	seq.s32 s10, $0x1;
	s10 =	sld [smem:$0x3FAC];
	_ =	sdelay $0x3  }
0x37: {  	[smem:$0x3FAC] =	sst s10  }
0x38: {  	s10 =	sld [smem:$0x3FAD]  }
0x39: {  	_ = 	snop;
	(pc) =	sbr.ind lr, $3  }
0x3a: {  	_ = 	snop  }
0x3b: {  	_ = 	snop  }
0x3c: {  	p2 =	seq.s32 s10, $0x1;
	s10 =	sld [smem:$0x3FAC]  }
0x3d: {  	_ =	shalt  }
0x3e: {  	_ =	shalt  }
0x3f: {  	_ =	shalt  }
0x40: {  	_ =	shalt  }
0x41: {  	_ =	shalt  }
0x42: {  	_ =	shalt  }
0x43: {  	_ =	shalt  }
0x44: {  	_ =	shalt  }
0x45: {  	_ =	shalt  }
0x46: {  	_ =	shalt  }
0x47: {  	_ =	shalt  }
0x48: {  	_ =	shalt  }
0x49: {  	_ =	shalt  }
0x4a: {  	_ =	shalt  }
0x4b: {  	_ =	shalt  }
0x4c: {  	_ =	shalt  }
0x4d: {  	_ =	shalt  }
0x4e: {  	_ =	shalt  }
0x4f: {  	_ =	shalt  }
0x50: {  	_ =	shalt  }
0x51: {  	_ =	shalt  }
0x52: {  	_ =	shalt  }
0x53: {  	_ =	shalt  }
0x54: {  	_ =	shalt  }
0x55: {  	_ =	shalt  }
0x56: {  	_ =	shalt  }
0x57: {  	_ =	shalt  }
0x58: {  	_ =	shalt  }
0x59: {  	_ =	shalt  }
0x5a: {  	_ =	shalt  }
0x5b: {  	_ =	shalt  }
0x5c: {  	_ =	shalt  }
0x5d: {  	_ =	shalt  }
0x5e: {  	_ =	shalt  }
0x5f: {  	_ =	shalt  }
0x60: {  	_ =	shalt  }
0x61: {  	_ =	shalt  }
0x62: {  	_ =	shalt  }
0x63: {  	_ =	shalt  }
0x64: {  	_ =	shalt  }
0x65: {  	_ =	shalt  }
0x66: {  	_ =	shalt  }
0x67: {  	_ =	shalt  }
0x68: {  	_ =	shalt  }
0x69: {  	_ =	shalt  }
0x6a: {  	_ =	shalt  }
0x6b: {  	_ =	shalt  }
0x6c: {  	_ =	shalt  }
0x6d: {  	_ =	shalt  }
0x6e: {  	_ =	shalt  }
0x6f: {  	_ =	shalt  }
0x70: {  	_ =	shalt  }
0x71: {  	_ =	shalt  }
0x72: {  	_ =	shalt  }
0x73: {  	_ =	shalt  }
0x74: {  	_ =	shalt  }
0x75: {  	_ =	shalt  }
0x76: {  	_ =	shalt  }
0x77: {  	_ =	shalt  }
0x78: {  	_ =	shalt  }
0x79: {  	_ =	shalt  }
0x7a: {  	_ =	shalt  }
0x7b: {  	_ =	shalt  }
0x7c: {  	_ =	shalt  }
0x7d: {  	_ =	shalt  }
0x7e: {  	_ =	shalt  }
0x7f: {  	_ =	shalt  }
0x80: {  	_ =	shalt  }
0x81: {  	_ =	shalt  }
0x82: {  	_ =	shalt  }
0x83: {  	_ =	shalt  }
0x84: {  	_ =	shalt  }
0x85: {  	_ =	shalt  }
0x86: {  	_ =	shalt  }
0x87: {  	_ =	shalt  }
.Lfunc_end0:
.L_simem_size_0:
called_computation.7_lowered:
.L_overlay_start_0:
0x88: {  	s2 =	sld [smem:$0x3FD9]  }
0x89: {  	s3 =	sld [smem:$0x3FFE];
	_ =	sdelay $0x1  }
0x8a: {  	s1 =	srdreg.scid  }
0x8b: {  	s0 =	sand.u32 $0x1, s1  }
0x8c: {  	s16 =	sshll.u32 s0, $0xA;
	s2 =	sadd.s32 s3, s2  }
0x8d: {  	s2 =	sadd.s32 s2, s16  }
0x8e: {  	[smem:$0x3FB8] =	sst s2  }
0x8f: {  	_ = 	snop  }
0x90: {  	(tm) =	ssettm $0x1  }
0x91: {  	s17 =	sld [smem:$0x3FFB];
	_ =	sdelay $0x3  }
0x92: {  	_ =	strace s17  }
0x93: {  	s2 =	sld [smem:$0x3FFC];
	_ =	sdelay $0x3  }
0x94: {  	_ =	strace s2  }
0x95: {  	s2 =	sld [smem:$0x3FFD];
	_ =	sdelay $0x3  }
0x96: {  	_ =	strace s2  }
0x97: {  	_ =	strace $0x8FFFFFFF  }
0x98: {  	s18 =	sld [smem:$0x3FDB];
	_ =	sdelay $0x1  }
0x99: {  	s19 =	simm.s32 $_scs_section_size  }
0x9a: {  	s4 =	simm.s32 $_size__tile_overlayer_lowered;
	s5 =	simm.s32 $_tile_overlayer_lowered  }
0x9b: {  	s22 =	simm.s32 $0x1BFF;
	s21 =	sshll.u32 s5, $0x1;
	s2 =	sadd.s32 s19, s18  }
0x9c: {  	s6 =	simm.s32 $0x0;
	s20 =	sshll.u32 s4, $0x1;
	s4 =	sadd.s32 s21, s2  }
0x9d: {  	[timem:s6], [sflag:s22] =	dma.local [hbm:s4], s20  }
0x9e: {  	_ =	swait.ge [sflag:s22], s20  }
0x9f: {  	s3 =	ssub.s32 $0x0, s20;
	[sflag:s22] =	ssyncset.done $0x0  }
0xa0: {  	[sflag:s22] =	ssyncadd.s32 s3;
	_ =	sdelay $0x1  }
0xa1: {  	s23 =	simm.s32 $0x1B8B  }
0xa2: {  	_ =	swait.ge [sflag:s23], $0x1  }
0xa3: {  	[sflag:s23] =	ssyncset.done $0x0  }
0xa4: {  	s25 =	simm.s32 $0x1B8E;
	s24 =	sld [smem:$0x3FFE];
	[sflag:s23] =	ssyncadd.s32 $0xFFFFFFFF  }
0xa5: {  	s26 =	simm.s32 $execute0_lowered;
	[smem:$0x3FD2] =	sst s25  }
0xa6: {  	s4 =	sshll.u32 s26, $0x1;
	_ =	strace $0x8000005B;
	[dreg:$0x1] =	wrdreg $0xFFFFFFFF  }
0xa7: {  	s28 =	simm.s32 $_size_execute0_lowered;
	s2 =	sadd.s32 s2, s4;
	[dreg:$0x0] =	wrdreg $0x0  }
0xa8: {  	s4 =	sshll.u32 s28, $0x1;
	[dreg:$0x2] =	wrdreg s2  }
0xa9: {  	[dreg:$0x3] =	wrdreg s4  }
0xaa: {  	[dreg:$0x4] =	wrdreg $0xC0  }
0xab: {  	_ =	task [dreg:s6], $0x5FFFF  }
0xac: {  	[dreg:$0x1] =	wrdreg $0xFFFFFFFF  }
0xad: {  	[dreg:$0x0] =	wrdreg $0x60  }
0xae: {  	[dreg:$0x2] =	wrdreg s24  }
0xaf: {  	[dreg:$0x3] =	wrdreg $0xA8000  }
0xb0: {  	[dreg:$0x4] =	wrdreg $0x9  }
0xb1: {  	_ =	task.clear_ibuf [dreg:s6], $0x5FFFF;
	_ =	strace $0x9000005B  }
0xb2: {  	s29 =	simm.s32 $0x9;
	_ =	strace $0x8000005D  }
0xb3: {  	_ =	swait.ge [sflag:s29], $0x1  }
0xb4: {  	[sflag:s29] =	ssyncadd.s32 $0xFFFFFFFF  }
0xb5: {  	_ =	strace $0x9000005D  }
0xb6: {  	_ =	sfence  }
0xb7: {  	s30 =	sld [smem:$0x0];
	_ =	sdelay $0x2  }
0xb8: {  	s31 =	sshll.u32 s1, $0xD;
	s1 =	sshrl.u32 s1, $0x2  }
0xb9: {  	s3 =	sand.u32 $0x4000, s31;
	s1 =	sadd.s32 s1, s30  }
0xba: {  	s0 =	sor.u32 s3, s0;
	s1 =	sshll.u32 s1, $0x11  }
0xbb: {  	s0 =	sor.u32 s1, s0  }
0xbc: {  	s0 =	sadd.s32 $0x8F2B, s0  }
0xbd: {  	[sflag:s0] =	ssyncadd.remote.s32 $0x1  }
0xbe: {  	_ =	sfence.sel $0xFFFF  }
0xbf: {  	[dreg:$0x0] =	wrdreg $0xFFFFFFFF;
	(pc) =	sbr.abs _section_cstart, $3  }
0xc0: {  	[dreg:$0x1] =	wrdreg $0xFFFFFFFF  }
0xc1: {  	_ =	task.clear_ibuf [dreg:s6], $0x2FFFF;
	_ =	strace $0x9FFFFFFF  }
0xc2: {  	(tm) =	ssettm $0x7FFFFFFF  }
0xc3: {  	_ =	shalt  }
tec
execute0_lowered:
.L_overlay_start_1:
0x0: {  	(tag) =	ssettag $0x1  }
0x1: {  	s0 =	rddreg [dreg:$0x0]  }
0x2: {  	s1 =	rddreg [dreg:$0x1];
	s3 =	srdreg.scid  }
0x3: {  	s2 =	simm.s32 $0x0;
	s26 =	stileid.u32;
	s17 =	simm.s32 $0x2800  }
0x4: {  	s18 =	simm.s32 $0x3;
	s22 =	simm.s32 $0x80;
	s23 =	simm.s32 $0x6800  }
0x5: {  	s25 =	simm.s32 $0x1;
	s28 =	simm.s32 $0x2700;
	s8 =	smul.u32 $0x50000, s26  }
0x6: {  	s29 =	simm.s32 $0x2780;
	s30 =	simm.s32 $0x0;
	s20 =	smul.u32 $0x500, s26  }
0x7: {  	s6 =	sand.u32 $0x1, s3;
	[smem:$0x7FF] =	sst s2;
	s24 =	smul.u32 $0x2800, s26  }
0x8: {  	s4 =	sadd.s32 $0x10400, s0;
	s26 =	simm.s32 $0x2;
	s5 =	smul.u32 $0x5000, s6  }
0x9: {  	s7 =	smul.u32 $0x28000, s6;
	_ =	strace $0x8000005C;
	s6 =	ssub.s32 $0x2, s6  }
0xa: {  	s31 =	sshrl.u32 s6, $0x1;
	s8 =	sshrl.u32 s8, $0x2;
	s9 =	sadd.s32 s5, s0  }
0xb: {  	s5 =	sadd.s32 $0x10000, s0;
	s0 =	sadd.s32 s7, s0;
	s7 =	ssub.s32 s6, s31  }
0xc: {  	s6 =	sadd.s32 s8, s1;
	s19 =	sadd.s32 $0x60C00, s9;
	s21 =	sadd.s32 $0x6000, s9  }
0xd: {  	s0 =	sadd.s32 $0x6AC00, s0;
	s7 =	smax.u32 s7, $0x1;
	s8 =	sadd.s32 $0x2000, s6  }
0xe: {  	s9 =	sadd.s32 $0x4000, s6;
	s10 =	sadd.s32 $0x6000, s6;
	s11 =	sadd.s32 $0x8000, s6  }
0xf: {  	s12 =	sadd.s32 $0xA000, s6;
	s13 =	sadd.s32 $0xC000, s6;
	s14 =	sadd.s32 $0xE000, s6  }
0x10: {  	s15 =	sadd.s32 $0x10000, s6;
	s16 =	sadd.s32 $0x12000, s6;
	s19 =	sadd.s32 s20, s19  }
0x11: {  	s20 =	sadd.s32 s20, s21;
	s21 =	simm.s32 $0x1400;
	s24 =	sadd.s32 s24, s0  }
.LBB2_1:
0x12: {  	[tilespmem:s17], [sflag:$0x3] =	stream.linear.gather [hbm4b:s5+s2], $0x2000, $0x38;
	[tilespmem:$0x1E800] =	vst v63  }
0x13: {  	_ =	swait.ge [sflag:s18], $0x2000  }
0x14: {  	[sflag:s18] =	ssyncset.done $0x0  }
0x15: {  	[sflag:s18] =	ssyncadd.s32 $0xFFFFE000  }
0x16: {  	[spmem:s6] =	stream.linear.scatter [tilespmem:s17], [sflag:$0x3], $0x2000, $0x38;
	[tilespmem:$0x1E800] =	vst v63  }
0x17: {  	_ =	swait.ge [sflag:s18], $0x2000  }
0x18: {  	[sflag:s18] =	ssyncset.done $0x0  }
0x19: {  	[sflag:s18] =	ssyncadd.s32 $0xFFFFE000  }
0x1a: {  	[spmem:s8] =	stream.linear.scatter [tilespmem:s17], [sflag:$0x3], $0x2000, $0x38;
	[tilespmem:$0x1E800] =	vst v63  }
0x1b: {  	_ =	swait.ge [sflag:s18], $0x2000  }
0x1c: {  	[sflag:s18] =	ssyncset.done $0x0  }
0x1d: {  	[sflag:s18] =	ssyncadd.s32 $0xFFFFE000  }
0x1e: {  	[spmem:s9] =	stream.linear.scatter [tilespmem:s17], [sflag:$0x3], $0x2000, $0x38;
	[tilespmem:$0x1E800] =	vst v63  }
0x1f: {  	_ =	swait.ge [sflag:s18], $0x2000  }
0x20: {  	[sflag:s18] =	ssyncset.done $0x0  }
0x21: {  	[sflag:s18] =	ssyncadd.s32 $0xFFFFE000  }
0x22: {  	[spmem:s10] =	stream.linear.scatter [tilespmem:s17], [sflag:$0x3], $0x2000, $0x38;
	[tilespmem:$0x1E800] =	vst v63  }
0x23: {  	_ =	swait.ge [sflag:s18], $0x2000  }
0x24: {  	[sflag:s18] =	ssyncset.done $0x0  }
0x25: {  	[sflag:s18] =	ssyncadd.s32 $0xFFFFE000  }
0x26: {  	[spmem:s11] =	stream.linear.scatter [tilespmem:s17], [sflag:$0x3], $0x2000, $0x38;
	[tilespmem:$0x1E800] =	vst v63  }
0x27: {  	_ =	swait.ge [sflag:s18], $0x2000  }
0x28: {  	[sflag:s18] =	ssyncset.done $0x0  }
0x29: {  	[sflag:s18] =	ssyncadd.s32 $0xFFFFE000  }
0x2a: {  	[spmem:s12] =	stream.linear.scatter [tilespmem:s17], [sflag:$0x3], $0x2000, $0x38;
	[tilespmem:$0x1E800] =	vst v63  }
0x2b: {  	_ =	swait.ge [sflag:s18], $0x2000  }
0x2c: {  	[sflag:s18] =	ssyncset.done $0x0  }
0x2d: {  	[sflag:s18] =	ssyncadd.s32 $0xFFFFE000  }
0x2e: {  	[spmem:s13] =	stream.linear.scatter [tilespmem:s17], [sflag:$0x3], $0x2000, $0x38;
	[tilespmem:$0x1E800] =	vst v63  }
0x2f: {  	_ =	swait.ge [sflag:s18], $0x2000  }
0x30: {  	[sflag:s18] =	ssyncset.done $0x0  }
0x31: {  	[sflag:s18] =	ssyncadd.s32 $0xFFFFE000  }
0x32: {  	[spmem:s14] =	stream.linear.scatter [tilespmem:s17], [sflag:$0x3], $0x2000, $0x38;
	[tilespmem:$0x1E800] =	vst v63  }
0x33: {  	_ =	swait.ge [sflag:s18], $0x2000  }
0x34: {  	[sflag:s18] =	ssyncset.done $0x0  }
0x35: {  	[sflag:s18] =	ssyncadd.s32 $0xFFFFE000  }
0x36: {  	[spmem:s15] =	stream.linear.scatter [tilespmem:s17], [sflag:$0x3], $0x2000, $0x38;
	[tilespmem:$0x1E800] =	vst v63  }
0x37: {  	_ =	swait.ge [sflag:s18], $0x2000  }
0x38: {  	[sflag:s18] =	ssyncset.done $0x0  }
0x39: {  	[sflag:s18] =	ssyncadd.s32 $0xFFFFE000  }
0x3a: {  	[spmem:s16] =	stream.linear.scatter [tilespmem:s17], [sflag:$0x3], $0x2000, $0x38;
	[tilespmem:$0x1E800] =	vst v63  }
0x3b: {  	_ =	swait.ge [sflag:s18], $0x2000  }
0x3c: {  	[sflag:s18] =	ssyncset.done $0x0  }
0x3d: {  	[sflag:s18] =	ssyncadd.s32 $0xFFFFE000  }
0x3e: {  	[bflag:$0x0] =	sbarrier.arrive $0xFFFF  }
0x3f: {  	[tilespmem:s2], [sflag:$0x3] =	stream.linear.gather [hbm4b:s19+s2], $0x1400, $0x38;
	[tilespmem:$0x1E800] =	vst v63  }
0x40: {  	_ =	swait.ge [sflag:s18], $0x1400  }
0x41: {  	[sflag:s18] =	ssyncset.done $0x0  }
0x42: {  	[sflag:s18] =	ssyncadd.s32 $0xFFFFEC00  }
0x43: {  	[tilespmem:s21], [sflag:$0x3] =	stream.linear.gather [hbm4b:s20+s2], $0x1400, $0x38;
	[tilespmem:$0x1E800] =	vst v63  }
0x44: {  	_ =	swait.ge [sflag:s18], $0x1400  }
0x45: {  	[sflag:s18] =	ssyncset.done $0x0  }
0x46: {  	[sflag:s18] =	ssyncadd.s32 $0xFFFFEC00  }
0x47: {  	[tilespmem:s17], [sflag:$0x1] =	stream.indirect.gather [hbm4b:s4+s22], $0x80, s2, s22, $0xb8;
	[tilespmem:$0x1E800] =	vst v63  }
0x48: {  	_ = 	snop  }
0x49: {  	[tilespmem:s23], [sflag:$0x2] =	stream.indirect.gather [hbm4b:s4+s22], $0x80, s22, s22, $0xb8;
	[tilespmem:$0x1E800] =	vst v63  }
0x4a: {  	_ =	swait.ge [sflag:s25], $0x4000  }
0x4b: {  	[sflag:s25] =	ssyncset.done $0x0  }
0x4c: {  	s0 =	simm.s32 $0x1400;
	[sflag:s25] =	ssyncadd.s32 $0xFFFFC000  }
0x4d: {  	[spmem:s1] =	stream.indirect.scatter.add.f32 [tilespmem:s17], [sflag:$0x3], $0x80, s0, s22, $0xb8;
	[tilespmem:$0x1E800] =	vst v63  }
0x4e: {  	_ =	swait.ge [sflag:s18], $0x4000  }
0x4f: {  	[sflag:s18] =	ssyncset.done $0x0  }
0x50: {  	s3 =	simm.s32 $0x100;
	[sflag:s18] =	ssyncadd.s32 $0xFFFFC000  }
0x51: {  	[tilespmem:s17], [sflag:$0x1] =	stream.indirect.gather [hbm4b:s4+s22], $0x80, s3, s22, $0xb8;
	[tilespmem:$0x1E800] =	vst v63  }
0x52: {  	_ =	swait.ge [sflag:s26], $0x4000  }
0x53: {  	[sflag:s26] =	ssyncset.done $0x0  }
0x54: {  	s3 =	simm.s32 $0x1480;
	[sflag:s26] =	ssyncadd.s32 $0xFFFFC000  }
0x55: {  	[spmem:s1] =	stream.indirect.scatter.add.f32 [tilespmem:s23], [sflag:$0x3], $0x80, s3, s22, $0xb8;
	[tilespmem:$0x1E800] =	vst v63  }
0x56: {  	_ =	swait.ge [sflag:s18], $0x4000  }
0x57: {  	[sflag:s18] =	ssyncset.done $0x0  }
0x58: {  	s31 =	simm.s32 $0x400;
	s0 =	simm.s32 $0x180;
	[sflag:s18] =	ssyncadd.s32 $0xFFFFC000  }
.LBB2_2:
0x59: {  	[tilespmem:s23], [sflag:$0x2] =	stream.indirect.gather [hbm4b:s4+s22], $0x80, s0, s22, $0xb8;
	[tilespmem:$0x1E800] =	vst v63  }
0x5a: {  	s0 =	smov.u32 s31  }
0x5b: {  	p0 =	sne.s32 s31, $0x4800;
	s31 =	sadd.s32 $0x400, s31;
	_ =	swait.ge [sflag:s25], $0x4000  }
0x5c: {  	s0 =	sshra.s32 s0, $0x2;
	[sflag:s25] =	ssyncset.done $0x0  }
0x5d: {  	s3 =	sadd.s32 $0x1400, s0;
	[sflag:s25] =	ssyncadd.s32 $0xFFFFC000  }
0x5e: {  	[spmem:s1] =	stream.indirect.scatter.add.f32 [tilespmem:s17], [sflag:$0x3], $0x80, s3, s22, $0xb8;
	[tilespmem:$0x1E800] =	vst v63  }
0x5f: {  	_ =	swait.ge [sflag:s18], $0x4000  }
0x60: {  	[sflag:s18] =	ssyncset.done $0x0  }
0x61: {  	s3 =	sadd.s32 $0x100, s0;
	[sflag:s18] =	ssyncadd.s32 $0xFFFFC000  }
0x62: {  	[tilespmem:s17], [sflag:$0x1] =	stream.indirect.gather [hbm4b:s4+s22], $0x80, s3, s22, $0xb8;
	[tilespmem:$0x1E800] =	vst v63  }
0x63: {  	_ =	swait.ge [sflag:s26], $0x4000  }
0x64: {  	[sflag:s26] =	ssyncset.done $0x0  }
.Ltmp0:
0x65: {  	s3 =	sadd.s32 $0x1480, s0;
	[sflag:s26] =	ssyncadd.s32 $0xFFFFC000;
	(pc) =	sbr.rel @p0 .LBB2_2-.Ltmp0, $4  }
0x66: {  	[spmem:s1] =	stream.indirect.scatter.add.f32 [tilespmem:s23], [sflag:$0x3], $0x80, s3, s22, $0xb8;
	[tilespmem:$0x1E800] =	vst v63  }
0x67: {  	_ =	swait.ge [sflag:s18], $0x4000  }
0x68: {  	[sflag:s18] =	ssyncset.done $0x0  }
0x69: {  	s0 =	sadd.s32 $0x180, s0;
	[sflag:s18] =	ssyncadd.s32 $0xFFFFC000  }
0x6a: {  	[tilespmem:s23], [sflag:$0x2] =	stream.indirect.gather [hbm4b:s4+s22], $0x80, s0, s22, $0xb8;
	[tilespmem:$0x1E800] =	vst v63  }
0x6b: {  	_ =	swait.ge [sflag:s25], $0x4000  }
0x6c: {  	[sflag:s25] =	ssyncset.done $0x0  }
0x6d: {  	[sflag:s25] =	ssyncadd.s32 $0xFFFFC000  }
0x6e: {  	[spmem:s1] =	stream.indirect.scatter.add.f32 [tilespmem:s17], [sflag:$0x3], $0x80, s28, s22, $0xb8;
	[tilespmem:$0x1E800] =	vst v63  }
0x6f: {  	_ =	swait.ge [sflag:s18], $0x4000  }
0x70: {  	[sflag:s18] =	ssyncset.done $0x0  }
0x71: {  	[sflag:s18] =	ssyncadd.s32 $0xFFFFC000  }
0x72: {  	_ =	swait.ge [sflag:s26], $0x4000  }
0x73: {  	[sflag:s26] =	ssyncset.done $0x0  }
0x74: {  	[sflag:s26] =	ssyncadd.s32 $0xFFFFC000  }
0x75: {  	[spmem:s1] =	stream.indirect.scatter.add.f32 [tilespmem:s23], [sflag:$0x3], $0x80, s29, s22, $0xb8;
	[tilespmem:$0x1E800] =	vst v63  }
0x76: {  	_ =	swait.ge [sflag:s18], $0x4000  }
0x77: {  	[sflag:s18] =	ssyncset.done $0x0  }
0x78: {  	s0 =	sadd.s32 $0x280, s19;
	s3 =	simm.s32 $0x0;
	[sflag:s18] =	ssyncadd.s32 $0xFFFFC000  }
0x79: {  	[tilespmem:s3], [sflag:$0x3] =	stream.linear.gather [hbm4b:s0+s3], $0x1400, $0x38;
	[tilespmem:$0x1E800] =	vst v63  }
0x7a: {  	_ =	swait.ge [sflag:s18], $0x1400  }
0x7b: {  	[sflag:s18] =	ssyncset.done $0x0  }
0x7c: {  	s0 =	sadd.s32 $0x280, s20;
	[sflag:s18] =	ssyncadd.s32 $0xFFFFEC00  }
0x7d: {  	[tilespmem:s21], [sflag:$0x3] =	stream.linear.gather [hbm4b:s0+s3], $0x1400, $0x38;
	[tilespmem:$0x1E800] =	vst v63  }
0x7e: {  	_ =	swait.ge [sflag:s18], $0x1400  }
0x7f: {  	[sflag:s18] =	ssyncset.done $0x0  }
0x80: {  	[sflag:s18] =	ssyncadd.s32 $0xFFFFEC00  }
0x81: {  	[tilespmem:s17], [sflag:$0x1] =	stream.indirect.gather [hbm4b:s4+s22], $0x80, s3, s22, $0xb8;
	[tilespmem:$0x1E800] =	vst v63  }
0x82: {  	_ = 	snop  }
0x83: {  	[tilespmem:s23], [sflag:$0x2] =	stream.indirect.gather [hbm4b:s4+s22], $0x80, s22, s22, $0xb8;
	[tilespmem:$0x1E800] =	vst v63  }
0x84: {  	_ =	swait.ge [sflag:s25], $0x4000  }
0x85: {  	[sflag:s25] =	ssyncset.done $0x0  }
0x86: {  	s3 =	simm.s32 $0x1400;
	[sflag:s25] =	ssyncadd.s32 $0xFFFFC000  }
0x87: {  	[spmem:s1] =	stream.indirect.scatter.add.f32 [tilespmem:s17], [sflag:$0x3], $0x80, s3, s22, $0xb8;
	[tilespmem:$0x1E800] =	vst v63  }
0x88: {  	_ =	swait.ge [sflag:s18], $0x4000  }
0x89: {  	[sflag:s18] =	ssyncset.done $0x0  }
0x8a: {  	s3 =	simm.s32 $0x100;
	[sflag:s18] =	ssyncadd.s32 $0xFFFFC000  }
0x8b: {  	[tilespmem:s17], [sflag:$0x1] =	stream.indirect.gather [hbm4b:s4+s22], $0x80, s3, s22, $0xb8;
	[tilespmem:$0x1E800] =	vst v63  }
0x8c: {  	_ =	swait.ge [sflag:s26], $0x4000  }
0x8d: {  	[sflag:s26] =	ssyncset.done $0x0  }
0x8e: {  	s3 =	simm.s32 $0x1480;
	[sflag:s26] =	ssyncadd.s32 $0xFFFFC000  }
0x8f: {  	[spmem:s1] =	stream.indirect.scatter.add.f32 [tilespmem:s23], [sflag:$0x3], $0x80, s3, s22, $0xb8;
	[tilespmem:$0x1E800] =	vst v63  }
0x90: {  	_ =	swait.ge [sflag:s18], $0x4000  }
0x91: {  	[sflag:s18] =	ssyncset.done $0x0  }
0x92: {  	s31 =	simm.s32 $0x400;
	s0 =	simm.s32 $0x180;
	[sflag:s18] =	ssyncadd.s32 $0xFFFFC000  }
.LBB2_4:
0x93: {  	[tilespmem:s23], [sflag:$0x2] =	stream.indirect.gather [hbm4b:s4+s22], $0x80, s0, s22, $0xb8;
	[tilespmem:$0x1E800] =	vst v63  }
0x94: {  	s0 =	smov.u32 s31  }
0x95: {  	p0 =	sne.s32 s31, $0x4800;
	s31 =	sadd.s32 $0x400, s31;
	_ =	swait.ge [sflag:s25], $0x4000  }
0x96: {  	s0 =	sshra.s32 s0, $0x2;
	[sflag:s25] =	ssyncset.done $0x0  }
0x97: {  	s3 =	sadd.s32 $0x1400, s0;
	[sflag:s25] =	ssyncadd.s32 $0xFFFFC000  }
0x98: {  	[spmem:s1] =	stream.indirect.scatter.add.f32 [tilespmem:s17], [sflag:$0x3], $0x80, s3, s22, $0xb8;
	[tilespmem:$0x1E800] =	vst v63  }
0x99: {  	_ =	swait.ge [sflag:s18], $0x4000  }
0x9a: {  	[sflag:s18] =	ssyncset.done $0x0  }
0x9b: {  	s3 =	sadd.s32 $0x100, s0;
	[sflag:s18] =	ssyncadd.s32 $0xFFFFC000  }
0x9c: {  	[tilespmem:s17], [sflag:$0x1] =	stream.indirect.gather [hbm4b:s4+s22], $0x80, s3, s22, $0xb8;
	[tilespmem:$0x1E800] =	vst v63  }
0x9d: {  	_ =	swait.ge [sflag:s26], $0x4000  }
0x9e: {  	[sflag:s26] =	ssyncset.done $0x0  }
.Ltmp1:
0x9f: {  	s3 =	sadd.s32 $0x1480, s0;
	[sflag:s26] =	ssyncadd.s32 $0xFFFFC000;
	(pc) =	sbr.rel @p0 .LBB2_4-.Ltmp1, $4  }
0xa0: {  	[spmem:s1] =	stream.indirect.scatter.add.f32 [tilespmem:s23], [sflag:$0x3], $0x80, s3, s22, $0xb8;
	[tilespmem:$0x1E800] =	vst v63  }
0xa1: {  	_ =	swait.ge [sflag:s18], $0x4000  }
0xa2: {  	[sflag:s18] =	ssyncset.done $0x0  }
0xa3: {  	s0 =	sadd.s32 $0x180, s0;
	[sflag:s18] =	ssyncadd.s32 $0xFFFFC000  }
0xa4: {  	[tilespmem:s23], [sflag:$0x2] =	stream.indirect.gather [hbm4b:s4+s22], $0x80, s0, s22, $0xb8;
	[tilespmem:$0x1E800] =	vst v63  }
0xa5: {  	_ =	swait.ge [sflag:s25], $0x4000  }
0xa6: {  	[sflag:s25] =	ssyncset.done $0x0  }
0xa7: {  	[sflag:s25] =	ssyncadd.s32 $0xFFFFC000  }
0xa8: {  	[spmem:s1] =	stream.indirect.scatter.add.f32 [tilespmem:s17], [sflag:$0x3], $0x80, s28, s22, $0xb8;
	[tilespmem:$0x1E800] =	vst v63  }
0xa9: {  	_ =	swait.ge [sflag:s18], $0x4000  }
0xaa: {  	[sflag:s18] =	ssyncset.done $0x0  }
0xab: {  	[sflag:s18] =	ssyncadd.s32 $0xFFFFC000  }
0xac: {  	_ =	swait.ge [sflag:s26], $0x4000  }
0xad: {  	[sflag:s26] =	ssyncset.done $0x0  }
0xae: {  	[sflag:s26] =	ssyncadd.s32 $0xFFFFC000  }
0xaf: {  	[spmem:s1] =	stream.indirect.scatter.add.f32 [tilespmem:s23], [sflag:$0x3], $0x80, s29, s22, $0xb8;
	[tilespmem:$0x1E800] =	vst v63  }
0xb0: {  	s31 =	stileid.u32;
	_ =	swait.ge [sflag:s18], $0x4000  }
0xb1: {  	s3 =	sshrl.u32 s6, $0x3;
	s30 =	sadd.s32 $0x1, s30;
	[sflag:s18] =	ssyncset.done $0x0  }
0xb2: {  	s0 =	sshll.u32 s31, $0x6;
	p0 =	sne.s32 s30, s7;
	[sflag:s18] =	ssyncadd.s32 $0xFFFFC000  }
.Ltmp2:
0xb3: {  	s0 =	sor.u32 $0x1C03, s0;
	[bflag:$0x0] =	sbarrier.arrive $0xFFFF;
	(pc) =	sbr.rel @p0 .LBB2_1-.Ltmp2, $4  }
0xb4: {  	[hbm:s24], [sflag:s0] =	dma.local [spmem:s3], $0x2800  }
0xb5: {  	_ =	swait.ge [sflag:s18], $0x2800  }
0xb6: {  	[sflag:s18] =	ssyncset.done $0x0  }
0xb7: {  	[sflag:s18] =	ssyncadd.s32 $0xFFFFD800  }
0xb8: {  	_ =	sfence.sel $0x180000  }
0xb9: {  	[bflag:$0x0] =	sbarrier.arrive $0xFFFF  }
0xba: {  	_ =	strace $0x9000005C  }
0xbb: {  	s0 =	stileid.u32;
	[bflag:$0x2] =	sbarrier.arrive $0xFFFF  }
0xbc: {  	p0 =	sne.s32 s0, $0x0;
	s0 =	rddreg [dreg:$0x2]  }
0xbd: {  	s0 =	sadd.s32 @!p0 $0x100000, s0  }
0xbe: {  	[sflag:s0] =	ssyncadd.tile.s32 @!p0 $0x1;
	_ =	shalt  }
.Lfunc_end2:
_tile_overlayer_lowered:
.L_overlay_start_2:
0xbf: {  	(tag) =	ssettag $0x2  }
0xc0: {  	s0 =	rddreg [dreg:$0x0];
	s2 =	stileid.u32  }
0xc1: {  	s1 =	rddreg [dreg:$0x1];
	p0 =	sne.s32 s2, $0x0  }
0xc2: {  	s3 =	rddreg [dreg:$0x2];
	[bflag:$0x3] =	sbarrier.arrive $0xFFFF;
	s2 =	simm.s32 @!p0 $0x1C03  }
0xc3: {  	[timem:s3], [sflag:s2] =	dma.local @!p0 [hbm:s0], s1  }
0xc4: {  	s0 =	simm.s32 @!p0 $0x3  }
0xc5: {  	_ =	swait.ge @!p0 [sflag:s0], s1  }
0xc6: {  	s1 =	ssub.s32 @!p0 $0x0, s1;
	[sflag:s0] =	ssyncset.done @!p0 $0x0  }
0xc7: {  	[sflag:s0] =	ssyncadd.s32 @!p0 s1  }
0xc8: {  	[bflag:$0x3] =	sbarrier.arrive $0xFFFF  }
0xc9: {  	_ =	shalt  }

</sc_bundles>
